<compile_context>
chip_gen: v7x
topology: tpu7x:2x2x1
jax: 0.10.2.dev20260603
libtpu: 0.0.44.dev20260713+nightly
codegen_flags: <defaults>
</compile_context>

<pallas_src>
import functools

import jax
import jax.numpy as jnp
from jax import lax
from jax.experimental import pallas as pl
from jax.experimental.pallas import tpu as pltpu
from jax.experimental.pallas import tpu_sc as plsc

NUM_CORES = 2
NUM_SUBCORES = 16
NUM_WORKERS = NUM_CORES * NUM_SUBCORES

V, D = 1000, 64
A, W = 4096, 50
A_PER_W = A // NUM_WORKERS
LANES = 16
NCHUNK = A_PER_W // LANES


PD = 65


def _norm_body(counts_ref, prob_ref):
    c = counts_ref[...]
    s = jnp.sum(c, axis=1, keepdims=True)
    prob_ref[:, :D] = c / jnp.maximum(s, 1.0)


_normalize = pl.pallas_call(
    _norm_body,
    out_shape=jax.ShapeDtypeStruct((V, PD), jnp.float32),
)


def _gather_body(xt_hbm, tab_hbm, out_hbm, idx_v, tab_v, tbuf_v, *sems):
    wid = lax.axis_index("s") * NUM_CORES + lax.axis_index("c")
    a0 = wid * A_PER_W
    cp_idx = pltpu.async_copy(xt_hbm.at[:, pl.ds(a0, A_PER_W)], idx_v, sems[0])
    cp_tab = pltpu.async_copy(tab_hbm, tab_v, sems[1])
    cp_idx.wait()
    cp_tab.wait()

    def compute(w, s):
        G = 16

        def kstep(k, carry):
            x16 = idx_v[w, pl.ds(k * LANES, LANES)]
            base = x16 * PD
            col = pl.ds(k * LANES, LANES)
            vals = [plsc.load_gather(tab_v, [base + j]) for j in range(G)]
            for d0 in range(G, D, G):
                nxt = []
                for j in range(G):
                    nxt.append(plsc.load_gather(tab_v, [base + d0 + j]))
                    tbuf_v[s, d0 - G + j, col] = vals[j]
                vals = nxt
            for j in range(G):
                tbuf_v[s, D - G + j, col] = vals[j]
            return carry

        lax.fori_loop(0, NCHUNK, kstep, 0)

    def out_slice(w):
        return out_hbm.at[w, :, pl.ds(a0, A_PER_W)]

    def start_write(w, s):
        pltpu.async_copy(tbuf_v.at[s], out_slice(w), sems[s])

    def wait_write(w, s):
        pltpu.make_async_copy(tbuf_v.at[s], out_slice(w), sems[s]).wait()

    compute(0, 0)
    start_write(0, 0)
    compute(1, 1)
    start_write(1, 1)

    def turn(g, carry):
        w0 = 2 * g
        for b in range(2):
            wait_write(w0 - 2 + b, b)
            compute(w0 + b, b)
            start_write(w0 + b, b)
        return carry

    lax.fori_loop(1, W // 2, turn, 0)
    wait_write(W - 2, 0)
    wait_write(W - 1, 1)


_gather = functools.partial(
    pl.kernel,
    mesh=plsc.VectorSubcoreMesh(core_axis_name="c", subcore_axis_name="s"),
    out_type=jax.ShapeDtypeStruct((W, D, A), jnp.float32),
    scratch_types=(
        [
            pltpu.VMEM((W, A_PER_W), jnp.int32),
            pltpu.VMEM((V * PD,), jnp.float32),
            pltpu.VMEM((2, D, A_PER_W), jnp.float32),
        ]
        + [pltpu.SemaphoreType.DMA] * 2
    ),
    compiler_params=pltpu.CompilerParams(
        use_tc_tiling_on_sc=True, needs_layout_passes=False
    ),
)(_gather_body)


def kernel(x, pron_counts):
    prob_flat = _normalize(pron_counts).reshape(V * PD)
    out_t = _gather(x.T, prob_flat)
    return out_t.transpose(2, 0, 1)

# --- scband reference (transcript-rebuilt; emitter-appended) ---
"""Pipeline reference for scband-unigram-pronunciator-37589553775324 (READ-ONLY COPY).

The authoritative reference and input builder live on the scoring server;
editing this copy changes nothing except your own understanding.
"""

import jax, jax.numpy as jnp
import numpy as np


def setup_inputs(seed: int = 0) -> dict:
    key = jax.random.key(seed)
    k1, k2 = jax.random.split(key)
    x = jax.random.randint(k1, (4096, 50), 0, 1000, dtype=jnp.int32)
    # learned buffer: unnormalized pronunciation counts, shape [n_word_class, n_phone_class]
    pron_counts = jax.random.uniform(k2, (1000, 64), dtype=jnp.float32) * 10.0
    return {"x": x, "pron_counts": pron_counts}


def reference(x, pron_counts):
    ignore_index = -100
    # mask ignore_index word ids to 0 (as in the torch forward)
    x_safe = jnp.where(x != ignore_index, x, 0)
    # pronounce_prob property: row-normalize counts with clamp at 1
    row_sum = jnp.sum(pron_counts, axis=1, keepdims=True)
    prob = pron_counts / jnp.maximum(row_sum, 1.0)
    # embedding-style gather of per-word phone distributions
    return jnp.take(prob, x_safe, axis=0)

if __name__ == "__main__":
    import jax
    _d = setup_inputs()
    print(jax.jit(kernel)(*tuple(_d.values())))

</pallas_src>

<mosaic_0001>
#map = affine_map<(d0, d1) -> (0, 0)>
#map1 = affine_map<(d0, d1) -> (0)>
#map2 = affine_map<(d0, d1) -> (0, 0, 0)>
module attributes {stable_mosaic.version = 14 : i64} {
  func.func @_gather_body(%arg0: i32, %arg1: i32, %arg2: memref<50x4096xi32, #tpu.memory_space<hbm>>, %arg3: memref<65000xf32, #tpu.memory_space<hbm>>, %arg4: memref<50x64x4096xf32, #tpu.memory_space<hbm>>, %arg5: memref<50x128xi32, #tpu.memory_space<vmem>>, %arg6: memref<65000xf32, #tpu.memory_space<vmem>>, %arg7: memref<2x64x128xf32, #tpu.memory_space<vmem>>, %arg8: memref<!tpu.dma_semaphore, #tpu.memory_space<semaphore_mem>>, %arg9: memref<!tpu.dma_semaphore, #tpu.memory_space<semaphore_mem>>) attributes {dimension_semantics = [#tpu.dimension_semantics<core_parallel>, #tpu.dimension_semantics<subcore_parallel>], iteration_bounds = array<i64: 2, 16>, scalar_prefetch = 0 : i64, scratch_operands = 5 : i64, tpu.core_type = #tpu.core_type<sc_vector_subcore>, window_params = [{transform_indices = #map}, {transform_indices = #map1}, {transform_indices = #map2}]} {
    %mul3A = arith.constant 2 : i32
    %mul3A_0 = arith.muli %arg1, %mul3A : i32
    %add3A = arith.addi %mul3A_0, %arg0 : i32
    %mul3A_1 = arith.constant 128 : i32
    %mul3A_2 = arith.muli %add3A, %mul3A_1 : i32
    %dma_start3A = arith.constant 0 : i32
    %dma_start3A_3 = tpu.memref_slice %arg2[%dma_start3A, %mul3A_2] : memref<50x4096xi32, #tpu.memory_space<hbm>> -> memref<50x128xi32, #tpu.memory_space<hbm>>
    %dma_start3A_4 = arith.constant 0 : i32
    %dma_start3A_5 = tpu.memref_slice %arg2[%dma_start3A_4, %mul3A_2] : memref<50x4096xi32, #tpu.memory_space<hbm>> -> memref<50x128xi32, #tpu.memory_space<hbm>>
    tpu.enqueue_dma source(%dma_start3A_5 : memref<50x128xi32, #tpu.memory_space<hbm>>) target(%arg5 : memref<50x128xi32, #tpu.memory_space<vmem>>) target_semaphore(%arg8 : memref<!tpu.dma_semaphore, #tpu.memory_space<semaphore_mem>>)
    tpu.enqueue_dma source(%arg3 : memref<65000xf32, #tpu.memory_space<hbm>>) target(%arg6 : memref<65000xf32, #tpu.memory_space<vmem>>) target_semaphore(%arg9 : memref<!tpu.dma_semaphore, #tpu.memory_space<semaphore_mem>>)
    %dma_wait3A = arith.constant 0 : i32
    %dma_wait3A_6 = tpu.memref_slice %arg2[%dma_wait3A, %mul3A_2] : memref<50x4096xi32, #tpu.memory_space<hbm>> -> memref<50x128xi32, #tpu.memory_space<hbm>>
    %dma_wait3A_7 = arith.constant 0 : i32
    %dma_wait3A_8 = tpu.memref_slice %arg2[%dma_wait3A_7, %mul3A_2] : memref<50x4096xi32, #tpu.memory_space<hbm>> -> memref<50x128xi32, #tpu.memory_space<hbm>>
    tpu.wait_dma2 semaphore(%arg8 : memref<!tpu.dma_semaphore, #tpu.memory_space<semaphore_mem>>) src(%dma_wait3A_8 : memref<50x128xi32, #tpu.memory_space<hbm>>) dst(%arg5 : memref<50x128xi32, #tpu.memory_space<vmem>>)
    tpu.wait_dma2 semaphore(%arg9 : memref<!tpu.dma_semaphore, #tpu.memory_space<semaphore_mem>>) src(%arg3 : memref<65000xf32, #tpu.memory_space<hbm>>) dst(%arg6 : memref<65000xf32, #tpu.memory_space<vmem>>)
    %scan3A = arith.constant 0 : i32
    %scan3A_9 = arith.constant 0 : i32
    %scan3A_10 = arith.constant 8 : i32
    %scan3A_11 = arith.addi %scan3A_9, %scan3A_10 : i32
    %scan3A_12 = arith.constant 1 : i32
    scf.for %scan3A_90 = %scan3A_9 to %scan3A_11 step %scan3A_12  : i32 {
      %mul3A_91 = arith.constant 16 : i32
      %mul3A_92 = arith.muli %scan3A_90, %mul3A_91 : i32
      %get3A = arith.constant 0 : i32
      %get3A_93 = arith.index_cast %get3A : i32 to index
      %get3A_94 = arith.index_cast %mul3A_92 : i32 to index
      %get3A_95 = tpu.vector_load %arg5[%get3A_93, %get3A_94] {strides = array<i32>} : memref<50x128xi32, #tpu.memory_space<vmem>>, vector<16xi32>,
      %mul3A_96 = arith.constant 65 : i32
      %mul3A_97 = vector.broadcast %mul3A_96 : i32 to vector<16xi32>
      %mul3A_98 = arith.muli %get3A_95, %mul3A_97 : vector<16xi32>
      %mul3A_99 = arith.constant 16 : i32
      %mul3A_100 = arith.muli %scan3A_90, %mul3A_99 : i32
      %add3A_101 = arith.constant 0 : i32
      %add3A_102 = vector.broadcast %add3A_101 : i32 to vector<16xi32>
      %add3A_103 = arith.addi %mul3A_98, %add3A_102 : vector<16xi32>
      %gather3A = tpu.vector_load_idx %arg6[%add3A_103] : memref<65000xf32, #tpu.memory_space<vmem>>[vector<16xi32>], vector<16xf32>,
      %add3A_104 = arith.constant 1 : i32
      %add3A_105 = vector.broadcast %add3A_104 : i32 to vector<16xi32>
      %add3A_106 = arith.addi %mul3A_98, %add3A_105 : vector<16xi32>
      %gather3A_107 = tpu.vector_load_idx %arg6[%add3A_106] : memref<65000xf32, #tpu.memory_space<vmem>>[vector<16xi32>], vector<16xf32>,
      %add3A_108 = arith.constant 2 : i32
      %add3A_109 = vector.broadcast %add3A_108 : i32 to vector<16xi32>
      %add3A_110 = arith.addi %mul3A_98, %add3A_109 : vector<16xi32>
      %gather3A_111 = tpu.vector_load_idx %arg6[%add3A_110] : memref<65000xf32, #tpu.memory_space<vmem>>[vector<16xi32>], vector<16xf32>,
      %add3A_112 = arith.constant 3 : i32
      %add3A_113 = vector.broadcast %add3A_112 : i32 to vector<16xi32>
      %add3A_114 = arith.addi %mul3A_98, %add3A_113 : vector<16xi32>
      %gather3A_115 = tpu.vector_load_idx %arg6[%add3A_114] : memref<65000xf32, #tpu.memory_space<vmem>>[vector<16xi32>], vector<16xf32>,
      %add3A_116 = arith.constant 4 : i32
      %add3A_117 = vector.broadcast %add3A_116 : i32 to vector<16xi32>
      %add3A_118 = arith.addi %mul3A_98, %add3A_117 : vector<16xi32>
      %gather3A_119 = tpu.vector_load_idx %arg6[%add3A_118] : memref<65000xf32, #tpu.memory_space<vmem>>[vector<16xi32>], vector<16xf32>,
      %add3A_120 = arith.constant 5 : i32
      %add3A_121 = vector.broadcast %add3A_120 : i32 to vector<16xi32>
      %add3A_122 = arith.addi %mul3A_98, %add3A_121 : vector<16xi32>
      %gather3A_123 = tpu.vector_load_idx %arg6[%add3A_122] : memref<65000xf32, #tpu.memory_space<vmem>>[vector<16xi32>], vector<16xf32>,
      %add3A_124 = arith.constant 6 : i32
      %add3A_125 = vector.broadcast %add3A_124 : i32 to vector<16xi32>
      %add3A_126 = arith.addi %mul3A_98, %add3A_125 : vector<16xi32>
      %gather3A_127 = tpu.vector_load_idx %arg6[%add3A_126] : memref<65000xf32, #tpu.memory_space<vmem>>[vector<16xi32>], vector<16xf32>,
      %add3A_128 = arith.constant 7 : i32
      %add3A_129 = vector.broadcast %add3A_128 : i32 to vector<16xi32>
      %add3A_130 = arith.addi %mul3A_98, %add3A_129 : vector<16xi32>
      %gather3A_131 = tpu.vector_load_idx %arg6[%add3A_130] : memref<65000xf32, #tpu.memory_space<vmem>>[vector<16xi32>], vector<16xf32>,
      %add3A_132 = arith.constant 8 : i32
      %add3A_133 = vector.broadcast %add3A_132 : i32 to vector<16xi32>
      %add3A_134 = arith.addi %mul3A_98, %add3A_133 : vector<16xi32>
      %gather3A_135 = tpu.vector_load_idx %arg6[%add3A_134] : memref<65000xf32, #tpu.memory_space<vmem>>[vector<16xi32>], vector<16xf32>,
      %add3A_136 = arith.constant 9 : i32
      %add3A_137 = vector.broadcast %add3A_136 : i32 to vector<16xi32>
      %add3A_138 = arith.addi %mul3A_98, %add3A_137 : vector<16xi32>
      %gather3A_139 = tpu.vector_load_idx %arg6[%add3A_138] : memref<65000xf32, #tpu.memory_space<vmem>>[vector<16xi32>], vector<16xf32>,
      %add3A_140 = arith.constant 10 : i32
      %add3A_141 = vector.broadcast %add3A_140 : i32 to vector<16xi32>
      %add3A_142 = arith.addi %mul3A_98, %add3A_141 : vector<16xi32>
      %gather3A_143 = tpu.vector_load_idx %arg6[%add3A_142] : memref<65000xf32, #tpu.memory_space<vmem>>[vector<16xi32>], vector<16xf32>,
      %add3A_144 = arith.constant 11 : i32
      %add3A_145 = vector.broadcast %add3A_144 : i32 to vector<16xi32>
      %add3A_146 = arith.addi %mul3A_98, %add3A_145 : vector<16xi32>
      %gather3A_147 = tpu.vector_load_idx %arg6[%add3A_146] : memref<65000xf32, #tpu.memory_space<vmem>>[vector<16xi32>], vector<16xf32>,
      %add3A_148 = arith.constant 12 : i32
      %add3A_149 = vector.broadcast %add3A_148 : i32 to vector<16xi32>
      %add3A_150 = arith.addi %mul3A_98, %add3A_149 : vector<16xi32>
      %gather3A_151 = tpu.vector_load_idx %arg6[%add3A_150] : memref<65000xf32, #tpu.memory_space<vmem>>[vector<16xi32>], vector<16xf32>,
      %add3A_152 = arith.constant 13 : i32
      %add3A_153 = vector.broadcast %add3A_152 : i32 to vector<16xi32>
      %add3A_154 = arith.addi %mul3A_98, %add3A_153 : vector<16xi32>
      %gather3A_155 = tpu.vector_load_idx %arg6[%add3A_154] : memref<65000xf32, #tpu.memory_space<vmem>>[vector<16xi32>], vector<16xf32>,
      %add3A_156 = arith.constant 14 : i32
      %add3A_157 = vector.broadcast %add3A_156 : i32 to vector<16xi32>
      %add3A_158 = arith.addi %mul3A_98, %add3A_157 : vector<16xi32>
      %gather3A_159 = tpu.vector_load_idx %arg6[%add3A_158] : memref<65000xf32, #tpu.memory_space<vmem>>[vector<16xi32>], vector<16xf32>,
      %add3A_160 = arith.constant 15 : i32
      %add3A_161 = vector.broadcast %add3A_160 : i32 to vector<16xi32>
      %add3A_162 = arith.addi %mul3A_98, %add3A_161 : vector<16xi32>
      %gather3A_163 = tpu.vector_load_idx %arg6[%add3A_162] : memref<65000xf32, #tpu.memory_space<vmem>>[vector<16xi32>], vector<16xf32>,
      %add3A_164 = arith.constant 16 : i32
      %add3A_165 = vector.broadcast %add3A_164 : i32 to vector<16xi32>
      %add3A_166 = arith.addi %mul3A_98, %add3A_165 : vector<16xi32>
      %add3A_167 = arith.constant 0 : i32
      %add3A_168 = vector.broadcast %add3A_167 : i32 to vector<16xi32>
      %add3A_169 = arith.addi %add3A_166, %add3A_168 : vector<16xi32>
      %gather3A_170 = tpu.vector_load_idx %arg6[%add3A_169] : memref<65000xf32, #tpu.memory_space<vmem>>[vector<16xi32>], vector<16xf32>,
      %swap3A = arith.constant 0 : i32
      %swap3A_171 = arith.constant 0 : i32
      %swap3A_172 = arith.index_cast %swap3A : i32 to index
      %swap3A_173 = arith.index_cast %swap3A_171 : i32 to index
      %swap3A_174 = arith.index_cast %mul3A_100 : i32 to index
      %swap3A_175 = tpu.vector_load %arg7[%swap3A_172, %swap3A_173, %swap3A_174] {strides = array<i32>} : memref<2x64x128xf32, #tpu.memory_space<vmem>>, vector<16xf32>,
      tpu.vector_store %arg7[%swap3A_172, %swap3A_173, %swap3A_174], %gather3A {strides = array<i32>} : memref<2x64x128xf32, #tpu.memory_space<vmem>>, vector<16xf32>,
      %add3A_176 = arith.constant 16 : i32
      %add3A_177 = vector.broadcast %add3A_176 : i32 to vector<16xi32>
      %add3A_178 = arith.addi %mul3A_98, %add3A_177 : vector<16xi32>
      %add3A_179 = arith.constant 1 : i32
      %add3A_180 = vector.broadcast %add3A_179 : i32 to vector<16xi32>
      %add3A_181 = arith.addi %add3A_178, %add3A_180 : vector<16xi32>
      %gather3A_182 = tpu.vector_load_idx %arg6[%add3A_181] : memref<65000xf32, #tpu.memory_space<vmem>>[vector<16xi32>], vector<16xf32>,
      %swap3A_183 = arith.constant 0 : i32
      %swap3A_184 = arith.constant 1 : i32
      %swap3A_185 = arith.index_cast %swap3A_183 : i32 to index
      %swap3A_186 = arith.index_cast %swap3A_184 : i32 to index
      %swap3A_187 = arith.index_cast %mul3A_100 : i32 to index
      %swap3A_188 = tpu.vector_load %arg7[%swap3A_185, %swap3A_186, %swap3A_187] {strides = array<i32>} : memref<2x64x128xf32, #tpu.memory_space<vmem>>, vector<16xf32>,
      tpu.vector_store %arg7[%swap3A_185, %swap3A_186, %swap3A_187], %gather3A_107 {strides = array<i32>} : memref<2x64x128xf32, #tpu.memory_space<vmem>>, vector<16xf32>,
      %add3A_189 = arith.constant 16 : i32
      %add3A_190 = vector.broadcast %add3A_189 : i32 to vector<16xi32>
      %add3A_191 = arith.addi %mul3A_98, %add3A_190 : vector<16xi32>
      %add3A_192 = arith.constant 2 : i32
      %add3A_193 = vector.broadcast %add3A_192 : i32 to vector<16xi32>
      %add3A_194 = arith.addi %add3A_191, %add3A_193 : vector<16xi32>
      %gather3A_195 = tpu.vector_load_idx %arg6[%add3A_194] : memref<65000xf32, #tpu.memory_space<vmem>>[vector<16xi32>], vector<16xf32>,
      %swap3A_196 = arith.constant 0 : i32
      %swap3A_197 = arith.constant 2 : i32
      %swap3A_198 = arith.index_cast %swap3A_196 : i32 to index
      %swap3A_199 = arith.index_cast %swap3A_197 : i32 to index
      %swap3A_200 = arith.index_cast %mul3A_100 : i32 to index
      %swap3A_201 = tpu.vector_load %arg7[%swap3A_198, %swap3A_199, %swap3A_200] {strides = array<i32>} : memref<2x64x128xf32, #tpu.memory_space<vmem>>, vector<16xf32>,
      tpu.vector_store %arg7[%swap3A_198, %swap3A_199, %swap3A_200], %gather3A_111 {strides = array<i32>} : memref<2x64x128xf32, #tpu.memory_space<vmem>>, vector<16xf32>,
      %add3A_202 = arith.constant 16 : i32
      %add3A_203 = vector.broadcast %add3A_202 : i32 to vector<16xi32>
      %add3A_204 = arith.addi %mul3A_98, %add3A_203 : vector<16xi32>
      %add3A_205 = arith.constant 3 : i32
      %add3A_206 = vector.broadcast %add3A_205 : i32 to vector<16xi32>
      %add3A_207 = arith.addi %add3A_204, %add3A_206 : vector<16xi32>
      %gather3A_208 = tpu.vector_load_idx %arg6[%add3A_207] : memref<65000xf32, #tpu.memory_space<vmem>>[vector<16xi32>], vector<16xf32>,
      %swap3A_209 = arith.constant 0 : i32
      %swap3A_210 = arith.constant 3 : i32
      %swap3A_211 = arith.index_cast %swap3A_209 : i32 to index
      %swap3A_212 = arith.index_cast %swap3A_210 : i32 to index
      %swap3A_213 = arith.index_cast %mul3A_100 : i32 to index
      %swap3A_214 = tpu.vector_load %arg7[%swap3A_211, %swap3A_212, %swap3A_213] {strides = array<i32>} : memref<2x64x128xf32, #tpu.memory_space<vmem>>, vector<16xf32>,
      tpu.vector_store %arg7[%swap3A_211, %swap3A_212, %swap3A_213], %gather3A_115 {strides = array<i32>} : memref<2x64x128xf32, #tpu.memory_space<vmem>>, vector<16xf32>,
      %add3A_215 = arith.constant 16 : i32
      %add3A_216 = vector.broadcast %add3A_215 : i32 to vector<16xi32>
      %add3A_217 = arith.addi %mul3A_98, %add3A_216 : vector<16xi32>
      %add3A_218 = arith.constant 4 : i32
      %add3A_219 = vector.broadcast %add3A_218 : i32 to vector<16xi32>
      %add3A_220 = arith.addi %add3A_217, %add3A_219 : vector<16xi32>
      %gather3A_221 = tpu.vector_load_idx %arg6[%add3A_220] : memref<65000xf32, #tpu.memory_space<vmem>>[vector<16xi32>], vector<16xf32>,
      %swap3A_222 = arith.constant 0 : i32
      %swap3A_223 = arith.constant 4 : i32
      %swap3A_224 = arith.index_cast %swap3A_222 : i32 to index
      %swap3A_225 = arith.index_cast %swap3A_223 : i32 to index
      %swap3A_226 = arith.index_cast %mul3A_100 : i32 to index
      %swap3A_227 = tpu.vector_load %arg7[%swap3A_224, %swap3A_225, %swap3A_226] {strides = array<i32>} : memref<2x64x128xf32, #tpu.memory_space<vmem>>, vector<16xf32>,
      tpu.vector_store %arg7[%swap3A_224, %swap3A_225, %swap3A_226], %gather3A_119 {strides = array<i32>} : memref<2x64x128xf32, #tpu.memory_space<vmem>>, vector<16xf32>,
      %add3A_228 = arith.constant 16 : i32
      %add3A_229 = vector.broadcast %add3A_228 : i32 to vector<16xi32>
      %add3A_230 = arith.addi %mul3A_98, %add3A_229 : vector<16xi32>
      %add3A_231 = arith.constant 5 : i32
      %add3A_232 = vector.broadcast %add3A_231 : i32 to vector<16xi32>
      %add3A_233 = arith.addi %add3A_230, %add3A_232 : vector<16xi32>
      %gather3A_234 = tpu.vector_load_idx %arg6[%add3A_233] : memref<65000xf32, #tpu.memory_space<vmem>>[vector<16xi32>], vector<16xf32>,
      %swap3A_235 = arith.constant 0 : i32
      %swap3A_236 = arith.constant 5 : i32
      %swap3A_237 = arith.index_cast %swap3A_235 : i32 to index
      %swap3A_238 = arith.index_cast %swap3A_236 : i32 to index
      %swap3A_239 = arith.index_cast %mul3A_100 : i32 to index
      %swap3A_240 = tpu.vector_load %arg7[%swap3A_237, %swap3A_238, %swap3A_239] {strides = array<i32>} : memref<2x64x128xf32, #tpu.memory_space<vmem>>, vector<16xf32>,
      tpu.vector_store %arg7[%swap3A_237, %swap3A_238, %swap3A_239], %gather3A_123 {strides = array<i32>} : memref<2x64x128xf32, #tpu.memory_space<vmem>>, vector<16xf32>,
      %add3A_241 = arith.constant 16 : i32
      %add3A_242 = vector.broadcast %add3A_241 : i32 to vector<16xi32>
      %add3A_243 = arith.addi %mul3A_98, %add3A_242 : vector<16xi32>
      %add3A_244 = arith.constant 6 : i32
      %add3A_245 = vector.broadcast %add3A_244 : i32 to vector<16xi32>
      %add3A_246 = arith.addi %add3A_243, %add3A_245 : vector<16xi32>
      %gather3A_247 = tpu.vector_load_idx %arg6[%add3A_246] : memref<65000xf32, #tpu.memory_space<vmem>>[vector<16xi32>], vector<16xf32>,
      %swap3A_248 = arith.constant 0 : i32
      %swap3A_249 = arith.constant 6 : i32
      %swap3A_250 = arith.index_cast %swap3A_248 : i32 to index
      %swap3A_251 = arith.index_cast %swap3A_249 : i32 to index
      %swap3A_252 = arith.index_cast %mul3A_100 : i32 to index
      %swap3A_253 = tpu.vector_load %arg7[%swap3A_250, %swap3A_251, %swap3A_252] {strides = array<i32>} : memref<2x64x128xf32, #tpu.memory_space<vmem>>, vector<16xf32>,
      tpu.vector_store %arg7[%swap3A_250, %swap3A_251, %swap3A_252], %gather3A_127 {strides = array<i32>} : memref<2x64x128xf32, #tpu.memory_space<vmem>>, vector<16xf32>,
      %add3A_254 = arith.constant 16 : i32
      %add3A_255 = vector.broadcast %add3A_254 : i32 to vector<16xi32>
      %add3A_256 = arith.addi %mul3A_98, %add3A_255 : vector<16xi32>
      %add3A_257 = arith.constant 7 : i32
      %add3A_258 = vector.broadcast %add3A_257 : i32 to vector<16xi32>
      %add3A_259 = arith.addi %add3A_256, %add3A_258 : vector<16xi32>
      %gather3A_260 = tpu.vector_load_idx %arg6[%add3A_259] : memref<65000xf32, #tpu.memory_space<vmem>>[vector<16xi32>], vector<16xf32>,
      %swap3A_261 = arith.constant 0 : i32
      %swap3A_262 = arith.constant 7 : i32
      %swap3A_263 = arith.index_cast %swap3A_261 : i32 to index
      %swap3A_264 = arith.index_cast %swap3A_262 : i32 to index
      %swap3A_265 = arith.index_cast %mul3A_100 : i32 to index
      %swap3A_266 = tpu.vector_load %arg7[%swap3A_263, %swap3A_264, %swap3A_265] {strides = array<i32>} : memref<2x64x128xf32, #tpu.memory_space<vmem>>, vector<16xf32>,
      tpu.vector_store %arg7[%swap3A_263, %swap3A_264, %swap3A_265], %gather3A_131 {strides = array<i32>} : memref<2x64x128xf32, #tpu.memory_space<vmem>>, vector<16xf32>,
      %add3A_267 = arith.constant 16 : i32
      %add3A_268 = vector.broadcast %add3A_267 : i32 to vector<16xi32>
      %add3A_269 = arith.addi %mul3A_98, %add3A_268 : vector<16xi32>
      %add3A_270 = arith.constant 8 : i32
      %add3A_271 = vector.broadcast %add3A_270 : i32 to vector<16xi32>
      %add3A_272 = arith.addi %add3A_269, %add3A_271 : vector<16xi32>
      %gather3A_273 = tpu.vector_load_idx %arg6[%add3A_272] : memref<65000xf32, #tpu.memory_space<vmem>>[vector<16xi32>], vector<16xf32>,
      %swap3A_274 = arith.constant 0 : i32
      %swap3A_275 = arith.constant 8 : i32
      %swap3A_276 = arith.index_cast %swap3A_274 : i32 to index
      %swap3A_277 = arith.index_cast %swap3A_275 : i32 to index
      %swap3A_278 = arith.index_cast %mul3A_100 : i32 to index
      %swap3A_279 = tpu.vector_load %arg7[%swap3A_276, %swap3A_277, %swap3A_278] {strides = array<i32>} : memref<2x64x128xf32, #tpu.memory_space<vmem>>, vector<16xf32>,
      tpu.vector_store %arg7[%swap3A_276, %swap3A_277, %swap3A_278], %gather3A_135 {strides = array<i32>} : memref<2x64x128xf32, #tpu.memory_space<vmem>>, vector<16xf32>,
      %add3A_280 = arith.constant 16 : i32
      %add3A_281 = vector.broadcast %add3A_280 : i32 to vector<16xi32>
      %add3A_282 = arith.addi %mul3A_98, %add3A_281 : vector<16xi32>
      %add3A_283 = arith.constant 9 : i32
      %add3A_284 = vector.broadcast %add3A_283 : i32 to vector<16xi32>
      %add3A_285 = arith.addi %add3A_282, %add3A_284 : vector<16xi32>
      %gather3A_286 = tpu.vector_load_idx %arg6[%add3A_285] : memref<65000xf32, #tpu.memory_space<vmem>>[vector<16xi32>], vector<16xf32>,
      %swap3A_287 = arith.constant 0 : i32
      %swap3A_288 = arith.constant 9 : i32
      %swap3A_289 = arith.index_cast %swap3A_287 : i32 to index
      %swap3A_290 = arith.index_cast %swap3A_288 : i32 to index
      %swap3A_291 = arith.index_cast %mul3A_100 : i32 to index
      %swap3A_292 = tpu.vector_load %arg7[%swap3A_289, %swap3A_290, %swap3A_291] {strides = array<i32>} : memref<2x64x128xf32, #tpu.memory_space<vmem>>, vector<16xf32>,
      tpu.vector_store %arg7[%swap3A_289, %swap3A_290, %swap3A_291], %gather3A_139 {strides = array<i32>} : memref<2x64x128xf32, #tpu.memory_space<vmem>>, vector<16xf32>,
      %add3A_293 = arith.constant 16 : i32
      %add3A_294 = vector.broadcast %add3A_293 : i32 to vector<16xi32>
      %add3A_295 = arith.addi %mul3A_98, %add3A_294 : vector<16xi32>
      %add3A_296 = arith.constant 10 : i32
      %add3A_297 = vector.broadcast %add3A_296 : i32 to vector<16xi32>
      %add3A_298 = arith.addi %add3A_295, %add3A_297 : vector<16xi32>
      %gather3A_299 = tpu.vector_load_idx %arg6[%add3A_298] : memref<65000xf32, #tpu.memory_space<vmem>>[vector<16xi32>], vector<16xf32>,
      %swap3A_300 = arith.constant 0 : i32
      %swap3A_301 = arith.constant 10 : i32
      %swap3A_302 = arith.index_cast %swap3A_300 : i32 to index
      %swap3A_303 = arith.index_cast %swap3A_301 : i32 to index
      %swap3A_304 = arith.index_cast %mul3A_100 : i32 to index
      %swap3A_305 = tpu.vector_load %arg7[%swap3A_302, %swap3A_303, %swap3A_304] {strides = array<i32>} : memref<2x64x128xf32, #tpu.memory_space<vmem>>, vector<16xf32>,
      tpu.vector_store %arg7[%swap3A_302, %swap3A_303, %swap3A_304], %gather3A_143 {strides = array<i32>} : memref<2x64x128xf32, #tpu.memory_space<vmem>>, vector<16xf32>,
      %add3A_306 = arith.constant 16 : i32
      %add3A_307 = vector.broadcast %add3A_306 : i32 to vector<16xi32>
      %add3A_308 = arith.addi %mul3A_98, %add3A_307 : vector<16xi32>
      %add3A_309 = arith.constant 11 : i32
      %add3A_310 = vector.broadcast %add3A_309 : i32 to vector<16xi32>
      %add3A_311 = arith.addi %add3A_308, %add3A_310 : vector<16xi32>
      %gather3A_312 = tpu.vector_load_idx %arg6[%add3A_311] : memref<65000xf32, #tpu.memory_space<vmem>>[vector<16xi32>], vector<16xf32>,
      %swap3A_313 = arith.constant 0 : i32
      %swap3A_314 = arith.constant 11 : i32
      %swap3A_315 = arith.index_cast %swap3A_313 : i32 to index
      %swap3A_316 = arith.index_cast %swap3A_314 : i32 to index
      %swap3A_317 = arith.index_cast %mul3A_100 : i32 to index
      %swap3A_318 = tpu.vector_load %arg7[%swap3A_315, %swap3A_316, %swap3A_317] {strides = array<i32>} : memref<2x64x128xf32, #tpu.memory_space<vmem>>, vector<16xf32>,
      tpu.vector_store %arg7[%swap3A_315, %swap3A_316, %swap3A_317], %gather3A_147 {strides = array<i32>} : memref<2x64x128xf32, #tpu.memory_space<vmem>>, vector<16xf32>,
      %add3A_319 = arith.constant 16 : i32
      %add3A_320 = vector.broadcast %add3A_319 : i32 to vector<16xi32>
      %add3A_321 = arith.addi %mul3A_98, %add3A_320 : vector<16xi32>
      %add3A_322 = arith.constant 12 : i32
      %add3A_323 = vector.broadcast %add3A_322 : i32 to vector<16xi32>
      %add3A_324 = arith.addi %add3A_321, %add3A_323 : vector<16xi32>
      %gather3A_325 = tpu.vector_load_idx %arg6[%add3A_324] : memref<65000xf32, #tpu.memory_space<vmem>>[vector<16xi32>], vector<16xf32>,
      %swap3A_326 = arith.constant 0 : i32
      %swap3A_327 = arith.constant 12 : i32
      %swap3A_328 = arith.index_cast %swap3A_326 : i32 to index
      %swap3A_329 = arith.index_cast %swap3A_327 : i32 to index
      %swap3A_330 = arith.index_cast %mul3A_100 : i32 to index
      %swap3A_331 = tpu.vector_load %arg7[%swap3A_328, %swap3A_329, %swap3A_330] {strides = array<i32>} : memref<2x64x128xf32, #tpu.memory_space<vmem>>, vector<16xf32>,
      tpu.vector_store %arg7[%swap3A_328, %swap3A_329, %swap3A_330], %gather3A_151 {strides = array<i32>} : memref<2x64x128xf32, #tpu.memory_space<vmem>>, vector<16xf32>,
      %add3A_332 = arith.constant 16 : i32
      %add3A_333 = vector.broadcast %add3A_332 : i32 to vector<16xi32>
      %add3A_334 = arith.addi %mul3A_98, %add3A_333 : vector<16xi32>
      %add3A_335 = arith.constant 13 : i32
      %add3A_336 = vector.broadcast %add3A_335 : i32 to vector<16xi32>
      %add3A_337 = arith.addi %add3A_334, %add3A_336 : vector<16xi32>
      %gather3A_338 = tpu.vector_load_idx %arg6[%add3A_337] : memref<65000xf32, #tpu.memory_space<vmem>>[vector<16xi32>], vector<16xf32>,
      %swap3A_339 = arith.constant 0 : i32
      %swap3A_340 = arith.constant 13 : i32
      %swap3A_341 = arith.index_cast %swap3A_339 : i32 to index
      %swap3A_342 = arith.index_cast %swap3A_340 : i32 to index
      %swap3A_343 = arith.index_cast %mul3A_100 : i32 to index
      %swap3A_344 = tpu.vector_load %arg7[%swap3A_341, %swap3A_342, %swap3A_343] {strides = array<i32>} : memref<2x64x128xf32, #tpu.memory_space<vmem>>, vector<16xf32>,
      tpu.vector_store %arg7[%swap3A_341, %swap3A_342, %swap3A_343], %gather3A_155 {strides = array<i32>} : memref<2x64x128xf32, #tpu.memory_space<vmem>>, vector<16xf32>,
      %add3A_345 = arith.constant 16 : i32
      %add3A_346 = vector.broadcast %add3A_345 : i32 to vector<16xi32>
      %add3A_347 = arith.addi %mul3A_98, %add3A_346 : vector<16xi32>
      %add3A_348 = arith.constant 14 : i32
      %add3A_349 = vector.broadcast %add3A_348 : i32 to vector<16xi32>
      %add3A_350 = arith.addi %add3A_347, %add3A_349 : vector<16xi32>
      %gather3A_351 = tpu.vector_load_idx %arg6[%add3A_350] : memref<65000xf32, #tpu.memory_space<vmem>>[vector<16xi32>], vector<16xf32>,
      %swap3A_352 = arith.constant 0 : i32
      %swap3A_353 = arith.constant 14 : i32
      %swap3A_354 = arith.index_cast %swap3A_352 : i32 to index
      %swap3A_355 = arith.index_cast %swap3A_353 : i32 to index
      %swap3A_356 = arith.index_cast %mul3A_100 : i32 to index
      %swap3A_357 = tpu.vector_load %arg7[%swap3A_354, %swap3A_355, %swap3A_356] {strides = array<i32>} : memref<2x64x128xf32, #tpu.memory_space<vmem>>, vector<16xf32>,
      tpu.vector_store %arg7[%swap3A_354, %swap3A_355, %swap3A_356], %gather3A_159 {strides = array<i32>} : memref<2x64x128xf32, #tpu.memory_space<vmem>>, vector<16xf32>,
      %add3A_358 = arith.constant 16 : i32
      %add3A_359 = vector.broadcast %add3A_358 : i32 to vector<16xi32>
      %add3A_360 = arith.addi %mul3A_98, %add3A_359 : vector<16xi32>
      %add3A_361 = arith.constant 15 : i32
      %add3A_362 = vector.broadcast %add3A_361 : i32 to vector<16xi32>
      %add3A_363 = arith.addi %add3A_360, %add3A_362 : vector<16xi32>
      %gather3A_364 = tpu.vector_load_idx %arg6[%add3A_363] : memref<65000xf32, #tpu.memory_space<vmem>>[vector<16xi32>], vector<16xf32>,
      %swap3A_365 = arith.constant 0 : i32
      %swap3A_366 = arith.constant 15 : i32
      %swap3A_367 = arith.index_cast %swap3A_365 : i32 to index
      %swap3A_368 = arith.index_cast %swap3A_366 : i32 to index
      %swap3A_369 = arith.index_cast %mul3A_100 : i32 to index
      %swap3A_370 = tpu.vector_load %arg7[%swap3A_367, %swap3A_368, %swap3A_369] {strides = array<i32>} : memref<2x64x128xf32, #tpu.memory_space<vmem>>, vector<16xf32>,
      tpu.vector_store %arg7[%swap3A_367, %swap3A_368, %swap3A_369], %gather3A_163 {strides = array<i32>} : memref<2x64x128xf32, #tpu.memory_space<vmem>>, vector<16xf32>,
      %add3A_371 = arith.constant 32 : i32
      %add3A_372 = vector.broadcast %add3A_371 : i32 to vector<16xi32>
      %add3A_373 = arith.addi %mul3A_98, %add3A_372 : vector<16xi32>
      %add3A_374 = arith.constant 0 : i32
      %add3A_375 = vector.broadcast %add3A_374 : i32 to vector<16xi32>
      %add3A_376 = arith.addi %add3A_373, %add3A_375 : vector<16xi32>
      %gather3A_377 = tpu.vector_load_idx %arg6[%add3A_376] : memref<65000xf32, #tpu.memory_space<vmem>>[vector<16xi32>], vector<16xf32>,
      %swap3A_378 = arith.constant 0 : i32
      %swap3A_379 = arith.constant 16 : i32
      %swap3A_380 = arith.index_cast %swap3A_378 : i32 to index
      %swap3A_381 = arith.index_cast %swap3A_379 : i32 to index
      %swap3A_382 = arith.index_cast %mul3A_100 : i32 to index
      %swap3A_383 = tpu.vector_load %arg7[%swap3A_380, %swap3A_381, %swap3A_382] {strides = array<i32>} : memref<2x64x128xf32, #tpu.memory_space<vmem>>, vector<16xf32>,
      tpu.vector_store %arg7[%swap3A_380, %swap3A_381, %swap3A_382], %gather3A_170 {strides = array<i32>} : memref<2x64x128xf32, #tpu.memory_space<vmem>>, vector<16xf32>,
      %add3A_384 = arith.constant 32 : i32
      %add3A_385 = vector.broadcast %add3A_384 : i32 to vector<16xi32>
      %add3A_386 = arith.addi %mul3A_98, %add3A_385 : vector<16xi32>
      %add3A_387 = arith.constant 1 : i32
      %add3A_388 = vector.broadcast %add3A_387 : i32 to vector<16xi32>
      %add3A_389 = arith.addi %add3A_386, %add3A_388 : vector<16xi32>
      %gather3A_390 = tpu.vector_load_idx %arg6[%add3A_389] : memref<65000xf32, #tpu.memory_space<vmem>>[vector<16xi32>], vector<16xf32>,
      %swap3A_391 = arith.constant 0 : i32
      %swap3A_392 = arith.constant 17 : i32
      %swap3A_393 = arith.index_cast %swap3A_391 : i32 to index
      %swap3A_394 = arith.index_cast %swap3A_392 : i32 to index
      %swap3A_395 = arith.index_cast %mul3A_100 : i32 to index
      %swap3A_396 = tpu.vector_load %arg7[%swap3A_393, %swap3A_394, %swap3A_395] {strides = array<i32>} : memref<2x64x128xf32, #tpu.memory_space<vmem>>, vector<16xf32>,
      tpu.vector_store %arg7[%swap3A_393, %swap3A_394, %swap3A_395], %gather3A_182 {strides = array<i32>} : memref<2x64x128xf32, #tpu.memory_space<vmem>>, vector<16xf32>,
      %add3A_397 = arith.constant 32 : i32
      %add3A_398 = vector.broadcast %add3A_397 : i32 to vector<16xi32>
      %add3A_399 = arith.addi %mul3A_98, %add3A_398 : vector<16xi32>
      %add3A_400 = arith.constant 2 : i32
      %add3A_401 = vector.broadcast %add3A_400 : i32 to vector<16xi32>
      %add3A_402 = arith.addi %add3A_399, %add3A_401 : vector<16xi32>
      %gather3A_403 = tpu.vector_load_idx %arg6[%add3A_402] : memref<65000xf32, #tpu.memory_space<vmem>>[vector<16xi32>], vector<16xf32>,
      %swap3A_404 = arith.constant 0 : i32
      %swap3A_405 = arith.constant 18 : i32
      %swap3A_406 = arith.index_cast %swap3A_404 : i32 to index
      %swap3A_407 = arith.index_cast %swap3A_405 : i32 to index
      %swap3A_408 = arith.index_cast %mul3A_100 : i32 to index
      %swap3A_409 = tpu.vector_load %arg7[%swap3A_406, %swap3A_407, %swap3A_408] {strides = array<i32>} : memref<2x64x128xf32, #tpu.memory_space<vmem>>, vector<16xf32>,
      tpu.vector_store %arg7[%swap3A_406, %swap3A_407, %swap3A_408], %gather3A_195 {strides = array<i32>} : memref<2x64x128xf32, #tpu.memory_space<vmem>>, vector<16xf32>,
      %add3A_410 = arith.constant 32 : i32
      %add3A_411 = vector.broadcast %add3A_410 : i32 to vector<16xi32>
      %add3A_412 = arith.addi %mul3A_98, %add3A_411 : vector<16xi32>
      %add3A_413 = arith.constant 3 : i32
      %add3A_414 = vector.broadcast %add3A_413 : i32 to vector<16xi32>
      %add3A_415 = arith.addi %add3A_412, %add3A_414 : vector<16xi32>
      %gather3A_416 = tpu.vector_load_idx %arg6[%add3A_415] : memref<65000xf32, #tpu.memory_space<vmem>>[vector<16xi32>], vector<16xf32>,
      %swap3A_417 = arith.constant 0 : i32
      %swap3A_418 = arith.constant 19 : i32
      %swap3A_419 = arith.index_cast %swap3A_417 : i32 to index
      %swap3A_420 = arith.index_cast %swap3A_418 : i32 to index
      %swap3A_421 = arith.index_cast %mul3A_100 : i32 to index
      %swap3A_422 = tpu.vector_load %arg7[%swap3A_419, %swap3A_420, %swap3A_421] {strides = array<i32>} : memref<2x64x128xf32, #tpu.memory_space<vmem>>, vector<16xf32>,
      tpu.vector_store %arg7[%swap3A_419, %swap3A_420, %swap3A_421], %gather3A_208 {strides = array<i32>} : memref<2x64x128xf32, #tpu.memory_space<vmem>>, vector<16xf32>,
      %add3A_423 = arith.constant 32 : i32
      %add3A_424 = vector.broadcast %add3A_423 : i32 to vector<16xi32>
      %add3A_425 = arith.addi %mul3A_98, %add3A_424 : vector<16xi32>
      %add3A_426 = arith.constant 4 : i32
      %add3A_427 = vector.broadcast %add3A_426 : i32 to vector<16xi32>
      %add3A_428 = arith.addi %add3A_425, %add3A_427 : vector<16xi32>
      %gather3A_429 = tpu.vector_load_idx %arg6[%add3A_428] : memref<65000xf32, #tpu.memory_space<vmem>>[vector<16xi32>], vector<16xf32>,
      %swap3A_430 = arith.constant 0 : i32
      %swap3A_431 = arith.constant 20 : i32
      %swap3A_432 = arith.index_cast %swap3A_430 : i32 to index
      %swap3A_433 = arith.index_cast %swap3A_431 : i32 to index
      %swap3A_434 = arith.index_cast %mul3A_100 : i32 to index
      %swap3A_435 = tpu.vector_load %arg7[%swap3A_432, %swap3A_433, %swap3A_434] {strides = array<i32>} : memref<2x64x128xf32, #tpu.memory_space<vmem>>, vector<16xf32>,
      tpu.vector_store %arg7[%swap3A_432, %swap3A_433, %swap3A_434], %gather3A_221 {strides = array<i32>} : memref<2x64x128xf32, #tpu.memory_space<vmem>>, vector<16xf32>,
      %add3A_436 = arith.constant 32 : i32
      %add3A_437 = vector.broadcast %add3A_436 : i32 to vector<16xi32>
      %add3A_438 = arith.addi %mul3A_98, %add3A_437 : vector<16xi32>
      %add3A_439 = arith.constant 5 : i32
      %add3A_440 = vector.broadcast %add3A_439 : i32 to vector<16xi32>
      %add3A_441 = arith.addi %add3A_438, %add3A_440 : vector<16xi32>
      %gather3A_442 = tpu.vector_load_idx %arg6[%add3A_441] : memref<65000xf32, #tpu.memory_space<vmem>>[vector<16xi32>], vector<16xf32>,
      %swap3A_443 = arith.constant 0 : i32
      %swap3A_444 = arith.constant 21 : i32
      %swap3A_445 = arith.index_cast %swap3A_443 : i32 to index
      %swap3A_446 = arith.index_cast %swap3A_444 : i32 to index
      %swap3A_447 = arith.index_cast %mul3A_100 : i32 to index
      %swap3A_448 = tpu.vector_load %arg7[%swap3A_445, %swap3A_446, %swap3A_447] {strides = array<i32>} : memref<2x64x128xf32, #tpu.memory_space<vmem>>, vector<16xf32>,
      tpu.vector_store %arg7[%swap3A_445, %swap3A_446, %swap3A_447], %gather3A_234 {strides = array<i32>} : memref<2x64x128xf32, #tpu.memory_space<vmem>>, vector<16xf32>,
      %add3A_449 = arith.constant 32 : i32
      %add3A_450 = vector.broadcast %add3A_449 : i32 to vector<16xi32>
      %add3A_451 = arith.addi %mul3A_98, %add3A_450 : vector<16xi32>
      %add3A_452 = arith.constant 6 : i32
      %add3A_453 = vector.broadcast %add3A_452 : i32 to vector<16xi32>
      %add3A_454 = arith.addi %add3A_451, %add3A_453 : vector<16xi32>
      %gather3A_455 = tpu.vector_load_idx %arg6[%add3A_454] : memref<65000xf32, #tpu.memory_space<vmem>>[vector<16xi32>], vector<16xf32>,
      %swap3A_456 = arith.constant 0 : i32
      %swap3A_457 = arith.constant 22 : i32
      %swap3A_458 = arith.index_cast %swap3A_456 : i32 to index
      %swap3A_459 = arith.index_cast %swap3A_457 : i32 to index
      %swap3A_460 = arith.index_cast %mul3A_100 : i32 to index
      %swap3A_461 = tpu.vector_load %arg7[%swap3A_458, %swap3A_459, %swap3A_460] {strides = array<i32>} : memref<2x64x128xf32, #tpu.memory_space<vmem>>, vector<16xf32>,
      tpu.vector_store %arg7[%swap3A_458, %swap3A_459, %swap3A_460], %gather3A_247 {strides = array<i32>} : memref<2x64x128xf32, #tpu.memory_space<vmem>>, vector<16xf32>,
      %add3A_462 = arith.constant 32 : i32
      %add3A_463 = vector.broadcast %add3A_462 : i32 to vector<16xi32>
      %add3A_464 = arith.addi %mul3A_98, %add3A_463 : vector<16xi32>
      %add3A_465 = arith.constant 7 : i32
      %add3A_466 = vector.broadcast %add3A_465 : i32 to vector<16xi32>
      %add3A_467 = arith.addi %add3A_464, %add3A_466 : vector<16xi32>
      %gather3A_468 = tpu.vector_load_idx %arg6[%add3A_467] : memref<65000xf32, #tpu.memory_space<vmem>>[vector<16xi32>], vector<16xf32>,
      %swap3A_469 = arith.constant 0 : i32
      %swap3A_470 = arith.constant 23 : i32
      %swap3A_471 = arith.index_cast %swap3A_469 : i32 to index
      %swap3A_472 = arith.index_cast %swap3A_470 : i32 to index
      %swap3A_473 = arith.index_cast %mul3A_100 : i32 to index
      %swap3A_474 = tpu.vector_load %arg7[%swap3A_471, %swap3A_472, %swap3A_473] {strides = array<i32>} : memref<2x64x128xf32, #tpu.memory_space<vmem>>, vector<16xf32>,
      tpu.vector_store %arg7[%swap3A_471, %swap3A_472, %swap3A_473], %gather3A_260 {strides = array<i32>} : memref<2x64x128xf32, #tpu.memory_space<vmem>>, vector<16xf32>,
      %add3A_475 = arith.constant 32 : i32
      %add3A_476 = vector.broadcast %add3A_475 : i32 to vector<16xi32>
      %add3A_477 = arith.addi %mul3A_98, %add3A_476 : vector<16xi32>
      %add3A_478 = arith.constant 8 : i32
      %add3A_479 = vector.broadcast %add3A_478 : i32 to vector<16xi32>
      %add3A_480 = arith.addi %add3A_477, %add3A_479 : vector<16xi32>
      %gather3A_481 = tpu.vector_load_idx %arg6[%add3A_480] : memref<65000xf32, #tpu.memory_space<vmem>>[vector<16xi32>], vector<16xf32>,
      %swap3A_482 = arith.constant 0 : i32
      %swap3A_483 = arith.constant 24 : i32
      %swap3A_484 = arith.index_cast %swap3A_482 : i32 to index
      %swap3A_485 = arith.index_cast %swap3A_483 : i32 to index
      %swap3A_486 = arith.index_cast %mul3A_100 : i32 to index
      %swap3A_487 = tpu.vector_load %arg7[%swap3A_484, %swap3A_485, %swap3A_486] {strides = array<i32>} : memref<2x64x128xf32, #tpu.memory_space<vmem>>, vector<16xf32>,
      tpu.vector_store %arg7[%swap3A_484, %swap3A_485, %swap3A_486], %gather3A_273 {strides = array<i32>} : memref<2x64x128xf32, #tpu.memory_space<vmem>>, vector<16xf32>,
      %add3A_488 = arith.constant 32 : i32
      %add3A_489 = vector.broadcast %add3A_488 : i32 to vector<16xi32>
      %add3A_490 = arith.addi %mul3A_98, %add3A_489 : vector<16xi32>
      %add3A_491 = arith.constant 9 : i32
      %add3A_492 = vector.broadcast %add3A_491 : i32 to vector<16xi32>
      %add3A_493 = arith.addi %add3A_490, %add3A_492 : vector<16xi32>
      %gather3A_494 = tpu.vector_load_idx %arg6[%add3A_493] : memref<65000xf32, #tpu.memory_space<vmem>>[vector<16xi32>], vector<16xf32>,
      %swap3A_495 = arith.constant 0 : i32
      %swap3A_496 = arith.constant 25 : i32
      %swap3A_497 = arith.index_cast %swap3A_495 : i32 to index
      %swap3A_498 = arith.index_cast %swap3A_496 : i32 to index
      %swap3A_499 = arith.index_cast %mul3A_100 : i32 to index
      %swap3A_500 = tpu.vector_load %arg7[%swap3A_497, %swap3A_498, %swap3A_499] {strides = array<i32>} : memref<2x64x128xf32, #tpu.memory_space<vmem>>, vector<16xf32>,
      tpu.vector_store %arg7[%swap3A_497, %swap3A_498, %swap3A_499], %gather3A_286 {strides = array<i32>} : memref<2x64x128xf32, #tpu.memory_space<vmem>>, vector<16xf32>,
      %add3A_501 = arith.constant 32 : i32
      %add3A_502 = vector.broadcast %add3A_501 : i32 to vector<16xi32>
      %add3A_503 = arith.addi %mul3A_98, %add3A_502 : vector<16xi32>
      %add3A_504 = arith.constant 10 : i32
      %add3A_505 = vector.broadcast %add3A_504 : i32 to vector<16xi32>
      %add3A_506 = arith.addi %add3A_503, %add3A_505 : vector<16xi32>
      %gather3A_507 = tpu.vector_load_idx %arg6[%add3A_506] : memref<65000xf32, #tpu.memory_space<vmem>>[vector<16xi32>], vector<16xf32>,
      %swap3A_508 = arith.constant 0 : i32
      %swap3A_509 = arith.constant 26 : i32
      %swap3A_510 = arith.index_cast %swap3A_508 : i32 to index
      %swap3A_511 = arith.index_cast %swap3A_509 : i32 to index
      %swap3A_512 = arith.index_cast %mul3A_100 : i32 to index
      %swap3A_513 = tpu.vector_load %arg7[%swap3A_510, %swap3A_511, %swap3A_512] {strides = array<i32>} : memref<2x64x128xf32, #tpu.memory_space<vmem>>, vector<16xf32>,
      tpu.vector_store %arg7[%swap3A_510, %swap3A_511, %swap3A_512], %gather3A_299 {strides = array<i32>} : memref<2x64x128xf32, #tpu.memory_space<vmem>>, vector<16xf32>,
      %add3A_514 = arith.constant 32 : i32
      %add3A_515 = vector.broadcast %add3A_514 : i32 to vector<16xi32>
      %add3A_516 = arith.addi %mul3A_98, %add3A_515 : vector<16xi32>
      %add3A_517 = arith.constant 11 : i32
      %add3A_518 = vector.broadcast %add3A_517 : i32 to vector<16xi32>
      %add3A_519 = arith.addi %add3A_516, %add3A_518 : vector<16xi32>
      %gather3A_520 = tpu.vector_load_idx %arg6[%add3A_519] : memref<65000xf32, #tpu.memory_space<vmem>>[vector<16xi32>], vector<16xf32>,
      %swap3A_521 = arith.constant 0 : i32
      %swap3A_522 = arith.constant 27 : i32
      %swap3A_523 = arith.index_cast %swap3A_521 : i32 to index
      %swap3A_524 = arith.index_cast %swap3A_522 : i32 to index
      %swap3A_525 = arith.index_cast %mul3A_100 : i32 to index
      %swap3A_526 = tpu.vector_load %arg7[%swap3A_523, %swap3A_524, %swap3A_525] {strides = array<i32>} : memref<2x64x128xf32, #tpu.memory_space<vmem>>, vector<16xf32>,
      tpu.vector_store %arg7[%swap3A_523, %swap3A_524, %swap3A_525], %gather3A_312 {strides = array<i32>} : memref<2x64x128xf32, #tpu.memory_space<vmem>>, vector<16xf32>,
      %add3A_527 = arith.constant 32 : i32
      %add3A_528 = vector.broadcast %add3A_527 : i32 to vector<16xi32>
      %add3A_529 = arith.addi %mul3A_98, %add3A_528 : vector<16xi32>
      %add3A_530 = arith.constant 12 : i32
      %add3A_531 = vector.broadcast %add3A_530 : i32 to vector<16xi32>
      %add3A_532 = arith.addi %add3A_529, %add3A_531 : vector<16xi32>
      %gather3A_533 = tpu.vector_load_idx %arg6[%add3A_532] : memref<65000xf32, #tpu.memory_space<vmem>>[vector<16xi32>], vector<16xf32>,
      %swap3A_534 = arith.constant 0 : i32
      %swap3A_535 = arith.constant 28 : i32
      %swap3A_536 = arith.index_cast %swap3A_534 : i32 to index
      %swap3A_537 = arith.index_cast %swap3A_535 : i32 to index
      %swap3A_538 = arith.index_cast %mul3A_100 : i32 to index
      %swap3A_539 = tpu.vector_load %arg7[%swap3A_536, %swap3A_537, %swap3A_538] {strides = array<i32>} : memref<2x64x128xf32, #tpu.memory_space<vmem>>, vector<16xf32>,
      tpu.vector_store %arg7[%swap3A_536, %swap3A_537, %swap3A_538], %gather3A_325 {strides = array<i32>} : memref<2x64x128xf32, #tpu.memory_space<vmem>>, vector<16xf32>,
      %add3A_540 = arith.constant 32 : i32
      %add3A_541 = vector.broadcast %add3A_540 : i32 to vector<16xi32>
      %add3A_542 = arith.addi %mul3A_98, %add3A_541 : vector<16xi32>
      %add3A_543 = arith.constant 13 : i32
      %add3A_544 = vector.broadcast %add3A_543 : i32 to vector<16xi32>
      %add3A_545 = arith.addi %add3A_542, %add3A_544 : vector<16xi32>
      %gather3A_546 = tpu.vector_load_idx %arg6[%add3A_545] : memref<65000xf32, #tpu.memory_space<vmem>>[vector<16xi32>], vector<16xf32>,
      %swap3A_547 = arith.constant 0 : i32
      %swap3A_548 = arith.constant 29 : i32
      %swap3A_549 = arith.index_cast %swap3A_547 : i32 to index
      %swap3A_550 = arith.index_cast %swap3A_548 : i32 to index
      %swap3A_551 = arith.index_cast %mul3A_100 : i32 to index
      %swap3A_552 = tpu.vector_load %arg7[%swap3A_549, %swap3A_550, %swap3A_551] {strides = array<i32>} : memref<2x64x128xf32, #tpu.memory_space<vmem>>, vector<16xf32>,
      tpu.vector_store %arg7[%swap3A_549, %swap3A_550, %swap3A_551], %gather3A_338 {strides = array<i32>} : memref<2x64x128xf32, #tpu.memory_space<vmem>>, vector<16xf32>,
      %add3A_553 = arith.constant 32 : i32
      %add3A_554 = vector.broadcast %add3A_553 : i32 to vector<16xi32>
      %add3A_555 = arith.addi %mul3A_98, %add3A_554 : vector<16xi32>
      %add3A_556 = arith.constant 14 : i32
      %add3A_557 = vector.broadcast %add3A_556 : i32 to vector<16xi32>
      %add3A_558 = arith.addi %add3A_555, %add3A_557 : vector<16xi32>
      %gather3A_559 = tpu.vector_load_idx %arg6[%add3A_558] : memref<65000xf32, #tpu.memory_space<vmem>>[vector<16xi32>], vector<16xf32>,
      %swap3A_560 = arith.constant 0 : i32
      %swap3A_561 = arith.constant 30 : i32
      %swap3A_562 = arith.index_cast %swap3A_560 : i32 to index
      %swap3A_563 = arith.index_cast %swap3A_561 : i32 to index
      %swap3A_564 = arith.index_cast %mul3A_100 : i32 to index
      %swap3A_565 = tpu.vector_load %arg7[%swap3A_562, %swap3A_563, %swap3A_564] {strides = array<i32>} : memref<2x64x128xf32, #tpu.memory_space<vmem>>, vector<16xf32>,
      tpu.vector_store %arg7[%swap3A_562, %swap3A_563, %swap3A_564], %gather3A_351 {strides = array<i32>} : memref<2x64x128xf32, #tpu.memory_space<vmem>>, vector<16xf32>,
      %add3A_566 = arith.constant 32 : i32
      %add3A_567 = vector.broadcast %add3A_566 : i32 to vector<16xi32>
      %add3A_568 = arith.addi %mul3A_98, %add3A_567 : vector<16xi32>
      %add3A_569 = arith.constant 15 : i32
      %add3A_570 = vector.broadcast %add3A_569 : i32 to vector<16xi32>
      %add3A_571 = arith.addi %add3A_568, %add3A_570 : vector<16xi32>
      %gather3A_572 = tpu.vector_load_idx %arg6[%add3A_571] : memref<65000xf32, #tpu.memory_space<vmem>>[vector<16xi32>], vector<16xf32>,
      %swap3A_573 = arith.constant 0 : i32
      %swap3A_574 = arith.constant 31 : i32
      %swap3A_575 = arith.index_cast %swap3A_573 : i32 to index
      %swap3A_576 = arith.index_cast %swap3A_574 : i32 to index
      %swap3A_577 = arith.index_cast %mul3A_100 : i32 to index
      %swap3A_578 = tpu.vector_load %arg7[%swap3A_575, %swap3A_576, %swap3A_577] {strides = array<i32>} : memref<2x64x128xf32, #tpu.memory_space<vmem>>, vector<16xf32>,
      tpu.vector_store %arg7[%swap3A_575, %swap3A_576, %swap3A_577], %gather3A_364 {strides = array<i32>} : memref<2x64x128xf32, #tpu.memory_space<vmem>>, vector<16xf32>,
      %add3A_579 = arith.constant 48 : i32
      %add3A_580 = vector.broadcast %add3A_579 : i32 to vector<16xi32>
      %add3A_581 = arith.addi %mul3A_98, %add3A_580 : vector<16xi32>
      %add3A_582 = arith.constant 0 : i32
      %add3A_583 = vector.broadcast %add3A_582 : i32 to vector<16xi32>
      %add3A_584 = arith.addi %add3A_581, %add3A_583 : vector<16xi32>
      %gather3A_585 = tpu.vector_load_idx %arg6[%add3A_584] : memref<65000xf32, #tpu.memory_space<vmem>>[vector<16xi32>], vector<16xf32>,
      %swap3A_586 = arith.constant 0 : i32
      %swap3A_587 = arith.constant 32 : i32
      %swap3A_588 = arith.index_cast %swap3A_586 : i32 to index
      %swap3A_589 = arith.index_cast %swap3A_587 : i32 to index
      %swap3A_590 = arith.index_cast %mul3A_100 : i32 to index
      %swap3A_591 = tpu.vector_load %arg7[%swap3A_588, %swap3A_589, %swap3A_590] {strides = array<i32>} : memref<2x64x128xf32, #tpu.memory_space<vmem>>, vector<16xf32>,
      tpu.vector_store %arg7[%swap3A_588, %swap3A_589, %swap3A_590], %gather3A_377 {strides = array<i32>} : memref<2x64x128xf32, #tpu.memory_space<vmem>>, vector<16xf32>,
      %add3A_592 = arith.constant 48 : i32
      %add3A_593 = vector.broadcast %add3A_592 : i32 to vector<16xi32>
      %add3A_594 = arith.addi %mul3A_98, %add3A_593 : vector<16xi32>
      %add3A_595 = arith.constant 1 : i32
      %add3A_596 = vector.broadcast %add3A_595 : i32 to vector<16xi32>
      %add3A_597 = arith.addi %add3A_594, %add3A_596 : vector<16xi32>
      %gather3A_598 = tpu.vector_load_idx %arg6[%add3A_597] : memref<65000xf32, #tpu.memory_space<vmem>>[vector<16xi32>], vector<16xf32>,
      %swap3A_599 = arith.constant 0 : i32
      %swap3A_600 = arith.constant 33 : i32
      %swap3A_601 = arith.index_cast %swap3A_599 : i32 to index
      %swap3A_602 = arith.index_cast %swap3A_600 : i32 to index
      %swap3A_603 = arith.index_cast %mul3A_100 : i32 to index
      %swap3A_604 = tpu.vector_load %arg7[%swap3A_601, %swap3A_602, %swap3A_603] {strides = array<i32>} : memref<2x64x128xf32, #tpu.memory_space<vmem>>, vector<16xf32>,
      tpu.vector_store %arg7[%swap3A_601, %swap3A_602, %swap3A_603], %gather3A_390 {strides = array<i32>} : memref<2x64x128xf32, #tpu.memory_space<vmem>>, vector<16xf32>,
      %add3A_605 = arith.constant 48 : i32
      %add3A_606 = vector.broadcast %add3A_605 : i32 to vector<16xi32>
      %add3A_607 = arith.addi %mul3A_98, %add3A_606 : vector<16xi32>
      %add3A_608 = arith.constant 2 : i32
      %add3A_609 = vector.broadcast %add3A_608 : i32 to vector<16xi32>
      %add3A_610 = arith.addi %add3A_607, %add3A_609 : vector<16xi32>
      %gather3A_611 = tpu.vector_load_idx %arg6[%add3A_610] : memref<65000xf32, #tpu.memory_space<vmem>>[vector<16xi32>], vector<16xf32>,
      %swap3A_612 = arith.constant 0 : i32
      %swap3A_613 = arith.constant 34 : i32
      %swap3A_614 = arith.index_cast %swap3A_612 : i32 to index
      %swap3A_615 = arith.index_cast %swap3A_613 : i32 to index
      %swap3A_616 = arith.index_cast %mul3A_100 : i32 to index
      %swap3A_617 = tpu.vector_load %arg7[%swap3A_614, %swap3A_615, %swap3A_616] {strides = array<i32>} : memref<2x64x128xf32, #tpu.memory_space<vmem>>, vector<16xf32>,
      tpu.vector_store %arg7[%swap3A_614, %swap3A_615, %swap3A_616], %gather3A_403 {strides = array<i32>} : memref<2x64x128xf32, #tpu.memory_space<vmem>>, vector<16xf32>,
      %add3A_618 = arith.constant 48 : i32
      %add3A_619 = vector.broadcast %add3A_618 : i32 to vector<16xi32>
      %add3A_620 = arith.addi %mul3A_98, %add3A_619 : vector<16xi32>
      %add3A_621 = arith.constant 3 : i32
      %add3A_622 = vector.broadcast %add3A_621 : i32 to vector<16xi32>
      %add3A_623 = arith.addi %add3A_620, %add3A_622 : vector<16xi32>
      %gather3A_624 = tpu.vector_load_idx %arg6[%add3A_623] : memref<65000xf32, #tpu.memory_space<vmem>>[vector<16xi32>], vector<16xf32>,
      %swap3A_625 = arith.constant 0 : i32
      %swap3A_626 = arith.constant 35 : i32
      %swap3A_627 = arith.index_cast %swap3A_625 : i32 to index
      %swap3A_628 = arith.index_cast %swap3A_626 : i32 to index
      %swap3A_629 = arith.index_cast %mul3A_100 : i32 to index
      %swap3A_630 = tpu.vector_load %arg7[%swap3A_627, %swap3A_628, %swap3A_629] {strides = array<i32>} : memref<2x64x128xf32, #tpu.memory_space<vmem>>, vector<16xf32>,
      tpu.vector_store %arg7[%swap3A_627, %swap3A_628, %swap3A_629], %gather3A_416 {strides = array<i32>} : memref<2x64x128xf32, #tpu.memory_space<vmem>>, vector<16xf32>,
      %add3A_631 = arith.constant 48 : i32
      %add3A_632 = vector.broadcast %add3A_631 : i32 to vector<16xi32>
      %add3A_633 = arith.addi %mul3A_98, %add3A_632 : vector<16xi32>
      %add3A_634 = arith.constant 4 : i32
      %add3A_635 = vector.broadcast %add3A_634 : i32 to vector<16xi32>
      %add3A_636 = arith.addi %add3A_633, %add3A_635 : vector<16xi32>
      %gather3A_637 = tpu.vector_load_idx %arg6[%add3A_636] : memref<65000xf32, #tpu.memory_space<vmem>>[vector<16xi32>], vector<16xf32>,
      %swap3A_638 = arith.constant 0 : i32
      %swap3A_639 = arith.constant 36 : i32
      %swap3A_640 = arith.index_cast %swap3A_638 : i32 to index
      %swap3A_641 = arith.index_cast %swap3A_639 : i32 to index
      %swap3A_642 = arith.index_cast %mul3A_100 : i32 to index
      %swap3A_643 = tpu.vector_load %arg7[%swap3A_640, %swap3A_641, %swap3A_642] {strides = array<i32>} : memref<2x64x128xf32, #tpu.memory_space<vmem>>, vector<16xf32>,
      tpu.vector_store %arg7[%swap3A_640, %swap3A_641, %swap3A_642], %gather3A_429 {strides = array<i32>} : memref<2x64x128xf32, #tpu.memory_space<vmem>>, vector<16xf32>,
      %add3A_644 = arith.constant 48 : i32
      %add3A_645 = vector.broadcast %add3A_644 : i32 to vector<16xi32>
      %add3A_646 = arith.addi %mul3A_98, %add3A_645 : vector<16xi32>
      %add3A_647 = arith.constant 5 : i32
      %add3A_648 = vector.broadcast %add3A_647 : i32 to vector<16xi32>
      %add3A_649 = arith.addi %add3A_646, %add3A_648 : vector<16xi32>
      %gather3A_650 = tpu.vector_load_idx %arg6[%add3A_649] : memref<65000xf32, #tpu.memory_space<vmem>>[vector<16xi32>], vector<16xf32>,
      %swap3A_651 = arith.constant 0 : i32
      %swap3A_652 = arith.constant 37 : i32
      %swap3A_653 = arith.index_cast %swap3A_651 : i32 to index
      %swap3A_654 = arith.index_cast %swap3A_652 : i32 to index
      %swap3A_655 = arith.index_cast %mul3A_100 : i32 to index
      %swap3A_656 = tpu.vector_load %arg7[%swap3A_653, %swap3A_654, %swap3A_655] {strides = array<i32>} : memref<2x64x128xf32, #tpu.memory_space<vmem>>, vector<16xf32>,
      tpu.vector_store %arg7[%swap3A_653, %swap3A_654, %swap3A_655], %gather3A_442 {strides = array<i32>} : memref<2x64x128xf32, #tpu.memory_space<vmem>>, vector<16xf32>,
      %add3A_657 = arith.constant 48 : i32
      %add3A_658 = vector.broadcast %add3A_657 : i32 to vector<16xi32>
      %add3A_659 = arith.addi %mul3A_98, %add3A_658 : vector<16xi32>
      %add3A_660 = arith.constant 6 : i32
      %add3A_661 = vector.broadcast %add3A_660 : i32 to vector<16xi32>
      %add3A_662 = arith.addi %add3A_659, %add3A_661 : vector<16xi32>
      %gather3A_663 = tpu.vector_load_idx %arg6[%add3A_662] : memref<65000xf32, #tpu.memory_space<vmem>>[vector<16xi32>], vector<16xf32>,
      %swap3A_664 = arith.constant 0 : i32
      %swap3A_665 = arith.constant 38 : i32
      %swap3A_666 = arith.index_cast %swap3A_664 : i32 to index
      %swap3A_667 = arith.index_cast %swap3A_665 : i32 to index
      %swap3A_668 = arith.index_cast %mul3A_100 : i32 to index
      %swap3A_669 = tpu.vector_load %arg7[%swap3A_666, %swap3A_667, %swap3A_668] {strides = array<i32>} : memref<2x64x128xf32, #tpu.memory_space<vmem>>, vector<16xf32>,
      tpu.vector_store %arg7[%swap3A_666, %swap3A_667, %swap3A_668], %gather3A_455 {strides = array<i32>} : memref<2x64x128xf32, #tpu.memory_space<vmem>>, vector<16xf32>,
      %add3A_670 = arith.constant 48 : i32
      %add3A_671 = vector.broadcast %add3A_670 : i32 to vector<16xi32>
      %add3A_672 = arith.addi %mul3A_98, %add3A_671 : vector<16xi32>
      %add3A_673 = arith.constant 7 : i32
      %add3A_674 = vector.broadcast %add3A_673 : i32 to vector<16xi32>
      %add3A_675 = arith.addi %add3A_672, %add3A_674 : vector<16xi32>
      %gather3A_676 = tpu.vector_load_idx %arg6[%add3A_675] : memref<65000xf32, #tpu.memory_space<vmem>>[vector<16xi32>], vector<16xf32>,
      %swap3A_677 = arith.constant 0 : i32
      %swap3A_678 = arith.constant 39 : i32
      %swap3A_679 = arith.index_cast %swap3A_677 : i32 to index
      %swap3A_680 = arith.index_cast %swap3A_678 : i32 to index
      %swap3A_681 = arith.index_cast %mul3A_100 : i32 to index
      %swap3A_682 = tpu.vector_load %arg7[%swap3A_679, %swap3A_680, %swap3A_681] {strides = array<i32>} : memref<2x64x128xf32, #tpu.memory_space<vmem>>, vector<16xf32>,
      tpu.vector_store %arg7[%swap3A_679, %swap3A_680, %swap3A_681], %gather3A_468 {strides = array<i32>} : memref<2x64x128xf32, #tpu.memory_space<vmem>>, vector<16xf32>,
      %add3A_683 = arith.constant 48 : i32
      %add3A_684 = vector.broadcast %add3A_683 : i32 to vector<16xi32>
      %add3A_685 = arith.addi %mul3A_98, %add3A_684 : vector<16xi32>
      %add3A_686 = arith.constant 8 : i32
      %add3A_687 = vector.broadcast %add3A_686 : i32 to vector<16xi32>
      %add3A_688 = arith.addi %add3A_685, %add3A_687 : vector<16xi32>
      %gather3A_689 = tpu.vector_load_idx %arg6[%add3A_688] : memref<65000xf32, #tpu.memory_space<vmem>>[vector<16xi32>], vector<16xf32>,
      %swap3A_690 = arith.constant 0 : i32
      %swap3A_691 = arith.constant 40 : i32
      %swap3A_692 = arith.index_cast %swap3A_690 : i32 to index
      %swap3A_693 = arith.index_cast %swap3A_691 : i32 to index
      %swap3A_694 = arith.index_cast %mul3A_100 : i32 to index
      %swap3A_695 = tpu.vector_load %arg7[%swap3A_692, %swap3A_693, %swap3A_694] {strides = array<i32>} : memref<2x64x128xf32, #tpu.memory_space<vmem>>, vector<16xf32>,
      tpu.vector_store %arg7[%swap3A_692, %swap3A_693, %swap3A_694], %gather3A_481 {strides = array<i32>} : memref<2x64x128xf32, #tpu.memory_space<vmem>>, vector<16xf32>,
      %add3A_696 = arith.constant 48 : i32
      %add3A_697 = vector.broadcast %add3A_696 : i32 to vector<16xi32>
      %add3A_698 = arith.addi %mul3A_98, %add3A_697 : vector<16xi32>
      %add3A_699 = arith.constant 9 : i32
      %add3A_700 = vector.broadcast %add3A_699 : i32 to vector<16xi32>
      %add3A_701 = arith.addi %add3A_698, %add3A_700 : vector<16xi32>
      %gather3A_702 = tpu.vector_load_idx %arg6[%add3A_701] : memref<65000xf32, #tpu.memory_space<vmem>>[vector<16xi32>], vector<16xf32>,
      %swap3A_703 = arith.constant 0 : i32
      %swap3A_704 = arith.constant 41 : i32
      %swap3A_705 = arith.index_cast %swap3A_703 : i32 to index
      %swap3A_706 = arith.index_cast %swap3A_704 : i32 to index
      %swap3A_707 = arith.index_cast %mul3A_100 : i32 to index
      %swap3A_708 = tpu.vector_load %arg7[%swap3A_705, %swap3A_706, %swap3A_707] {strides = array<i32>} : memref<2x64x128xf32, #tpu.memory_space<vmem>>, vector<16xf32>,
      tpu.vector_store %arg7[%swap3A_705, %swap3A_706, %swap3A_707], %gather3A_494 {strides = array<i32>} : memref<2x64x128xf32, #tpu.memory_space<vmem>>, vector<16xf32>,
      %add3A_709 = arith.constant 48 : i32
      %add3A_710 = vector.broadcast %add3A_709 : i32 to vector<16xi32>
      %add3A_711 = arith.addi %mul3A_98, %add3A_710 : vector<16xi32>
      %add3A_712 = arith.constant 10 : i32
      %add3A_713 = vector.broadcast %add3A_712 : i32 to vector<16xi32>
      %add3A_714 = arith.addi %add3A_711, %add3A_713 : vector<16xi32>
      %gather3A_715 = tpu.vector_load_idx %arg6[%add3A_714] : memref<65000xf32, #tpu.memory_space<vmem>>[vector<16xi32>], vector<16xf32>,
      %swap3A_716 = arith.constant 0 : i32
      %swap3A_717 = arith.constant 42 : i32
      %swap3A_718 = arith.index_cast %swap3A_716 : i32 to index
      %swap3A_719 = arith.index_cast %swap3A_717 : i32 to index
      %swap3A_720 = arith.index_cast %mul3A_100 : i32 to index
      %swap3A_721 = tpu.vector_load %arg7[%swap3A_718, %swap3A_719, %swap3A_720] {strides = array<i32>} : memref<2x64x128xf32, #tpu.memory_space<vmem>>, vector<16xf32>,
      tpu.vector_store %arg7[%swap3A_718, %swap3A_719, %swap3A_720], %gather3A_507 {strides = array<i32>} : memref<2x64x128xf32, #tpu.memory_space<vmem>>, vector<16xf32>,
      %add3A_722 = arith.constant 48 : i32
      %add3A_723 = vector.broadcast %add3A_722 : i32 to vector<16xi32>
      %add3A_724 = arith.addi %mul3A_98, %add3A_723 : vector<16xi32>
      %add3A_725 = arith.constant 11 : i32
      %add3A_726 = vector.broadcast %add3A_725 : i32 to vector<16xi32>
      %add3A_727 = arith.addi %add3A_724, %add3A_726 : vector<16xi32>
      %gather3A_728 = tpu.vector_load_idx %arg6[%add3A_727] : memref<65000xf32, #tpu.memory_space<vmem>>[vector<16xi32>], vector<16xf32>,
      %swap3A_729 = arith.constant 0 : i32
      %swap3A_730 = arith.constant 43 : i32
      %swap3A_731 = arith.index_cast %swap3A_729 : i32 to index
      %swap3A_732 = arith.index_cast %swap3A_730 : i32 to index
      %swap3A_733 = arith.index_cast %mul3A_100 : i32 to index
      %swap3A_734 = tpu.vector_load %arg7[%swap3A_731, %swap3A_732, %swap3A_733] {strides = array<i32>} : memref<2x64x128xf32, #tpu.memory_space<vmem>>, vector<16xf32>,
      tpu.vector_store %arg7[%swap3A_731, %swap3A_732, %swap3A_733], %gather3A_520 {strides = array<i32>} : memref<2x64x128xf32, #tpu.memory_space<vmem>>, vector<16xf32>,
      %add3A_735 = arith.constant 48 : i32
      %add3A_736 = vector.broadcast %add3A_735 : i32 to vector<16xi32>
      %add3A_737 = arith.addi %mul3A_98, %add3A_736 : vector<16xi32>
      %add3A_738 = arith.constant 12 : i32
      %add3A_739 = vector.broadcast %add3A_738 : i32 to vector<16xi32>
      %add3A_740 = arith.addi %add3A_737, %add3A_739 : vector<16xi32>
      %gather3A_741 = tpu.vector_load_idx %arg6[%add3A_740] : memref<65000xf32, #tpu.memory_space<vmem>>[vector<16xi32>], vector<16xf32>,
      %swap3A_742 = arith.constant 0 : i32
      %swap3A_743 = arith.constant 44 : i32
      %swap3A_744 = arith.index_cast %swap3A_742 : i32 to index
      %swap3A_745 = arith.index_cast %swap3A_743 : i32 to index
      %swap3A_746 = arith.index_cast %mul3A_100 : i32 to index
      %swap3A_747 = tpu.vector_load %arg7[%swap3A_744, %swap3A_745, %swap3A_746] {strides = array<i32>} : memref<2x64x128xf32, #tpu.memory_space<vmem>>, vector<16xf32>,
      tpu.vector_store %arg7[%swap3A_744, %swap3A_745, %swap3A_746], %gather3A_533 {strides = array<i32>} : memref<2x64x128xf32, #tpu.memory_space<vmem>>, vector<16xf32>,
      %add3A_748 = arith.constant 48 : i32
      %add3A_749 = vector.broadcast %add3A_748 : i32 to vector<16xi32>
      %add3A_750 = arith.addi %mul3A_98, %add3A_749 : vector<16xi32>
      %add3A_751 = arith.constant 13 : i32
      %add3A_752 = vector.broadcast %add3A_751 : i32 to vector<16xi32>
      %add3A_753 = arith.addi %add3A_750, %add3A_752 : vector<16xi32>
      %gather3A_754 = tpu.vector_load_idx %arg6[%add3A_753] : memref<65000xf32, #tpu.memory_space<vmem>>[vector<16xi32>], vector<16xf32>,
      %swap3A_755 = arith.constant 0 : i32
      %swap3A_756 = arith.constant 45 : i32
      %swap3A_757 = arith.index_cast %swap3A_755 : i32 to index
      %swap3A_758 = arith.index_cast %swap3A_756 : i32 to index
      %swap3A_759 = arith.index_cast %mul3A_100 : i32 to index
      %swap3A_760 = tpu.vector_load %arg7[%swap3A_757, %swap3A_758, %swap3A_759] {strides = array<i32>} : memref<2x64x128xf32, #tpu.memory_space<vmem>>, vector<16xf32>,
      tpu.vector_store %arg7[%swap3A_757, %swap3A_758, %swap3A_759], %gather3A_546 {strides = array<i32>} : memref<2x64x128xf32, #tpu.memory_space<vmem>>, vector<16xf32>,
      %add3A_761 = arith.constant 48 : i32
      %add3A_762 = vector.broadcast %add3A_761 : i32 to vector<16xi32>
      %add3A_763 = arith.addi %mul3A_98, %add3A_762 : vector<16xi32>
      %add3A_764 = arith.constant 14 : i32
      %add3A_765 = vector.broadcast %add3A_764 : i32 to vector<16xi32>
      %add3A_766 = arith.addi %add3A_763, %add3A_765 : vector<16xi32>
      %gather3A_767 = tpu.vector_load_idx %arg6[%add3A_766] : memref<65000xf32, #tpu.memory_space<vmem>>[vector<16xi32>], vector<16xf32>,
      %swap3A_768 = arith.constant 0 : i32
      %swap3A_769 = arith.constant 46 : i32
      %swap3A_770 = arith.index_cast %swap3A_768 : i32 to index
      %swap3A_771 = arith.index_cast %swap3A_769 : i32 to index
      %swap3A_772 = arith.index_cast %mul3A_100 : i32 to index
      %swap3A_773 = tpu.vector_load %arg7[%swap3A_770, %swap3A_771, %swap3A_772] {strides = array<i32>} : memref<2x64x128xf32, #tpu.memory_space<vmem>>, vector<16xf32>,
      tpu.vector_store %arg7[%swap3A_770, %swap3A_771, %swap3A_772], %gather3A_559 {strides = array<i32>} : memref<2x64x128xf32, #tpu.memory_space<vmem>>, vector<16xf32>,
      %add3A_774 = arith.constant 48 : i32
      %add3A_775 = vector.broadcast %add3A_774 : i32 to vector<16xi32>
      %add3A_776 = arith.addi %mul3A_98, %add3A_775 : vector<16xi32>
      %add3A_777 = arith.constant 15 : i32
      %add3A_778 = vector.broadcast %add3A_777 : i32 to vector<16xi32>
      %add3A_779 = arith.addi %add3A_776, %add3A_778 : vector<16xi32>
      %gather3A_780 = tpu.vector_load_idx %arg6[%add3A_779] : memref<65000xf32, #tpu.memory_space<vmem>>[vector<16xi32>], vector<16xf32>,
      %swap3A_781 = arith.constant 0 : i32
      %swap3A_782 = arith.constant 47 : i32
      %swap3A_783 = arith.index_cast %swap3A_781 : i32 to index
      %swap3A_784 = arith.index_cast %swap3A_782 : i32 to index
      %swap3A_785 = arith.index_cast %mul3A_100 : i32 to index
      %swap3A_786 = tpu.vector_load %arg7[%swap3A_783, %swap3A_784, %swap3A_785] {strides = array<i32>} : memref<2x64x128xf32, #tpu.memory_space<vmem>>, vector<16xf32>,
      tpu.vector_store %arg7[%swap3A_783, %swap3A_784, %swap3A_785], %gather3A_572 {strides = array<i32>} : memref<2x64x128xf32, #tpu.memory_space<vmem>>, vector<16xf32>,
      %swap3A_787 = arith.constant 0 : i32
      %swap3A_788 = arith.constant 48 : i32
      %swap3A_789 = arith.index_cast %swap3A_787 : i32 to index
      %swap3A_790 = arith.index_cast %swap3A_788 : i32 to index
      %swap3A_791 = arith.index_cast %mul3A_100 : i32 to index
      %swap3A_792 = tpu.vector_load %arg7[%swap3A_789, %swap3A_790, %swap3A_791] {strides = array<i32>} : memref<2x64x128xf32, #tpu.memory_space<vmem>>, vector<16xf32>,
      tpu.vector_store %arg7[%swap3A_789, %swap3A_790, %swap3A_791], %gather3A_585 {strides = array<i32>} : memref<2x64x128xf32, #tpu.memory_space<vmem>>, vector<16xf32>,
      %swap3A_793 = arith.constant 0 : i32
      %swap3A_794 = arith.constant 49 : i32
      %swap3A_795 = arith.index_cast %swap3A_793 : i32 to index
      %swap3A_796 = arith.index_cast %swap3A_794 : i32 to index
      %swap3A_797 = arith.index_cast %mul3A_100 : i32 to index
      %swap3A_798 = tpu.vector_load %arg7[%swap3A_795, %swap3A_796, %swap3A_797] {strides = array<i32>} : memref<2x64x128xf32, #tpu.memory_space<vmem>>, vector<16xf32>,
      tpu.vector_store %arg7[%swap3A_795, %swap3A_796, %swap3A_797], %gather3A_598 {strides = array<i32>} : memref<2x64x128xf32, #tpu.memory_space<vmem>>, vector<16xf32>,
      %swap3A_799 = arith.constant 0 : i32
      %swap3A_800 = arith.constant 50 : i32
      %swap3A_801 = arith.index_cast %swap3A_799 : i32 to index
      %swap3A_802 = arith.index_cast %swap3A_800 : i32 to index
      %swap3A_803 = arith.index_cast %mul3A_100 : i32 to index
      %swap3A_804 = tpu.vector_load %arg7[%swap3A_801, %swap3A_802, %swap3A_803] {strides = array<i32>} : memref<2x64x128xf32, #tpu.memory_space<vmem>>, vector<16xf32>,
      tpu.vector_store %arg7[%swap3A_801, %swap3A_802, %swap3A_803], %gather3A_611 {strides = array<i32>} : memref<2x64x128xf32, #tpu.memory_space<vmem>>, vector<16xf32>,
      %swap3A_805 = arith.constant 0 : i32
      %swap3A_806 = arith.constant 51 : i32
      %swap3A_807 = arith.index_cast %swap3A_805 : i32 to index
      %swap3A_808 = arith.index_cast %swap3A_806 : i32 to index
      %swap3A_809 = arith.index_cast %mul3A_100 : i32 to index
      %swap3A_810 = tpu.vector_load %arg7[%swap3A_807, %swap3A_808, %swap3A_809] {strides = array<i32>} : memref<2x64x128xf32, #tpu.memory_space<vmem>>, vector<16xf32>,
      tpu.vector_store %arg7[%swap3A_807, %swap3A_808, %swap3A_809], %gather3A_624 {strides = array<i32>} : memref<2x64x128xf32, #tpu.memory_space<vmem>>, vector<16xf32>,
      %swap3A_811 = arith.constant 0 : i32
      %swap3A_812 = arith.constant 52 : i32
      %swap3A_813 = arith.index_cast %swap3A_811 : i32 to index
      %swap3A_814 = arith.index_cast %swap3A_812 : i32 to index
      %swap3A_815 = arith.index_cast %mul3A_100 : i32 to index
      %swap3A_816 = tpu.vector_load %arg7[%swap3A_813, %swap3A_814, %swap3A_815] {strides = array<i32>} : memref<2x64x128xf32, #tpu.memory_space<vmem>>, vector<16xf32>,
      tpu.vector_store %arg7[%swap3A_813, %swap3A_814, %swap3A_815], %gather3A_637 {strides = array<i32>} : memref<2x64x128xf32, #tpu.memory_space<vmem>>, vector<16xf32>,
      %swap3A_817 = arith.constant 0 : i32
      %swap3A_818 = arith.constant 53 : i32
      %swap3A_819 = arith.index_cast %swap3A_817 : i32 to index
      %swap3A_820 = arith.index_cast %swap3A_818 : i32 to index
      %swap3A_821 = arith.index_cast %mul3A_100 : i32 to index
      %swap3A_822 = tpu.vector_load %arg7[%swap3A_819, %swap3A_820, %swap3A_821] {strides = array<i32>} : memref<2x64x128xf32, #tpu.memory_space<vmem>>, vector<16xf32>,
      tpu.vector_store %arg7[%swap3A_819, %swap3A_820, %swap3A_821], %gather3A_650 {strides = array<i32>} : memref<2x64x128xf32, #tpu.memory_space<vmem>>, vector<16xf32>,
      %swap3A_823 = arith.constant 0 : i32
      %swap3A_824 = arith.constant 54 : i32
      %swap3A_825 = arith.index_cast %swap3A_823 : i32 to index
      %swap3A_826 = arith.index_cast %swap3A_824 : i32 to index
      %swap3A_827 = arith.index_cast %mul3A_100 : i32 to index
      %swap3A_828 = tpu.vector_load %arg7[%swap3A_825, %swap3A_826, %swap3A_827] {strides = array<i32>} : memref<2x64x128xf32, #tpu.memory_space<vmem>>, vector<16xf32>,
      tpu.vector_store %arg7[%swap3A_825, %swap3A_826, %swap3A_827], %gather3A_663 {strides = array<i32>} : memref<2x64x128xf32, #tpu.memory_space<vmem>>, vector<16xf32>,
      %swap3A_829 = arith.constant 0 : i32
      %swap3A_830 = arith.constant 55 : i32
      %swap3A_831 = arith.index_cast %swap3A_829 : i32 to index
      %swap3A_832 = arith.index_cast %swap3A_830 : i32 to index
      %swap3A_833 = arith.index_cast %mul3A_100 : i32 to index
      %swap3A_834 = tpu.vector_load %arg7[%swap3A_831, %swap3A_832, %swap3A_833] {strides = array<i32>} : memref<2x64x128xf32, #tpu.memory_space<vmem>>, vector<16xf32>,
      tpu.vector_store %arg7[%swap3A_831, %swap3A_832, %swap3A_833], %gather3A_676 {strides = array<i32>} : memref<2x64x128xf32, #tpu.memory_space<vmem>>, vector<16xf32>,
      %swap3A_835 = arith.constant 0 : i32
      %swap3A_836 = arith.constant 56 : i32
      %swap3A_837 = arith.index_cast %swap3A_835 : i32 to index
      %swap3A_838 = arith.index_cast %swap3A_836 : i32 to index
      %swap3A_839 = arith.index_cast %mul3A_100 : i32 to index
      %swap3A_840 = tpu.vector_load %arg7[%swap3A_837, %swap3A_838, %swap3A_839] {strides = array<i32>} : memref<2x64x128xf32, #tpu.memory_space<vmem>>, vector<16xf32>,
      tpu.vector_store %arg7[%swap3A_837, %swap3A_838, %swap3A_839], %gather3A_689 {strides = array<i32>} : memref<2x64x128xf32, #tpu.memory_space<vmem>>, vector<16xf32>,
      %swap3A_841 = arith.constant 0 : i32
      %swap3A_842 = arith.constant 57 : i32
      %swap3A_843 = arith.index_cast %swap3A_841 : i32 to index
      %swap3A_844 = arith.index_cast %swap3A_842 : i32 to index
      %swap3A_845 = arith.index_cast %mul3A_100 : i32 to index
      %swap3A_846 = tpu.vector_load %arg7[%swap3A_843, %swap3A_844, %swap3A_845] {strides = array<i32>} : memref<2x64x128xf32, #tpu.memory_space<vmem>>, vector<16xf32>,
      tpu.vector_store %arg7[%swap3A_843, %swap3A_844, %swap3A_845], %gather3A_702 {strides = array<i32>} : memref<2x64x128xf32, #tpu.memory_space<vmem>>, vector<16xf32>,
      %swap3A_847 = arith.constant 0 : i32
      %swap3A_848 = arith.constant 58 : i32
      %swap3A_849 = arith.index_cast %swap3A_847 : i32 to index
      %swap3A_850 = arith.index_cast %swap3A_848 : i32 to index
      %swap3A_851 = arith.index_cast %mul3A_100 : i32 to index
      %swap3A_852 = tpu.vector_load %arg7[%swap3A_849, %swap3A_850, %swap3A_851] {strides = array<i32>} : memref<2x64x128xf32, #tpu.memory_space<vmem>>, vector<16xf32>,
      tpu.vector_store %arg7[%swap3A_849, %swap3A_850, %swap3A_851], %gather3A_715 {strides = array<i32>} : memref<2x64x128xf32, #tpu.memory_space<vmem>>, vector<16xf32>,
      %swap3A_853 = arith.constant 0 : i32
      %swap3A_854 = arith.constant 59 : i32
      %swap3A_855 = arith.index_cast %swap3A_853 : i32 to index
      %swap3A_856 = arith.index_cast %swap3A_854 : i32 to index
      %swap3A_857 = arith.index_cast %mul3A_100 : i32 to index
      %swap3A_858 = tpu.vector_load %arg7[%swap3A_855, %swap3A_856, %swap3A_857] {strides = array<i32>} : memref<2x64x128xf32, #tpu.memory_space<vmem>>, vector<16xf32>,
      tpu.vector_store %arg7[%swap3A_855, %swap3A_856, %swap3A_857], %gather3A_728 {strides = array<i32>} : memref<2x64x128xf32, #tpu.memory_space<vmem>>, vector<16xf32>,
      %swap3A_859 = arith.constant 0 : i32
      %swap3A_860 = arith.constant 60 : i32
      %swap3A_861 = arith.index_cast %swap3A_859 : i32 to index
      %swap3A_862 = arith.index_cast %swap3A_860 : i32 to index
      %swap3A_863 = arith.index_cast %mul3A_100 : i32 to index
      %swap3A_864 = tpu.vector_load %arg7[%swap3A_861, %swap3A_862, %swap3A_863] {strides = array<i32>} : memref<2x64x128xf32, #tpu.memory_space<vmem>>, vector<16xf32>,
      tpu.vector_store %arg7[%swap3A_861, %swap3A_862, %swap3A_863], %gather3A_741 {strides = array<i32>} : memref<2x64x128xf32, #tpu.memory_space<vmem>>, vector<16xf32>,
      %swap3A_865 = arith.constant 0 : i32
      %swap3A_866 = arith.constant 61 : i32
      %swap3A_867 = arith.index_cast %swap3A_865 : i32 to index
      %swap3A_868 = arith.index_cast %swap3A_866 : i32 to index
      %swap3A_869 = arith.index_cast %mul3A_100 : i32 to index
      %swap3A_870 = tpu.vector_load %arg7[%swap3A_867, %swap3A_868, %swap3A_869] {strides = array<i32>} : memref<2x64x128xf32, #tpu.memory_space<vmem>>, vector<16xf32>,
      tpu.vector_store %arg7[%swap3A_867, %swap3A_868, %swap3A_869], %gather3A_754 {strides = array<i32>} : memref<2x64x128xf32, #tpu.memory_space<vmem>>, vector<16xf32>,
      %swap3A_871 = arith.constant 0 : i32
      %swap3A_872 = arith.constant 62 : i32
      %swap3A_873 = arith.index_cast %swap3A_871 : i32 to index
      %swap3A_874 = arith.index_cast %swap3A_872 : i32 to index
      %swap3A_875 = arith.index_cast %mul3A_100 : i32 to index
      %swap3A_876 = tpu.vector_load %arg7[%swap3A_873, %swap3A_874, %swap3A_875] {strides = array<i32>} : memref<2x64x128xf32, #tpu.memory_space<vmem>>, vector<16xf32>,
      tpu.vector_store %arg7[%swap3A_873, %swap3A_874, %swap3A_875], %gather3A_767 {strides = array<i32>} : memref<2x64x128xf32, #tpu.memory_space<vmem>>, vector<16xf32>,
      %swap3A_877 = arith.constant 0 : i32
      %swap3A_878 = arith.constant 63 : i32
      %swap3A_879 = arith.index_cast %swap3A_877 : i32 to index
      %swap3A_880 = arith.index_cast %swap3A_878 : i32 to index
      %swap3A_881 = arith.index_cast %mul3A_100 : i32 to index
      %swap3A_882 = tpu.vector_load %arg7[%swap3A_879, %swap3A_880, %swap3A_881] {strides = array<i32>} : memref<2x64x128xf32, #tpu.memory_space<vmem>>, vector<16xf32>,
      tpu.vector_store %arg7[%swap3A_879, %swap3A_880, %swap3A_881], %gather3A_780 {strides = array<i32>} : memref<2x64x128xf32, #tpu.memory_space<vmem>>, vector<16xf32>,
    }
    %scan3A_13 = arith.constant 8 : i32
    %dma_start3A_14 = arith.constant 0 : i32
    %dma_start3A_15 = arith.constant 0 : i32
    %dma_start3A_16 = arith.constant 0 : i32
    %dma_start3A_17 = arith.constant 0 : i32
    %dma_start3A_18 = tpu.memref_slice %arg7[%dma_start3A_14, %dma_start3A_16, %dma_start3A_17] : memref<2x64x128xf32, #tpu.memory_space<vmem>> -> memref<1x64x128xf32, #tpu.memory_space<vmem>>
    %dma_start3A_19 = tpu.memref_squeeze %dma_start3A_18 : memref<1x64x128xf32, #tpu.memory_space<vmem>> -> memref<64x128xf32, #tpu.memory_space<vmem>>
    %dma_start3A_20 = arith.constant 0 : i32
    %dma_start3A_21 = tpu.memref_slice %arg4[%dma_start3A_15, %dma_start3A_20, %mul3A_2] : memref<50x64x4096xf32, #tpu.memory_space<hbm>> -> memref<1x64x128xf32, #tpu.memory_space<hbm>>
    %dma_start3A_22 = tpu.memref_squeeze %dma_start3A_21 : memref<1x64x128xf32, #tpu.memory_space<hbm>> -> memref<64x128xf32, #tpu.memory_space<hbm>>
    %dma_start3A_23 = arith.constant 0 : i32
    %dma_start3A_24 = tpu.memref_slice %arg4[%dma_start3A_15, %dma_start3A_23, %mul3A_2] : memref<50x64x4096xf32, #tpu.memory_space<hbm>> -> memref<1x64x128xf32, #tpu.memory_space<hbm>>
    %dma_start3A_25 = tpu.memref_squeeze %dma_start3A_24 : memref<1x64x128xf32, #tpu.memory_space<hbm>> -> memref<64x128xf32, #tpu.memory_space<hbm>>
    %dma_start3A_26 = arith.constant 0 : i32
    %dma_start3A_27 = arith.constant 0 : i32
    %dma_start3A_28 = tpu.memref_slice %arg7[%dma_start3A_14, %dma_start3A_26, %dma_start3A_27] : memref<2x64x128xf32, #tpu.memory_space<vmem>> -> memref<1x64x128xf32, #tpu.memory_space<vmem>>
    %dma_start3A_29 = tpu.memref_squeeze %dma_start3A_28 : memref<1x64x128xf32, #tpu.memory_space<vmem>> -> memref<64x128xf32, #tpu.memory_space<vmem>>
    tpu.enqueue_dma source(%dma_start3A_29 : memref<64x128xf32, #tpu.memory_space<vmem>>) target(%dma_start3A_25 : memref<64x128xf32, #tpu.memory_space<hbm>>) target_semaphore(%arg8 : memref<!tpu.dma_semaphore, #tpu.memory_space<semaphore_mem>>)
    %scan3A_30 = arith.constant 0 : i32
    %scan3A_31 = arith.constant 0 : i32
    %scan3A_32 = arith.constant 8 : i32
    %scan3A_33 = arith.addi %scan3A_31, %scan3A_32 : i32
    %scan3A_34 = arith.constant 1 : i32
    scf.for %scan3A_90 = %scan3A_31 to %scan3A_33 step %scan3A_34  : i32 {
      %mul3A_91 = arith.constant 16 : i32
      %mul3A_92 = arith.muli %scan3A_90, %mul3A_91 : i32
      %get3A = arith.constant 1 : i32
      %get3A_93 = arith.index_cast %get3A : i32 to index
      %get3A_94 = arith.index_cast %mul3A_92 : i32 to index
      %get3A_95 = tpu.vector_load %arg5[%get3A_93, %get3A_94] {strides = array<i32>} : memref<50x128xi32, #tpu.memory_space<vmem>>, vector<16xi32>,
      %mul3A_96 = arith.constant 65 : i32
      %mul3A_97 = vector.broadcast %mul3A_96 : i32 to vector<16xi32>
      %mul3A_98 = arith.muli %get3A_95, %mul3A_97 : vector<16xi32>
      %mul3A_99 = arith.constant 16 : i32
      %mul3A_100 = arith.muli %scan3A_90, %mul3A_99 : i32
      %add3A_101 = arith.constant 0 : i32
      %add3A_102 = vector.broadcast %add3A_101 : i32 to vector<16xi32>
      %add3A_103 = arith.addi %mul3A_98, %add3A_102 : vector<16xi32>
      %gather3A = tpu.vector_load_idx %arg6[%add3A_103] : memref<65000xf32, #tpu.memory_space<vmem>>[vector<16xi32>], vector<16xf32>,
      %add3A_104 = arith.constant 1 : i32
      %add3A_105 = vector.broadcast %add3A_104 : i32 to vector<16xi32>
      %add3A_106 = arith.addi %mul3A_98, %add3A_105 : vector<16xi32>
      %gather3A_107 = tpu.vector_load_idx %arg6[%add3A_106] : memref<65000xf32, #tpu.memory_space<vmem>>[vector<16xi32>], vector<16xf32>,
      %add3A_108 = arith.constant 2 : i32
      %add3A_109 = vector.broadcast %add3A_108 : i32 to vector<16xi32>
      %add3A_110 = arith.addi %mul3A_98, %add3A_109 : vector<16xi32>
      %gather3A_111 = tpu.vector_load_idx %arg6[%add3A_110] : memref<65000xf32, #tpu.memory_space<vmem>>[vector<16xi32>], vector<16xf32>,
      %add3A_112 = arith.constant 3 : i32
      %add3A_113 = vector.broadcast %add3A_112 : i32 to vector<16xi32>
      %add3A_114 = arith.addi %mul3A_98, %add3A_113 : vector<16xi32>
      %gather3A_115 = tpu.vector_load_idx %arg6[%add3A_114] : memref<65000xf32, #tpu.memory_space<vmem>>[vector<16xi32>], vector<16xf32>,
      %add3A_116 = arith.constant 4 : i32
      %add3A_117 = vector.broadcast %add3A_116 : i32 to vector<16xi32>
      %add3A_118 = arith.addi %mul3A_98, %add3A_117 : vector<16xi32>
      %gather3A_119 = tpu.vector_load_idx %arg6[%add3A_118] : memref<65000xf32, #tpu.memory_space<vmem>>[vector<16xi32>], vector<16xf32>,
      %add3A_120 = arith.constant 5 : i32
      %add3A_121 = vector.broadcast %add3A_120 : i32 to vector<16xi32>
      %add3A_122 = arith.addi %mul3A_98, %add3A_121 : vector<16xi32>
      %gather3A_123 = tpu.vector_load_idx %arg6[%add3A_122] : memref<65000xf32, #tpu.memory_space<vmem>>[vector<16xi32>], vector<16xf32>,
      %add3A_124 = arith.constant 6 : i32
      %add3A_125 = vector.broadcast %add3A_124 : i32 to vector<16xi32>
      %add3A_126 = arith.addi %mul3A_98, %add3A_125 : vector<16xi32>
      %gather3A_127 = tpu.vector_load_idx %arg6[%add3A_126] : memref<65000xf32, #tpu.memory_space<vmem>>[vector<16xi32>], vector<16xf32>,
      %add3A_128 = arith.constant 7 : i32
      %add3A_129 = vector.broadcast %add3A_128 : i32 to vector<16xi32>
      %add3A_130 = arith.addi %mul3A_98, %add3A_129 : vector<16xi32>
      %gather3A_131 = tpu.vector_load_idx %arg6[%add3A_130] : memref<65000xf32, #tpu.memory_space<vmem>>[vector<16xi32>], vector<16xf32>,
      %add3A_132 = arith.constant 8 : i32
      %add3A_133 = vector.broadcast %add3A_132 : i32 to vector<16xi32>
      %add3A_134 = arith.addi %mul3A_98, %add3A_133 : vector<16xi32>
      %gather3A_135 = tpu.vector_load_idx %arg6[%add3A_134] : memref<65000xf32, #tpu.memory_space<vmem>>[vector<16xi32>], vector<16xf32>,
      %add3A_136 = arith.constant 9 : i32
      %add3A_137 = vector.broadcast %add3A_136 : i32 to vector<16xi32>
      %add3A_138 = arith.addi %mul3A_98, %add3A_137 : vector<16xi32>
      %gather3A_139 = tpu.vector_load_idx %arg6[%add3A_138] : memref<65000xf32, #tpu.memory_space<vmem>>[vector<16xi32>], vector<16xf32>,
      %add3A_140 = arith.constant 10 : i32
      %add3A_141 = vector.broadcast %add3A_140 : i32 to vector<16xi32>
      %add3A_142 = arith.addi %mul3A_98, %add3A_141 : vector<16xi32>
      %gather3A_143 = tpu.vector_load_idx %arg6[%add3A_142] : memref<65000xf32, #tpu.memory_space<vmem>>[vector<16xi32>], vector<16xf32>,
      %add3A_144 = arith.constant 11 : i32
      %add3A_145 = vector.broadcast %add3A_144 : i32 to vector<16xi32>
      %add3A_146 = arith.addi %mul3A_98, %add3A_145 : vector<16xi32>
      %gather3A_147 = tpu.vector_load_idx %arg6[%add3A_146] : memref<65000xf32, #tpu.memory_space<vmem>>[vector<16xi32>], vector<16xf32>,
      %add3A_148 = arith.constant 12 : i32
      %add3A_149 = vector.broadcast %add3A_148 : i32 to vector<16xi32>
      %add3A_150 = arith.addi %mul3A_98, %add3A_149 : vector<16xi32>
      %gather3A_151 = tpu.vector_load_idx %arg6[%add3A_150] : memref<65000xf32, #tpu.memory_space<vmem>>[vector<16xi32>], vector<16xf32>,
      %add3A_152 = arith.constant 13 : i32
      %add3A_153 = vector.broadcast %add3A_152 : i32 to vector<16xi32>
      %add3A_154 = arith.addi %mul3A_98, %add3A_153 : vector<16xi32>
      %gather3A_155 = tpu.vector_load_idx %arg6[%add3A_154] : memref<65000xf32, #tpu.memory_space<vmem>>[vector<16xi32>], vector<16xf32>,
      %add3A_156 = arith.constant 14 : i32
      %add3A_157 = vector.broadcast %add3A_156 : i32 to vector<16xi32>
      %add3A_158 = arith.addi %mul3A_98, %add3A_157 : vector<16xi32>
      %gather3A_159 = tpu.vector_load_idx %arg6[%add3A_158] : memref<65000xf32, #tpu.memory_space<vmem>>[vector<16xi32>], vector<16xf32>,
      %add3A_160 = arith.constant 15 : i32
      %add3A_161 = vector.broadcast %add3A_160 : i32 to vector<16xi32>
      %add3A_162 = arith.addi %mul3A_98, %add3A_161 : vector<16xi32>
      %gather3A_163 = tpu.vector_load_idx %arg6[%add3A_162] : memref<65000xf32, #tpu.memory_space<vmem>>[vector<16xi32>], vector<16xf32>,
      %add3A_164 = arith.constant 16 : i32
      %add3A_165 = vector.broadcast %add3A_164 : i32 to vector<16xi32>
      %add3A_166 = arith.addi %mul3A_98, %add3A_165 : vector<16xi32>
      %add3A_167 = arith.constant 0 : i32
      %add3A_168 = vector.broadcast %add3A_167 : i32 to vector<16xi32>
      %add3A_169 = arith.addi %add3A_166, %add3A_168 : vector<16xi32>
      %gather3A_170 = tpu.vector_load_idx %arg6[%add3A_169] : memref<65000xf32, #tpu.memory_space<vmem>>[vector<16xi32>], vector<16xf32>,
      %swap3A = arith.constant 1 : i32
      %swap3A_171 = arith.constant 0 : i32
      %swap3A_172 = arith.index_cast %swap3A : i32 to index
      %swap3A_173 = arith.index_cast %swap3A_171 : i32 to index
      %swap3A_174 = arith.index_cast %mul3A_100 : i32 to index
      %swap3A_175 = tpu.vector_load %arg7[%swap3A_172, %swap3A_173, %swap3A_174] {strides = array<i32>} : memref<2x64x128xf32, #tpu.memory_space<vmem>>, vector<16xf32>,
      tpu.vector_store %arg7[%swap3A_172, %swap3A_173, %swap3A_174], %gather3A {strides = array<i32>} : memref<2x64x128xf32, #tpu.memory_space<vmem>>, vector<16xf32>,
      %add3A_176 = arith.constant 16 : i32
      %add3A_177 = vector.broadcast %add3A_176 : i32 to vector<16xi32>
      %add3A_178 = arith.addi %mul3A_98, %add3A_177 : vector<16xi32>
      %add3A_179 = arith.constant 1 : i32
      %add3A_180 = vector.broadcast %add3A_179 : i32 to vector<16xi32>
      %add3A_181 = arith.addi %add3A_178, %add3A_180 : vector<16xi32>
      %gather3A_182 = tpu.vector_load_idx %arg6[%add3A_181] : memref<65000xf32, #tpu.memory_space<vmem>>[vector<16xi32>], vector<16xf32>,
      %swap3A_183 = arith.constant 1 : i32
      %swap3A_184 = arith.constant 1 : i32
      %swap3A_185 = arith.index_cast %swap3A_183 : i32 to index
      %swap3A_186 = arith.index_cast %swap3A_184 : i32 to index
      %swap3A_187 = arith.index_cast %mul3A_100 : i32 to index
      %swap3A_188 = tpu.vector_load %arg7[%swap3A_185, %swap3A_186, %swap3A_187] {strides = array<i32>} : memref<2x64x128xf32, #tpu.memory_space<vmem>>, vector<16xf32>,
      tpu.vector_store %arg7[%swap3A_185, %swap3A_186, %swap3A_187], %gather3A_107 {strides = array<i32>} : memref<2x64x128xf32, #tpu.memory_space<vmem>>, vector<16xf32>,
      %add3A_189 = arith.constant 16 : i32
      %add3A_190 = vector.broadcast %add3A_189 : i32 to vector<16xi32>
      %add3A_191 = arith.addi %mul3A_98, %add3A_190 : vector<16xi32>
      %add3A_192 = arith.constant 2 : i32
      %add3A_193 = vector.broadcast %add3A_192 : i32 to vector<16xi32>
      %add3A_194 = arith.addi %add3A_191, %add3A_193 : vector<16xi32>
      %gather3A_195 = tpu.vector_load_idx %arg6[%add3A_194] : memref<65000xf32, #tpu.memory_space<vmem>>[vector<16xi32>], vector<16xf32>,
      %swap3A_196 = arith.constant 1 : i32
      %swap3A_197 = arith.constant 2 : i32
      %swap3A_198 = arith.index_cast %swap3A_196 : i32 to index
      %swap3A_199 = arith.index_cast %swap3A_197 : i32 to index
      %swap3A_200 = arith.index_cast %mul3A_100 : i32 to index
      %swap3A_201 = tpu.vector_load %arg7[%swap3A_198, %swap3A_199, %swap3A_200] {strides = array<i32>} : memref<2x64x128xf32, #tpu.memory_space<vmem>>, vector<16xf32>,
      tpu.vector_store %arg7[%swap3A_198, %swap3A_199, %swap3A_200], %gather3A_111 {strides = array<i32>} : memref<2x64x128xf32, #tpu.memory_space<vmem>>, vector<16xf32>,
      %add3A_202 = arith.constant 16 : i32
      %add3A_203 = vector.broadcast %add3A_202 : i32 to vector<16xi32>
      %add3A_204 = arith.addi %mul3A_98, %add3A_203 : vector<16xi32>
      %add3A_205 = arith.constant 3 : i32
      %add3A_206 = vector.broadcast %add3A_205 : i32 to vector<16xi32>
      %add3A_207 = arith.addi %add3A_204, %add3A_206 : vector<16xi32>
      %gather3A_208 = tpu.vector_load_idx %arg6[%add3A_207] : memref<65000xf32, #tpu.memory_space<vmem>>[vector<16xi32>], vector<16xf32>,
      %swap3A_209 = arith.constant 1 : i32
      %swap3A_210 = arith.constant 3 : i32
      %swap3A_211 = arith.index_cast %swap3A_209 : i32 to index
      %swap3A_212 = arith.index_cast %swap3A_210 : i32 to index
      %swap3A_213 = arith.index_cast %mul3A_100 : i32 to index
      %swap3A_214 = tpu.vector_load %arg7[%swap3A_211, %swap3A_212, %swap3A_213] {strides = array<i32>} : memref<2x64x128xf32, #tpu.memory_space<vmem>>, vector<16xf32>,
      tpu.vector_store %arg7[%swap3A_211, %swap3A_212, %swap3A_213], %gather3A_115 {strides = array<i32>} : memref<2x64x128xf32, #tpu.memory_space<vmem>>, vector<16xf32>,
      %add3A_215 = arith.constant 16 : i32
      %add3A_216 = vector.broadcast %add3A_215 : i32 to vector<16xi32>
      %add3A_217 = arith.addi %mul3A_98, %add3A_216 : vector<16xi32>
      %add3A_218 = arith.constant 4 : i32
      %add3A_219 = vector.broadcast %add3A_218 : i32 to vector<16xi32>
      %add3A_220 = arith.addi %add3A_217, %add3A_219 : vector<16xi32>
      %gather3A_221 = tpu.vector_load_idx %arg6[%add3A_220] : memref<65000xf32, #tpu.memory_space<vmem>>[vector<16xi32>], vector<16xf32>,
      %swap3A_222 = arith.constant 1 : i32
      %swap3A_223 = arith.constant 4 : i32
      %swap3A_224 = arith.index_cast %swap3A_222 : i32 to index
      %swap3A_225 = arith.index_cast %swap3A_223 : i32 to index
      %swap3A_226 = arith.index_cast %mul3A_100 : i32 to index
      %swap3A_227 = tpu.vector_load %arg7[%swap3A_224, %swap3A_225, %swap3A_226] {strides = array<i32>} : memref<2x64x128xf32, #tpu.memory_space<vmem>>, vector<16xf32>,
      tpu.vector_store %arg7[%swap3A_224, %swap3A_225, %swap3A_226], %gather3A_119 {strides = array<i32>} : memref<2x64x128xf32, #tpu.memory_space<vmem>>, vector<16xf32>,
      %add3A_228 = arith.constant 16 : i32
      %add3A_229 = vector.broadcast %add3A_228 : i32 to vector<16xi32>
      %add3A_230 = arith.addi %mul3A_98, %add3A_229 : vector<16xi32>
      %add3A_231 = arith.constant 5 : i32
      %add3A_232 = vector.broadcast %add3A_231 : i32 to vector<16xi32>
      %add3A_233 = arith.addi %add3A_230, %add3A_232 : vector<16xi32>
      %gather3A_234 = tpu.vector_load_idx %arg6[%add3A_233] : memref<65000xf32, #tpu.memory_space<vmem>>[vector<16xi32>], vector<16xf32>,
      %swap3A_235 = arith.constant 1 : i32
      %swap3A_236 = arith.constant 5 : i32
      %swap3A_237 = arith.index_cast %swap3A_235 : i32 to index
      %swap3A_238 = arith.index_cast %swap3A_236 : i32 to index
      %swap3A_239 = arith.index_cast %mul3A_100 : i32 to index
      %swap3A_240 = tpu.vector_load %arg7[%swap3A_237, %swap3A_238, %swap3A_239] {strides = array<i32>} : memref<2x64x128xf32, #tpu.memory_space<vmem>>, vector<16xf32>,
      tpu.vector_store %arg7[%swap3A_237, %swap3A_238, %swap3A_239], %gather3A_123 {strides = array<i32>} : memref<2x64x128xf32, #tpu.memory_space<vmem>>, vector<16xf32>,
      %add3A_241 = arith.constant 16 : i32
      %add3A_242 = vector.broadcast %add3A_241 : i32 to vector<16xi32>
      %add3A_243 = arith.addi %mul3A_98, %add3A_242 : vector<16xi32>
      %add3A_244 = arith.constant 6 : i32
      %add3A_245 = vector.broadcast %add3A_244 : i32 to vector<16xi32>
      %add3A_246 = arith.addi %add3A_243, %add3A_245 : vector<16xi32>
      %gather3A_247 = tpu.vector_load_idx %arg6[%add3A_246] : memref<65000xf32, #tpu.memory_space<vmem>>[vector<16xi32>], vector<16xf32>,
      %swap3A_248 = arith.constant 1 : i32
      %swap3A_249 = arith.constant 6 : i32
      %swap3A_250 = arith.index_cast %swap3A_248 : i32 to index
      %swap3A_251 = arith.index_cast %swap3A_249 : i32 to index
      %swap3A_252 = arith.index_cast %mul3A_100 : i32 to index
      %swap3A_253 = tpu.vector_load %arg7[%swap3A_250, %swap3A_251, %swap3A_252] {strides = array<i32>} : memref<2x64x128xf32, #tpu.memory_space<vmem>>, vector<16xf32>,
      tpu.vector_store %arg7[%swap3A_250, %swap3A_251, %swap3A_252], %gather3A_127 {strides = array<i32>} : memref<2x64x128xf32, #tpu.memory_space<vmem>>, vector<16xf32>,
      %add3A_254 = arith.constant 16 : i32
      %add3A_255 = vector.broadcast %add3A_254 : i32 to vector<16xi32>
      %add3A_256 = arith.addi %mul3A_98, %add3A_255 : vector<16xi32>
      %add3A_257 = arith.constant 7 : i32
      %add3A_258 = vector.broadcast %add3A_257 : i32 to vector<16xi32>
      %add3A_259 = arith.addi %add3A_256, %add3A_258 : vector<16xi32>
      %gather3A_260 = tpu.vector_load_idx %arg6[%add3A_259] : memref<65000xf32, #tpu.memory_space<vmem>>[vector<16xi32>], vector<16xf32>,
      %swap3A_261 = arith.constant 1 : i32
      %swap3A_262 = arith.constant 7 : i32
      %swap3A_263 = arith.index_cast %swap3A_261 : i32 to index
      %swap3A_264 = arith.index_cast %swap3A_262 : i32 to index
      %swap3A_265 = arith.index_cast %mul3A_100 : i32 to index
      %swap3A_266 = tpu.vector_load %arg7[%swap3A_263, %swap3A_264, %swap3A_265] {strides = array<i32>} : memref<2x64x128xf32, #tpu.memory_space<vmem>>, vector<16xf32>,
      tpu.vector_store %arg7[%swap3A_263, %swap3A_264, %swap3A_265], %gather3A_131 {strides = array<i32>} : memref<2x64x128xf32, #tpu.memory_space<vmem>>, vector<16xf32>,
      %add3A_267 = arith.constant 16 : i32
      %add3A_268 = vector.broadcast %add3A_267 : i32 to vector<16xi32>
      %add3A_269 = arith.addi %mul3A_98, %add3A_268 : vector<16xi32>
      %add3A_270 = arith.constant 8 : i32
      %add3A_271 = vector.broadcast %add3A_270 : i32 to vector<16xi32>
      %add3A_272 = arith.addi %add3A_269, %add3A_271 : vector<16xi32>
      %gather3A_273 = tpu.vector_load_idx %arg6[%add3A_272] : memref<65000xf32, #tpu.memory_space<vmem>>[vector<16xi32>], vector<16xf32>,
      %swap3A_274 = arith.constant 1 : i32
      %swap3A_275 = arith.constant 8 : i32
      %swap3A_276 = arith.index_cast %swap3A_274 : i32 to index
      %swap3A_277 = arith.index_cast %swap3A_275 : i32 to index
      %swap3A_278 = arith.index_cast %mul3A_100 : i32 to index
      %swap3A_279 = tpu.vector_load %arg7[%swap3A_276, %swap3A_277, %swap3A_278] {strides = array<i32>} : memref<2x64x128xf32, #tpu.memory_space<vmem>>, vector<16xf32>,
      tpu.vector_store %arg7[%swap3A_276, %swap3A_277, %swap3A_278], %gather3A_135 {strides = array<i32>} : memref<2x64x128xf32, #tpu.memory_space<vmem>>, vector<16xf32>,
      %add3A_280 = arith.constant 16 : i32
      %add3A_281 = vector.broadcast %add3A_280 : i32 to vector<16xi32>
      %add3A_282 = arith.addi %mul3A_98, %add3A_281 : vector<16xi32>
      %add3A_283 = arith.constant 9 : i32
      %add3A_284 = vector.broadcast %add3A_283 : i32 to vector<16xi32>
      %add3A_285 = arith.addi %add3A_282, %add3A_284 : vector<16xi32>
      %gather3A_286 = tpu.vector_load_idx %arg6[%add3A_285] : memref<65000xf32, #tpu.memory_space<vmem>>[vector<16xi32>], vector<16xf32>,
      %swap3A_287 = arith.constant 1 : i32
      %swap3A_288 = arith.constant 9 : i32
      %swap3A_289 = arith.index_cast %swap3A_287 : i32 to index
      %swap3A_290 = arith.index_cast %swap3A_288 : i32 to index
      %swap3A_291 = arith.index_cast %mul3A_100 : i32 to index
      %swap3A_292 = tpu.vector_load %arg7[%swap3A_289, %swap3A_290, %swap3A_291] {strides = array<i32>} : memref<2x64x128xf32, #tpu.memory_space<vmem>>, vector<16xf32>,
      tpu.vector_store %arg7[%swap3A_289, %swap3A_290, %swap3A_291], %gather3A_139 {strides = array<i32>} : memref<2x64x128xf32, #tpu.memory_space<vmem>>, vector<16xf32>,
      %add3A_293 = arith.constant 16 : i32
      %add3A_294 = vector.broadcast %add3A_293 : i32 to vector<16xi32>
      %add3A_295 = arith.addi %mul3A_98, %add3A_294 : vector<16xi32>
      %add3A_296 = arith.constant 10 : i32
      %add3A_297 = vector.broadcast %add3A_296 : i32 to vector<16xi32>
      %add3A_298 = arith.addi %add3A_295, %add3A_297 : vector<16xi32>
      %gather3A_299 = tpu.vector_load_idx %arg6[%add3A_298] : memref<65000xf32, #tpu.memory_space<vmem>>[vector<16xi32>], vector<16xf32>,
      %swap3A_300 = arith.constant 1 : i32
      %swap3A_301 = arith.constant 10 : i32
      %swap3A_302 = arith.index_cast %swap3A_300 : i32 to index
      %swap3A_303 = arith.index_cast %swap3A_301 : i32 to index
      %swap3A_304 = arith.index_cast %mul3A_100 : i32 to index
      %swap3A_305 = tpu.vector_load %arg7[%swap3A_302, %swap3A_303, %swap3A_304] {strides = array<i32>} : memref<2x64x128xf32, #tpu.memory_space<vmem>>, vector<16xf32>,
      tpu.vector_store %arg7[%swap3A_302, %swap3A_303, %swap3A_304], %gather3A_143 {strides = array<i32>} : memref<2x64x128xf32, #tpu.memory_space<vmem>>, vector<16xf32>,
      %add3A_306 = arith.constant 16 : i32
      %add3A_307 = vector.broadcast %add3A_306 : i32 to vector<16xi32>
      %add3A_308 = arith.addi %mul3A_98, %add3A_307 : vector<16xi32>
      %add3A_309 = arith.constant 11 : i32
      %add3A_310 = vector.broadcast %add3A_309 : i32 to vector<16xi32>
      %add3A_311 = arith.addi %add3A_308, %add3A_310 : vector<16xi32>
      %gather3A_312 = tpu.vector_load_idx %arg6[%add3A_311] : memref<65000xf32, #tpu.memory_space<vmem>>[vector<16xi32>], vector<16xf32>,
      %swap3A_313 = arith.constant 1 : i32
      %swap3A_314 = arith.constant 11 : i32
      %swap3A_315 = arith.index_cast %swap3A_313 : i32 to index
      %swap3A_316 = arith.index_cast %swap3A_314 : i32 to index
      %swap3A_317 = arith.index_cast %mul3A_100 : i32 to index
      %swap3A_318 = tpu.vector_load %arg7[%swap3A_315, %swap3A_316, %swap3A_317] {strides = array<i32>} : memref<2x64x128xf32, #tpu.memory_space<vmem>>, vector<16xf32>,
      tpu.vector_store %arg7[%swap3A_315, %swap3A_316, %swap3A_317], %gather3A_147 {strides = array<i32>} : memref<2x64x128xf32, #tpu.memory_space<vmem>>, vector<16xf32>,
      %add3A_319 = arith.constant 16 : i32
      %add3A_320 = vector.broadcast %add3A_319 : i32 to vector<16xi32>
      %add3A_321 = arith.addi %mul3A_98, %add3A_320 : vector<16xi32>
      %add3A_322 = arith.constant 12 : i32
      %add3A_323 = vector.broadcast %add3A_322 : i32 to vector<16xi32>
      %add3A_324 = arith.addi %add3A_321, %add3A_323 : vector<16xi32>
      %gather3A_325 = tpu.vector_load_idx %arg6[%add3A_324] : memref<65000xf32, #tpu.memory_space<vmem>>[vector<16xi32>], vector<16xf32>,
      %swap3A_326 = arith.constant 1 : i32
      %swap3A_327 = arith.constant 12 : i32
      %swap3A_328 = arith.index_cast %swap3A_326 : i32 to index
      %swap3A_329 = arith.index_cast %swap3A_327 : i32 to index
      %swap3A_330 = arith.index_cast %mul3A_100 : i32 to index
      %swap3A_331 = tpu.vector_load %arg7[%swap3A_328, %swap3A_329, %swap3A_330] {strides = array<i32>} : memref<2x64x128xf32, #tpu.memory_space<vmem>>, vector<16xf32>,
      tpu.vector_store %arg7[%swap3A_328, %swap3A_329, %swap3A_330], %gather3A_151 {strides = array<i32>} : memref<2x64x128xf32, #tpu.memory_space<vmem>>, vector<16xf32>,
      %add3A_332 = arith.constant 16 : i32
      %add3A_333 = vector.broadcast %add3A_332 : i32 to vector<16xi32>
      %add3A_334 = arith.addi %mul3A_98, %add3A_333 : vector<16xi32>
      %add3A_335 = arith.constant 13 : i32
      %add3A_336 = vector.broadcast %add3A_335 : i32 to vector<16xi32>
      %add3A_337 = arith.addi %add3A_334, %add3A_336 : vector<16xi32>
      %gather3A_338 = tpu.vector_load_idx %arg6[%add3A_337] : memref<65000xf32, #tpu.memory_space<vmem>>[vector<16xi32>], vector<16xf32>,
      %swap3A_339 = arith.constant 1 : i32
      %swap3A_340 = arith.constant 13 : i32
      %swap3A_341 = arith.index_cast %swap3A_339 : i32 to index
      %swap3A_342 = arith.index_cast %swap3A_340 : i32 to index
      %swap3A_343 = arith.index_cast %mul3A_100 : i32 to index
      %swap3A_344 = tpu.vector_load %arg7[%swap3A_341, %swap3A_342, %swap3A_343] {strides = array<i32>} : memref<2x64x128xf32, #tpu.memory_space<vmem>>, vector<16xf32>,
      tpu.vector_store %arg7[%swap3A_341, %swap3A_342, %swap3A_343], %gather3A_155 {strides = array<i32>} : memref<2x64x128xf32, #tpu.memory_space<vmem>>, vector<16xf32>,
      %add3A_345 = arith.constant 16 : i32
      %add3A_346 = vector.broadcast %add3A_345 : i32 to vector<16xi32>
      %add3A_347 = arith.addi %mul3A_98, %add3A_346 : vector<16xi32>
      %add3A_348 = arith.constant 14 : i32
      %add3A_349 = vector.broadcast %add3A_348 : i32 to vector<16xi32>
      %add3A_350 = arith.addi %add3A_347, %add3A_349 : vector<16xi32>
      %gather3A_351 = tpu.vector_load_idx %arg6[%add3A_350] : memref<65000xf32, #tpu.memory_space<vmem>>[vector<16xi32>], vector<16xf32>,
      %swap3A_352 = arith.constant 1 : i32
      %swap3A_353 = arith.constant 14 : i32
      %swap3A_354 = arith.index_cast %swap3A_352 : i32 to index
      %swap3A_355 = arith.index_cast %swap3A_353 : i32 to index
      %swap3A_356 = arith.index_cast %mul3A_100 : i32 to index
      %swap3A_357 = tpu.vector_load %arg7[%swap3A_354, %swap3A_355, %swap3A_356] {strides = array<i32>} : memref<2x64x128xf32, #tpu.memory_space<vmem>>, vector<16xf32>,
      tpu.vector_store %arg7[%swap3A_354, %swap3A_355, %swap3A_356], %gather3A_159 {strides = array<i32>} : memref<2x64x128xf32, #tpu.memory_space<vmem>>, vector<16xf32>,
      %add3A_358 = arith.constant 16 : i32
      %add3A_359 = vector.broadcast %add3A_358 : i32 to vector<16xi32>
      %add3A_360 = arith.addi %mul3A_98, %add3A_359 : vector<16xi32>
      %add3A_361 = arith.constant 15 : i32
      %add3A_362 = vector.broadcast %add3A_361 : i32 to vector<16xi32>
      %add3A_363 = arith.addi %add3A_360, %add3A_362 : vector<16xi32>
      %gather3A_364 = tpu.vector_load_idx %arg6[%add3A_363] : memref<65000xf32, #tpu.memory_space<vmem>>[vector<16xi32>], vector<16xf32>,
      %swap3A_365 = arith.constant 1 : i32
      %swap3A_366 = arith.constant 15 : i32
      %swap3A_367 = arith.index_cast %swap3A_365 : i32 to index
      %swap3A_368 = arith.index_cast %swap3A_366 : i32 to index
      %swap3A_369 = arith.index_cast %mul3A_100 : i32 to index
      %swap3A_370 = tpu.vector_load %arg7[%swap3A_367, %swap3A_368, %swap3A_369] {strides = array<i32>} : memref<2x64x128xf32, #tpu.memory_space<vmem>>, vector<16xf32>,
      tpu.vector_store %arg7[%swap3A_367, %swap3A_368, %swap3A_369], %gather3A_163 {strides = array<i32>} : memref<2x64x128xf32, #tpu.memory_space<vmem>>, vector<16xf32>,
      %add3A_371 = arith.constant 32 : i32
      %add3A_372 = vector.broadcast %add3A_371 : i32 to vector<16xi32>
      %add3A_373 = arith.addi %mul3A_98, %add3A_372 : vector<16xi32>
      %add3A_374 = arith.constant 0 : i32
      %add3A_375 = vector.broadcast %add3A_374 : i32 to vector<16xi32>
      %add3A_376 = arith.addi %add3A_373, %add3A_375 : vector<16xi32>
      %gather3A_377 = tpu.vector_load_idx %arg6[%add3A_376] : memref<65000xf32, #tpu.memory_space<vmem>>[vector<16xi32>], vector<16xf32>,
      %swap3A_378 = arith.constant 1 : i32
      %swap3A_379 = arith.constant 16 : i32
      %swap3A_380 = arith.index_cast %swap3A_378 : i32 to index
      %swap3A_381 = arith.index_cast %swap3A_379 : i32 to index
      %swap3A_382 = arith.index_cast %mul3A_100 : i32 to index
      %swap3A_383 = tpu.vector_load %arg7[%swap3A_380, %swap3A_381, %swap3A_382] {strides = array<i32>} : memref<2x64x128xf32, #tpu.memory_space<vmem>>, vector<16xf32>,
      tpu.vector_store %arg7[%swap3A_380, %swap3A_381, %swap3A_382], %gather3A_170 {strides = array<i32>} : memref<2x64x128xf32, #tpu.memory_space<vmem>>, vector<16xf32>,
      %add3A_384 = arith.constant 32 : i32
      %add3A_385 = vector.broadcast %add3A_384 : i32 to vector<16xi32>
      %add3A_386 = arith.addi %mul3A_98, %add3A_385 : vector<16xi32>
      %add3A_387 = arith.constant 1 : i32
      %add3A_388 = vector.broadcast %add3A_387 : i32 to vector<16xi32>
      %add3A_389 = arith.addi %add3A_386, %add3A_388 : vector<16xi32>
      %gather3A_390 = tpu.vector_load_idx %arg6[%add3A_389] : memref<65000xf32, #tpu.memory_space<vmem>>[vector<16xi32>], vector<16xf32>,
      %swap3A_391 = arith.constant 1 : i32
      %swap3A_392 = arith.constant 17 : i32
      %swap3A_393 = arith.index_cast %swap3A_391 : i32 to index
      %swap3A_394 = arith.index_cast %swap3A_392 : i32 to index
      %swap3A_395 = arith.index_cast %mul3A_100 : i32 to index
      %swap3A_396 = tpu.vector_load %arg7[%swap3A_393, %swap3A_394, %swap3A_395] {strides = array<i32>} : memref<2x64x128xf32, #tpu.memory_space<vmem>>, vector<16xf32>,
      tpu.vector_store %arg7[%swap3A_393, %swap3A_394, %swap3A_395], %gather3A_182 {strides = array<i32>} : memref<2x64x128xf32, #tpu.memory_space<vmem>>, vector<16xf32>,
      %add3A_397 = arith.constant 32 : i32
      %add3A_398 = vector.broadcast %add3A_397 : i32 to vector<16xi32>
      %add3A_399 = arith.addi %mul3A_98, %add3A_398 : vector<16xi32>
      %add3A_400 = arith.constant 2 : i32
      %add3A_401 = vector.broadcast %add3A_400 : i32 to vector<16xi32>
      %add3A_402 = arith.addi %add3A_399, %add3A_401 : vector<16xi32>
      %gather3A_403 = tpu.vector_load_idx %arg6[%add3A_402] : memref<65000xf32, #tpu.memory_space<vmem>>[vector<16xi32>], vector<16xf32>,
      %swap3A_404 = arith.constant 1 : i32
      %swap3A_405 = arith.constant 18 : i32
      %swap3A_406 = arith.index_cast %swap3A_404 : i32 to index
      %swap3A_407 = arith.index_cast %swap3A_405 : i32 to index
      %swap3A_408 = arith.index_cast %mul3A_100 : i32 to index
      %swap3A_409 = tpu.vector_load %arg7[%swap3A_406, %swap3A_407, %swap3A_408] {strides = array<i32>} : memref<2x64x128xf32, #tpu.memory_space<vmem>>, vector<16xf32>,
      tpu.vector_store %arg7[%swap3A_406, %swap3A_407, %swap3A_408], %gather3A_195 {strides = array<i32>} : memref<2x64x128xf32, #tpu.memory_space<vmem>>, vector<16xf32>,
      %add3A_410 = arith.constant 32 : i32
      %add3A_411 = vector.broadcast %add3A_410 : i32 to vector<16xi32>
      %add3A_412 = arith.addi %mul3A_98, %add3A_411 : vector<16xi32>
      %add3A_413 = arith.constant 3 : i32
      %add3A_414 = vector.broadcast %add3A_413 : i32 to vector<16xi32>
      %add3A_415 = arith.addi %add3A_412, %add3A_414 : vector<16xi32>
      %gather3A_416 = tpu.vector_load_idx %arg6[%add3A_415] : memref<65000xf32, #tpu.memory_space<vmem>>[vector<16xi32>], vector<16xf32>,
      %swap3A_417 = arith.constant 1 : i32
      %swap3A_418 = arith.constant 19 : i32
      %swap3A_419 = arith.index_cast %swap3A_417 : i32 to index
      %swap3A_420 = arith.index_cast %swap3A_418 : i32 to index
      %swap3A_421 = arith.index_cast %mul3A_100 : i32 to index
      %swap3A_422 = tpu.vector_load %arg7[%swap3A_419, %swap3A_420, %swap3A_421] {strides = array<i32>} : memref<2x64x128xf32, #tpu.memory_space<vmem>>, vector<16xf32>,
      tpu.vector_store %arg7[%swap3A_419, %swap3A_420, %swap3A_421], %gather3A_208 {strides = array<i32>} : memref<2x64x128xf32, #tpu.memory_space<vmem>>, vector<16xf32>,
      %add3A_423 = arith.constant 32 : i32
      %add3A_424 = vector.broadcast %add3A_423 : i32 to vector<16xi32>
      %add3A_425 = arith.addi %mul3A_98, %add3A_424 : vector<16xi32>
      %add3A_426 = arith.constant 4 : i32
      %add3A_427 = vector.broadcast %add3A_426 : i32 to vector<16xi32>
      %add3A_428 = arith.addi %add3A_425, %add3A_427 : vector<16xi32>
      %gather3A_429 = tpu.vector_load_idx %arg6[%add3A_428] : memref<65000xf32, #tpu.memory_space<vmem>>[vector<16xi32>], vector<16xf32>,
      %swap3A_430 = arith.constant 1 : i32
      %swap3A_431 = arith.constant 20 : i32
      %swap3A_432 = arith.index_cast %swap3A_430 : i32 to index
      %swap3A_433 = arith.index_cast %swap3A_431 : i32 to index
      %swap3A_434 = arith.index_cast %mul3A_100 : i32 to index
      %swap3A_435 = tpu.vector_load %arg7[%swap3A_432, %swap3A_433, %swap3A_434] {strides = array<i32>} : memref<2x64x128xf32, #tpu.memory_space<vmem>>, vector<16xf32>,
      tpu.vector_store %arg7[%swap3A_432, %swap3A_433, %swap3A_434], %gather3A_221 {strides = array<i32>} : memref<2x64x128xf32, #tpu.memory_space<vmem>>, vector<16xf32>,
      %add3A_436 = arith.constant 32 : i32
      %add3A_437 = vector.broadcast %add3A_436 : i32 to vector<16xi32>
      %add3A_438 = arith.addi %mul3A_98, %add3A_437 : vector<16xi32>
      %add3A_439 = arith.constant 5 : i32
      %add3A_440 = vector.broadcast %add3A_439 : i32 to vector<16xi32>
      %add3A_441 = arith.addi %add3A_438, %add3A_440 : vector<16xi32>
      %gather3A_442 = tpu.vector_load_idx %arg6[%add3A_441] : memref<65000xf32, #tpu.memory_space<vmem>>[vector<16xi32>], vector<16xf32>,
      %swap3A_443 = arith.constant 1 : i32
      %swap3A_444 = arith.constant 21 : i32
      %swap3A_445 = arith.index_cast %swap3A_443 : i32 to index
      %swap3A_446 = arith.index_cast %swap3A_444 : i32 to index
      %swap3A_447 = arith.index_cast %mul3A_100 : i32 to index
      %swap3A_448 = tpu.vector_load %arg7[%swap3A_445, %swap3A_446, %swap3A_447] {strides = array<i32>} : memref<2x64x128xf32, #tpu.memory_space<vmem>>, vector<16xf32>,
      tpu.vector_store %arg7[%swap3A_445, %swap3A_446, %swap3A_447], %gather3A_234 {strides = array<i32>} : memref<2x64x128xf32, #tpu.memory_space<vmem>>, vector<16xf32>,
      %add3A_449 = arith.constant 32 : i32
      %add3A_450 = vector.broadcast %add3A_449 : i32 to vector<16xi32>
      %add3A_451 = arith.addi %mul3A_98, %add3A_450 : vector<16xi32>
      %add3A_452 = arith.constant 6 : i32
      %add3A_453 = vector.broadcast %add3A_452 : i32 to vector<16xi32>
      %add3A_454 = arith.addi %add3A_451, %add3A_453 : vector<16xi32>
      %gather3A_455 = tpu.vector_load_idx %arg6[%add3A_454] : memref<65000xf32, #tpu.memory_space<vmem>>[vector<16xi32>], vector<16xf32>,
      %swap3A_456 = arith.constant 1 : i32
      %swap3A_457 = arith.constant 22 : i32
      %swap3A_458 = arith.index_cast %swap3A_456 : i32 to index
      %swap3A_459 = arith.index_cast %swap3A_457 : i32 to index
      %swap3A_460 = arith.index_cast %mul3A_100 : i32 to index
      %swap3A_461 = tpu.vector_load %arg7[%swap3A_458, %swap3A_459, %swap3A_460] {strides = array<i32>} : memref<2x64x128xf32, #tpu.memory_space<vmem>>, vector<16xf32>,
      tpu.vector_store %arg7[%swap3A_458, %swap3A_459, %swap3A_460], %gather3A_247 {strides = array<i32>} : memref<2x64x128xf32, #tpu.memory_space<vmem>>, vector<16xf32>,
      %add3A_462 = arith.constant 32 : i32
      %add3A_463 = vector.broadcast %add3A_462 : i32 to vector<16xi32>
      %add3A_464 = arith.addi %mul3A_98, %add3A_463 : vector<16xi32>
      %add3A_465 = arith.constant 7 : i32
      %add3A_466 = vector.broadcast %add3A_465 : i32 to vector<16xi32>
      %add3A_467 = arith.addi %add3A_464, %add3A_466 : vector<16xi32>
      %gather3A_468 = tpu.vector_load_idx %arg6[%add3A_467] : memref<65000xf32, #tpu.memory_space<vmem>>[vector<16xi32>], vector<16xf32>,
      %swap3A_469 = arith.constant 1 : i32
      %swap3A_470 = arith.constant 23 : i32
      %swap3A_471 = arith.index_cast %swap3A_469 : i32 to index
      %swap3A_472 = arith.index_cast %swap3A_470 : i32 to index
      %swap3A_473 = arith.index_cast %mul3A_100 : i32 to index
      %swap3A_474 = tpu.vector_load %arg7[%swap3A_471, %swap3A_472, %swap3A_473] {strides = array<i32>} : memref<2x64x128xf32, #tpu.memory_space<vmem>>, vector<16xf32>,
      tpu.vector_store %arg7[%swap3A_471, %swap3A_472, %swap3A_473], %gather3A_260 {strides = array<i32>} : memref<2x64x128xf32, #tpu.memory_space<vmem>>, vector<16xf32>,
      %add3A_475 = arith.constant 32 : i32
      %add3A_476 = vector.broadcast %add3A_475 : i32 to vector<16xi32>
      %add3A_477 = arith.addi %mul3A_98, %add3A_476 : vector<16xi32>
      %add3A_478 = arith.constant 8 : i32
      %add3A_479 = vector.broadcast %add3A_478 : i32 to vector<16xi32>
      %add3A_480 = arith.addi %add3A_477, %add3A_479 : vector<16xi32>
      %gather3A_481 = tpu.vector_load_idx %arg6[%add3A_480] : memref<65000xf32, #tpu.memory_space<vmem>>[vector<16xi32>], vector<16xf32>,
      %swap3A_482 = arith.constant 1 : i32
      %swap3A_483 = arith.constant 24 : i32
      %swap3A_484 = arith.index_cast %swap3A_482 : i32 to index
      %swap3A_485 = arith.index_cast %swap3A_483 : i32 to index
      %swap3A_486 = arith.index_cast %mul3A_100 : i32 to index
      %swap3A_487 = tpu.vector_load %arg7[%swap3A_484, %swap3A_485, %swap3A_486] {strides = array<i32>} : memref<2x64x128xf32, #tpu.memory_space<vmem>>, vector<16xf32>,
      tpu.vector_store %arg7[%swap3A_484, %swap3A_485, %swap3A_486], %gather3A_273 {strides = array<i32>} : memref<2x64x128xf32, #tpu.memory_space<vmem>>, vector<16xf32>,
      %add3A_488 = arith.constant 32 : i32
      %add3A_489 = vector.broadcast %add3A_488 : i32 to vector<16xi32>
      %add3A_490 = arith.addi %mul3A_98, %add3A_489 : vector<16xi32>
      %add3A_491 = arith.constant 9 : i32
      %add3A_492 = vector.broadcast %add3A_491 : i32 to vector<16xi32>
      %add3A_493 = arith.addi %add3A_490, %add3A_492 : vector<16xi32>
      %gather3A_494 = tpu.vector_load_idx %arg6[%add3A_493] : memref<65000xf32, #tpu.memory_space<vmem>>[vector<16xi32>], vector<16xf32>,
      %swap3A_495 = arith.constant 1 : i32
      %swap3A_496 = arith.constant 25 : i32
      %swap3A_497 = arith.index_cast %swap3A_495 : i32 to index
      %swap3A_498 = arith.index_cast %swap3A_496 : i32 to index
      %swap3A_499 = arith.index_cast %mul3A_100 : i32 to index
      %swap3A_500 = tpu.vector_load %arg7[%swap3A_497, %swap3A_498, %swap3A_499] {strides = array<i32>} : memref<2x64x128xf32, #tpu.memory_space<vmem>>, vector<16xf32>,
      tpu.vector_store %arg7[%swap3A_497, %swap3A_498, %swap3A_499], %gather3A_286 {strides = array<i32>} : memref<2x64x128xf32, #tpu.memory_space<vmem>>, vector<16xf32>,
      %add3A_501 = arith.constant 32 : i32
      %add3A_502 = vector.broadcast %add3A_501 : i32 to vector<16xi32>
      %add3A_503 = arith.addi %mul3A_98, %add3A_502 : vector<16xi32>
      %add3A_504 = arith.constant 10 : i32
      %add3A_505 = vector.broadcast %add3A_504 : i32 to vector<16xi32>
      %add3A_506 = arith.addi %add3A_503, %add3A_505 : vector<16xi32>
      %gather3A_507 = tpu.vector_load_idx %arg6[%add3A_506] : memref<65000xf32, #tpu.memory_space<vmem>>[vector<16xi32>], vector<16xf32>,
      %swap3A_508 = arith.constant 1 : i32
      %swap3A_509 = arith.constant 26 : i32
      %swap3A_510 = arith.index_cast %swap3A_508 : i32 to index
      %swap3A_511 = arith.index_cast %swap3A_509 : i32 to index
      %swap3A_512 = arith.index_cast %mul3A_100 : i32 to index
      %swap3A_513 = tpu.vector_load %arg7[%swap3A_510, %swap3A_511, %swap3A_512] {strides = array<i32>} : memref<2x64x128xf32, #tpu.memory_space<vmem>>, vector<16xf32>,
      tpu.vector_store %arg7[%swap3A_510, %swap3A_511, %swap3A_512], %gather3A_299 {strides = array<i32>} : memref<2x64x128xf32, #tpu.memory_space<vmem>>, vector<16xf32>,
      %add3A_514 = arith.constant 32 : i32
      %add3A_515 = vector.broadcast %add3A_514 : i32 to vector<16xi32>
      %add3A_516 = arith.addi %mul3A_98, %add3A_515 : vector<16xi32>
      %add3A_517 = arith.constant 11 : i32
      %add3A_518 = vector.broadcast %add3A_517 : i32 to vector<16xi32>
      %add3A_519 = arith.addi %add3A_516, %add3A_518 : vector<16xi32>
      %gather3A_520 = tpu.vector_load_idx %arg6[%add3A_519] : memref<65000xf32, #tpu.memory_space<vmem>>[vector<16xi32>], vector<16xf32>,
      %swap3A_521 = arith.constant 1 : i32
      %swap3A_522 = arith.constant 27 : i32
      %swap3A_523 = arith.index_cast %swap3A_521 : i32 to index
      %swap3A_524 = arith.index_cast %swap3A_522 : i32 to index
      %swap3A_525 = arith.index_cast %mul3A_100 : i32 to index
      %swap3A_526 = tpu.vector_load %arg7[%swap3A_523, %swap3A_524, %swap3A_525] {strides = array<i32>} : memref<2x64x128xf32, #tpu.memory_space<vmem>>, vector<16xf32>,
      tpu.vector_store %arg7[%swap3A_523, %swap3A_524, %swap3A_525], %gather3A_312 {strides = array<i32>} : memref<2x64x128xf32, #tpu.memory_space<vmem>>, vector<16xf32>,
      %add3A_527 = arith.constant 32 : i32
      %add3A_528 = vector.broadcast %add3A_527 : i32 to vector<16xi32>
      %add3A_529 = arith.addi %mul3A_98, %add3A_528 : vector<16xi32>
      %add3A_530 = arith.constant 12 : i32
      %add3A_531 = vector.broadcast %add3A_530 : i32 to vector<16xi32>
      %add3A_532 = arith.addi %add3A_529, %add3A_531 : vector<16xi32>
      %gather3A_533 = tpu.vector_load_idx %arg6[%add3A_532] : memref<65000xf32, #tpu.memory_space<vmem>>[vector<16xi32>], vector<16xf32>,
      %swap3A_534 = arith.constant 1 : i32
      %swap3A_535 = arith.constant 28 : i32
      %swap3A_536 = arith.index_cast %swap3A_534 : i32 to index
      %swap3A_537 = arith.index_cast %swap3A_535 : i32 to index
      %swap3A_538 = arith.index_cast %mul3A_100 : i32 to index
      %swap3A_539 = tpu.vector_load %arg7[%swap3A_536, %swap3A_537, %swap3A_538] {strides = array<i32>} : memref<2x64x128xf32, #tpu.memory_space<vmem>>, vector<16xf32>,
      tpu.vector_store %arg7[%swap3A_536, %swap3A_537, %swap3A_538], %gather3A_325 {strides = array<i32>} : memref<2x64x128xf32, #tpu.memory_space<vmem>>, vector<16xf32>,
      %add3A_540 = arith.constant 32 : i32
      %add3A_541 = vector.broadcast %add3A_540 : i32 to vector<16xi32>
      %add3A_542 = arith.addi %mul3A_98, %add3A_541 : vector<16xi32>
      %add3A_543 = arith.constant 13 : i32
      %add3A_544 = vector.broadcast %add3A_543 : i32 to vector<16xi32>
      %add3A_545 = arith.addi %add3A_542, %add3A_544 : vector<16xi32>
      %gather3A_546 = tpu.vector_load_idx %arg6[%add3A_545] : memref<65000xf32, #tpu.memory_space<vmem>>[vector<16xi32>], vector<16xf32>,
      %swap3A_547 = arith.constant 1 : i32
      %swap3A_548 = arith.constant 29 : i32
      %swap3A_549 = arith.index_cast %swap3A_547 : i32 to index
      %swap3A_550 = arith.index_cast %swap3A_548 : i32 to index
      %swap3A_551 = arith.index_cast %mul3A_100 : i32 to index
      %swap3A_552 = tpu.vector_load %arg7[%swap3A_549, %swap3A_550, %swap3A_551] {strides = array<i32>} : memref<2x64x128xf32, #tpu.memory_space<vmem>>, vector<16xf32>,
      tpu.vector_store %arg7[%swap3A_549, %swap3A_550, %swap3A_551], %gather3A_338 {strides = array<i32>} : memref<2x64x128xf32, #tpu.memory_space<vmem>>, vector<16xf32>,
      %add3A_553 = arith.constant 32 : i32
      %add3A_554 = vector.broadcast %add3A_553 : i32 to vector<16xi32>
      %add3A_555 = arith.addi %mul3A_98, %add3A_554 : vector<16xi32>
      %add3A_556 = arith.constant 14 : i32
      %add3A_557 = vector.broadcast %add3A_556 : i32 to vector<16xi32>
      %add3A_558 = arith.addi %add3A_555, %add3A_557 : vector<16xi32>
      %gather3A_559 = tpu.vector_load_idx %arg6[%add3A_558] : memref<65000xf32, #tpu.memory_space<vmem>>[vector<16xi32>], vector<16xf32>,
      %swap3A_560 = arith.constant 1 : i32
      %swap3A_561 = arith.constant 30 : i32
      %swap3A_562 = arith.index_cast %swap3A_560 : i32 to index
      %swap3A_563 = arith.index_cast %swap3A_561 : i32 to index
      %swap3A_564 = arith.index_cast %mul3A_100 : i32 to index
      %swap3A_565 = tpu.vector_load %arg7[%swap3A_562, %swap3A_563, %swap3A_564] {strides = array<i32>} : memref<2x64x128xf32, #tpu.memory_space<vmem>>, vector<16xf32>,
      tpu.vector_store %arg7[%swap3A_562, %swap3A_563, %swap3A_564], %gather3A_351 {strides = array<i32>} : memref<2x64x128xf32, #tpu.memory_space<vmem>>, vector<16xf32>,
      %add3A_566 = arith.constant 32 : i32
      %add3A_567 = vector.broadcast %add3A_566 : i32 to vector<16xi32>
      %add3A_568 = arith.addi %mul3A_98, %add3A_567 : vector<16xi32>
      %add3A_569 = arith.constant 15 : i32
      %add3A_570 = vector.broadcast %add3A_569 : i32 to vector<16xi32>
      %add3A_571 = arith.addi %add3A_568, %add3A_570 : vector<16xi32>
      %gather3A_572 = tpu.vector_load_idx %arg6[%add3A_571] : memref<65000xf32, #tpu.memory_space<vmem>>[vector<16xi32>], vector<16xf32>,
      %swap3A_573 = arith.constant 1 : i32
      %swap3A_574 = arith.constant 31 : i32
      %swap3A_575 = arith.index_cast %swap3A_573 : i32 to index
      %swap3A_576 = arith.index_cast %swap3A_574 : i32 to index
      %swap3A_577 = arith.index_cast %mul3A_100 : i32 to index
      %swap3A_578 = tpu.vector_load %arg7[%swap3A_575, %swap3A_576, %swap3A_577] {strides = array<i32>} : memref<2x64x128xf32, #tpu.memory_space<vmem>>, vector<16xf32>,
      tpu.vector_store %arg7[%swap3A_575, %swap3A_576, %swap3A_577], %gather3A_364 {strides = array<i32>} : memref<2x64x128xf32, #tpu.memory_space<vmem>>, vector<16xf32>,
      %add3A_579 = arith.constant 48 : i32
      %add3A_580 = vector.broadcast %add3A_579 : i32 to vector<16xi32>
      %add3A_581 = arith.addi %mul3A_98, %add3A_580 : vector<16xi32>
      %add3A_582 = arith.constant 0 : i32
      %add3A_583 = vector.broadcast %add3A_582 : i32 to vector<16xi32>
      %add3A_584 = arith.addi %add3A_581, %add3A_583 : vector<16xi32>
      %gather3A_585 = tpu.vector_load_idx %arg6[%add3A_584] : memref<65000xf32, #tpu.memory_space<vmem>>[vector<16xi32>], vector<16xf32>,
      %swap3A_586 = arith.constant 1 : i32
      %swap3A_587 = arith.constant 32 : i32
      %swap3A_588 = arith.index_cast %swap3A_586 : i32 to index
      %swap3A_589 = arith.index_cast %swap3A_587 : i32 to index
      %swap3A_590 = arith.index_cast %mul3A_100 : i32 to index
      %swap3A_591 = tpu.vector_load %arg7[%swap3A_588, %swap3A_589, %swap3A_590] {strides = array<i32>} : memref<2x64x128xf32, #tpu.memory_space<vmem>>, vector<16xf32>,
      tpu.vector_store %arg7[%swap3A_588, %swap3A_589, %swap3A_590], %gather3A_377 {strides = array<i32>} : memref<2x64x128xf32, #tpu.memory_space<vmem>>, vector<16xf32>,
      %add3A_592 = arith.constant 48 : i32
      %add3A_593 = vector.broadcast %add3A_592 : i32 to vector<16xi32>
      %add3A_594 = arith.addi %mul3A_98, %add3A_593 : vector<16xi32>
      %add3A_595 = arith.constant 1 : i32
      %add3A_596 = vector.broadcast %add3A_595 : i32 to vector<16xi32>
      %add3A_597 = arith.addi %add3A_594, %add3A_596 : vector<16xi32>
      %gather3A_598 = tpu.vector_load_idx %arg6[%add3A_597] : memref<65000xf32, #tpu.memory_space<vmem>>[vector<16xi32>], vector<16xf32>,
      %swap3A_599 = arith.constant 1 : i32
      %swap3A_600 = arith.constant 33 : i32
      %swap3A_601 = arith.index_cast %swap3A_599 : i32 to index
      %swap3A_602 = arith.index_cast %swap3A_600 : i32 to index
      %swap3A_603 = arith.index_cast %mul3A_100 : i32 to index
      %swap3A_604 = tpu.vector_load %arg7[%swap3A_601, %swap3A_602, %swap3A_603] {strides = array<i32>} : memref<2x64x128xf32, #tpu.memory_space<vmem>>, vector<16xf32>,
      tpu.vector_store %arg7[%swap3A_601, %swap3A_602, %swap3A_603], %gather3A_390 {strides = array<i32>} : memref<2x64x128xf32, #tpu.memory_space<vmem>>, vector<16xf32>,
      %add3A_605 = arith.constant 48 : i32
      %add3A_606 = vector.broadcast %add3A_605 : i32 to vector<16xi32>
      %add3A_607 = arith.addi %mul3A_98, %add3A_606 : vector<16xi32>
      %add3A_608 = arith.constant 2 : i32
      %add3A_609 = vector.broadcast %add3A_608 : i32 to vector<16xi32>
      %add3A_610 = arith.addi %add3A_607, %add3A_609 : vector<16xi32>
      %gather3A_611 = tpu.vector_load_idx %arg6[%add3A_610] : memref<65000xf32, #tpu.memory_space<vmem>>[vector<16xi32>], vector<16xf32>,
      %swap3A_612 = arith.constant 1 : i32
      %swap3A_613 = arith.constant 34 : i32
      %swap3A_614 = arith.index_cast %swap3A_612 : i32 to index
      %swap3A_615 = arith.index_cast %swap3A_613 : i32 to index
      %swap3A_616 = arith.index_cast %mul3A_100 : i32 to index
      %swap3A_617 = tpu.vector_load %arg7[%swap3A_614, %swap3A_615, %swap3A_616] {strides = array<i32>} : memref<2x64x128xf32, #tpu.memory_space<vmem>>, vector<16xf32>,
      tpu.vector_store %arg7[%swap3A_614, %swap3A_615, %swap3A_616], %gather3A_403 {strides = array<i32>} : memref<2x64x128xf32, #tpu.memory_space<vmem>>, vector<16xf32>,
      %add3A_618 = arith.constant 48 : i32
      %add3A_619 = vector.broadcast %add3A_618 : i32 to vector<16xi32>
      %add3A_620 = arith.addi %mul3A_98, %add3A_619 : vector<16xi32>
      %add3A_621 = arith.constant 3 : i32
      %add3A_622 = vector.broadcast %add3A_621 : i32 to vector<16xi32>
      %add3A_623 = arith.addi %add3A_620, %add3A_622 : vector<16xi32>
      %gather3A_624 = tpu.vector_load_idx %arg6[%add3A_623] : memref<65000xf32, #tpu.memory_space<vmem>>[vector<16xi32>], vector<16xf32>,
      %swap3A_625 = arith.constant 1 : i32
      %swap3A_626 = arith.constant 35 : i32
      %swap3A_627 = arith.index_cast %swap3A_625 : i32 to index
      %swap3A_628 = arith.index_cast %swap3A_626 : i32 to index
      %swap3A_629 = arith.index_cast %mul3A_100 : i32 to index
      %swap3A_630 = tpu.vector_load %arg7[%swap3A_627, %swap3A_628, %swap3A_629] {strides = array<i32>} : memref<2x64x128xf32, #tpu.memory_space<vmem>>, vector<16xf32>,
      tpu.vector_store %arg7[%swap3A_627, %swap3A_628, %swap3A_629], %gather3A_416 {strides = array<i32>} : memref<2x64x128xf32, #tpu.memory_space<vmem>>, vector<16xf32>,
      %add3A_631 = arith.constant 48 : i32
      %add3A_632 = vector.broadcast %add3A_631 : i32 to vector<16xi32>
      %add3A_633 = arith.addi %mul3A_98, %add3A_632 : vector<16xi32>
      %add3A_634 = arith.constant 4 : i32
      %add3A_635 = vector.broadcast %add3A_634 : i32 to vector<16xi32>
      %add3A_636 = arith.addi %add3A_633, %add3A_635 : vector<16xi32>
      %gather3A_637 = tpu.vector_load_idx %arg6[%add3A_636] : memref<65000xf32, #tpu.memory_space<vmem>>[vector<16xi32>], vector<16xf32>,
      %swap3A_638 = arith.constant 1 : i32
      %swap3A_639 = arith.constant 36 : i32
      %swap3A_640 = arith.index_cast %swap3A_638 : i32 to index
      %swap3A_641 = arith.index_cast %swap3A_639 : i32 to index
      %swap3A_642 = arith.index_cast %mul3A_100 : i32 to index
      %swap3A_643 = tpu.vector_load %arg7[%swap3A_640, %swap3A_641, %swap3A_642] {strides = array<i32>} : memref<2x64x128xf32, #tpu.memory_space<vmem>>, vector<16xf32>,
      tpu.vector_store %arg7[%swap3A_640, %swap3A_641, %swap3A_642], %gather3A_429 {strides = array<i32>} : memref<2x64x128xf32, #tpu.memory_space<vmem>>, vector<16xf32>,
      %add3A_644 = arith.constant 48 : i32
      %add3A_645 = vector.broadcast %add3A_644 : i32 to vector<16xi32>
      %add3A_646 = arith.addi %mul3A_98, %add3A_645 : vector<16xi32>
      %add3A_647 = arith.constant 5 : i32
      %add3A_648 = vector.broadcast %add3A_647 : i32 to vector<16xi32>
      %add3A_649 = arith.addi %add3A_646, %add3A_648 : vector<16xi32>
      %gather3A_650 = tpu.vector_load_idx %arg6[%add3A_649] : memref<65000xf32, #tpu.memory_space<vmem>>[vector<16xi32>], vector<16xf32>,
      %swap3A_651 = arith.constant 1 : i32
      %swap3A_652 = arith.constant 37 : i32
      %swap3A_653 = arith.index_cast %swap3A_651 : i32 to index
      %swap3A_654 = arith.index_cast %swap3A_652 : i32 to index
      %swap3A_655 = arith.index_cast %mul3A_100 : i32 to index
      %swap3A_656 = tpu.vector_load %arg7[%swap3A_653, %swap3A_654, %swap3A_655] {strides = array<i32>} : memref<2x64x128xf32, #tpu.memory_space<vmem>>, vector<16xf32>,
      tpu.vector_store %arg7[%swap3A_653, %swap3A_654, %swap3A_655], %gather3A_442 {strides = array<i32>} : memref<2x64x128xf32, #tpu.memory_space<vmem>>, vector<16xf32>,
      %add3A_657 = arith.constant 48 : i32
      %add3A_658 = vector.broadcast %add3A_657 : i32 to vector<16xi32>
      %add3A_659 = arith.addi %mul3A_98, %add3A_658 : vector<16xi32>
      %add3A_660 = arith.constant 6 : i32
      %add3A_661 = vector.broadcast %add3A_660 : i32 to vector<16xi32>
      %add3A_662 = arith.addi %add3A_659, %add3A_661 : vector<16xi32>
      %gather3A_663 = tpu.vector_load_idx %arg6[%add3A_662] : memref<65000xf32, #tpu.memory_space<vmem>>[vector<16xi32>], vector<16xf32>,
      %swap3A_664 = arith.constant 1 : i32
      %swap3A_665 = arith.constant 38 : i32
      %swap3A_666 = arith.index_cast %swap3A_664 : i32 to index
      %swap3A_667 = arith.index_cast %swap3A_665 : i32 to index
      %swap3A_668 = arith.index_cast %mul3A_100 : i32 to index
      %swap3A_669 = tpu.vector_load %arg7[%swap3A_666, %swap3A_667, %swap3A_668] {strides = array<i32>} : memref<2x64x128xf32, #tpu.memory_space<vmem>>, vector<16xf32>,
      tpu.vector_store %arg7[%swap3A_666, %swap3A_667, %swap3A_668], %gather3A_455 {strides = array<i32>} : memref<2x64x128xf32, #tpu.memory_space<vmem>>, vector<16xf32>,
      %add3A_670 = arith.constant 48 : i32
      %add3A_671 = vector.broadcast %add3A_670 : i32 to vector<16xi32>
      %add3A_672 = arith.addi %mul3A_98, %add3A_671 : vector<16xi32>
      %add3A_673 = arith.constant 7 : i32
      %add3A_674 = vector.broadcast %add3A_673 : i32 to vector<16xi32>
      %add3A_675 = arith.addi %add3A_672, %add3A_674 : vector<16xi32>
      %gather3A_676 = tpu.vector_load_idx %arg6[%add3A_675] : memref<65000xf32, #tpu.memory_space<vmem>>[vector<16xi32>], vector<16xf32>,
      %swap3A_677 = arith.constant 1 : i32
      %swap3A_678 = arith.constant 39 : i32
      %swap3A_679 = arith.index_cast %swap3A_677 : i32 to index
      %swap3A_680 = arith.index_cast %swap3A_678 : i32 to index
      %swap3A_681 = arith.index_cast %mul3A_100 : i32 to index
      %swap3A_682 = tpu.vector_load %arg7[%swap3A_679, %swap3A_680, %swap3A_681] {strides = array<i32>} : memref<2x64x128xf32, #tpu.memory_space<vmem>>, vector<16xf32>,
      tpu.vector_store %arg7[%swap3A_679, %swap3A_680, %swap3A_681], %gather3A_468 {strides = array<i32>} : memref<2x64x128xf32, #tpu.memory_space<vmem>>, vector<16xf32>,
      %add3A_683 = arith.constant 48 : i32
      %add3A_684 = vector.broadcast %add3A_683 : i32 to vector<16xi32>
      %add3A_685 = arith.addi %mul3A_98, %add3A_684 : vector<16xi32>
      %add3A_686 = arith.constant 8 : i32
      %add3A_687 = vector.broadcast %add3A_686 : i32 to vector<16xi32>
      %add3A_688 = arith.addi %add3A_685, %add3A_687 : vector<16xi32>
      %gather3A_689 = tpu.vector_load_idx %arg6[%add3A_688] : memref<65000xf32, #tpu.memory_space<vmem>>[vector<16xi32>], vector<16xf32>,
      %swap3A_690 = arith.constant 1 : i32
      %swap3A_691 = arith.constant 40 : i32
      %swap3A_692 = arith.index_cast %swap3A_690 : i32 to index
      %swap3A_693 = arith.index_cast %swap3A_691 : i32 to index
      %swap3A_694 = arith.index_cast %mul3A_100 : i32 to index
      %swap3A_695 = tpu.vector_load %arg7[%swap3A_692, %swap3A_693, %swap3A_694] {strides = array<i32>} : memref<2x64x128xf32, #tpu.memory_space<vmem>>, vector<16xf32>,
      tpu.vector_store %arg7[%swap3A_692, %swap3A_693, %swap3A_694], %gather3A_481 {strides = array<i32>} : memref<2x64x128xf32, #tpu.memory_space<vmem>>, vector<16xf32>,
      %add3A_696 = arith.constant 48 : i32
      %add3A_697 = vector.broadcast %add3A_696 : i32 to vector<16xi32>
      %add3A_698 = arith.addi %mul3A_98, %add3A_697 : vector<16xi32>
      %add3A_699 = arith.constant 9 : i32
      %add3A_700 = vector.broadcast %add3A_699 : i32 to vector<16xi32>
      %add3A_701 = arith.addi %add3A_698, %add3A_700 : vector<16xi32>
      %gather3A_702 = tpu.vector_load_idx %arg6[%add3A_701] : memref<65000xf32, #tpu.memory_space<vmem>>[vector<16xi32>], vector<16xf32>,
      %swap3A_703 = arith.constant 1 : i32
      %swap3A_704 = arith.constant 41 : i32
      %swap3A_705 = arith.index_cast %swap3A_703 : i32 to index
      %swap3A_706 = arith.index_cast %swap3A_704 : i32 to index
      %swap3A_707 = arith.index_cast %mul3A_100 : i32 to index
      %swap3A_708 = tpu.vector_load %arg7[%swap3A_705, %swap3A_706, %swap3A_707] {strides = array<i32>} : memref<2x64x128xf32, #tpu.memory_space<vmem>>, vector<16xf32>,
      tpu.vector_store %arg7[%swap3A_705, %swap3A_706, %swap3A_707], %gather3A_494 {strides = array<i32>} : memref<2x64x128xf32, #tpu.memory_space<vmem>>, vector<16xf32>,
      %add3A_709 = arith.constant 48 : i32
      %add3A_710 = vector.broadcast %add3A_709 : i32 to vector<16xi32>
      %add3A_711 = arith.addi %mul3A_98, %add3A_710 : vector<16xi32>
      %add3A_712 = arith.constant 10 : i32
      %add3A_713 = vector.broadcast %add3A_712 : i32 to vector<16xi32>
      %add3A_714 = arith.addi %add3A_711, %add3A_713 : vector<16xi32>
      %gather3A_715 = tpu.vector_load_idx %arg6[%add3A_714] : memref<65000xf32, #tpu.memory_space<vmem>>[vector<16xi32>], vector<16xf32>,
      %swap3A_716 = arith.constant 1 : i32
      %swap3A_717 = arith.constant 42 : i32
      %swap3A_718 = arith.index_cast %swap3A_716 : i32 to index
      %swap3A_719 = arith.index_cast %swap3A_717 : i32 to index
      %swap3A_720 = arith.index_cast %mul3A_100 : i32 to index
      %swap3A_721 = tpu.vector_load %arg7[%swap3A_718, %swap3A_719, %swap3A_720] {strides = array<i32>} : memref<2x64x128xf32, #tpu.memory_space<vmem>>, vector<16xf32>,
      tpu.vector_store %arg7[%swap3A_718, %swap3A_719, %swap3A_720], %gather3A_507 {strides = array<i32>} : memref<2x64x128xf32, #tpu.memory_space<vmem>>, vector<16xf32>,
      %add3A_722 = arith.constant 48 : i32
      %add3A_723 = vector.broadcast %add3A_722 : i32 to vector<16xi32>
      %add3A_724 = arith.addi %mul3A_98, %add3A_723 : vector<16xi32>
      %add3A_725 = arith.constant 11 : i32
      %add3A_726 = vector.broadcast %add3A_725 : i32 to vector<16xi32>
      %add3A_727 = arith.addi %add3A_724, %add3A_726 : vector<16xi32>
      %gather3A_728 = tpu.vector_load_idx %arg6[%add3A_727] : memref<65000xf32, #tpu.memory_space<vmem>>[vector<16xi32>], vector<16xf32>,
      %swap3A_729 = arith.constant 1 : i32
      %swap3A_730 = arith.constant 43 : i32
      %swap3A_731 = arith.index_cast %swap3A_729 : i32 to index
      %swap3A_732 = arith.index_cast %swap3A_730 : i32 to index
      %swap3A_733 = arith.index_cast %mul3A_100 : i32 to index
      %swap3A_734 = tpu.vector_load %arg7[%swap3A_731, %swap3A_732, %swap3A_733] {strides = array<i32>} : memref<2x64x128xf32, #tpu.memory_space<vmem>>, vector<16xf32>,
      tpu.vector_store %arg7[%swap3A_731, %swap3A_732, %swap3A_733], %gather3A_520 {strides = array<i32>} : memref<2x64x128xf32, #tpu.memory_space<vmem>>, vector<16xf32>,
      %add3A_735 = arith.constant 48 : i32
      %add3A_736 = vector.broadcast %add3A_735 : i32 to vector<16xi32>
      %add3A_737 = arith.addi %mul3A_98, %add3A_736 : vector<16xi32>
      %add3A_738 = arith.constant 12 : i32
      %add3A_739 = vector.broadcast %add3A_738 : i32 to vector<16xi32>
      %add3A_740 = arith.addi %add3A_737, %add3A_739 : vector<16xi32>
      %gather3A_741 = tpu.vector_load_idx %arg6[%add3A_740] : memref<65000xf32, #tpu.memory_space<vmem>>[vector<16xi32>], vector<16xf32>,
      %swap3A_742 = arith.constant 1 : i32
      %swap3A_743 = arith.constant 44 : i32
      %swap3A_744 = arith.index_cast %swap3A_742 : i32 to index
      %swap3A_745 = arith.index_cast %swap3A_743 : i32 to index
      %swap3A_746 = arith.index_cast %mul3A_100 : i32 to index
      %swap3A_747 = tpu.vector_load %arg7[%swap3A_744, %swap3A_745, %swap3A_746] {strides = array<i32>} : memref<2x64x128xf32, #tpu.memory_space<vmem>>, vector<16xf32>,
      tpu.vector_store %arg7[%swap3A_744, %swap3A_745, %swap3A_746], %gather3A_533 {strides = array<i32>} : memref<2x64x128xf32, #tpu.memory_space<vmem>>, vector<16xf32>,
      %add3A_748 = arith.constant 48 : i32
      %add3A_749 = vector.broadcast %add3A_748 : i32 to vector<16xi32>
      %add3A_750 = arith.addi %mul3A_98, %add3A_749 : vector<16xi32>
      %add3A_751 = arith.constant 13 : i32
      %add3A_752 = vector.broadcast %add3A_751 : i32 to vector<16xi32>
      %add3A_753 = arith.addi %add3A_750, %add3A_752 : vector<16xi32>
      %gather3A_754 = tpu.vector_load_idx %arg6[%add3A_753] : memref<65000xf32, #tpu.memory_space<vmem>>[vector<16xi32>], vector<16xf32>,
      %swap3A_755 = arith.constant 1 : i32
      %swap3A_756 = arith.constant 45 : i32
      %swap3A_757 = arith.index_cast %swap3A_755 : i32 to index
      %swap3A_758 = arith.index_cast %swap3A_756 : i32 to index
      %swap3A_759 = arith.index_cast %mul3A_100 : i32 to index
      %swap3A_760 = tpu.vector_load %arg7[%swap3A_757, %swap3A_758, %swap3A_759] {strides = array<i32>} : memref<2x64x128xf32, #tpu.memory_space<vmem>>, vector<16xf32>,
      tpu.vector_store %arg7[%swap3A_757, %swap3A_758, %swap3A_759], %gather3A_546 {strides = array<i32>} : memref<2x64x128xf32, #tpu.memory_space<vmem>>, vector<16xf32>,
      %add3A_761 = arith.constant 48 : i32
      %add3A_762 = vector.broadcast %add3A_761 : i32 to vector<16xi32>
      %add3A_763 = arith.addi %mul3A_98, %add3A_762 : vector<16xi32>
      %add3A_764 = arith.constant 14 : i32
      %add3A_765 = vector.broadcast %add3A_764 : i32 to vector<16xi32>
      %add3A_766 = arith.addi %add3A_763, %add3A_765 : vector<16xi32>
      %gather3A_767 = tpu.vector_load_idx %arg6[%add3A_766] : memref<65000xf32, #tpu.memory_space<vmem>>[vector<16xi32>], vector<16xf32>,
      %swap3A_768 = arith.constant 1 : i32
      %swap3A_769 = arith.constant 46 : i32
      %swap3A_770 = arith.index_cast %swap3A_768 : i32 to index
      %swap3A_771 = arith.index_cast %swap3A_769 : i32 to index
      %swap3A_772 = arith.index_cast %mul3A_100 : i32 to index
      %swap3A_773 = tpu.vector_load %arg7[%swap3A_770, %swap3A_771, %swap3A_772] {strides = array<i32>} : memref<2x64x128xf32, #tpu.memory_space<vmem>>, vector<16xf32>,
      tpu.vector_store %arg7[%swap3A_770, %swap3A_771, %swap3A_772], %gather3A_559 {strides = array<i32>} : memref<2x64x128xf32, #tpu.memory_space<vmem>>, vector<16xf32>,
      %add3A_774 = arith.constant 48 : i32
      %add3A_775 = vector.broadcast %add3A_774 : i32 to vector<16xi32>
      %add3A_776 = arith.addi %mul3A_98, %add3A_775 : vector<16xi32>
      %add3A_777 = arith.constant 15 : i32
      %add3A_778 = vector.broadcast %add3A_777 : i32 to vector<16xi32>
      %add3A_779 = arith.addi %add3A_776, %add3A_778 : vector<16xi32>
      %gather3A_780 = tpu.vector_load_idx %arg6[%add3A_779] : memref<65000xf32, #tpu.memory_space<vmem>>[vector<16xi32>], vector<16xf32>,
      %swap3A_781 = arith.constant 1 : i32
      %swap3A_782 = arith.constant 47 : i32
      %swap3A_783 = arith.index_cast %swap3A_781 : i32 to index
      %swap3A_784 = arith.index_cast %swap3A_782 : i32 to index
      %swap3A_785 = arith.index_cast %mul3A_100 : i32 to index
      %swap3A_786 = tpu.vector_load %arg7[%swap3A_783, %swap3A_784, %swap3A_785] {strides = array<i32>} : memref<2x64x128xf32, #tpu.memory_space<vmem>>, vector<16xf32>,
      tpu.vector_store %arg7[%swap3A_783, %swap3A_784, %swap3A_785], %gather3A_572 {strides = array<i32>} : memref<2x64x128xf32, #tpu.memory_space<vmem>>, vector<16xf32>,
      %swap3A_787 = arith.constant 1 : i32
      %swap3A_788 = arith.constant 48 : i32
      %swap3A_789 = arith.index_cast %swap3A_787 : i32 to index
      %swap3A_790 = arith.index_cast %swap3A_788 : i32 to index
      %swap3A_791 = arith.index_cast %mul3A_100 : i32 to index
      %swap3A_792 = tpu.vector_load %arg7[%swap3A_789, %swap3A_790, %swap3A_791] {strides = array<i32>} : memref<2x64x128xf32, #tpu.memory_space<vmem>>, vector<16xf32>,
      tpu.vector_store %arg7[%swap3A_789, %swap3A_790, %swap3A_791], %gather3A_585 {strides = array<i32>} : memref<2x64x128xf32, #tpu.memory_space<vmem>>, vector<16xf32>,
      %swap3A_793 = arith.constant 1 : i32
      %swap3A_794 = arith.constant 49 : i32
      %swap3A_795 = arith.index_cast %swap3A_793 : i32 to index
      %swap3A_796 = arith.index_cast %swap3A_794 : i32 to index
      %swap3A_797 = arith.index_cast %mul3A_100 : i32 to index
      %swap3A_798 = tpu.vector_load %arg7[%swap3A_795, %swap3A_796, %swap3A_797] {strides = array<i32>} : memref<2x64x128xf32, #tpu.memory_space<vmem>>, vector<16xf32>,
      tpu.vector_store %arg7[%swap3A_795, %swap3A_796, %swap3A_797], %gather3A_598 {strides = array<i32>} : memref<2x64x128xf32, #tpu.memory_space<vmem>>, vector<16xf32>,
      %swap3A_799 = arith.constant 1 : i32
      %swap3A_800 = arith.constant 50 : i32
      %swap3A_801 = arith.index_cast %swap3A_799 : i32 to index
      %swap3A_802 = arith.index_cast %swap3A_800 : i32 to index
      %swap3A_803 = arith.index_cast %mul3A_100 : i32 to index
      %swap3A_804 = tpu.vector_load %arg7[%swap3A_801, %swap3A_802, %swap3A_803] {strides = array<i32>} : memref<2x64x128xf32, #tpu.memory_space<vmem>>, vector<16xf32>,
      tpu.vector_store %arg7[%swap3A_801, %swap3A_802, %swap3A_803], %gather3A_611 {strides = array<i32>} : memref<2x64x128xf32, #tpu.memory_space<vmem>>, vector<16xf32>,
      %swap3A_805 = arith.constant 1 : i32
      %swap3A_806 = arith.constant 51 : i32
      %swap3A_807 = arith.index_cast %swap3A_805 : i32 to index
      %swap3A_808 = arith.index_cast %swap3A_806 : i32 to index
      %swap3A_809 = arith.index_cast %mul3A_100 : i32 to index
      %swap3A_810 = tpu.vector_load %arg7[%swap3A_807, %swap3A_808, %swap3A_809] {strides = array<i32>} : memref<2x64x128xf32, #tpu.memory_space<vmem>>, vector<16xf32>,
      tpu.vector_store %arg7[%swap3A_807, %swap3A_808, %swap3A_809], %gather3A_624 {strides = array<i32>} : memref<2x64x128xf32, #tpu.memory_space<vmem>>, vector<16xf32>,
      %swap3A_811 = arith.constant 1 : i32
      %swap3A_812 = arith.constant 52 : i32
      %swap3A_813 = arith.index_cast %swap3A_811 : i32 to index
      %swap3A_814 = arith.index_cast %swap3A_812 : i32 to index
      %swap3A_815 = arith.index_cast %mul3A_100 : i32 to index
      %swap3A_816 = tpu.vector_load %arg7[%swap3A_813, %swap3A_814, %swap3A_815] {strides = array<i32>} : memref<2x64x128xf32, #tpu.memory_space<vmem>>, vector<16xf32>,
      tpu.vector_store %arg7[%swap3A_813, %swap3A_814, %swap3A_815], %gather3A_637 {strides = array<i32>} : memref<2x64x128xf32, #tpu.memory_space<vmem>>, vector<16xf32>,
      %swap3A_817 = arith.constant 1 : i32
      %swap3A_818 = arith.constant 53 : i32
      %swap3A_819 = arith.index_cast %swap3A_817 : i32 to index
      %swap3A_820 = arith.index_cast %swap3A_818 : i32 to index
      %swap3A_821 = arith.index_cast %mul3A_100 : i32 to index
      %swap3A_822 = tpu.vector_load %arg7[%swap3A_819, %swap3A_820, %swap3A_821] {strides = array<i32>} : memref<2x64x128xf32, #tpu.memory_space<vmem>>, vector<16xf32>,
      tpu.vector_store %arg7[%swap3A_819, %swap3A_820, %swap3A_821], %gather3A_650 {strides = array<i32>} : memref<2x64x128xf32, #tpu.memory_space<vmem>>, vector<16xf32>,
      %swap3A_823 = arith.constant 1 : i32
      %swap3A_824 = arith.constant 54 : i32
      %swap3A_825 = arith.index_cast %swap3A_823 : i32 to index
      %swap3A_826 = arith.index_cast %swap3A_824 : i32 to index
      %swap3A_827 = arith.index_cast %mul3A_100 : i32 to index
      %swap3A_828 = tpu.vector_load %arg7[%swap3A_825, %swap3A_826, %swap3A_827] {strides = array<i32>} : memref<2x64x128xf32, #tpu.memory_space<vmem>>, vector<16xf32>,
      tpu.vector_store %arg7[%swap3A_825, %swap3A_826, %swap3A_827], %gather3A_663 {strides = array<i32>} : memref<2x64x128xf32, #tpu.memory_space<vmem>>, vector<16xf32>,
      %swap3A_829 = arith.constant 1 : i32
      %swap3A_830 = arith.constant 55 : i32
      %swap3A_831 = arith.index_cast %swap3A_829 : i32 to index
      %swap3A_832 = arith.index_cast %swap3A_830 : i32 to index
      %swap3A_833 = arith.index_cast %mul3A_100 : i32 to index
      %swap3A_834 = tpu.vector_load %arg7[%swap3A_831, %swap3A_832, %swap3A_833] {strides = array<i32>} : memref<2x64x128xf32, #tpu.memory_space<vmem>>, vector<16xf32>,
      tpu.vector_store %arg7[%swap3A_831, %swap3A_832, %swap3A_833], %gather3A_676 {strides = array<i32>} : memref<2x64x128xf32, #tpu.memory_space<vmem>>, vector<16xf32>,
      %swap3A_835 = arith.constant 1 : i32
      %swap3A_836 = arith.constant 56 : i32
      %swap3A_837 = arith.index_cast %swap3A_835 : i32 to index
      %swap3A_838 = arith.index_cast %swap3A_836 : i32 to index
      %swap3A_839 = arith.index_cast %mul3A_100 : i32 to index
      %swap3A_840 = tpu.vector_load %arg7[%swap3A_837, %swap3A_838, %swap3A_839] {strides = array<i32>} : memref<2x64x128xf32, #tpu.memory_space<vmem>>, vector<16xf32>,
      tpu.vector_store %arg7[%swap3A_837, %swap3A_838, %swap3A_839], %gather3A_689 {strides = array<i32>} : memref<2x64x128xf32, #tpu.memory_space<vmem>>, vector<16xf32>,
      %swap3A_841 = arith.constant 1 : i32
      %swap3A_842 = arith.constant 57 : i32
      %swap3A_843 = arith.index_cast %swap3A_841 : i32 to index
      %swap3A_844 = arith.index_cast %swap3A_842 : i32 to index
      %swap3A_845 = arith.index_cast %mul3A_100 : i32 to index
      %swap3A_846 = tpu.vector_load %arg7[%swap3A_843, %swap3A_844, %swap3A_845] {strides = array<i32>} : memref<2x64x128xf32, #tpu.memory_space<vmem>>, vector<16xf32>,
      tpu.vector_store %arg7[%swap3A_843, %swap3A_844, %swap3A_845], %gather3A_702 {strides = array<i32>} : memref<2x64x128xf32, #tpu.memory_space<vmem>>, vector<16xf32>,
      %swap3A_847 = arith.constant 1 : i32
      %swap3A_848 = arith.constant 58 : i32
      %swap3A_849 = arith.index_cast %swap3A_847 : i32 to index
      %swap3A_850 = arith.index_cast %swap3A_848 : i32 to index
      %swap3A_851 = arith.index_cast %mul3A_100 : i32 to index
      %swap3A_852 = tpu.vector_load %arg7[%swap3A_849, %swap3A_850, %swap3A_851] {strides = array<i32>} : memref<2x64x128xf32, #tpu.memory_space<vmem>>, vector<16xf32>,
      tpu.vector_store %arg7[%swap3A_849, %swap3A_850, %swap3A_851], %gather3A_715 {strides = array<i32>} : memref<2x64x128xf32, #tpu.memory_space<vmem>>, vector<16xf32>,
      %swap3A_853 = arith.constant 1 : i32
      %swap3A_854 = arith.constant 59 : i32
      %swap3A_855 = arith.index_cast %swap3A_853 : i32 to index
      %swap3A_856 = arith.index_cast %swap3A_854 : i32 to index
      %swap3A_857 = arith.index_cast %mul3A_100 : i32 to index
      %swap3A_858 = tpu.vector_load %arg7[%swap3A_855, %swap3A_856, %swap3A_857] {strides = array<i32>} : memref<2x64x128xf32, #tpu.memory_space<vmem>>, vector<16xf32>,
      tpu.vector_store %arg7[%swap3A_855, %swap3A_856, %swap3A_857], %gather3A_728 {strides = array<i32>} : memref<2x64x128xf32, #tpu.memory_space<vmem>>, vector<16xf32>,
      %swap3A_859 = arith.constant 1 : i32
      %swap3A_860 = arith.constant 60 : i32
      %swap3A_861 = arith.index_cast %swap3A_859 : i32 to index
      %swap3A_862 = arith.index_cast %swap3A_860 : i32 to index
      %swap3A_863 = arith.index_cast %mul3A_100 : i32 to index
      %swap3A_864 = tpu.vector_load %arg7[%swap3A_861, %swap3A_862, %swap3A_863] {strides = array<i32>} : memref<2x64x128xf32, #tpu.memory_space<vmem>>, vector<16xf32>,
      tpu.vector_store %arg7[%swap3A_861, %swap3A_862, %swap3A_863], %gather3A_741 {strides = array<i32>} : memref<2x64x128xf32, #tpu.memory_space<vmem>>, vector<16xf32>,
      %swap3A_865 = arith.constant 1 : i32
      %swap3A_866 = arith.constant 61 : i32
      %swap3A_867 = arith.index_cast %swap3A_865 : i32 to index
      %swap3A_868 = arith.index_cast %swap3A_866 : i32 to index
      %swap3A_869 = arith.index_cast %mul3A_100 : i32 to index
      %swap3A_870 = tpu.vector_load %arg7[%swap3A_867, %swap3A_868, %swap3A_869] {strides = array<i32>} : memref<2x64x128xf32, #tpu.memory_space<vmem>>, vector<16xf32>,
      tpu.vector_store %arg7[%swap3A_867, %swap3A_868, %swap3A_869], %gather3A_754 {strides = array<i32>} : memref<2x64x128xf32, #tpu.memory_space<vmem>>, vector<16xf32>,
      %swap3A_871 = arith.constant 1 : i32
      %swap3A_872 = arith.constant 62 : i32
      %swap3A_873 = arith.index_cast %swap3A_871 : i32 to index
      %swap3A_874 = arith.index_cast %swap3A_872 : i32 to index
      %swap3A_875 = arith.index_cast %mul3A_100 : i32 to index
      %swap3A_876 = tpu.vector_load %arg7[%swap3A_873, %swap3A_874, %swap3A_875] {strides = array<i32>} : memref<2x64x128xf32, #tpu.memory_space<vmem>>, vector<16xf32>,
      tpu.vector_store %arg7[%swap3A_873, %swap3A_874, %swap3A_875], %gather3A_767 {strides = array<i32>} : memref<2x64x128xf32, #tpu.memory_space<vmem>>, vector<16xf32>,
      %swap3A_877 = arith.constant 1 : i32
      %swap3A_878 = arith.constant 63 : i32
      %swap3A_879 = arith.index_cast %swap3A_877 : i32 to index
      %swap3A_880 = arith.index_cast %swap3A_878 : i32 to index
      %swap3A_881 = arith.index_cast %mul3A_100 : i32 to index
      %swap3A_882 = tpu.vector_load %arg7[%swap3A_879, %swap3A_880, %swap3A_881] {strides = array<i32>} : memref<2x64x128xf32, #tpu.memory_space<vmem>>, vector<16xf32>,
      tpu.vector_store %arg7[%swap3A_879, %swap3A_880, %swap3A_881], %gather3A_780 {strides = array<i32>} : memref<2x64x128xf32, #tpu.memory_space<vmem>>, vector<16xf32>,
    }
    %scan3A_35 = arith.constant 8 : i32
    %dma_start3A_36 = arith.constant 1 : i32
    %dma_start3A_37 = arith.constant 1 : i32
    %dma_start3A_38 = arith.constant 0 : i32
    %dma_start3A_39 = arith.constant 0 : i32
    %dma_start3A_40 = tpu.memref_slice %arg7[%dma_start3A_36, %dma_start3A_38, %dma_start3A_39] : memref<2x64x128xf32, #tpu.memory_space<vmem>> -> memref<1x64x128xf32, #tpu.memory_space<vmem>>
    %dma_start3A_41 = tpu.memref_squeeze %dma_start3A_40 : memref<1x64x128xf32, #tpu.memory_space<vmem>> -> memref<64x128xf32, #tpu.memory_space<vmem>>
    %dma_start3A_42 = arith.constant 0 : i32
    %dma_start3A_43 = tpu.memref_slice %arg4[%dma_start3A_37, %dma_start3A_42, %mul3A_2] : memref<50x64x4096xf32, #tpu.memory_space<hbm>> -> memref<1x64x128xf32, #tpu.memory_space<hbm>>
    %dma_start3A_44 = tpu.memref_squeeze %dma_start3A_43 : memref<1x64x128xf32, #tpu.memory_space<hbm>> -> memref<64x128xf32, #tpu.memory_space<hbm>>
    %dma_start3A_45 = arith.constant 0 : i32
    %dma_start3A_46 = tpu.memref_slice %arg4[%dma_start3A_37, %dma_start3A_45, %mul3A_2] : memref<50x64x4096xf32, #tpu.memory_space<hbm>> -> memref<1x64x128xf32, #tpu.memory_space<hbm>>
    %dma_start3A_47 = tpu.memref_squeeze %dma_start3A_46 : memref<1x64x128xf32, #tpu.memory_space<hbm>> -> memref<64x128xf32, #tpu.memory_space<hbm>>
    %dma_start3A_48 = arith.constant 0 : i32
    %dma_start3A_49 = arith.constant 0 : i32
    %dma_start3A_50 = tpu.memref_slice %arg7[%dma_start3A_36, %dma_start3A_48, %dma_start3A_49] : memref<2x64x128xf32, #tpu.memory_space<vmem>> -> memref<1x64x128xf32, #tpu.memory_space<vmem>>
    %dma_start3A_51 = tpu.memref_squeeze %dma_start3A_50 : memref<1x64x128xf32, #tpu.memory_space<vmem>> -> memref<64x128xf32, #tpu.memory_space<vmem>>
    tpu.enqueue_dma source(%dma_start3A_51 : memref<64x128xf32, #tpu.memory_space<vmem>>) target(%dma_start3A_47 : memref<64x128xf32, #tpu.memory_space<hbm>>) target_semaphore(%arg9 : memref<!tpu.dma_semaphore, #tpu.memory_space<semaphore_mem>>)
    %scan3A_52 = arith.constant 0 : i32
    %scan3A_53 = arith.constant 1 : i32
    %scan3A_54 = arith.constant 24 : i32
    %scan3A_55 = arith.addi %scan3A_53, %scan3A_54 : i32
    %scan3A_56 = arith.constant 1 : i32
    scf.for %scan3A_90 = %scan3A_53 to %scan3A_55 step %scan3A_56  : i32 {
      %mul3A_91 = arith.constant 2 : i32
      %mul3A_92 = arith.muli %mul3A_91, %scan3A_90 : i32
      %sub3A = arith.constant 2 : i32
      %sub3A_93 = arith.subi %mul3A_92, %sub3A : i32
      %add3A_94 = arith.constant 0 : i32
      %add3A_95 = arith.addi %sub3A_93, %add3A_94 : i32
      %dma_wait3A_96 = arith.constant 0 : i32
      %dma_wait3A_97 = arith.constant 0 : i32
      %dma_wait3A_98 = arith.constant 0 : i32
      %dma_wait3A_99 = tpu.memref_slice %arg7[%dma_wait3A_96, %dma_wait3A_97, %dma_wait3A_98] : memref<2x64x128xf32, #tpu.memory_space<vmem>> -> memref<1x64x128xf32, #tpu.memory_space<vmem>>
      %dma_wait3A_100 = tpu.memref_squeeze %dma_wait3A_99 : memref<1x64x128xf32, #tpu.memory_space<vmem>> -> memref<64x128xf32, #tpu.memory_space<vmem>>
      %dma_wait3A_101 = arith.constant 0 : i32
      %dma_wait3A_102 = tpu.memref_slice %arg4[%add3A_95, %dma_wait3A_101, %mul3A_2] : memref<50x64x4096xf32, #tpu.memory_space<hbm>> -> memref<1x64x128xf32, #tpu.memory_space<hbm>>
      %dma_wait3A_103 = tpu.memref_squeeze %dma_wait3A_102 : memref<1x64x128xf32, #tpu.memory_space<hbm>> -> memref<64x128xf32, #tpu.memory_space<hbm>>
      %dma_wait3A_104 = arith.constant 0 : i32
      %dma_wait3A_105 = tpu.memref_slice %arg4[%add3A_95, %dma_wait3A_104, %mul3A_2] : memref<50x64x4096xf32, #tpu.memory_space<hbm>> -> memref<1x64x128xf32, #tpu.memory_space<hbm>>
      %dma_wait3A_106 = tpu.memref_squeeze %dma_wait3A_105 : memref<1x64x128xf32, #tpu.memory_space<hbm>> -> memref<64x128xf32, #tpu.memory_space<hbm>>
      %dma_wait3A_107 = arith.constant 0 : i32
      %dma_wait3A_108 = arith.constant 0 : i32
      %dma_wait3A_109 = tpu.memref_slice %arg7[%dma_wait3A_96, %dma_wait3A_107, %dma_wait3A_108] : memref<2x64x128xf32, #tpu.memory_space<vmem>> -> memref<1x64x128xf32, #tpu.memory_space<vmem>>
      %dma_wait3A_110 = tpu.memref_squeeze %dma_wait3A_109 : memref<1x64x128xf32, #tpu.memory_space<vmem>> -> memref<64x128xf32, #tpu.memory_space<vmem>>
      tpu.wait_dma2 semaphore(%arg8 : memref<!tpu.dma_semaphore, #tpu.memory_space<semaphore_mem>>) src(%dma_wait3A_110 : memref<64x128xf32, #tpu.memory_space<vmem>>) dst(%dma_wait3A_106 : memref<64x128xf32, #tpu.memory_space<hbm>>)
      %add3A_111 = arith.constant 0 : i32
      %add3A_112 = arith.addi %mul3A_92, %add3A_111 : i32
      %scan3A_113 = arith.constant 0 : i32
      %scan3A_114 = arith.constant 0 : i32
      %scan3A_115 = arith.constant 8 : i32
      %scan3A_116 = arith.addi %scan3A_114, %scan3A_115 : i32
      %scan3A_117 = arith.constant 1 : i32
      scf.for %scan3A_180 = %scan3A_114 to %scan3A_116 step %scan3A_117  : i32 {
        %mul3A_181 = arith.constant 16 : i32
        %mul3A_182 = arith.muli %scan3A_180, %mul3A_181 : i32
        %get3A = arith.index_cast %add3A_112 : i32 to index
        %get3A_183 = arith.index_cast %mul3A_182 : i32 to index
        %get3A_184 = tpu.vector_load %arg5[%get3A, %get3A_183] {strides = array<i32>} : memref<50x128xi32, #tpu.memory_space<vmem>>, vector<16xi32>,
        %mul3A_185 = arith.constant 65 : i32
        %mul3A_186 = vector.broadcast %mul3A_185 : i32 to vector<16xi32>
        %mul3A_187 = arith.muli %get3A_184, %mul3A_186 : vector<16xi32>
        %mul3A_188 = arith.constant 16 : i32
        %mul3A_189 = arith.muli %scan3A_180, %mul3A_188 : i32
        %add3A_190 = arith.constant 0 : i32
        %add3A_191 = vector.broadcast %add3A_190 : i32 to vector<16xi32>
        %add3A_192 = arith.addi %mul3A_187, %add3A_191 : vector<16xi32>
        %gather3A = tpu.vector_load_idx %arg6[%add3A_192] : memref<65000xf32, #tpu.memory_space<vmem>>[vector<16xi32>], vector<16xf32>,
        %add3A_193 = arith.constant 1 : i32
        %add3A_194 = vector.broadcast %add3A_193 : i32 to vector<16xi32>
        %add3A_195 = arith.addi %mul3A_187, %add3A_194 : vector<16xi32>
        %gather3A_196 = tpu.vector_load_idx %arg6[%add3A_195] : memref<65000xf32, #tpu.memory_space<vmem>>[vector<16xi32>], vector<16xf32>,
        %add3A_197 = arith.constant 2 : i32
        %add3A_198 = vector.broadcast %add3A_197 : i32 to vector<16xi32>
        %add3A_199 = arith.addi %mul3A_187, %add3A_198 : vector<16xi32>
        %gather3A_200 = tpu.vector_load_idx %arg6[%add3A_199] : memref<65000xf32, #tpu.memory_space<vmem>>[vector<16xi32>], vector<16xf32>,
        %add3A_201 = arith.constant 3 : i32
        %add3A_202 = vector.broadcast %add3A_201 : i32 to vector<16xi32>
        %add3A_203 = arith.addi %mul3A_187, %add3A_202 : vector<16xi32>
        %gather3A_204 = tpu.vector_load_idx %arg6[%add3A_203] : memref<65000xf32, #tpu.memory_space<vmem>>[vector<16xi32>], vector<16xf32>,
        %add3A_205 = arith.constant 4 : i32
        %add3A_206 = vector.broadcast %add3A_205 : i32 to vector<16xi32>
        %add3A_207 = arith.addi %mul3A_187, %add3A_206 : vector<16xi32>
        %gather3A_208 = tpu.vector_load_idx %arg6[%add3A_207] : memref<65000xf32, #tpu.memory_space<vmem>>[vector<16xi32>], vector<16xf32>,
        %add3A_209 = arith.constant 5 : i32
        %add3A_210 = vector.broadcast %add3A_209 : i32 to vector<16xi32>
        %add3A_211 = arith.addi %mul3A_187, %add3A_210 : vector<16xi32>
        %gather3A_212 = tpu.vector_load_idx %arg6[%add3A_211] : memref<65000xf32, #tpu.memory_space<vmem>>[vector<16xi32>], vector<16xf32>,
        %add3A_213 = arith.constant 6 : i32
        %add3A_214 = vector.broadcast %add3A_213 : i32 to vector<16xi32>
        %add3A_215 = arith.addi %mul3A_187, %add3A_214 : vector<16xi32>
        %gather3A_216 = tpu.vector_load_idx %arg6[%add3A_215] : memref<65000xf32, #tpu.memory_space<vmem>>[vector<16xi32>], vector<16xf32>,
        %add3A_217 = arith.constant 7 : i32
        %add3A_218 = vector.broadcast %add3A_217 : i32 to vector<16xi32>
        %add3A_219 = arith.addi %mul3A_187, %add3A_218 : vector<16xi32>
        %gather3A_220 = tpu.vector_load_idx %arg6[%add3A_219] : memref<65000xf32, #tpu.memory_space<vmem>>[vector<16xi32>], vector<16xf32>,
        %add3A_221 = arith.constant 8 : i32
        %add3A_222 = vector.broadcast %add3A_221 : i32 to vector<16xi32>
        %add3A_223 = arith.addi %mul3A_187, %add3A_222 : vector<16xi32>
        %gather3A_224 = tpu.vector_load_idx %arg6[%add3A_223] : memref<65000xf32, #tpu.memory_space<vmem>>[vector<16xi32>], vector<16xf32>,
        %add3A_225 = arith.constant 9 : i32
        %add3A_226 = vector.broadcast %add3A_225 : i32 to vector<16xi32>
        %add3A_227 = arith.addi %mul3A_187, %add3A_226 : vector<16xi32>
        %gather3A_228 = tpu.vector_load_idx %arg6[%add3A_227] : memref<65000xf32, #tpu.memory_space<vmem>>[vector<16xi32>], vector<16xf32>,
        %add3A_229 = arith.constant 10 : i32
        %add3A_230 = vector.broadcast %add3A_229 : i32 to vector<16xi32>
        %add3A_231 = arith.addi %mul3A_187, %add3A_230 : vector<16xi32>
        %gather3A_232 = tpu.vector_load_idx %arg6[%add3A_231] : memref<65000xf32, #tpu.memory_space<vmem>>[vector<16xi32>], vector<16xf32>,
        %add3A_233 = arith.constant 11 : i32
        %add3A_234 = vector.broadcast %add3A_233 : i32 to vector<16xi32>
        %add3A_235 = arith.addi %mul3A_187, %add3A_234 : vector<16xi32>
        %gather3A_236 = tpu.vector_load_idx %arg6[%add3A_235] : memref<65000xf32, #tpu.memory_space<vmem>>[vector<16xi32>], vector<16xf32>,
        %add3A_237 = arith.constant 12 : i32
        %add3A_238 = vector.broadcast %add3A_237 : i32 to vector<16xi32>
        %add3A_239 = arith.addi %mul3A_187, %add3A_238 : vector<16xi32>
        %gather3A_240 = tpu.vector_load_idx %arg6[%add3A_239] : memref<65000xf32, #tpu.memory_space<vmem>>[vector<16xi32>], vector<16xf32>,
        %add3A_241 = arith.constant 13 : i32
        %add3A_242 = vector.broadcast %add3A_241 : i32 to vector<16xi32>
        %add3A_243 = arith.addi %mul3A_187, %add3A_242 : vector<16xi32>
        %gather3A_244 = tpu.vector_load_idx %arg6[%add3A_243] : memref<65000xf32, #tpu.memory_space<vmem>>[vector<16xi32>], vector<16xf32>,
        %add3A_245 = arith.constant 14 : i32
        %add3A_246 = vector.broadcast %add3A_245 : i32 to vector<16xi32>
        %add3A_247 = arith.addi %mul3A_187, %add3A_246 : vector<16xi32>
        %gather3A_248 = tpu.vector_load_idx %arg6[%add3A_247] : memref<65000xf32, #tpu.memory_space<vmem>>[vector<16xi32>], vector<16xf32>,
        %add3A_249 = arith.constant 15 : i32
        %add3A_250 = vector.broadcast %add3A_249 : i32 to vector<16xi32>
        %add3A_251 = arith.addi %mul3A_187, %add3A_250 : vector<16xi32>
        %gather3A_252 = tpu.vector_load_idx %arg6[%add3A_251] : memref<65000xf32, #tpu.memory_space<vmem>>[vector<16xi32>], vector<16xf32>,
        %add3A_253 = arith.constant 16 : i32
        %add3A_254 = vector.broadcast %add3A_253 : i32 to vector<16xi32>
        %add3A_255 = arith.addi %mul3A_187, %add3A_254 : vector<16xi32>
        %add3A_256 = arith.constant 0 : i32
        %add3A_257 = vector.broadcast %add3A_256 : i32 to vector<16xi32>
        %add3A_258 = arith.addi %add3A_255, %add3A_257 : vector<16xi32>
        %gather3A_259 = tpu.vector_load_idx %arg6[%add3A_258] : memref<65000xf32, #tpu.memory_space<vmem>>[vector<16xi32>], vector<16xf32>,
        %swap3A = arith.constant 0 : i32
        %swap3A_260 = arith.constant 0 : i32
        %swap3A_261 = arith.index_cast %swap3A : i32 to index
        %swap3A_262 = arith.index_cast %swap3A_260 : i32 to index
        %swap3A_263 = arith.index_cast %mul3A_189 : i32 to index
        %swap3A_264 = tpu.vector_load %arg7[%swap3A_261, %swap3A_262, %swap3A_263] {strides = array<i32>} : memref<2x64x128xf32, #tpu.memory_space<vmem>>, vector<16xf32>,
        tpu.vector_store %arg7[%swap3A_261, %swap3A_262, %swap3A_263], %gather3A {strides = array<i32>} : memref<2x64x128xf32, #tpu.memory_space<vmem>>, vector<16xf32>,
        %add3A_265 = arith.constant 16 : i32
        %add3A_266 = vector.broadcast %add3A_265 : i32 to vector<16xi32>
        %add3A_267 = arith.addi %mul3A_187, %add3A_266 : vector<16xi32>
        %add3A_268 = arith.constant 1 : i32
        %add3A_269 = vector.broadcast %add3A_268 : i32 to vector<16xi32>
        %add3A_270 = arith.addi %add3A_267, %add3A_269 : vector<16xi32>
        %gather3A_271 = tpu.vector_load_idx %arg6[%add3A_270] : memref<65000xf32, #tpu.memory_space<vmem>>[vector<16xi32>], vector<16xf32>,
        %swap3A_272 = arith.constant 0 : i32
        %swap3A_273 = arith.constant 1 : i32
        %swap3A_274 = arith.index_cast %swap3A_272 : i32 to index
        %swap3A_275 = arith.index_cast %swap3A_273 : i32 to index
        %swap3A_276 = arith.index_cast %mul3A_189 : i32 to index
        %swap3A_277 = tpu.vector_load %arg7[%swap3A_274, %swap3A_275, %swap3A_276] {strides = array<i32>} : memref<2x64x128xf32, #tpu.memory_space<vmem>>, vector<16xf32>,
        tpu.vector_store %arg7[%swap3A_274, %swap3A_275, %swap3A_276], %gather3A_196 {strides = array<i32>} : memref<2x64x128xf32, #tpu.memory_space<vmem>>, vector<16xf32>,
        %add3A_278 = arith.constant 16 : i32
        %add3A_279 = vector.broadcast %add3A_278 : i32 to vector<16xi32>
        %add3A_280 = arith.addi %mul3A_187, %add3A_279 : vector<16xi32>
        %add3A_281 = arith.constant 2 : i32
        %add3A_282 = vector.broadcast %add3A_281 : i32 to vector<16xi32>
        %add3A_283 = arith.addi %add3A_280, %add3A_282 : vector<16xi32>
        %gather3A_284 = tpu.vector_load_idx %arg6[%add3A_283] : memref<65000xf32, #tpu.memory_space<vmem>>[vector<16xi32>], vector<16xf32>,
        %swap3A_285 = arith.constant 0 : i32
        %swap3A_286 = arith.constant 2 : i32
        %swap3A_287 = arith.index_cast %swap3A_285 : i32 to index
        %swap3A_288 = arith.index_cast %swap3A_286 : i32 to index
        %swap3A_289 = arith.index_cast %mul3A_189 : i32 to index
        %swap3A_290 = tpu.vector_load %arg7[%swap3A_287, %swap3A_288, %swap3A_289] {strides = array<i32>} : memref<2x64x128xf32, #tpu.memory_space<vmem>>, vector<16xf32>,
        tpu.vector_store %arg7[%swap3A_287, %swap3A_288, %swap3A_289], %gather3A_200 {strides = array<i32>} : memref<2x64x128xf32, #tpu.memory_space<vmem>>, vector<16xf32>,
        %add3A_291 = arith.constant 16 : i32
        %add3A_292 = vector.broadcast %add3A_291 : i32 to vector<16xi32>
        %add3A_293 = arith.addi %mul3A_187, %add3A_292 : vector<16xi32>
        %add3A_294 = arith.constant 3 : i32
        %add3A_295 = vector.broadcast %add3A_294 : i32 to vector<16xi32>
        %add3A_296 = arith.addi %add3A_293, %add3A_295 : vector<16xi32>
        %gather3A_297 = tpu.vector_load_idx %arg6[%add3A_296] : memref<65000xf32, #tpu.memory_space<vmem>>[vector<16xi32>], vector<16xf32>,
        %swap3A_298 = arith.constant 0 : i32
        %swap3A_299 = arith.constant 3 : i32
        %swap3A_300 = arith.index_cast %swap3A_298 : i32 to index
        %swap3A_301 = arith.index_cast %swap3A_299 : i32 to index
        %swap3A_302 = arith.index_cast %mul3A_189 : i32 to index
        %swap3A_303 = tpu.vector_load %arg7[%swap3A_300, %swap3A_301, %swap3A_302] {strides = array<i32>} : memref<2x64x128xf32, #tpu.memory_space<vmem>>, vector<16xf32>,
        tpu.vector_store %arg7[%swap3A_300, %swap3A_301, %swap3A_302], %gather3A_204 {strides = array<i32>} : memref<2x64x128xf32, #tpu.memory_space<vmem>>, vector<16xf32>,
        %add3A_304 = arith.constant 16 : i32
        %add3A_305 = vector.broadcast %add3A_304 : i32 to vector<16xi32>
        %add3A_306 = arith.addi %mul3A_187, %add3A_305 : vector<16xi32>
        %add3A_307 = arith.constant 4 : i32
        %add3A_308 = vector.broadcast %add3A_307 : i32 to vector<16xi32>
        %add3A_309 = arith.addi %add3A_306, %add3A_308 : vector<16xi32>
        %gather3A_310 = tpu.vector_load_idx %arg6[%add3A_309] : memref<65000xf32, #tpu.memory_space<vmem>>[vector<16xi32>], vector<16xf32>,
        %swap3A_311 = arith.constant 0 : i32
        %swap3A_312 = arith.constant 4 : i32
        %swap3A_313 = arith.index_cast %swap3A_311 : i32 to index
        %swap3A_314 = arith.index_cast %swap3A_312 : i32 to index
        %swap3A_315 = arith.index_cast %mul3A_189 : i32 to index
        %swap3A_316 = tpu.vector_load %arg7[%swap3A_313, %swap3A_314, %swap3A_315] {strides = array<i32>} : memref<2x64x128xf32, #tpu.memory_space<vmem>>, vector<16xf32>,
        tpu.vector_store %arg7[%swap3A_313, %swap3A_314, %swap3A_315], %gather3A_208 {strides = array<i32>} : memref<2x64x128xf32, #tpu.memory_space<vmem>>, vector<16xf32>,
        %add3A_317 = arith.constant 16 : i32
        %add3A_318 = vector.broadcast %add3A_317 : i32 to vector<16xi32>
        %add3A_319 = arith.addi %mul3A_187, %add3A_318 : vector<16xi32>
        %add3A_320 = arith.constant 5 : i32
        %add3A_321 = vector.broadcast %add3A_320 : i32 to vector<16xi32>
        %add3A_322 = arith.addi %add3A_319, %add3A_321 : vector<16xi32>
        %gather3A_323 = tpu.vector_load_idx %arg6[%add3A_322] : memref<65000xf32, #tpu.memory_space<vmem>>[vector<16xi32>], vector<16xf32>,
        %swap3A_324 = arith.constant 0 : i32
        %swap3A_325 = arith.constant 5 : i32
        %swap3A_326 = arith.index_cast %swap3A_324 : i32 to index
        %swap3A_327 = arith.index_cast %swap3A_325 : i32 to index
        %swap3A_328 = arith.index_cast %mul3A_189 : i32 to index
        %swap3A_329 = tpu.vector_load %arg7[%swap3A_326, %swap3A_327, %swap3A_328] {strides = array<i32>} : memref<2x64x128xf32, #tpu.memory_space<vmem>>, vector<16xf32>,
        tpu.vector_store %arg7[%swap3A_326, %swap3A_327, %swap3A_328], %gather3A_212 {strides = array<i32>} : memref<2x64x128xf32, #tpu.memory_space<vmem>>, vector<16xf32>,
        %add3A_330 = arith.constant 16 : i32
        %add3A_331 = vector.broadcast %add3A_330 : i32 to vector<16xi32>
        %add3A_332 = arith.addi %mul3A_187, %add3A_331 : vector<16xi32>
        %add3A_333 = arith.constant 6 : i32
        %add3A_334 = vector.broadcast %add3A_333 : i32 to vector<16xi32>
        %add3A_335 = arith.addi %add3A_332, %add3A_334 : vector<16xi32>
        %gather3A_336 = tpu.vector_load_idx %arg6[%add3A_335] : memref<65000xf32, #tpu.memory_space<vmem>>[vector<16xi32>], vector<16xf32>,
        %swap3A_337 = arith.constant 0 : i32
        %swap3A_338 = arith.constant 6 : i32
        %swap3A_339 = arith.index_cast %swap3A_337 : i32 to index
        %swap3A_340 = arith.index_cast %swap3A_338 : i32 to index
        %swap3A_341 = arith.index_cast %mul3A_189 : i32 to index
        %swap3A_342 = tpu.vector_load %arg7[%swap3A_339, %swap3A_340, %swap3A_341] {strides = array<i32>} : memref<2x64x128xf32, #tpu.memory_space<vmem>>, vector<16xf32>,
        tpu.vector_store %arg7[%swap3A_339, %swap3A_340, %swap3A_341], %gather3A_216 {strides = array<i32>} : memref<2x64x128xf32, #tpu.memory_space<vmem>>, vector<16xf32>,
        %add3A_343 = arith.constant 16 : i32
        %add3A_344 = vector.broadcast %add3A_343 : i32 to vector<16xi32>
        %add3A_345 = arith.addi %mul3A_187, %add3A_344 : vector<16xi32>
        %add3A_346 = arith.constant 7 : i32
        %add3A_347 = vector.broadcast %add3A_346 : i32 to vector<16xi32>
        %add3A_348 = arith.addi %add3A_345, %add3A_347 : vector<16xi32>
        %gather3A_349 = tpu.vector_load_idx %arg6[%add3A_348] : memref<65000xf32, #tpu.memory_space<vmem>>[vector<16xi32>], vector<16xf32>,
        %swap3A_350 = arith.constant 0 : i32
        %swap3A_351 = arith.constant 7 : i32
        %swap3A_352 = arith.index_cast %swap3A_350 : i32 to index
        %swap3A_353 = arith.index_cast %swap3A_351 : i32 to index
        %swap3A_354 = arith.index_cast %mul3A_189 : i32 to index
        %swap3A_355 = tpu.vector_load %arg7[%swap3A_352, %swap3A_353, %swap3A_354] {strides = array<i32>} : memref<2x64x128xf32, #tpu.memory_space<vmem>>, vector<16xf32>,
        tpu.vector_store %arg7[%swap3A_352, %swap3A_353, %swap3A_354], %gather3A_220 {strides = array<i32>} : memref<2x64x128xf32, #tpu.memory_space<vmem>>, vector<16xf32>,
        %add3A_356 = arith.constant 16 : i32
        %add3A_357 = vector.broadcast %add3A_356 : i32 to vector<16xi32>
        %add3A_358 = arith.addi %mul3A_187, %add3A_357 : vector<16xi32>
        %add3A_359 = arith.constant 8 : i32
        %add3A_360 = vector.broadcast %add3A_359 : i32 to vector<16xi32>
        %add3A_361 = arith.addi %add3A_358, %add3A_360 : vector<16xi32>
        %gather3A_362 = tpu.vector_load_idx %arg6[%add3A_361] : memref<65000xf32, #tpu.memory_space<vmem>>[vector<16xi32>], vector<16xf32>,
        %swap3A_363 = arith.constant 0 : i32
        %swap3A_364 = arith.constant 8 : i32
        %swap3A_365 = arith.index_cast %swap3A_363 : i32 to index
        %swap3A_366 = arith.index_cast %swap3A_364 : i32 to index
        %swap3A_367 = arith.index_cast %mul3A_189 : i32 to index
        %swap3A_368 = tpu.vector_load %arg7[%swap3A_365, %swap3A_366, %swap3A_367] {strides = array<i32>} : memref<2x64x128xf32, #tpu.memory_space<vmem>>, vector<16xf32>,
        tpu.vector_store %arg7[%swap3A_365, %swap3A_366, %swap3A_367], %gather3A_224 {strides = array<i32>} : memref<2x64x128xf32, #tpu.memory_space<vmem>>, vector<16xf32>,
        %add3A_369 = arith.constant 16 : i32
        %add3A_370 = vector.broadcast %add3A_369 : i32 to vector<16xi32>
        %add3A_371 = arith.addi %mul3A_187, %add3A_370 : vector<16xi32>
        %add3A_372 = arith.constant 9 : i32
        %add3A_373 = vector.broadcast %add3A_372 : i32 to vector<16xi32>
        %add3A_374 = arith.addi %add3A_371, %add3A_373 : vector<16xi32>
        %gather3A_375 = tpu.vector_load_idx %arg6[%add3A_374] : memref<65000xf32, #tpu.memory_space<vmem>>[vector<16xi32>], vector<16xf32>,
        %swap3A_376 = arith.constant 0 : i32
        %swap3A_377 = arith.constant 9 : i32
        %swap3A_378 = arith.index_cast %swap3A_376 : i32 to index
        %swap3A_379 = arith.index_cast %swap3A_377 : i32 to index
        %swap3A_380 = arith.index_cast %mul3A_189 : i32 to index
        %swap3A_381 = tpu.vector_load %arg7[%swap3A_378, %swap3A_379, %swap3A_380] {strides = array<i32>} : memref<2x64x128xf32, #tpu.memory_space<vmem>>, vector<16xf32>,
        tpu.vector_store %arg7[%swap3A_378, %swap3A_379, %swap3A_380], %gather3A_228 {strides = array<i32>} : memref<2x64x128xf32, #tpu.memory_space<vmem>>, vector<16xf32>,
        %add3A_382 = arith.constant 16 : i32
        %add3A_383 = vector.broadcast %add3A_382 : i32 to vector<16xi32>
        %add3A_384 = arith.addi %mul3A_187, %add3A_383 : vector<16xi32>
        %add3A_385 = arith.constant 10 : i32
        %add3A_386 = vector.broadcast %add3A_385 : i32 to vector<16xi32>
        %add3A_387 = arith.addi %add3A_384, %add3A_386 : vector<16xi32>
        %gather3A_388 = tpu.vector_load_idx %arg6[%add3A_387] : memref<65000xf32, #tpu.memory_space<vmem>>[vector<16xi32>], vector<16xf32>,
        %swap3A_389 = arith.constant 0 : i32
        %swap3A_390 = arith.constant 10 : i32
        %swap3A_391 = arith.index_cast %swap3A_389 : i32 to index
        %swap3A_392 = arith.index_cast %swap3A_390 : i32 to index
        %swap3A_393 = arith.index_cast %mul3A_189 : i32 to index
        %swap3A_394 = tpu.vector_load %arg7[%swap3A_391, %swap3A_392, %swap3A_393] {strides = array<i32>} : memref<2x64x128xf32, #tpu.memory_space<vmem>>, vector<16xf32>,
        tpu.vector_store %arg7[%swap3A_391, %swap3A_392, %swap3A_393], %gather3A_232 {strides = array<i32>} : memref<2x64x128xf32, #tpu.memory_space<vmem>>, vector<16xf32>,
        %add3A_395 = arith.constant 16 : i32
        %add3A_396 = vector.broadcast %add3A_395 : i32 to vector<16xi32>
        %add3A_397 = arith.addi %mul3A_187, %add3A_396 : vector<16xi32>
        %add3A_398 = arith.constant 11 : i32
        %add3A_399 = vector.broadcast %add3A_398 : i32 to vector<16xi32>
        %add3A_400 = arith.addi %add3A_397, %add3A_399 : vector<16xi32>
        %gather3A_401 = tpu.vector_load_idx %arg6[%add3A_400] : memref<65000xf32, #tpu.memory_space<vmem>>[vector<16xi32>], vector<16xf32>,
        %swap3A_402 = arith.constant 0 : i32
        %swap3A_403 = arith.constant 11 : i32
        %swap3A_404 = arith.index_cast %swap3A_402 : i32 to index
        %swap3A_405 = arith.index_cast %swap3A_403 : i32 to index
        %swap3A_406 = arith.index_cast %mul3A_189 : i32 to index
        %swap3A_407 = tpu.vector_load %arg7[%swap3A_404, %swap3A_405, %swap3A_406] {strides = array<i32>} : memref<2x64x128xf32, #tpu.memory_space<vmem>>, vector<16xf32>,
        tpu.vector_store %arg7[%swap3A_404, %swap3A_405, %swap3A_406], %gather3A_236 {strides = array<i32>} : memref<2x64x128xf32, #tpu.memory_space<vmem>>, vector<16xf32>,
        %add3A_408 = arith.constant 16 : i32
        %add3A_409 = vector.broadcast %add3A_408 : i32 to vector<16xi32>
        %add3A_410 = arith.addi %mul3A_187, %add3A_409 : vector<16xi32>
        %add3A_411 = arith.constant 12 : i32
        %add3A_412 = vector.broadcast %add3A_411 : i32 to vector<16xi32>
        %add3A_413 = arith.addi %add3A_410, %add3A_412 : vector<16xi32>
        %gather3A_414 = tpu.vector_load_idx %arg6[%add3A_413] : memref<65000xf32, #tpu.memory_space<vmem>>[vector<16xi32>], vector<16xf32>,
        %swap3A_415 = arith.constant 0 : i32
        %swap3A_416 = arith.constant 12 : i32
        %swap3A_417 = arith.index_cast %swap3A_415 : i32 to index
        %swap3A_418 = arith.index_cast %swap3A_416 : i32 to index
        %swap3A_419 = arith.index_cast %mul3A_189 : i32 to index
        %swap3A_420 = tpu.vector_load %arg7[%swap3A_417, %swap3A_418, %swap3A_419] {strides = array<i32>} : memref<2x64x128xf32, #tpu.memory_space<vmem>>, vector<16xf32>,
        tpu.vector_store %arg7[%swap3A_417, %swap3A_418, %swap3A_419], %gather3A_240 {strides = array<i32>} : memref<2x64x128xf32, #tpu.memory_space<vmem>>, vector<16xf32>,
        %add3A_421 = arith.constant 16 : i32
        %add3A_422 = vector.broadcast %add3A_421 : i32 to vector<16xi32>
        %add3A_423 = arith.addi %mul3A_187, %add3A_422 : vector<16xi32>
        %add3A_424 = arith.constant 13 : i32
        %add3A_425 = vector.broadcast %add3A_424 : i32 to vector<16xi32>
        %add3A_426 = arith.addi %add3A_423, %add3A_425 : vector<16xi32>
        %gather3A_427 = tpu.vector_load_idx %arg6[%add3A_426] : memref<65000xf32, #tpu.memory_space<vmem>>[vector<16xi32>], vector<16xf32>,
        %swap3A_428 = arith.constant 0 : i32
        %swap3A_429 = arith.constant 13 : i32
        %swap3A_430 = arith.index_cast %swap3A_428 : i32 to index
        %swap3A_431 = arith.index_cast %swap3A_429 : i32 to index
        %swap3A_432 = arith.index_cast %mul3A_189 : i32 to index
        %swap3A_433 = tpu.vector_load %arg7[%swap3A_430, %swap3A_431, %swap3A_432] {strides = array<i32>} : memref<2x64x128xf32, #tpu.memory_space<vmem>>, vector<16xf32>,
        tpu.vector_store %arg7[%swap3A_430, %swap3A_431, %swap3A_432], %gather3A_244 {strides = array<i32>} : memref<2x64x128xf32, #tpu.memory_space<vmem>>, vector<16xf32>,
        %add3A_434 = arith.constant 16 : i32
        %add3A_435 = vector.broadcast %add3A_434 : i32 to vector<16xi32>
        %add3A_436 = arith.addi %mul3A_187, %add3A_435 : vector<16xi32>
        %add3A_437 = arith.constant 14 : i32
        %add3A_438 = vector.broadcast %add3A_437 : i32 to vector<16xi32>
        %add3A_439 = arith.addi %add3A_436, %add3A_438 : vector<16xi32>
        %gather3A_440 = tpu.vector_load_idx %arg6[%add3A_439] : memref<65000xf32, #tpu.memory_space<vmem>>[vector<16xi32>], vector<16xf32>,
        %swap3A_441 = arith.constant 0 : i32
        %swap3A_442 = arith.constant 14 : i32
        %swap3A_443 = arith.index_cast %swap3A_441 : i32 to index
        %swap3A_444 = arith.index_cast %swap3A_442 : i32 to index
        %swap3A_445 = arith.index_cast %mul3A_189 : i32 to index
        %swap3A_446 = tpu.vector_load %arg7[%swap3A_443, %swap3A_444, %swap3A_445] {strides = array<i32>} : memref<2x64x128xf32, #tpu.memory_space<vmem>>, vector<16xf32>,
        tpu.vector_store %arg7[%swap3A_443, %swap3A_444, %swap3A_445], %gather3A_248 {strides = array<i32>} : memref<2x64x128xf32, #tpu.memory_space<vmem>>, vector<16xf32>,
        %add3A_447 = arith.constant 16 : i32
        %add3A_448 = vector.broadcast %add3A_447 : i32 to vector<16xi32>
        %add3A_449 = arith.addi %mul3A_187, %add3A_448 : vector<16xi32>
        %add3A_450 = arith.constant 15 : i32
        %add3A_451 = vector.broadcast %add3A_450 : i32 to vector<16xi32>
        %add3A_452 = arith.addi %add3A_449, %add3A_451 : vector<16xi32>
        %gather3A_453 = tpu.vector_load_idx %arg6[%add3A_452] : memref<65000xf32, #tpu.memory_space<vmem>>[vector<16xi32>], vector<16xf32>,
        %swap3A_454 = arith.constant 0 : i32
        %swap3A_455 = arith.constant 15 : i32
        %swap3A_456 = arith.index_cast %swap3A_454 : i32 to index
        %swap3A_457 = arith.index_cast %swap3A_455 : i32 to index
        %swap3A_458 = arith.index_cast %mul3A_189 : i32 to index
        %swap3A_459 = tpu.vector_load %arg7[%swap3A_456, %swap3A_457, %swap3A_458] {strides = array<i32>} : memref<2x64x128xf32, #tpu.memory_space<vmem>>, vector<16xf32>,
        tpu.vector_store %arg7[%swap3A_456, %swap3A_457, %swap3A_458], %gather3A_252 {strides = array<i32>} : memref<2x64x128xf32, #tpu.memory_space<vmem>>, vector<16xf32>,
        %add3A_460 = arith.constant 32 : i32
        %add3A_461 = vector.broadcast %add3A_460 : i32 to vector<16xi32>
        %add3A_462 = arith.addi %mul3A_187, %add3A_461 : vector<16xi32>
        %add3A_463 = arith.constant 0 : i32
        %add3A_464 = vector.broadcast %add3A_463 : i32 to vector<16xi32>
        %add3A_465 = arith.addi %add3A_462, %add3A_464 : vector<16xi32>
        %gather3A_466 = tpu.vector_load_idx %arg6[%add3A_465] : memref<65000xf32, #tpu.memory_space<vmem>>[vector<16xi32>], vector<16xf32>,
        %swap3A_467 = arith.constant 0 : i32
        %swap3A_468 = arith.constant 16 : i32
        %swap3A_469 = arith.index_cast %swap3A_467 : i32 to index
        %swap3A_470 = arith.index_cast %swap3A_468 : i32 to index
        %swap3A_471 = arith.index_cast %mul3A_189 : i32 to index
        %swap3A_472 = tpu.vector_load %arg7[%swap3A_469, %swap3A_470, %swap3A_471] {strides = array<i32>} : memref<2x64x128xf32, #tpu.memory_space<vmem>>, vector<16xf32>,
        tpu.vector_store %arg7[%swap3A_469, %swap3A_470, %swap3A_471], %gather3A_259 {strides = array<i32>} : memref<2x64x128xf32, #tpu.memory_space<vmem>>, vector<16xf32>,
        %add3A_473 = arith.constant 32 : i32
        %add3A_474 = vector.broadcast %add3A_473 : i32 to vector<16xi32>
        %add3A_475 = arith.addi %mul3A_187, %add3A_474 : vector<16xi32>
        %add3A_476 = arith.constant 1 : i32
        %add3A_477 = vector.broadcast %add3A_476 : i32 to vector<16xi32>
        %add3A_478 = arith.addi %add3A_475, %add3A_477 : vector<16xi32>
        %gather3A_479 = tpu.vector_load_idx %arg6[%add3A_478] : memref<65000xf32, #tpu.memory_space<vmem>>[vector<16xi32>], vector<16xf32>,
        %swap3A_480 = arith.constant 0 : i32
        %swap3A_481 = arith.constant 17 : i32
        %swap3A_482 = arith.index_cast %swap3A_480 : i32 to index
        %swap3A_483 = arith.index_cast %swap3A_481 : i32 to index
        %swap3A_484 = arith.index_cast %mul3A_189 : i32 to index
        %swap3A_485 = tpu.vector_load %arg7[%swap3A_482, %swap3A_483, %swap3A_484] {strides = array<i32>} : memref<2x64x128xf32, #tpu.memory_space<vmem>>, vector<16xf32>,
        tpu.vector_store %arg7[%swap3A_482, %swap3A_483, %swap3A_484], %gather3A_271 {strides = array<i32>} : memref<2x64x128xf32, #tpu.memory_space<vmem>>, vector<16xf32>,
        %add3A_486 = arith.constant 32 : i32
        %add3A_487 = vector.broadcast %add3A_486 : i32 to vector<16xi32>
        %add3A_488 = arith.addi %mul3A_187, %add3A_487 : vector<16xi32>
        %add3A_489 = arith.constant 2 : i32
        %add3A_490 = vector.broadcast %add3A_489 : i32 to vector<16xi32>
        %add3A_491 = arith.addi %add3A_488, %add3A_490 : vector<16xi32>
        %gather3A_492 = tpu.vector_load_idx %arg6[%add3A_491] : memref<65000xf32, #tpu.memory_space<vmem>>[vector<16xi32>], vector<16xf32>,
        %swap3A_493 = arith.constant 0 : i32
        %swap3A_494 = arith.constant 18 : i32
        %swap3A_495 = arith.index_cast %swap3A_493 : i32 to index
        %swap3A_496 = arith.index_cast %swap3A_494 : i32 to index
        %swap3A_497 = arith.index_cast %mul3A_189 : i32 to index
        %swap3A_498 = tpu.vector_load %arg7[%swap3A_495, %swap3A_496, %swap3A_497] {strides = array<i32>} : memref<2x64x128xf32, #tpu.memory_space<vmem>>, vector<16xf32>,
        tpu.vector_store %arg7[%swap3A_495, %swap3A_496, %swap3A_497], %gather3A_284 {strides = array<i32>} : memref<2x64x128xf32, #tpu.memory_space<vmem>>, vector<16xf32>,
        %add3A_499 = arith.constant 32 : i32
        %add3A_500 = vector.broadcast %add3A_499 : i32 to vector<16xi32>
        %add3A_501 = arith.addi %mul3A_187, %add3A_500 : vector<16xi32>
        %add3A_502 = arith.constant 3 : i32
        %add3A_503 = vector.broadcast %add3A_502 : i32 to vector<16xi32>
        %add3A_504 = arith.addi %add3A_501, %add3A_503 : vector<16xi32>
        %gather3A_505 = tpu.vector_load_idx %arg6[%add3A_504] : memref<65000xf32, #tpu.memory_space<vmem>>[vector<16xi32>], vector<16xf32>,
        %swap3A_506 = arith.constant 0 : i32
        %swap3A_507 = arith.constant 19 : i32
        %swap3A_508 = arith.index_cast %swap3A_506 : i32 to index
        %swap3A_509 = arith.index_cast %swap3A_507 : i32 to index
        %swap3A_510 = arith.index_cast %mul3A_189 : i32 to index
        %swap3A_511 = tpu.vector_load %arg7[%swap3A_508, %swap3A_509, %swap3A_510] {strides = array<i32>} : memref<2x64x128xf32, #tpu.memory_space<vmem>>, vector<16xf32>,
        tpu.vector_store %arg7[%swap3A_508, %swap3A_509, %swap3A_510], %gather3A_297 {strides = array<i32>} : memref<2x64x128xf32, #tpu.memory_space<vmem>>, vector<16xf32>,
        %add3A_512 = arith.constant 32 : i32
        %add3A_513 = vector.broadcast %add3A_512 : i32 to vector<16xi32>
        %add3A_514 = arith.addi %mul3A_187, %add3A_513 : vector<16xi32>
        %add3A_515 = arith.constant 4 : i32
        %add3A_516 = vector.broadcast %add3A_515 : i32 to vector<16xi32>
        %add3A_517 = arith.addi %add3A_514, %add3A_516 : vector<16xi32>
        %gather3A_518 = tpu.vector_load_idx %arg6[%add3A_517] : memref<65000xf32, #tpu.memory_space<vmem>>[vector<16xi32>], vector<16xf32>,
        %swap3A_519 = arith.constant 0 : i32
        %swap3A_520 = arith.constant 20 : i32
        %swap3A_521 = arith.index_cast %swap3A_519 : i32 to index
        %swap3A_522 = arith.index_cast %swap3A_520 : i32 to index
        %swap3A_523 = arith.index_cast %mul3A_189 : i32 to index
        %swap3A_524 = tpu.vector_load %arg7[%swap3A_521, %swap3A_522, %swap3A_523] {strides = array<i32>} : memref<2x64x128xf32, #tpu.memory_space<vmem>>, vector<16xf32>,
        tpu.vector_store %arg7[%swap3A_521, %swap3A_522, %swap3A_523], %gather3A_310 {strides = array<i32>} : memref<2x64x128xf32, #tpu.memory_space<vmem>>, vector<16xf32>,
        %add3A_525 = arith.constant 32 : i32
        %add3A_526 = vector.broadcast %add3A_525 : i32 to vector<16xi32>
        %add3A_527 = arith.addi %mul3A_187, %add3A_526 : vector<16xi32>
        %add3A_528 = arith.constant 5 : i32
        %add3A_529 = vector.broadcast %add3A_528 : i32 to vector<16xi32>
        %add3A_530 = arith.addi %add3A_527, %add3A_529 : vector<16xi32>
        %gather3A_531 = tpu.vector_load_idx %arg6[%add3A_530] : memref<65000xf32, #tpu.memory_space<vmem>>[vector<16xi32>], vector<16xf32>,
        %swap3A_532 = arith.constant 0 : i32
        %swap3A_533 = arith.constant 21 : i32
        %swap3A_534 = arith.index_cast %swap3A_532 : i32 to index
        %swap3A_535 = arith.index_cast %swap3A_533 : i32 to index
        %swap3A_536 = arith.index_cast %mul3A_189 : i32 to index
        %swap3A_537 = tpu.vector_load %arg7[%swap3A_534, %swap3A_535, %swap3A_536] {strides = array<i32>} : memref<2x64x128xf32, #tpu.memory_space<vmem>>, vector<16xf32>,
        tpu.vector_store %arg7[%swap3A_534, %swap3A_535, %swap3A_536], %gather3A_323 {strides = array<i32>} : memref<2x64x128xf32, #tpu.memory_space<vmem>>, vector<16xf32>,
        %add3A_538 = arith.constant 32 : i32
        %add3A_539 = vector.broadcast %add3A_538 : i32 to vector<16xi32>
        %add3A_540 = arith.addi %mul3A_187, %add3A_539 : vector<16xi32>
        %add3A_541 = arith.constant 6 : i32
        %add3A_542 = vector.broadcast %add3A_541 : i32 to vector<16xi32>
        %add3A_543 = arith.addi %add3A_540, %add3A_542 : vector<16xi32>
        %gather3A_544 = tpu.vector_load_idx %arg6[%add3A_543] : memref<65000xf32, #tpu.memory_space<vmem>>[vector<16xi32>], vector<16xf32>,
        %swap3A_545 = arith.constant 0 : i32
        %swap3A_546 = arith.constant 22 : i32
        %swap3A_547 = arith.index_cast %swap3A_545 : i32 to index
        %swap3A_548 = arith.index_cast %swap3A_546 : i32 to index
        %swap3A_549 = arith.index_cast %mul3A_189 : i32 to index
        %swap3A_550 = tpu.vector_load %arg7[%swap3A_547, %swap3A_548, %swap3A_549] {strides = array<i32>} : memref<2x64x128xf32, #tpu.memory_space<vmem>>, vector<16xf32>,
        tpu.vector_store %arg7[%swap3A_547, %swap3A_548, %swap3A_549], %gather3A_336 {strides = array<i32>} : memref<2x64x128xf32, #tpu.memory_space<vmem>>, vector<16xf32>,
        %add3A_551 = arith.constant 32 : i32
        %add3A_552 = vector.broadcast %add3A_551 : i32 to vector<16xi32>
        %add3A_553 = arith.addi %mul3A_187, %add3A_552 : vector<16xi32>
        %add3A_554 = arith.constant 7 : i32
        %add3A_555 = vector.broadcast %add3A_554 : i32 to vector<16xi32>
        %add3A_556 = arith.addi %add3A_553, %add3A_555 : vector<16xi32>
        %gather3A_557 = tpu.vector_load_idx %arg6[%add3A_556] : memref<65000xf32, #tpu.memory_space<vmem>>[vector<16xi32>], vector<16xf32>,
        %swap3A_558 = arith.constant 0 : i32
        %swap3A_559 = arith.constant 23 : i32
        %swap3A_560 = arith.index_cast %swap3A_558 : i32 to index
        %swap3A_561 = arith.index_cast %swap3A_559 : i32 to index
        %swap3A_562 = arith.index_cast %mul3A_189 : i32 to index
        %swap3A_563 = tpu.vector_load %arg7[%swap3A_560, %swap3A_561, %swap3A_562] {strides = array<i32>} : memref<2x64x128xf32, #tpu.memory_space<vmem>>, vector<16xf32>,
        tpu.vector_store %arg7[%swap3A_560, %swap3A_561, %swap3A_562], %gather3A_349 {strides = array<i32>} : memref<2x64x128xf32, #tpu.memory_space<vmem>>, vector<16xf32>,
        %add3A_564 = arith.constant 32 : i32
        %add3A_565 = vector.broadcast %add3A_564 : i32 to vector<16xi32>
        %add3A_566 = arith.addi %mul3A_187, %add3A_565 : vector<16xi32>
        %add3A_567 = arith.constant 8 : i32
        %add3A_568 = vector.broadcast %add3A_567 : i32 to vector<16xi32>
        %add3A_569 = arith.addi %add3A_566, %add3A_568 : vector<16xi32>
        %gather3A_570 = tpu.vector_load_idx %arg6[%add3A_569] : memref<65000xf32, #tpu.memory_space<vmem>>[vector<16xi32>], vector<16xf32>,
        %swap3A_571 = arith.constant 0 : i32
        %swap3A_572 = arith.constant 24 : i32
        %swap3A_573 = arith.index_cast %swap3A_571 : i32 to index
        %swap3A_574 = arith.index_cast %swap3A_572 : i32 to index
        %swap3A_575 = arith.index_cast %mul3A_189 : i32 to index
        %swap3A_576 = tpu.vector_load %arg7[%swap3A_573, %swap3A_574, %swap3A_575] {strides = array<i32>} : memref<2x64x128xf32, #tpu.memory_space<vmem>>, vector<16xf32>,
        tpu.vector_store %arg7[%swap3A_573, %swap3A_574, %swap3A_575], %gather3A_362 {strides = array<i32>} : memref<2x64x128xf32, #tpu.memory_space<vmem>>, vector<16xf32>,
        %add3A_577 = arith.constant 32 : i32
        %add3A_578 = vector.broadcast %add3A_577 : i32 to vector<16xi32>
        %add3A_579 = arith.addi %mul3A_187, %add3A_578 : vector<16xi32>
        %add3A_580 = arith.constant 9 : i32
        %add3A_581 = vector.broadcast %add3A_580 : i32 to vector<16xi32>
        %add3A_582 = arith.addi %add3A_579, %add3A_581 : vector<16xi32>
        %gather3A_583 = tpu.vector_load_idx %arg6[%add3A_582] : memref<65000xf32, #tpu.memory_space<vmem>>[vector<16xi32>], vector<16xf32>,
        %swap3A_584 = arith.constant 0 : i32
        %swap3A_585 = arith.constant 25 : i32
        %swap3A_586 = arith.index_cast %swap3A_584 : i32 to index
        %swap3A_587 = arith.index_cast %swap3A_585 : i32 to index
        %swap3A_588 = arith.index_cast %mul3A_189 : i32 to index
        %swap3A_589 = tpu.vector_load %arg7[%swap3A_586, %swap3A_587, %swap3A_588] {strides = array<i32>} : memref<2x64x128xf32, #tpu.memory_space<vmem>>, vector<16xf32>,
        tpu.vector_store %arg7[%swap3A_586, %swap3A_587, %swap3A_588], %gather3A_375 {strides = array<i32>} : memref<2x64x128xf32, #tpu.memory_space<vmem>>, vector<16xf32>,
        %add3A_590 = arith.constant 32 : i32
        %add3A_591 = vector.broadcast %add3A_590 : i32 to vector<16xi32>
        %add3A_592 = arith.addi %mul3A_187, %add3A_591 : vector<16xi32>
        %add3A_593 = arith.constant 10 : i32
        %add3A_594 = vector.broadcast %add3A_593 : i32 to vector<16xi32>
        %add3A_595 = arith.addi %add3A_592, %add3A_594 : vector<16xi32>
        %gather3A_596 = tpu.vector_load_idx %arg6[%add3A_595] : memref<65000xf32, #tpu.memory_space<vmem>>[vector<16xi32>], vector<16xf32>,
        %swap3A_597 = arith.constant 0 : i32
        %swap3A_598 = arith.constant 26 : i32
        %swap3A_599 = arith.index_cast %swap3A_597 : i32 to index
        %swap3A_600 = arith.index_cast %swap3A_598 : i32 to index
        %swap3A_601 = arith.index_cast %mul3A_189 : i32 to index
        %swap3A_602 = tpu.vector_load %arg7[%swap3A_599, %swap3A_600, %swap3A_601] {strides = array<i32>} : memref<2x64x128xf32, #tpu.memory_space<vmem>>, vector<16xf32>,
        tpu.vector_store %arg7[%swap3A_599, %swap3A_600, %swap3A_601], %gather3A_388 {strides = array<i32>} : memref<2x64x128xf32, #tpu.memory_space<vmem>>, vector<16xf32>,
        %add3A_603 = arith.constant 32 : i32
        %add3A_604 = vector.broadcast %add3A_603 : i32 to vector<16xi32>
        %add3A_605 = arith.addi %mul3A_187, %add3A_604 : vector<16xi32>
        %add3A_606 = arith.constant 11 : i32
        %add3A_607 = vector.broadcast %add3A_606 : i32 to vector<16xi32>
        %add3A_608 = arith.addi %add3A_605, %add3A_607 : vector<16xi32>
        %gather3A_609 = tpu.vector_load_idx %arg6[%add3A_608] : memref<65000xf32, #tpu.memory_space<vmem>>[vector<16xi32>], vector<16xf32>,
        %swap3A_610 = arith.constant 0 : i32
        %swap3A_611 = arith.constant 27 : i32
        %swap3A_612 = arith.index_cast %swap3A_610 : i32 to index
        %swap3A_613 = arith.index_cast %swap3A_611 : i32 to index
        %swap3A_614 = arith.index_cast %mul3A_189 : i32 to index
        %swap3A_615 = tpu.vector_load %arg7[%swap3A_612, %swap3A_613, %swap3A_614] {strides = array<i32>} : memref<2x64x128xf32, #tpu.memory_space<vmem>>, vector<16xf32>,
        tpu.vector_store %arg7[%swap3A_612, %swap3A_613, %swap3A_614], %gather3A_401 {strides = array<i32>} : memref<2x64x128xf32, #tpu.memory_space<vmem>>, vector<16xf32>,
        %add3A_616 = arith.constant 32 : i32
        %add3A_617 = vector.broadcast %add3A_616 : i32 to vector<16xi32>
        %add3A_618 = arith.addi %mul3A_187, %add3A_617 : vector<16xi32>
        %add3A_619 = arith.constant 12 : i32
        %add3A_620 = vector.broadcast %add3A_619 : i32 to vector<16xi32>
        %add3A_621 = arith.addi %add3A_618, %add3A_620 : vector<16xi32>
        %gather3A_622 = tpu.vector_load_idx %arg6[%add3A_621] : memref<65000xf32, #tpu.memory_space<vmem>>[vector<16xi32>], vector<16xf32>,
        %swap3A_623 = arith.constant 0 : i32
        %swap3A_624 = arith.constant 28 : i32
        %swap3A_625 = arith.index_cast %swap3A_623 : i32 to index
        %swap3A_626 = arith.index_cast %swap3A_624 : i32 to index
        %swap3A_627 = arith.index_cast %mul3A_189 : i32 to index
        %swap3A_628 = tpu.vector_load %arg7[%swap3A_625, %swap3A_626, %swap3A_627] {strides = array<i32>} : memref<2x64x128xf32, #tpu.memory_space<vmem>>, vector<16xf32>,
        tpu.vector_store %arg7[%swap3A_625, %swap3A_626, %swap3A_627], %gather3A_414 {strides = array<i32>} : memref<2x64x128xf32, #tpu.memory_space<vmem>>, vector<16xf32>,
        %add3A_629 = arith.constant 32 : i32
        %add3A_630 = vector.broadcast %add3A_629 : i32 to vector<16xi32>
        %add3A_631 = arith.addi %mul3A_187, %add3A_630 : vector<16xi32>
        %add3A_632 = arith.constant 13 : i32
        %add3A_633 = vector.broadcast %add3A_632 : i32 to vector<16xi32>
        %add3A_634 = arith.addi %add3A_631, %add3A_633 : vector<16xi32>
        %gather3A_635 = tpu.vector_load_idx %arg6[%add3A_634] : memref<65000xf32, #tpu.memory_space<vmem>>[vector<16xi32>], vector<16xf32>,
        %swap3A_636 = arith.constant 0 : i32
        %swap3A_637 = arith.constant 29 : i32
        %swap3A_638 = arith.index_cast %swap3A_636 : i32 to index
        %swap3A_639 = arith.index_cast %swap3A_637 : i32 to index
        %swap3A_640 = arith.index_cast %mul3A_189 : i32 to index
        %swap3A_641 = tpu.vector_load %arg7[%swap3A_638, %swap3A_639, %swap3A_640] {strides = array<i32>} : memref<2x64x128xf32, #tpu.memory_space<vmem>>, vector<16xf32>,
        tpu.vector_store %arg7[%swap3A_638, %swap3A_639, %swap3A_640], %gather3A_427 {strides = array<i32>} : memref<2x64x128xf32, #tpu.memory_space<vmem>>, vector<16xf32>,
        %add3A_642 = arith.constant 32 : i32
        %add3A_643 = vector.broadcast %add3A_642 : i32 to vector<16xi32>
        %add3A_644 = arith.addi %mul3A_187, %add3A_643 : vector<16xi32>
        %add3A_645 = arith.constant 14 : i32
        %add3A_646 = vector.broadcast %add3A_645 : i32 to vector<16xi32>
        %add3A_647 = arith.addi %add3A_644, %add3A_646 : vector<16xi32>
        %gather3A_648 = tpu.vector_load_idx %arg6[%add3A_647] : memref<65000xf32, #tpu.memory_space<vmem>>[vector<16xi32>], vector<16xf32>,
        %swap3A_649 = arith.constant 0 : i32
        %swap3A_650 = arith.constant 30 : i32
        %swap3A_651 = arith.index_cast %swap3A_649 : i32 to index
        %swap3A_652 = arith.index_cast %swap3A_650 : i32 to index
        %swap3A_653 = arith.index_cast %mul3A_189 : i32 to index
        %swap3A_654 = tpu.vector_load %arg7[%swap3A_651, %swap3A_652, %swap3A_653] {strides = array<i32>} : memref<2x64x128xf32, #tpu.memory_space<vmem>>, vector<16xf32>,
        tpu.vector_store %arg7[%swap3A_651, %swap3A_652, %swap3A_653], %gather3A_440 {strides = array<i32>} : memref<2x64x128xf32, #tpu.memory_space<vmem>>, vector<16xf32>,
        %add3A_655 = arith.constant 32 : i32
        %add3A_656 = vector.broadcast %add3A_655 : i32 to vector<16xi32>
        %add3A_657 = arith.addi %mul3A_187, %add3A_656 : vector<16xi32>
        %add3A_658 = arith.constant 15 : i32
        %add3A_659 = vector.broadcast %add3A_658 : i32 to vector<16xi32>
        %add3A_660 = arith.addi %add3A_657, %add3A_659 : vector<16xi32>
        %gather3A_661 = tpu.vector_load_idx %arg6[%add3A_660] : memref<65000xf32, #tpu.memory_space<vmem>>[vector<16xi32>], vector<16xf32>,
        %swap3A_662 = arith.constant 0 : i32
        %swap3A_663 = arith.constant 31 : i32
        %swap3A_664 = arith.index_cast %swap3A_662 : i32 to index
        %swap3A_665 = arith.index_cast %swap3A_663 : i32 to index
        %swap3A_666 = arith.index_cast %mul3A_189 : i32 to index
        %swap3A_667 = tpu.vector_load %arg7[%swap3A_664, %swap3A_665, %swap3A_666] {strides = array<i32>} : memref<2x64x128xf32, #tpu.memory_space<vmem>>, vector<16xf32>,
        tpu.vector_store %arg7[%swap3A_664, %swap3A_665, %swap3A_666], %gather3A_453 {strides = array<i32>} : memref<2x64x128xf32, #tpu.memory_space<vmem>>, vector<16xf32>,
        %add3A_668 = arith.constant 48 : i32
        %add3A_669 = vector.broadcast %add3A_668 : i32 to vector<16xi32>
        %add3A_670 = arith.addi %mul3A_187, %add3A_669 : vector<16xi32>
        %add3A_671 = arith.constant 0 : i32
        %add3A_672 = vector.broadcast %add3A_671 : i32 to vector<16xi32>
        %add3A_673 = arith.addi %add3A_670, %add3A_672 : vector<16xi32>
        %gather3A_674 = tpu.vector_load_idx %arg6[%add3A_673] : memref<65000xf32, #tpu.memory_space<vmem>>[vector<16xi32>], vector<16xf32>,
        %swap3A_675 = arith.constant 0 : i32
        %swap3A_676 = arith.constant 32 : i32
        %swap3A_677 = arith.index_cast %swap3A_675 : i32 to index
        %swap3A_678 = arith.index_cast %swap3A_676 : i32 to index
        %swap3A_679 = arith.index_cast %mul3A_189 : i32 to index
        %swap3A_680 = tpu.vector_load %arg7[%swap3A_677, %swap3A_678, %swap3A_679] {strides = array<i32>} : memref<2x64x128xf32, #tpu.memory_space<vmem>>, vector<16xf32>,
        tpu.vector_store %arg7[%swap3A_677, %swap3A_678, %swap3A_679], %gather3A_466 {strides = array<i32>} : memref<2x64x128xf32, #tpu.memory_space<vmem>>, vector<16xf32>,
        %add3A_681 = arith.constant 48 : i32
        %add3A_682 = vector.broadcast %add3A_681 : i32 to vector<16xi32>
        %add3A_683 = arith.addi %mul3A_187, %add3A_682 : vector<16xi32>
        %add3A_684 = arith.constant 1 : i32
        %add3A_685 = vector.broadcast %add3A_684 : i32 to vector<16xi32>
        %add3A_686 = arith.addi %add3A_683, %add3A_685 : vector<16xi32>
        %gather3A_687 = tpu.vector_load_idx %arg6[%add3A_686] : memref<65000xf32, #tpu.memory_space<vmem>>[vector<16xi32>], vector<16xf32>,
        %swap3A_688 = arith.constant 0 : i32
        %swap3A_689 = arith.constant 33 : i32
        %swap3A_690 = arith.index_cast %swap3A_688 : i32 to index
        %swap3A_691 = arith.index_cast %swap3A_689 : i32 to index
        %swap3A_692 = arith.index_cast %mul3A_189 : i32 to index
        %swap3A_693 = tpu.vector_load %arg7[%swap3A_690, %swap3A_691, %swap3A_692] {strides = array<i32>} : memref<2x64x128xf32, #tpu.memory_space<vmem>>, vector<16xf32>,
        tpu.vector_store %arg7[%swap3A_690, %swap3A_691, %swap3A_692], %gather3A_479 {strides = array<i32>} : memref<2x64x128xf32, #tpu.memory_space<vmem>>, vector<16xf32>,
        %add3A_694 = arith.constant 48 : i32
        %add3A_695 = vector.broadcast %add3A_694 : i32 to vector<16xi32>
        %add3A_696 = arith.addi %mul3A_187, %add3A_695 : vector<16xi32>
        %add3A_697 = arith.constant 2 : i32
        %add3A_698 = vector.broadcast %add3A_697 : i32 to vector<16xi32>
        %add3A_699 = arith.addi %add3A_696, %add3A_698 : vector<16xi32>
        %gather3A_700 = tpu.vector_load_idx %arg6[%add3A_699] : memref<65000xf32, #tpu.memory_space<vmem>>[vector<16xi32>], vector<16xf32>,
        %swap3A_701 = arith.constant 0 : i32
        %swap3A_702 = arith.constant 34 : i32
        %swap3A_703 = arith.index_cast %swap3A_701 : i32 to index
        %swap3A_704 = arith.index_cast %swap3A_702 : i32 to index
        %swap3A_705 = arith.index_cast %mul3A_189 : i32 to index
        %swap3A_706 = tpu.vector_load %arg7[%swap3A_703, %swap3A_704, %swap3A_705] {strides = array<i32>} : memref<2x64x128xf32, #tpu.memory_space<vmem>>, vector<16xf32>,
        tpu.vector_store %arg7[%swap3A_703, %swap3A_704, %swap3A_705], %gather3A_492 {strides = array<i32>} : memref<2x64x128xf32, #tpu.memory_space<vmem>>, vector<16xf32>,
        %add3A_707 = arith.constant 48 : i32
        %add3A_708 = vector.broadcast %add3A_707 : i32 to vector<16xi32>
        %add3A_709 = arith.addi %mul3A_187, %add3A_708 : vector<16xi32>
        %add3A_710 = arith.constant 3 : i32
        %add3A_711 = vector.broadcast %add3A_710 : i32 to vector<16xi32>
        %add3A_712 = arith.addi %add3A_709, %add3A_711 : vector<16xi32>
        %gather3A_713 = tpu.vector_load_idx %arg6[%add3A_712] : memref<65000xf32, #tpu.memory_space<vmem>>[vector<16xi32>], vector<16xf32>,
        %swap3A_714 = arith.constant 0 : i32
        %swap3A_715 = arith.constant 35 : i32
        %swap3A_716 = arith.index_cast %swap3A_714 : i32 to index
        %swap3A_717 = arith.index_cast %swap3A_715 : i32 to index
        %swap3A_718 = arith.index_cast %mul3A_189 : i32 to index
        %swap3A_719 = tpu.vector_load %arg7[%swap3A_716, %swap3A_717, %swap3A_718] {strides = array<i32>} : memref<2x64x128xf32, #tpu.memory_space<vmem>>, vector<16xf32>,
        tpu.vector_store %arg7[%swap3A_716, %swap3A_717, %swap3A_718], %gather3A_505 {strides = array<i32>} : memref<2x64x128xf32, #tpu.memory_space<vmem>>, vector<16xf32>,
        %add3A_720 = arith.constant 48 : i32
        %add3A_721 = vector.broadcast %add3A_720 : i32 to vector<16xi32>
        %add3A_722 = arith.addi %mul3A_187, %add3A_721 : vector<16xi32>
        %add3A_723 = arith.constant 4 : i32
        %add3A_724 = vector.broadcast %add3A_723 : i32 to vector<16xi32>
        %add3A_725 = arith.addi %add3A_722, %add3A_724 : vector<16xi32>
        %gather3A_726 = tpu.vector_load_idx %arg6[%add3A_725] : memref<65000xf32, #tpu.memory_space<vmem>>[vector<16xi32>], vector<16xf32>,
        %swap3A_727 = arith.constant 0 : i32
        %swap3A_728 = arith.constant 36 : i32
        %swap3A_729 = arith.index_cast %swap3A_727 : i32 to index
        %swap3A_730 = arith.index_cast %swap3A_728 : i32 to index
        %swap3A_731 = arith.index_cast %mul3A_189 : i32 to index
        %swap3A_732 = tpu.vector_load %arg7[%swap3A_729, %swap3A_730, %swap3A_731] {strides = array<i32>} : memref<2x64x128xf32, #tpu.memory_space<vmem>>, vector<16xf32>,
        tpu.vector_store %arg7[%swap3A_729, %swap3A_730, %swap3A_731], %gather3A_518 {strides = array<i32>} : memref<2x64x128xf32, #tpu.memory_space<vmem>>, vector<16xf32>,
        %add3A_733 = arith.constant 48 : i32
        %add3A_734 = vector.broadcast %add3A_733 : i32 to vector<16xi32>
        %add3A_735 = arith.addi %mul3A_187, %add3A_734 : vector<16xi32>
        %add3A_736 = arith.constant 5 : i32
        %add3A_737 = vector.broadcast %add3A_736 : i32 to vector<16xi32>
        %add3A_738 = arith.addi %add3A_735, %add3A_737 : vector<16xi32>
        %gather3A_739 = tpu.vector_load_idx %arg6[%add3A_738] : memref<65000xf32, #tpu.memory_space<vmem>>[vector<16xi32>], vector<16xf32>,
        %swap3A_740 = arith.constant 0 : i32
        %swap3A_741 = arith.constant 37 : i32
        %swap3A_742 = arith.index_cast %swap3A_740 : i32 to index
        %swap3A_743 = arith.index_cast %swap3A_741 : i32 to index
        %swap3A_744 = arith.index_cast %mul3A_189 : i32 to index
        %swap3A_745 = tpu.vector_load %arg7[%swap3A_742, %swap3A_743, %swap3A_744] {strides = array<i32>} : memref<2x64x128xf32, #tpu.memory_space<vmem>>, vector<16xf32>,
        tpu.vector_store %arg7[%swap3A_742, %swap3A_743, %swap3A_744], %gather3A_531 {strides = array<i32>} : memref<2x64x128xf32, #tpu.memory_space<vmem>>, vector<16xf32>,
        %add3A_746 = arith.constant 48 : i32
        %add3A_747 = vector.broadcast %add3A_746 : i32 to vector<16xi32>
        %add3A_748 = arith.addi %mul3A_187, %add3A_747 : vector<16xi32>
        %add3A_749 = arith.constant 6 : i32
        %add3A_750 = vector.broadcast %add3A_749 : i32 to vector<16xi32>
        %add3A_751 = arith.addi %add3A_748, %add3A_750 : vector<16xi32>
        %gather3A_752 = tpu.vector_load_idx %arg6[%add3A_751] : memref<65000xf32, #tpu.memory_space<vmem>>[vector<16xi32>], vector<16xf32>,
        %swap3A_753 = arith.constant 0 : i32
        %swap3A_754 = arith.constant 38 : i32
        %swap3A_755 = arith.index_cast %swap3A_753 : i32 to index
        %swap3A_756 = arith.index_cast %swap3A_754 : i32 to index
        %swap3A_757 = arith.index_cast %mul3A_189 : i32 to index
        %swap3A_758 = tpu.vector_load %arg7[%swap3A_755, %swap3A_756, %swap3A_757] {strides = array<i32>} : memref<2x64x128xf32, #tpu.memory_space<vmem>>, vector<16xf32>,
        tpu.vector_store %arg7[%swap3A_755, %swap3A_756, %swap3A_757], %gather3A_544 {strides = array<i32>} : memref<2x64x128xf32, #tpu.memory_space<vmem>>, vector<16xf32>,
        %add3A_759 = arith.constant 48 : i32
        %add3A_760 = vector.broadcast %add3A_759 : i32 to vector<16xi32>
        %add3A_761 = arith.addi %mul3A_187, %add3A_760 : vector<16xi32>
        %add3A_762 = arith.constant 7 : i32
        %add3A_763 = vector.broadcast %add3A_762 : i32 to vector<16xi32>
        %add3A_764 = arith.addi %add3A_761, %add3A_763 : vector<16xi32>
        %gather3A_765 = tpu.vector_load_idx %arg6[%add3A_764] : memref<65000xf32, #tpu.memory_space<vmem>>[vector<16xi32>], vector<16xf32>,
        %swap3A_766 = arith.constant 0 : i32
        %swap3A_767 = arith.constant 39 : i32
        %swap3A_768 = arith.index_cast %swap3A_766 : i32 to index
        %swap3A_769 = arith.index_cast %swap3A_767 : i32 to index
        %swap3A_770 = arith.index_cast %mul3A_189 : i32 to index
        %swap3A_771 = tpu.vector_load %arg7[%swap3A_768, %swap3A_769, %swap3A_770] {strides = array<i32>} : memref<2x64x128xf32, #tpu.memory_space<vmem>>, vector<16xf32>,
        tpu.vector_store %arg7[%swap3A_768, %swap3A_769, %swap3A_770], %gather3A_557 {strides = array<i32>} : memref<2x64x128xf32, #tpu.memory_space<vmem>>, vector<16xf32>,
        %add3A_772 = arith.constant 48 : i32
        %add3A_773 = vector.broadcast %add3A_772 : i32 to vector<16xi32>
        %add3A_774 = arith.addi %mul3A_187, %add3A_773 : vector<16xi32>
        %add3A_775 = arith.constant 8 : i32
        %add3A_776 = vector.broadcast %add3A_775 : i32 to vector<16xi32>
        %add3A_777 = arith.addi %add3A_774, %add3A_776 : vector<16xi32>
        %gather3A_778 = tpu.vector_load_idx %arg6[%add3A_777] : memref<65000xf32, #tpu.memory_space<vmem>>[vector<16xi32>], vector<16xf32>,
        %swap3A_779 = arith.constant 0 : i32
        %swap3A_780 = arith.constant 40 : i32
        %swap3A_781 = arith.index_cast %swap3A_779 : i32 to index
        %swap3A_782 = arith.index_cast %swap3A_780 : i32 to index
        %swap3A_783 = arith.index_cast %mul3A_189 : i32 to index
        %swap3A_784 = tpu.vector_load %arg7[%swap3A_781, %swap3A_782, %swap3A_783] {strides = array<i32>} : memref<2x64x128xf32, #tpu.memory_space<vmem>>, vector<16xf32>,
        tpu.vector_store %arg7[%swap3A_781, %swap3A_782, %swap3A_783], %gather3A_570 {strides = array<i32>} : memref<2x64x128xf32, #tpu.memory_space<vmem>>, vector<16xf32>,
        %add3A_785 = arith.constant 48 : i32
        %add3A_786 = vector.broadcast %add3A_785 : i32 to vector<16xi32>
        %add3A_787 = arith.addi %mul3A_187, %add3A_786 : vector<16xi32>
        %add3A_788 = arith.constant 9 : i32
        %add3A_789 = vector.broadcast %add3A_788 : i32 to vector<16xi32>
        %add3A_790 = arith.addi %add3A_787, %add3A_789 : vector<16xi32>
        %gather3A_791 = tpu.vector_load_idx %arg6[%add3A_790] : memref<65000xf32, #tpu.memory_space<vmem>>[vector<16xi32>], vector<16xf32>,
        %swap3A_792 = arith.constant 0 : i32
        %swap3A_793 = arith.constant 41 : i32
        %swap3A_794 = arith.index_cast %swap3A_792 : i32 to index
        %swap3A_795 = arith.index_cast %swap3A_793 : i32 to index
        %swap3A_796 = arith.index_cast %mul3A_189 : i32 to index
        %swap3A_797 = tpu.vector_load %arg7[%swap3A_794, %swap3A_795, %swap3A_796] {strides = array<i32>} : memref<2x64x128xf32, #tpu.memory_space<vmem>>, vector<16xf32>,
        tpu.vector_store %arg7[%swap3A_794, %swap3A_795, %swap3A_796], %gather3A_583 {strides = array<i32>} : memref<2x64x128xf32, #tpu.memory_space<vmem>>, vector<16xf32>,
        %add3A_798 = arith.constant 48 : i32
        %add3A_799 = vector.broadcast %add3A_798 : i32 to vector<16xi32>
        %add3A_800 = arith.addi %mul3A_187, %add3A_799 : vector<16xi32>
        %add3A_801 = arith.constant 10 : i32
        %add3A_802 = vector.broadcast %add3A_801 : i32 to vector<16xi32>
        %add3A_803 = arith.addi %add3A_800, %add3A_802 : vector<16xi32>
        %gather3A_804 = tpu.vector_load_idx %arg6[%add3A_803] : memref<65000xf32, #tpu.memory_space<vmem>>[vector<16xi32>], vector<16xf32>,
        %swap3A_805 = arith.constant 0 : i32
        %swap3A_806 = arith.constant 42 : i32
        %swap3A_807 = arith.index_cast %swap3A_805 : i32 to index
        %swap3A_808 = arith.index_cast %swap3A_806 : i32 to index
        %swap3A_809 = arith.index_cast %mul3A_189 : i32 to index
        %swap3A_810 = tpu.vector_load %arg7[%swap3A_807, %swap3A_808, %swap3A_809] {strides = array<i32>} : memref<2x64x128xf32, #tpu.memory_space<vmem>>, vector<16xf32>,
        tpu.vector_store %arg7[%swap3A_807, %swap3A_808, %swap3A_809], %gather3A_596 {strides = array<i32>} : memref<2x64x128xf32, #tpu.memory_space<vmem>>, vector<16xf32>,
        %add3A_811 = arith.constant 48 : i32
        %add3A_812 = vector.broadcast %add3A_811 : i32 to vector<16xi32>
        %add3A_813 = arith.addi %mul3A_187, %add3A_812 : vector<16xi32>
        %add3A_814 = arith.constant 11 : i32
        %add3A_815 = vector.broadcast %add3A_814 : i32 to vector<16xi32>
        %add3A_816 = arith.addi %add3A_813, %add3A_815 : vector<16xi32>
        %gather3A_817 = tpu.vector_load_idx %arg6[%add3A_816] : memref<65000xf32, #tpu.memory_space<vmem>>[vector<16xi32>], vector<16xf32>,
        %swap3A_818 = arith.constant 0 : i32
        %swap3A_819 = arith.constant 43 : i32
        %swap3A_820 = arith.index_cast %swap3A_818 : i32 to index
        %swap3A_821 = arith.index_cast %swap3A_819 : i32 to index
        %swap3A_822 = arith.index_cast %mul3A_189 : i32 to index
        %swap3A_823 = tpu.vector_load %arg7[%swap3A_820, %swap3A_821, %swap3A_822] {strides = array<i32>} : memref<2x64x128xf32, #tpu.memory_space<vmem>>, vector<16xf32>,
        tpu.vector_store %arg7[%swap3A_820, %swap3A_821, %swap3A_822], %gather3A_609 {strides = array<i32>} : memref<2x64x128xf32, #tpu.memory_space<vmem>>, vector<16xf32>,
        %add3A_824 = arith.constant 48 : i32
        %add3A_825 = vector.broadcast %add3A_824 : i32 to vector<16xi32>
        %add3A_826 = arith.addi %mul3A_187, %add3A_825 : vector<16xi32>
        %add3A_827 = arith.constant 12 : i32
        %add3A_828 = vector.broadcast %add3A_827 : i32 to vector<16xi32>
        %add3A_829 = arith.addi %add3A_826, %add3A_828 : vector<16xi32>
        %gather3A_830 = tpu.vector_load_idx %arg6[%add3A_829] : memref<65000xf32, #tpu.memory_space<vmem>>[vector<16xi32>], vector<16xf32>,
        %swap3A_831 = arith.constant 0 : i32
        %swap3A_832 = arith.constant 44 : i32
        %swap3A_833 = arith.index_cast %swap3A_831 : i32 to index
        %swap3A_834 = arith.index_cast %swap3A_832 : i32 to index
        %swap3A_835 = arith.index_cast %mul3A_189 : i32 to index
        %swap3A_836 = tpu.vector_load %arg7[%swap3A_833, %swap3A_834, %swap3A_835] {strides = array<i32>} : memref<2x64x128xf32, #tpu.memory_space<vmem>>, vector<16xf32>,
        tpu.vector_store %arg7[%swap3A_833, %swap3A_834, %swap3A_835], %gather3A_622 {strides = array<i32>} : memref<2x64x128xf32, #tpu.memory_space<vmem>>, vector<16xf32>,
        %add3A_837 = arith.constant 48 : i32
        %add3A_838 = vector.broadcast %add3A_837 : i32 to vector<16xi32>
        %add3A_839 = arith.addi %mul3A_187, %add3A_838 : vector<16xi32>
        %add3A_840 = arith.constant 13 : i32
        %add3A_841 = vector.broadcast %add3A_840 : i32 to vector<16xi32>
        %add3A_842 = arith.addi %add3A_839, %add3A_841 : vector<16xi32>
        %gather3A_843 = tpu.vector_load_idx %arg6[%add3A_842] : memref<65000xf32, #tpu.memory_space<vmem>>[vector<16xi32>], vector<16xf32>,
        %swap3A_844 = arith.constant 0 : i32
        %swap3A_845 = arith.constant 45 : i32
        %swap3A_846 = arith.index_cast %swap3A_844 : i32 to index
        %swap3A_847 = arith.index_cast %swap3A_845 : i32 to index
        %swap3A_848 = arith.index_cast %mul3A_189 : i32 to index
        %swap3A_849 = tpu.vector_load %arg7[%swap3A_846, %swap3A_847, %swap3A_848] {strides = array<i32>} : memref<2x64x128xf32, #tpu.memory_space<vmem>>, vector<16xf32>,
        tpu.vector_store %arg7[%swap3A_846, %swap3A_847, %swap3A_848], %gather3A_635 {strides = array<i32>} : memref<2x64x128xf32, #tpu.memory_space<vmem>>, vector<16xf32>,
        %add3A_850 = arith.constant 48 : i32
        %add3A_851 = vector.broadcast %add3A_850 : i32 to vector<16xi32>
        %add3A_852 = arith.addi %mul3A_187, %add3A_851 : vector<16xi32>
        %add3A_853 = arith.constant 14 : i32
        %add3A_854 = vector.broadcast %add3A_853 : i32 to vector<16xi32>
        %add3A_855 = arith.addi %add3A_852, %add3A_854 : vector<16xi32>
        %gather3A_856 = tpu.vector_load_idx %arg6[%add3A_855] : memref<65000xf32, #tpu.memory_space<vmem>>[vector<16xi32>], vector<16xf32>,
        %swap3A_857 = arith.constant 0 : i32
        %swap3A_858 = arith.constant 46 : i32
        %swap3A_859 = arith.index_cast %swap3A_857 : i32 to index
        %swap3A_860 = arith.index_cast %swap3A_858 : i32 to index
        %swap3A_861 = arith.index_cast %mul3A_189 : i32 to index
        %swap3A_862 = tpu.vector_load %arg7[%swap3A_859, %swap3A_860, %swap3A_861] {strides = array<i32>} : memref<2x64x128xf32, #tpu.memory_space<vmem>>, vector<16xf32>,
        tpu.vector_store %arg7[%swap3A_859, %swap3A_860, %swap3A_861], %gather3A_648 {strides = array<i32>} : memref<2x64x128xf32, #tpu.memory_space<vmem>>, vector<16xf32>,
        %add3A_863 = arith.constant 48 : i32
        %add3A_864 = vector.broadcast %add3A_863 : i32 to vector<16xi32>
        %add3A_865 = arith.addi %mul3A_187, %add3A_864 : vector<16xi32>
        %add3A_866 = arith.constant 15 : i32
        %add3A_867 = vector.broadcast %add3A_866 : i32 to vector<16xi32>
        %add3A_868 = arith.addi %add3A_865, %add3A_867 : vector<16xi32>
        %gather3A_869 = tpu.vector_load_idx %arg6[%add3A_868] : memref<65000xf32, #tpu.memory_space<vmem>>[vector<16xi32>], vector<16xf32>,
        %swap3A_870 = arith.constant 0 : i32
        %swap3A_871 = arith.constant 47 : i32
        %swap3A_872 = arith.index_cast %swap3A_870 : i32 to index
        %swap3A_873 = arith.index_cast %swap3A_871 : i32 to index
        %swap3A_874 = arith.index_cast %mul3A_189 : i32 to index
        %swap3A_875 = tpu.vector_load %arg7[%swap3A_872, %swap3A_873, %swap3A_874] {strides = array<i32>} : memref<2x64x128xf32, #tpu.memory_space<vmem>>, vector<16xf32>,
        tpu.vector_store %arg7[%swap3A_872, %swap3A_873, %swap3A_874], %gather3A_661 {strides = array<i32>} : memref<2x64x128xf32, #tpu.memory_space<vmem>>, vector<16xf32>,
        %swap3A_876 = arith.constant 0 : i32
        %swap3A_877 = arith.constant 48 : i32
        %swap3A_878 = arith.index_cast %swap3A_876 : i32 to index
        %swap3A_879 = arith.index_cast %swap3A_877 : i32 to index
        %swap3A_880 = arith.index_cast %mul3A_189 : i32 to index
        %swap3A_881 = tpu.vector_load %arg7[%swap3A_878, %swap3A_879, %swap3A_880] {strides = array<i32>} : memref<2x64x128xf32, #tpu.memory_space<vmem>>, vector<16xf32>,
        tpu.vector_store %arg7[%swap3A_878, %swap3A_879, %swap3A_880], %gather3A_674 {strides = array<i32>} : memref<2x64x128xf32, #tpu.memory_space<vmem>>, vector<16xf32>,
        %swap3A_882 = arith.constant 0 : i32
        %swap3A_883 = arith.constant 49 : i32
        %swap3A_884 = arith.index_cast %swap3A_882 : i32 to index
        %swap3A_885 = arith.index_cast %swap3A_883 : i32 to index
        %swap3A_886 = arith.index_cast %mul3A_189 : i32 to index
        %swap3A_887 = tpu.vector_load %arg7[%swap3A_884, %swap3A_885, %swap3A_886] {strides = array<i32>} : memref<2x64x128xf32, #tpu.memory_space<vmem>>, vector<16xf32>,
        tpu.vector_store %arg7[%swap3A_884, %swap3A_885, %swap3A_886], %gather3A_687 {strides = array<i32>} : memref<2x64x128xf32, #tpu.memory_space<vmem>>, vector<16xf32>,
        %swap3A_888 = arith.constant 0 : i32
        %swap3A_889 = arith.constant 50 : i32
        %swap3A_890 = arith.index_cast %swap3A_888 : i32 to index
        %swap3A_891 = arith.index_cast %swap3A_889 : i32 to index
        %swap3A_892 = arith.index_cast %mul3A_189 : i32 to index
        %swap3A_893 = tpu.vector_load %arg7[%swap3A_890, %swap3A_891, %swap3A_892] {strides = array<i32>} : memref<2x64x128xf32, #tpu.memory_space<vmem>>, vector<16xf32>,
        tpu.vector_store %arg7[%swap3A_890, %swap3A_891, %swap3A_892], %gather3A_700 {strides = array<i32>} : memref<2x64x128xf32, #tpu.memory_space<vmem>>, vector<16xf32>,
        %swap3A_894 = arith.constant 0 : i32
        %swap3A_895 = arith.constant 51 : i32
        %swap3A_896 = arith.index_cast %swap3A_894 : i32 to index
        %swap3A_897 = arith.index_cast %swap3A_895 : i32 to index
        %swap3A_898 = arith.index_cast %mul3A_189 : i32 to index
        %swap3A_899 = tpu.vector_load %arg7[%swap3A_896, %swap3A_897, %swap3A_898] {strides = array<i32>} : memref<2x64x128xf32, #tpu.memory_space<vmem>>, vector<16xf32>,
        tpu.vector_store %arg7[%swap3A_896, %swap3A_897, %swap3A_898], %gather3A_713 {strides = array<i32>} : memref<2x64x128xf32, #tpu.memory_space<vmem>>, vector<16xf32>,
        %swap3A_900 = arith.constant 0 : i32
        %swap3A_901 = arith.constant 52 : i32
        %swap3A_902 = arith.index_cast %swap3A_900 : i32 to index
        %swap3A_903 = arith.index_cast %swap3A_901 : i32 to index
        %swap3A_904 = arith.index_cast %mul3A_189 : i32 to index
        %swap3A_905 = tpu.vector_load %arg7[%swap3A_902, %swap3A_903, %swap3A_904] {strides = array<i32>} : memref<2x64x128xf32, #tpu.memory_space<vmem>>, vector<16xf32>,
        tpu.vector_store %arg7[%swap3A_902, %swap3A_903, %swap3A_904], %gather3A_726 {strides = array<i32>} : memref<2x64x128xf32, #tpu.memory_space<vmem>>, vector<16xf32>,
        %swap3A_906 = arith.constant 0 : i32
        %swap3A_907 = arith.constant 53 : i32
        %swap3A_908 = arith.index_cast %swap3A_906 : i32 to index
        %swap3A_909 = arith.index_cast %swap3A_907 : i32 to index
        %swap3A_910 = arith.index_cast %mul3A_189 : i32 to index
        %swap3A_911 = tpu.vector_load %arg7[%swap3A_908, %swap3A_909, %swap3A_910] {strides = array<i32>} : memref<2x64x128xf32, #tpu.memory_space<vmem>>, vector<16xf32>,
        tpu.vector_store %arg7[%swap3A_908, %swap3A_909, %swap3A_910], %gather3A_739 {strides = array<i32>} : memref<2x64x128xf32, #tpu.memory_space<vmem>>, vector<16xf32>,
        %swap3A_912 = arith.constant 0 : i32
        %swap3A_913 = arith.constant 54 : i32
        %swap3A_914 = arith.index_cast %swap3A_912 : i32 to index
        %swap3A_915 = arith.index_cast %swap3A_913 : i32 to index
        %swap3A_916 = arith.index_cast %mul3A_189 : i32 to index
        %swap3A_917 = tpu.vector_load %arg7[%swap3A_914, %swap3A_915, %swap3A_916] {strides = array<i32>} : memref<2x64x128xf32, #tpu.memory_space<vmem>>, vector<16xf32>,
        tpu.vector_store %arg7[%swap3A_914, %swap3A_915, %swap3A_916], %gather3A_752 {strides = array<i32>} : memref<2x64x128xf32, #tpu.memory_space<vmem>>, vector<16xf32>,
        %swap3A_918 = arith.constant 0 : i32
        %swap3A_919 = arith.constant 55 : i32
        %swap3A_920 = arith.index_cast %swap3A_918 : i32 to index
        %swap3A_921 = arith.index_cast %swap3A_919 : i32 to index
        %swap3A_922 = arith.index_cast %mul3A_189 : i32 to index
        %swap3A_923 = tpu.vector_load %arg7[%swap3A_920, %swap3A_921, %swap3A_922] {strides = array<i32>} : memref<2x64x128xf32, #tpu.memory_space<vmem>>, vector<16xf32>,
        tpu.vector_store %arg7[%swap3A_920, %swap3A_921, %swap3A_922], %gather3A_765 {strides = array<i32>} : memref<2x64x128xf32, #tpu.memory_space<vmem>>, vector<16xf32>,
        %swap3A_924 = arith.constant 0 : i32
        %swap3A_925 = arith.constant 56 : i32
        %swap3A_926 = arith.index_cast %swap3A_924 : i32 to index
        %swap3A_927 = arith.index_cast %swap3A_925 : i32 to index
        %swap3A_928 = arith.index_cast %mul3A_189 : i32 to index
        %swap3A_929 = tpu.vector_load %arg7[%swap3A_926, %swap3A_927, %swap3A_928] {strides = array<i32>} : memref<2x64x128xf32, #tpu.memory_space<vmem>>, vector<16xf32>,
        tpu.vector_store %arg7[%swap3A_926, %swap3A_927, %swap3A_928], %gather3A_778 {strides = array<i32>} : memref<2x64x128xf32, #tpu.memory_space<vmem>>, vector<16xf32>,
        %swap3A_930 = arith.constant 0 : i32
        %swap3A_931 = arith.constant 57 : i32
        %swap3A_932 = arith.index_cast %swap3A_930 : i32 to index
        %swap3A_933 = arith.index_cast %swap3A_931 : i32 to index
        %swap3A_934 = arith.index_cast %mul3A_189 : i32 to index
        %swap3A_935 = tpu.vector_load %arg7[%swap3A_932, %swap3A_933, %swap3A_934] {strides = array<i32>} : memref<2x64x128xf32, #tpu.memory_space<vmem>>, vector<16xf32>,
        tpu.vector_store %arg7[%swap3A_932, %swap3A_933, %swap3A_934], %gather3A_791 {strides = array<i32>} : memref<2x64x128xf32, #tpu.memory_space<vmem>>, vector<16xf32>,
        %swap3A_936 = arith.constant 0 : i32
        %swap3A_937 = arith.constant 58 : i32
        %swap3A_938 = arith.index_cast %swap3A_936 : i32 to index
        %swap3A_939 = arith.index_cast %swap3A_937 : i32 to index
        %swap3A_940 = arith.index_cast %mul3A_189 : i32 to index
        %swap3A_941 = tpu.vector_load %arg7[%swap3A_938, %swap3A_939, %swap3A_940] {strides = array<i32>} : memref<2x64x128xf32, #tpu.memory_space<vmem>>, vector<16xf32>,
        tpu.vector_store %arg7[%swap3A_938, %swap3A_939, %swap3A_940], %gather3A_804 {strides = array<i32>} : memref<2x64x128xf32, #tpu.memory_space<vmem>>, vector<16xf32>,
        %swap3A_942 = arith.constant 0 : i32
        %swap3A_943 = arith.constant 59 : i32
        %swap3A_944 = arith.index_cast %swap3A_942 : i32 to index
        %swap3A_945 = arith.index_cast %swap3A_943 : i32 to index
        %swap3A_946 = arith.index_cast %mul3A_189 : i32 to index
        %swap3A_947 = tpu.vector_load %arg7[%swap3A_944, %swap3A_945, %swap3A_946] {strides = array<i32>} : memref<2x64x128xf32, #tpu.memory_space<vmem>>, vector<16xf32>,
        tpu.vector_store %arg7[%swap3A_944, %swap3A_945, %swap3A_946], %gather3A_817 {strides = array<i32>} : memref<2x64x128xf32, #tpu.memory_space<vmem>>, vector<16xf32>,
        %swap3A_948 = arith.constant 0 : i32
        %swap3A_949 = arith.constant 60 : i32
        %swap3A_950 = arith.index_cast %swap3A_948 : i32 to index
        %swap3A_951 = arith.index_cast %swap3A_949 : i32 to index
        %swap3A_952 = arith.index_cast %mul3A_189 : i32 to index
        %swap3A_953 = tpu.vector_load %arg7[%swap3A_950, %swap3A_951, %swap3A_952] {strides = array<i32>} : memref<2x64x128xf32, #tpu.memory_space<vmem>>, vector<16xf32>,
        tpu.vector_store %arg7[%swap3A_950, %swap3A_951, %swap3A_952], %gather3A_830 {strides = array<i32>} : memref<2x64x128xf32, #tpu.memory_space<vmem>>, vector<16xf32>,
        %swap3A_954 = arith.constant 0 : i32
        %swap3A_955 = arith.constant 61 : i32
        %swap3A_956 = arith.index_cast %swap3A_954 : i32 to index
        %swap3A_957 = arith.index_cast %swap3A_955 : i32 to index
        %swap3A_958 = arith.index_cast %mul3A_189 : i32 to index
        %swap3A_959 = tpu.vector_load %arg7[%swap3A_956, %swap3A_957, %swap3A_958] {strides = array<i32>} : memref<2x64x128xf32, #tpu.memory_space<vmem>>, vector<16xf32>,
        tpu.vector_store %arg7[%swap3A_956, %swap3A_957, %swap3A_958], %gather3A_843 {strides = array<i32>} : memref<2x64x128xf32, #tpu.memory_space<vmem>>, vector<16xf32>,
        %swap3A_960 = arith.constant 0 : i32
        %swap3A_961 = arith.constant 62 : i32
        %swap3A_962 = arith.index_cast %swap3A_960 : i32 to index
        %swap3A_963 = arith.index_cast %swap3A_961 : i32 to index
        %swap3A_964 = arith.index_cast %mul3A_189 : i32 to index
        %swap3A_965 = tpu.vector_load %arg7[%swap3A_962, %swap3A_963, %swap3A_964] {strides = array<i32>} : memref<2x64x128xf32, #tpu.memory_space<vmem>>, vector<16xf32>,
        tpu.vector_store %arg7[%swap3A_962, %swap3A_963, %swap3A_964], %gather3A_856 {strides = array<i32>} : memref<2x64x128xf32, #tpu.memory_space<vmem>>, vector<16xf32>,
        %swap3A_966 = arith.constant 0 : i32
        %swap3A_967 = arith.constant 63 : i32
        %swap3A_968 = arith.index_cast %swap3A_966 : i32 to index
        %swap3A_969 = arith.index_cast %swap3A_967 : i32 to index
        %swap3A_970 = arith.index_cast %mul3A_189 : i32 to index
        %swap3A_971 = tpu.vector_load %arg7[%swap3A_968, %swap3A_969, %swap3A_970] {strides = array<i32>} : memref<2x64x128xf32, #tpu.memory_space<vmem>>, vector<16xf32>,
        tpu.vector_store %arg7[%swap3A_968, %swap3A_969, %swap3A_970], %gather3A_869 {strides = array<i32>} : memref<2x64x128xf32, #tpu.memory_space<vmem>>, vector<16xf32>,
      }
      %scan3A_118 = arith.constant 8 : i32
      %add3A_119 = arith.constant 0 : i32
      %add3A_120 = arith.addi %mul3A_92, %add3A_119 : i32
      %dma_start3A_121 = arith.constant 0 : i32
      %dma_start3A_122 = arith.constant 0 : i32
      %dma_start3A_123 = arith.constant 0 : i32
      %dma_start3A_124 = tpu.memref_slice %arg7[%dma_start3A_121, %dma_start3A_122, %dma_start3A_123] : memref<2x64x128xf32, #tpu.memory_space<vmem>> -> memref<1x64x128xf32, #tpu.memory_space<vmem>>
      %dma_start3A_125 = tpu.memref_squeeze %dma_start3A_124 : memref<1x64x128xf32, #tpu.memory_space<vmem>> -> memref<64x128xf32, #tpu.memory_space<vmem>>
      %dma_start3A_126 = arith.constant 0 : i32
      %dma_start3A_127 = tpu.memref_slice %arg4[%add3A_120, %dma_start3A_126, %mul3A_2] : memref<50x64x4096xf32, #tpu.memory_space<hbm>> -> memref<1x64x128xf32, #tpu.memory_space<hbm>>
      %dma_start3A_128 = tpu.memref_squeeze %dma_start3A_127 : memref<1x64x128xf32, #tpu.memory_space<hbm>> -> memref<64x128xf32, #tpu.memory_space<hbm>>
      %dma_start3A_129 = arith.constant 0 : i32
      %dma_start3A_130 = tpu.memref_slice %arg4[%add3A_120, %dma_start3A_129, %mul3A_2] : memref<50x64x4096xf32, #tpu.memory_space<hbm>> -> memref<1x64x128xf32, #tpu.memory_space<hbm>>
      %dma_start3A_131 = tpu.memref_squeeze %dma_start3A_130 : memref<1x64x128xf32, #tpu.memory_space<hbm>> -> memref<64x128xf32, #tpu.memory_space<hbm>>
      %dma_start3A_132 = arith.constant 0 : i32
      %dma_start3A_133 = arith.constant 0 : i32
      %dma_start3A_134 = tpu.memref_slice %arg7[%dma_start3A_121, %dma_start3A_132, %dma_start3A_133] : memref<2x64x128xf32, #tpu.memory_space<vmem>> -> memref<1x64x128xf32, #tpu.memory_space<vmem>>
      %dma_start3A_135 = tpu.memref_squeeze %dma_start3A_134 : memref<1x64x128xf32, #tpu.memory_space<vmem>> -> memref<64x128xf32, #tpu.memory_space<vmem>>
      tpu.enqueue_dma source(%dma_start3A_135 : memref<64x128xf32, #tpu.memory_space<vmem>>) target(%dma_start3A_131 : memref<64x128xf32, #tpu.memory_space<hbm>>) target_semaphore(%arg8 : memref<!tpu.dma_semaphore, #tpu.memory_space<semaphore_mem>>)
      %sub3A_136 = arith.constant 2 : i32
      %sub3A_137 = arith.subi %mul3A_92, %sub3A_136 : i32
      %add3A_138 = arith.constant 1 : i32
      %add3A_139 = arith.addi %sub3A_137, %add3A_138 : i32
      %dma_wait3A_140 = arith.constant 1 : i32
      %dma_wait3A_141 = arith.constant 0 : i32
      %dma_wait3A_142 = arith.constant 0 : i32
      %dma_wait3A_143 = tpu.memref_slice %arg7[%dma_wait3A_140, %dma_wait3A_141, %dma_wait3A_142] : memref<2x64x128xf32, #tpu.memory_space<vmem>> -> memref<1x64x128xf32, #tpu.memory_space<vmem>>
      %dma_wait3A_144 = tpu.memref_squeeze %dma_wait3A_143 : memref<1x64x128xf32, #tpu.memory_space<vmem>> -> memref<64x128xf32, #tpu.memory_space<vmem>>
      %dma_wait3A_145 = arith.constant 0 : i32
      %dma_wait3A_146 = tpu.memref_slice %arg4[%add3A_139, %dma_wait3A_145, %mul3A_2] : memref<50x64x4096xf32, #tpu.memory_space<hbm>> -> memref<1x64x128xf32, #tpu.memory_space<hbm>>
      %dma_wait3A_147 = tpu.memref_squeeze %dma_wait3A_146 : memref<1x64x128xf32, #tpu.memory_space<hbm>> -> memref<64x128xf32, #tpu.memory_space<hbm>>
      %dma_wait3A_148 = arith.constant 0 : i32
      %dma_wait3A_149 = tpu.memref_slice %arg4[%add3A_139, %dma_wait3A_148, %mul3A_2] : memref<50x64x4096xf32, #tpu.memory_space<hbm>> -> memref<1x64x128xf32, #tpu.memory_space<hbm>>
      %dma_wait3A_150 = tpu.memref_squeeze %dma_wait3A_149 : memref<1x64x128xf32, #tpu.memory_space<hbm>> -> memref<64x128xf32, #tpu.memory_space<hbm>>
      %dma_wait3A_151 = arith.constant 0 : i32
      %dma_wait3A_152 = arith.constant 0 : i32
      %dma_wait3A_153 = tpu.memref_slice %arg7[%dma_wait3A_140, %dma_wait3A_151, %dma_wait3A_152] : memref<2x64x128xf32, #tpu.memory_space<vmem>> -> memref<1x64x128xf32, #tpu.memory_space<vmem>>
      %dma_wait3A_154 = tpu.memref_squeeze %dma_wait3A_153 : memref<1x64x128xf32, #tpu.memory_space<vmem>> -> memref<64x128xf32, #tpu.memory_space<vmem>>
      tpu.wait_dma2 semaphore(%arg9 : memref<!tpu.dma_semaphore, #tpu.memory_space<semaphore_mem>>) src(%dma_wait3A_154 : memref<64x128xf32, #tpu.memory_space<vmem>>) dst(%dma_wait3A_150 : memref<64x128xf32, #tpu.memory_space<hbm>>)
      %add3A_155 = arith.constant 1 : i32
      %add3A_156 = arith.addi %mul3A_92, %add3A_155 : i32
      %scan3A_157 = arith.constant 0 : i32
      %scan3A_158 = arith.constant 0 : i32
      %scan3A_159 = arith.constant 8 : i32
      %scan3A_160 = arith.addi %scan3A_158, %scan3A_159 : i32
      %scan3A_161 = arith.constant 1 : i32
      scf.for %scan3A_180 = %scan3A_158 to %scan3A_160 step %scan3A_161  : i32 {
        %mul3A_181 = arith.constant 16 : i32
        %mul3A_182 = arith.muli %scan3A_180, %mul3A_181 : i32
        %get3A = arith.index_cast %add3A_156 : i32 to index
        %get3A_183 = arith.index_cast %mul3A_182 : i32 to index
        %get3A_184 = tpu.vector_load %arg5[%get3A, %get3A_183] {strides = array<i32>} : memref<50x128xi32, #tpu.memory_space<vmem>>, vector<16xi32>,
        %mul3A_185 = arith.constant 65 : i32
        %mul3A_186 = vector.broadcast %mul3A_185 : i32 to vector<16xi32>
        %mul3A_187 = arith.muli %get3A_184, %mul3A_186 : vector<16xi32>
        %mul3A_188 = arith.constant 16 : i32
        %mul3A_189 = arith.muli %scan3A_180, %mul3A_188 : i32
        %add3A_190 = arith.constant 0 : i32
        %add3A_191 = vector.broadcast %add3A_190 : i32 to vector<16xi32>
        %add3A_192 = arith.addi %mul3A_187, %add3A_191 : vector<16xi32>
        %gather3A = tpu.vector_load_idx %arg6[%add3A_192] : memref<65000xf32, #tpu.memory_space<vmem>>[vector<16xi32>], vector<16xf32>,
        %add3A_193 = arith.constant 1 : i32
        %add3A_194 = vector.broadcast %add3A_193 : i32 to vector<16xi32>
        %add3A_195 = arith.addi %mul3A_187, %add3A_194 : vector<16xi32>
        %gather3A_196 = tpu.vector_load_idx %arg6[%add3A_195] : memref<65000xf32, #tpu.memory_space<vmem>>[vector<16xi32>], vector<16xf32>,
        %add3A_197 = arith.constant 2 : i32
        %add3A_198 = vector.broadcast %add3A_197 : i32 to vector<16xi32>
        %add3A_199 = arith.addi %mul3A_187, %add3A_198 : vector<16xi32>
        %gather3A_200 = tpu.vector_load_idx %arg6[%add3A_199] : memref<65000xf32, #tpu.memory_space<vmem>>[vector<16xi32>], vector<16xf32>,
        %add3A_201 = arith.constant 3 : i32
        %add3A_202 = vector.broadcast %add3A_201 : i32 to vector<16xi32>
        %add3A_203 = arith.addi %mul3A_187, %add3A_202 : vector<16xi32>
        %gather3A_204 = tpu.vector_load_idx %arg6[%add3A_203] : memref<65000xf32, #tpu.memory_space<vmem>>[vector<16xi32>], vector<16xf32>,
        %add3A_205 = arith.constant 4 : i32
        %add3A_206 = vector.broadcast %add3A_205 : i32 to vector<16xi32>
        %add3A_207 = arith.addi %mul3A_187, %add3A_206 : vector<16xi32>
        %gather3A_208 = tpu.vector_load_idx %arg6[%add3A_207] : memref<65000xf32, #tpu.memory_space<vmem>>[vector<16xi32>], vector<16xf32>,
        %add3A_209 = arith.constant 5 : i32
        %add3A_210 = vector.broadcast %add3A_209 : i32 to vector<16xi32>
        %add3A_211 = arith.addi %mul3A_187, %add3A_210 : vector<16xi32>
        %gather3A_212 = tpu.vector_load_idx %arg6[%add3A_211] : memref<65000xf32, #tpu.memory_space<vmem>>[vector<16xi32>], vector<16xf32>,
        %add3A_213 = arith.constant 6 : i32
        %add3A_214 = vector.broadcast %add3A_213 : i32 to vector<16xi32>
        %add3A_215 = arith.addi %mul3A_187, %add3A_214 : vector<16xi32>
        %gather3A_216 = tpu.vector_load_idx %arg6[%add3A_215] : memref<65000xf32, #tpu.memory_space<vmem>>[vector<16xi32>], vector<16xf32>,
        %add3A_217 = arith.constant 7 : i32
        %add3A_218 = vector.broadcast %add3A_217 : i32 to vector<16xi32>
        %add3A_219 = arith.addi %mul3A_187, %add3A_218 : vector<16xi32>
        %gather3A_220 = tpu.vector_load_idx %arg6[%add3A_219] : memref<65000xf32, #tpu.memory_space<vmem>>[vector<16xi32>], vector<16xf32>,
        %add3A_221 = arith.constant 8 : i32
        %add3A_222 = vector.broadcast %add3A_221 : i32 to vector<16xi32>
        %add3A_223 = arith.addi %mul3A_187, %add3A_222 : vector<16xi32>
        %gather3A_224 = tpu.vector_load_idx %arg6[%add3A_223] : memref<65000xf32, #tpu.memory_space<vmem>>[vector<16xi32>], vector<16xf32>,
        %add3A_225 = arith.constant 9 : i32
        %add3A_226 = vector.broadcast %add3A_225 : i32 to vector<16xi32>
        %add3A_227 = arith.addi %mul3A_187, %add3A_226 : vector<16xi32>
        %gather3A_228 = tpu.vector_load_idx %arg6[%add3A_227] : memref<65000xf32, #tpu.memory_space<vmem>>[vector<16xi32>], vector<16xf32>,
        %add3A_229 = arith.constant 10 : i32
        %add3A_230 = vector.broadcast %add3A_229 : i32 to vector<16xi32>
        %add3A_231 = arith.addi %mul3A_187, %add3A_230 : vector<16xi32>
        %gather3A_232 = tpu.vector_load_idx %arg6[%add3A_231] : memref<65000xf32, #tpu.memory_space<vmem>>[vector<16xi32>], vector<16xf32>,
        %add3A_233 = arith.constant 11 : i32
        %add3A_234 = vector.broadcast %add3A_233 : i32 to vector<16xi32>
        %add3A_235 = arith.addi %mul3A_187, %add3A_234 : vector<16xi32>
        %gather3A_236 = tpu.vector_load_idx %arg6[%add3A_235] : memref<65000xf32, #tpu.memory_space<vmem>>[vector<16xi32>], vector<16xf32>,
        %add3A_237 = arith.constant 12 : i32
        %add3A_238 = vector.broadcast %add3A_237 : i32 to vector<16xi32>
        %add3A_239 = arith.addi %mul3A_187, %add3A_238 : vector<16xi32>
        %gather3A_240 = tpu.vector_load_idx %arg6[%add3A_239] : memref<65000xf32, #tpu.memory_space<vmem>>[vector<16xi32>], vector<16xf32>,
        %add3A_241 = arith.constant 13 : i32
        %add3A_242 = vector.broadcast %add3A_241 : i32 to vector<16xi32>
        %add3A_243 = arith.addi %mul3A_187, %add3A_242 : vector<16xi32>
        %gather3A_244 = tpu.vector_load_idx %arg6[%add3A_243] : memref<65000xf32, #tpu.memory_space<vmem>>[vector<16xi32>], vector<16xf32>,
        %add3A_245 = arith.constant 14 : i32
        %add3A_246 = vector.broadcast %add3A_245 : i32 to vector<16xi32>
        %add3A_247 = arith.addi %mul3A_187, %add3A_246 : vector<16xi32>
        %gather3A_248 = tpu.vector_load_idx %arg6[%add3A_247] : memref<65000xf32, #tpu.memory_space<vmem>>[vector<16xi32>], vector<16xf32>,
        %add3A_249 = arith.constant 15 : i32
        %add3A_250 = vector.broadcast %add3A_249 : i32 to vector<16xi32>
        %add3A_251 = arith.addi %mul3A_187, %add3A_250 : vector<16xi32>
        %gather3A_252 = tpu.vector_load_idx %arg6[%add3A_251] : memref<65000xf32, #tpu.memory_space<vmem>>[vector<16xi32>], vector<16xf32>,
        %add3A_253 = arith.constant 16 : i32
        %add3A_254 = vector.broadcast %add3A_253 : i32 to vector<16xi32>
        %add3A_255 = arith.addi %mul3A_187, %add3A_254 : vector<16xi32>
        %add3A_256 = arith.constant 0 : i32
        %add3A_257 = vector.broadcast %add3A_256 : i32 to vector<16xi32>
        %add3A_258 = arith.addi %add3A_255, %add3A_257 : vector<16xi32>
        %gather3A_259 = tpu.vector_load_idx %arg6[%add3A_258] : memref<65000xf32, #tpu.memory_space<vmem>>[vector<16xi32>], vector<16xf32>,
        %swap3A = arith.constant 1 : i32
        %swap3A_260 = arith.constant 0 : i32
        %swap3A_261 = arith.index_cast %swap3A : i32 to index
        %swap3A_262 = arith.index_cast %swap3A_260 : i32 to index
        %swap3A_263 = arith.index_cast %mul3A_189 : i32 to index
        %swap3A_264 = tpu.vector_load %arg7[%swap3A_261, %swap3A_262, %swap3A_263] {strides = array<i32>} : memref<2x64x128xf32, #tpu.memory_space<vmem>>, vector<16xf32>,
        tpu.vector_store %arg7[%swap3A_261, %swap3A_262, %swap3A_263], %gather3A {strides = array<i32>} : memref<2x64x128xf32, #tpu.memory_space<vmem>>, vector<16xf32>,
        %add3A_265 = arith.constant 16 : i32
        %add3A_266 = vector.broadcast %add3A_265 : i32 to vector<16xi32>
        %add3A_267 = arith.addi %mul3A_187, %add3A_266 : vector<16xi32>
        %add3A_268 = arith.constant 1 : i32
        %add3A_269 = vector.broadcast %add3A_268 : i32 to vector<16xi32>
        %add3A_270 = arith.addi %add3A_267, %add3A_269 : vector<16xi32>
        %gather3A_271 = tpu.vector_load_idx %arg6[%add3A_270] : memref<65000xf32, #tpu.memory_space<vmem>>[vector<16xi32>], vector<16xf32>,
        %swap3A_272 = arith.constant 1 : i32
        %swap3A_273 = arith.constant 1 : i32
        %swap3A_274 = arith.index_cast %swap3A_272 : i32 to index
        %swap3A_275 = arith.index_cast %swap3A_273 : i32 to index
        %swap3A_276 = arith.index_cast %mul3A_189 : i32 to index
        %swap3A_277 = tpu.vector_load %arg7[%swap3A_274, %swap3A_275, %swap3A_276] {strides = array<i32>} : memref<2x64x128xf32, #tpu.memory_space<vmem>>, vector<16xf32>,
        tpu.vector_store %arg7[%swap3A_274, %swap3A_275, %swap3A_276], %gather3A_196 {strides = array<i32>} : memref<2x64x128xf32, #tpu.memory_space<vmem>>, vector<16xf32>,
        %add3A_278 = arith.constant 16 : i32
        %add3A_279 = vector.broadcast %add3A_278 : i32 to vector<16xi32>
        %add3A_280 = arith.addi %mul3A_187, %add3A_279 : vector<16xi32>
        %add3A_281 = arith.constant 2 : i32
        %add3A_282 = vector.broadcast %add3A_281 : i32 to vector<16xi32>
        %add3A_283 = arith.addi %add3A_280, %add3A_282 : vector<16xi32>
        %gather3A_284 = tpu.vector_load_idx %arg6[%add3A_283] : memref<65000xf32, #tpu.memory_space<vmem>>[vector<16xi32>], vector<16xf32>,
        %swap3A_285 = arith.constant 1 : i32
        %swap3A_286 = arith.constant 2 : i32
        %swap3A_287 = arith.index_cast %swap3A_285 : i32 to index
        %swap3A_288 = arith.index_cast %swap3A_286 : i32 to index
        %swap3A_289 = arith.index_cast %mul3A_189 : i32 to index
        %swap3A_290 = tpu.vector_load %arg7[%swap3A_287, %swap3A_288, %swap3A_289] {strides = array<i32>} : memref<2x64x128xf32, #tpu.memory_space<vmem>>, vector<16xf32>,
        tpu.vector_store %arg7[%swap3A_287, %swap3A_288, %swap3A_289], %gather3A_200 {strides = array<i32>} : memref<2x64x128xf32, #tpu.memory_space<vmem>>, vector<16xf32>,
        %add3A_291 = arith.constant 16 : i32
        %add3A_292 = vector.broadcast %add3A_291 : i32 to vector<16xi32>
        %add3A_293 = arith.addi %mul3A_187, %add3A_292 : vector<16xi32>
        %add3A_294 = arith.constant 3 : i32
        %add3A_295 = vector.broadcast %add3A_294 : i32 to vector<16xi32>
        %add3A_296 = arith.addi %add3A_293, %add3A_295 : vector<16xi32>
        %gather3A_297 = tpu.vector_load_idx %arg6[%add3A_296] : memref<65000xf32, #tpu.memory_space<vmem>>[vector<16xi32>], vector<16xf32>,
        %swap3A_298 = arith.constant 1 : i32
        %swap3A_299 = arith.constant 3 : i32
        %swap3A_300 = arith.index_cast %swap3A_298 : i32 to index
        %swap3A_301 = arith.index_cast %swap3A_299 : i32 to index
        %swap3A_302 = arith.index_cast %mul3A_189 : i32 to index
        %swap3A_303 = tpu.vector_load %arg7[%swap3A_300, %swap3A_301, %swap3A_302] {strides = array<i32>} : memref<2x64x128xf32, #tpu.memory_space<vmem>>, vector<16xf32>,
        tpu.vector_store %arg7[%swap3A_300, %swap3A_301, %swap3A_302], %gather3A_204 {strides = array<i32>} : memref<2x64x128xf32, #tpu.memory_space<vmem>>, vector<16xf32>,
        %add3A_304 = arith.constant 16 : i32
        %add3A_305 = vector.broadcast %add3A_304 : i32 to vector<16xi32>
        %add3A_306 = arith.addi %mul3A_187, %add3A_305 : vector<16xi32>
        %add3A_307 = arith.constant 4 : i32
        %add3A_308 = vector.broadcast %add3A_307 : i32 to vector<16xi32>
        %add3A_309 = arith.addi %add3A_306, %add3A_308 : vector<16xi32>
        %gather3A_310 = tpu.vector_load_idx %arg6[%add3A_309] : memref<65000xf32, #tpu.memory_space<vmem>>[vector<16xi32>], vector<16xf32>,
        %swap3A_311 = arith.constant 1 : i32
        %swap3A_312 = arith.constant 4 : i32
        %swap3A_313 = arith.index_cast %swap3A_311 : i32 to index
        %swap3A_314 = arith.index_cast %swap3A_312 : i32 to index
        %swap3A_315 = arith.index_cast %mul3A_189 : i32 to index
        %swap3A_316 = tpu.vector_load %arg7[%swap3A_313, %swap3A_314, %swap3A_315] {strides = array<i32>} : memref<2x64x128xf32, #tpu.memory_space<vmem>>, vector<16xf32>,
        tpu.vector_store %arg7[%swap3A_313, %swap3A_314, %swap3A_315], %gather3A_208 {strides = array<i32>} : memref<2x64x128xf32, #tpu.memory_space<vmem>>, vector<16xf32>,
        %add3A_317 = arith.constant 16 : i32
        %add3A_318 = vector.broadcast %add3A_317 : i32 to vector<16xi32>
        %add3A_319 = arith.addi %mul3A_187, %add3A_318 : vector<16xi32>
        %add3A_320 = arith.constant 5 : i32
        %add3A_321 = vector.broadcast %add3A_320 : i32 to vector<16xi32>
        %add3A_322 = arith.addi %add3A_319, %add3A_321 : vector<16xi32>
        %gather3A_323 = tpu.vector_load_idx %arg6[%add3A_322] : memref<65000xf32, #tpu.memory_space<vmem>>[vector<16xi32>], vector<16xf32>,
        %swap3A_324 = arith.constant 1 : i32
        %swap3A_325 = arith.constant 5 : i32
        %swap3A_326 = arith.index_cast %swap3A_324 : i32 to index
        %swap3A_327 = arith.index_cast %swap3A_325 : i32 to index
        %swap3A_328 = arith.index_cast %mul3A_189 : i32 to index
        %swap3A_329 = tpu.vector_load %arg7[%swap3A_326, %swap3A_327, %swap3A_328] {strides = array<i32>} : memref<2x64x128xf32, #tpu.memory_space<vmem>>, vector<16xf32>,
        tpu.vector_store %arg7[%swap3A_326, %swap3A_327, %swap3A_328], %gather3A_212 {strides = array<i32>} : memref<2x64x128xf32, #tpu.memory_space<vmem>>, vector<16xf32>,
        %add3A_330 = arith.constant 16 : i32
        %add3A_331 = vector.broadcast %add3A_330 : i32 to vector<16xi32>
        %add3A_332 = arith.addi %mul3A_187, %add3A_331 : vector<16xi32>
        %add3A_333 = arith.constant 6 : i32
        %add3A_334 = vector.broadcast %add3A_333 : i32 to vector<16xi32>
        %add3A_335 = arith.addi %add3A_332, %add3A_334 : vector<16xi32>
        %gather3A_336 = tpu.vector_load_idx %arg6[%add3A_335] : memref<65000xf32, #tpu.memory_space<vmem>>[vector<16xi32>], vector<16xf32>,
        %swap3A_337 = arith.constant 1 : i32
        %swap3A_338 = arith.constant 6 : i32
        %swap3A_339 = arith.index_cast %swap3A_337 : i32 to index
        %swap3A_340 = arith.index_cast %swap3A_338 : i32 to index
        %swap3A_341 = arith.index_cast %mul3A_189 : i32 to index
        %swap3A_342 = tpu.vector_load %arg7[%swap3A_339, %swap3A_340, %swap3A_341] {strides = array<i32>} : memref<2x64x128xf32, #tpu.memory_space<vmem>>, vector<16xf32>,
        tpu.vector_store %arg7[%swap3A_339, %swap3A_340, %swap3A_341], %gather3A_216 {strides = array<i32>} : memref<2x64x128xf32, #tpu.memory_space<vmem>>, vector<16xf32>,
        %add3A_343 = arith.constant 16 : i32
        %add3A_344 = vector.broadcast %add3A_343 : i32 to vector<16xi32>
        %add3A_345 = arith.addi %mul3A_187, %add3A_344 : vector<16xi32>
        %add3A_346 = arith.constant 7 : i32
        %add3A_347 = vector.broadcast %add3A_346 : i32 to vector<16xi32>
        %add3A_348 = arith.addi %add3A_345, %add3A_347 : vector<16xi32>
        %gather3A_349 = tpu.vector_load_idx %arg6[%add3A_348] : memref<65000xf32, #tpu.memory_space<vmem>>[vector<16xi32>], vector<16xf32>,
        %swap3A_350 = arith.constant 1 : i32
        %swap3A_351 = arith.constant 7 : i32
        %swap3A_352 = arith.index_cast %swap3A_350 : i32 to index
        %swap3A_353 = arith.index_cast %swap3A_351 : i32 to index
        %swap3A_354 = arith.index_cast %mul3A_189 : i32 to index
        %swap3A_355 = tpu.vector_load %arg7[%swap3A_352, %swap3A_353, %swap3A_354] {strides = array<i32>} : memref<2x64x128xf32, #tpu.memory_space<vmem>>, vector<16xf32>,
        tpu.vector_store %arg7[%swap3A_352, %swap3A_353, %swap3A_354], %gather3A_220 {strides = array<i32>} : memref<2x64x128xf32, #tpu.memory_space<vmem>>, vector<16xf32>,
        %add3A_356 = arith.constant 16 : i32
        %add3A_357 = vector.broadcast %add3A_356 : i32 to vector<16xi32>
        %add3A_358 = arith.addi %mul3A_187, %add3A_357 : vector<16xi32>
        %add3A_359 = arith.constant 8 : i32
        %add3A_360 = vector.broadcast %add3A_359 : i32 to vector<16xi32>
        %add3A_361 = arith.addi %add3A_358, %add3A_360 : vector<16xi32>
        %gather3A_362 = tpu.vector_load_idx %arg6[%add3A_361] : memref<65000xf32, #tpu.memory_space<vmem>>[vector<16xi32>], vector<16xf32>,
        %swap3A_363 = arith.constant 1 : i32
        %swap3A_364 = arith.constant 8 : i32
        %swap3A_365 = arith.index_cast %swap3A_363 : i32 to index
        %swap3A_366 = arith.index_cast %swap3A_364 : i32 to index
        %swap3A_367 = arith.index_cast %mul3A_189 : i32 to index
        %swap3A_368 = tpu.vector_load %arg7[%swap3A_365, %swap3A_366, %swap3A_367] {strides = array<i32>} : memref<2x64x128xf32, #tpu.memory_space<vmem>>, vector<16xf32>,
        tpu.vector_store %arg7[%swap3A_365, %swap3A_366, %swap3A_367], %gather3A_224 {strides = array<i32>} : memref<2x64x128xf32, #tpu.memory_space<vmem>>, vector<16xf32>,
        %add3A_369 = arith.constant 16 : i32
        %add3A_370 = vector.broadcast %add3A_369 : i32 to vector<16xi32>
        %add3A_371 = arith.addi %mul3A_187, %add3A_370 : vector<16xi32>
        %add3A_372 = arith.constant 9 : i32
        %add3A_373 = vector.broadcast %add3A_372 : i32 to vector<16xi32>
        %add3A_374 = arith.addi %add3A_371, %add3A_373 : vector<16xi32>
        %gather3A_375 = tpu.vector_load_idx %arg6[%add3A_374] : memref<65000xf32, #tpu.memory_space<vmem>>[vector<16xi32>], vector<16xf32>,
        %swap3A_376 = arith.constant 1 : i32
        %swap3A_377 = arith.constant 9 : i32
        %swap3A_378 = arith.index_cast %swap3A_376 : i32 to index
        %swap3A_379 = arith.index_cast %swap3A_377 : i32 to index
        %swap3A_380 = arith.index_cast %mul3A_189 : i32 to index
        %swap3A_381 = tpu.vector_load %arg7[%swap3A_378, %swap3A_379, %swap3A_380] {strides = array<i32>} : memref<2x64x128xf32, #tpu.memory_space<vmem>>, vector<16xf32>,
        tpu.vector_store %arg7[%swap3A_378, %swap3A_379, %swap3A_380], %gather3A_228 {strides = array<i32>} : memref<2x64x128xf32, #tpu.memory_space<vmem>>, vector<16xf32>,
        %add3A_382 = arith.constant 16 : i32
        %add3A_383 = vector.broadcast %add3A_382 : i32 to vector<16xi32>
        %add3A_384 = arith.addi %mul3A_187, %add3A_383 : vector<16xi32>
        %add3A_385 = arith.constant 10 : i32
        %add3A_386 = vector.broadcast %add3A_385 : i32 to vector<16xi32>
        %add3A_387 = arith.addi %add3A_384, %add3A_386 : vector<16xi32>
        %gather3A_388 = tpu.vector_load_idx %arg6[%add3A_387] : memref<65000xf32, #tpu.memory_space<vmem>>[vector<16xi32>], vector<16xf32>,
        %swap3A_389 = arith.constant 1 : i32
        %swap3A_390 = arith.constant 10 : i32
        %swap3A_391 = arith.index_cast %swap3A_389 : i32 to index
        %swap3A_392 = arith.index_cast %swap3A_390 : i32 to index
        %swap3A_393 = arith.index_cast %mul3A_189 : i32 to index
        %swap3A_394 = tpu.vector_load %arg7[%swap3A_391, %swap3A_392, %swap3A_393] {strides = array<i32>} : memref<2x64x128xf32, #tpu.memory_space<vmem>>, vector<16xf32>,
        tpu.vector_store %arg7[%swap3A_391, %swap3A_392, %swap3A_393], %gather3A_232 {strides = array<i32>} : memref<2x64x128xf32, #tpu.memory_space<vmem>>, vector<16xf32>,
        %add3A_395 = arith.constant 16 : i32
        %add3A_396 = vector.broadcast %add3A_395 : i32 to vector<16xi32>
        %add3A_397 = arith.addi %mul3A_187, %add3A_396 : vector<16xi32>
        %add3A_398 = arith.constant 11 : i32
        %add3A_399 = vector.broadcast %add3A_398 : i32 to vector<16xi32>
        %add3A_400 = arith.addi %add3A_397, %add3A_399 : vector<16xi32>
        %gather3A_401 = tpu.vector_load_idx %arg6[%add3A_400] : memref<65000xf32, #tpu.memory_space<vmem>>[vector<16xi32>], vector<16xf32>,
        %swap3A_402 = arith.constant 1 : i32
        %swap3A_403 = arith.constant 11 : i32
        %swap3A_404 = arith.index_cast %swap3A_402 : i32 to index
        %swap3A_405 = arith.index_cast %swap3A_403 : i32 to index
        %swap3A_406 = arith.index_cast %mul3A_189 : i32 to index
        %swap3A_407 = tpu.vector_load %arg7[%swap3A_404, %swap3A_405, %swap3A_406] {strides = array<i32>} : memref<2x64x128xf32, #tpu.memory_space<vmem>>, vector<16xf32>,
        tpu.vector_store %arg7[%swap3A_404, %swap3A_405, %swap3A_406], %gather3A_236 {strides = array<i32>} : memref<2x64x128xf32, #tpu.memory_space<vmem>>, vector<16xf32>,
        %add3A_408 = arith.constant 16 : i32
        %add3A_409 = vector.broadcast %add3A_408 : i32 to vector<16xi32>
        %add3A_410 = arith.addi %mul3A_187, %add3A_409 : vector<16xi32>
        %add3A_411 = arith.constant 12 : i32
        %add3A_412 = vector.broadcast %add3A_411 : i32 to vector<16xi32>
        %add3A_413 = arith.addi %add3A_410, %add3A_412 : vector<16xi32>
        %gather3A_414 = tpu.vector_load_idx %arg6[%add3A_413] : memref<65000xf32, #tpu.memory_space<vmem>>[vector<16xi32>], vector<16xf32>,
        %swap3A_415 = arith.constant 1 : i32
        %swap3A_416 = arith.constant 12 : i32
        %swap3A_417 = arith.index_cast %swap3A_415 : i32 to index
        %swap3A_418 = arith.index_cast %swap3A_416 : i32 to index
        %swap3A_419 = arith.index_cast %mul3A_189 : i32 to index
        %swap3A_420 = tpu.vector_load %arg7[%swap3A_417, %swap3A_418, %swap3A_419] {strides = array<i32>} : memref<2x64x128xf32, #tpu.memory_space<vmem>>, vector<16xf32>,
        tpu.vector_store %arg7[%swap3A_417, %swap3A_418, %swap3A_419], %gather3A_240 {strides = array<i32>} : memref<2x64x128xf32, #tpu.memory_space<vmem>>, vector<16xf32>,
        %add3A_421 = arith.constant 16 : i32
        %add3A_422 = vector.broadcast %add3A_421 : i32 to vector<16xi32>
        %add3A_423 = arith.addi %mul3A_187, %add3A_422 : vector<16xi32>
        %add3A_424 = arith.constant 13 : i32
        %add3A_425 = vector.broadcast %add3A_424 : i32 to vector<16xi32>
        %add3A_426 = arith.addi %add3A_423, %add3A_425 : vector<16xi32>
        %gather3A_427 = tpu.vector_load_idx %arg6[%add3A_426] : memref<65000xf32, #tpu.memory_space<vmem>>[vector<16xi32>], vector<16xf32>,
        %swap3A_428 = arith.constant 1 : i32
        %swap3A_429 = arith.constant 13 : i32
        %swap3A_430 = arith.index_cast %swap3A_428 : i32 to index
        %swap3A_431 = arith.index_cast %swap3A_429 : i32 to index
        %swap3A_432 = arith.index_cast %mul3A_189 : i32 to index
        %swap3A_433 = tpu.vector_load %arg7[%swap3A_430, %swap3A_431, %swap3A_432] {strides = array<i32>} : memref<2x64x128xf32, #tpu.memory_space<vmem>>, vector<16xf32>,
        tpu.vector_store %arg7[%swap3A_430, %swap3A_431, %swap3A_432], %gather3A_244 {strides = array<i32>} : memref<2x64x128xf32, #tpu.memory_space<vmem>>, vector<16xf32>,
        %add3A_434 = arith.constant 16 : i32
        %add3A_435 = vector.broadcast %add3A_434 : i32 to vector<16xi32>
        %add3A_436 = arith.addi %mul3A_187, %add3A_435 : vector<16xi32>
        %add3A_437 = arith.constant 14 : i32
        %add3A_438 = vector.broadcast %add3A_437 : i32 to vector<16xi32>
        %add3A_439 = arith.addi %add3A_436, %add3A_438 : vector<16xi32>
        %gather3A_440 = tpu.vector_load_idx %arg6[%add3A_439] : memref<65000xf32, #tpu.memory_space<vmem>>[vector<16xi32>], vector<16xf32>,
        %swap3A_441 = arith.constant 1 : i32
        %swap3A_442 = arith.constant 14 : i32
        %swap3A_443 = arith.index_cast %swap3A_441 : i32 to index
        %swap3A_444 = arith.index_cast %swap3A_442 : i32 to index
        %swap3A_445 = arith.index_cast %mul3A_189 : i32 to index
        %swap3A_446 = tpu.vector_load %arg7[%swap3A_443, %swap3A_444, %swap3A_445] {strides = array<i32>} : memref<2x64x128xf32, #tpu.memory_space<vmem>>, vector<16xf32>,
        tpu.vector_store %arg7[%swap3A_443, %swap3A_444, %swap3A_445], %gather3A_248 {strides = array<i32>} : memref<2x64x128xf32, #tpu.memory_space<vmem>>, vector<16xf32>,
        %add3A_447 = arith.constant 16 : i32
        %add3A_448 = vector.broadcast %add3A_447 : i32 to vector<16xi32>
        %add3A_449 = arith.addi %mul3A_187, %add3A_448 : vector<16xi32>
        %add3A_450 = arith.constant 15 : i32
        %add3A_451 = vector.broadcast %add3A_450 : i32 to vector<16xi32>
        %add3A_452 = arith.addi %add3A_449, %add3A_451 : vector<16xi32>
        %gather3A_453 = tpu.vector_load_idx %arg6[%add3A_452] : memref<65000xf32, #tpu.memory_space<vmem>>[vector<16xi32>], vector<16xf32>,
        %swap3A_454 = arith.constant 1 : i32
        %swap3A_455 = arith.constant 15 : i32
        %swap3A_456 = arith.index_cast %swap3A_454 : i32 to index
        %swap3A_457 = arith.index_cast %swap3A_455 : i32 to index
        %swap3A_458 = arith.index_cast %mul3A_189 : i32 to index
        %swap3A_459 = tpu.vector_load %arg7[%swap3A_456, %swap3A_457, %swap3A_458] {strides = array<i32>} : memref<2x64x128xf32, #tpu.memory_space<vmem>>, vector<16xf32>,
        tpu.vector_store %arg7[%swap3A_456, %swap3A_457, %swap3A_458], %gather3A_252 {strides = array<i32>} : memref<2x64x128xf32, #tpu.memory_space<vmem>>, vector<16xf32>,
        %add3A_460 = arith.constant 32 : i32
        %add3A_461 = vector.broadcast %add3A_460 : i32 to vector<16xi32>
        %add3A_462 = arith.addi %mul3A_187, %add3A_461 : vector<16xi32>
        %add3A_463 = arith.constant 0 : i32
        %add3A_464 = vector.broadcast %add3A_463 : i32 to vector<16xi32>
        %add3A_465 = arith.addi %add3A_462, %add3A_464 : vector<16xi32>
        %gather3A_466 = tpu.vector_load_idx %arg6[%add3A_465] : memref<65000xf32, #tpu.memory_space<vmem>>[vector<16xi32>], vector<16xf32>,
        %swap3A_467 = arith.constant 1 : i32
        %swap3A_468 = arith.constant 16 : i32
        %swap3A_469 = arith.index_cast %swap3A_467 : i32 to index
        %swap3A_470 = arith.index_cast %swap3A_468 : i32 to index
        %swap3A_471 = arith.index_cast %mul3A_189 : i32 to index
        %swap3A_472 = tpu.vector_load %arg7[%swap3A_469, %swap3A_470, %swap3A_471] {strides = array<i32>} : memref<2x64x128xf32, #tpu.memory_space<vmem>>, vector<16xf32>,
        tpu.vector_store %arg7[%swap3A_469, %swap3A_470, %swap3A_471], %gather3A_259 {strides = array<i32>} : memref<2x64x128xf32, #tpu.memory_space<vmem>>, vector<16xf32>,
        %add3A_473 = arith.constant 32 : i32
        %add3A_474 = vector.broadcast %add3A_473 : i32 to vector<16xi32>
        %add3A_475 = arith.addi %mul3A_187, %add3A_474 : vector<16xi32>
        %add3A_476 = arith.constant 1 : i32
        %add3A_477 = vector.broadcast %add3A_476 : i32 to vector<16xi32>
        %add3A_478 = arith.addi %add3A_475, %add3A_477 : vector<16xi32>
        %gather3A_479 = tpu.vector_load_idx %arg6[%add3A_478] : memref<65000xf32, #tpu.memory_space<vmem>>[vector<16xi32>], vector<16xf32>,
        %swap3A_480 = arith.constant 1 : i32
        %swap3A_481 = arith.constant 17 : i32
        %swap3A_482 = arith.index_cast %swap3A_480 : i32 to index
        %swap3A_483 = arith.index_cast %swap3A_481 : i32 to index
        %swap3A_484 = arith.index_cast %mul3A_189 : i32 to index
        %swap3A_485 = tpu.vector_load %arg7[%swap3A_482, %swap3A_483, %swap3A_484] {strides = array<i32>} : memref<2x64x128xf32, #tpu.memory_space<vmem>>, vector<16xf32>,
        tpu.vector_store %arg7[%swap3A_482, %swap3A_483, %swap3A_484], %gather3A_271 {strides = array<i32>} : memref<2x64x128xf32, #tpu.memory_space<vmem>>, vector<16xf32>,
        %add3A_486 = arith.constant 32 : i32
        %add3A_487 = vector.broadcast %add3A_486 : i32 to vector<16xi32>
        %add3A_488 = arith.addi %mul3A_187, %add3A_487 : vector<16xi32>
        %add3A_489 = arith.constant 2 : i32
        %add3A_490 = vector.broadcast %add3A_489 : i32 to vector<16xi32>
        %add3A_491 = arith.addi %add3A_488, %add3A_490 : vector<16xi32>
        %gather3A_492 = tpu.vector_load_idx %arg6[%add3A_491] : memref<65000xf32, #tpu.memory_space<vmem>>[vector<16xi32>], vector<16xf32>,
        %swap3A_493 = arith.constant 1 : i32
        %swap3A_494 = arith.constant 18 : i32
        %swap3A_495 = arith.index_cast %swap3A_493 : i32 to index
        %swap3A_496 = arith.index_cast %swap3A_494 : i32 to index
        %swap3A_497 = arith.index_cast %mul3A_189 : i32 to index
        %swap3A_498 = tpu.vector_load %arg7[%swap3A_495, %swap3A_496, %swap3A_497] {strides = array<i32>} : memref<2x64x128xf32, #tpu.memory_space<vmem>>, vector<16xf32>,
        tpu.vector_store %arg7[%swap3A_495, %swap3A_496, %swap3A_497], %gather3A_284 {strides = array<i32>} : memref<2x64x128xf32, #tpu.memory_space<vmem>>, vector<16xf32>,
        %add3A_499 = arith.constant 32 : i32
        %add3A_500 = vector.broadcast %add3A_499 : i32 to vector<16xi32>
        %add3A_501 = arith.addi %mul3A_187, %add3A_500 : vector<16xi32>
        %add3A_502 = arith.constant 3 : i32
        %add3A_503 = vector.broadcast %add3A_502 : i32 to vector<16xi32>
        %add3A_504 = arith.addi %add3A_501, %add3A_503 : vector<16xi32>
        %gather3A_505 = tpu.vector_load_idx %arg6[%add3A_504] : memref<65000xf32, #tpu.memory_space<vmem>>[vector<16xi32>], vector<16xf32>,
        %swap3A_506 = arith.constant 1 : i32
        %swap3A_507 = arith.constant 19 : i32
        %swap3A_508 = arith.index_cast %swap3A_506 : i32 to index
        %swap3A_509 = arith.index_cast %swap3A_507 : i32 to index
        %swap3A_510 = arith.index_cast %mul3A_189 : i32 to index
        %swap3A_511 = tpu.vector_load %arg7[%swap3A_508, %swap3A_509, %swap3A_510] {strides = array<i32>} : memref<2x64x128xf32, #tpu.memory_space<vmem>>, vector<16xf32>,
        tpu.vector_store %arg7[%swap3A_508, %swap3A_509, %swap3A_510], %gather3A_297 {strides = array<i32>} : memref<2x64x128xf32, #tpu.memory_space<vmem>>, vector<16xf32>,
        %add3A_512 = arith.constant 32 : i32
        %add3A_513 = vector.broadcast %add3A_512 : i32 to vector<16xi32>
        %add3A_514 = arith.addi %mul3A_187, %add3A_513 : vector<16xi32>
        %add3A_515 = arith.constant 4 : i32
        %add3A_516 = vector.broadcast %add3A_515 : i32 to vector<16xi32>
        %add3A_517 = arith.addi %add3A_514, %add3A_516 : vector<16xi32>
        %gather3A_518 = tpu.vector_load_idx %arg6[%add3A_517] : memref<65000xf32, #tpu.memory_space<vmem>>[vector<16xi32>], vector<16xf32>,
        %swap3A_519 = arith.constant 1 : i32
        %swap3A_520 = arith.constant 20 : i32
        %swap3A_521 = arith.index_cast %swap3A_519 : i32 to index
        %swap3A_522 = arith.index_cast %swap3A_520 : i32 to index
        %swap3A_523 = arith.index_cast %mul3A_189 : i32 to index
        %swap3A_524 = tpu.vector_load %arg7[%swap3A_521, %swap3A_522, %swap3A_523] {strides = array<i32>} : memref<2x64x128xf32, #tpu.memory_space<vmem>>, vector<16xf32>,
        tpu.vector_store %arg7[%swap3A_521, %swap3A_522, %swap3A_523], %gather3A_310 {strides = array<i32>} : memref<2x64x128xf32, #tpu.memory_space<vmem>>, vector<16xf32>,
        %add3A_525 = arith.constant 32 : i32
        %add3A_526 = vector.broadcast %add3A_525 : i32 to vector<16xi32>
        %add3A_527 = arith.addi %mul3A_187, %add3A_526 : vector<16xi32>
        %add3A_528 = arith.constant 5 : i32
        %add3A_529 = vector.broadcast %add3A_528 : i32 to vector<16xi32>
        %add3A_530 = arith.addi %add3A_527, %add3A_529 : vector<16xi32>
        %gather3A_531 = tpu.vector_load_idx %arg6[%add3A_530] : memref<65000xf32, #tpu.memory_space<vmem>>[vector<16xi32>], vector<16xf32>,
        %swap3A_532 = arith.constant 1 : i32
        %swap3A_533 = arith.constant 21 : i32
        %swap3A_534 = arith.index_cast %swap3A_532 : i32 to index
        %swap3A_535 = arith.index_cast %swap3A_533 : i32 to index
        %swap3A_536 = arith.index_cast %mul3A_189 : i32 to index
        %swap3A_537 = tpu.vector_load %arg7[%swap3A_534, %swap3A_535, %swap3A_536] {strides = array<i32>} : memref<2x64x128xf32, #tpu.memory_space<vmem>>, vector<16xf32>,
        tpu.vector_store %arg7[%swap3A_534, %swap3A_535, %swap3A_536], %gather3A_323 {strides = array<i32>} : memref<2x64x128xf32, #tpu.memory_space<vmem>>, vector<16xf32>,
        %add3A_538 = arith.constant 32 : i32
        %add3A_539 = vector.broadcast %add3A_538 : i32 to vector<16xi32>
        %add3A_540 = arith.addi %mul3A_187, %add3A_539 : vector<16xi32>
        %add3A_541 = arith.constant 6 : i32
        %add3A_542 = vector.broadcast %add3A_541 : i32 to vector<16xi32>
        %add3A_543 = arith.addi %add3A_540, %add3A_542 : vector<16xi32>
        %gather3A_544 = tpu.vector_load_idx %arg6[%add3A_543] : memref<65000xf32, #tpu.memory_space<vmem>>[vector<16xi32>], vector<16xf32>,
        %swap3A_545 = arith.constant 1 : i32
        %swap3A_546 = arith.constant 22 : i32
        %swap3A_547 = arith.index_cast %swap3A_545 : i32 to index
        %swap3A_548 = arith.index_cast %swap3A_546 : i32 to index
        %swap3A_549 = arith.index_cast %mul3A_189 : i32 to index
        %swap3A_550 = tpu.vector_load %arg7[%swap3A_547, %swap3A_548, %swap3A_549] {strides = array<i32>} : memref<2x64x128xf32, #tpu.memory_space<vmem>>, vector<16xf32>,
        tpu.vector_store %arg7[%swap3A_547, %swap3A_548, %swap3A_549], %gather3A_336 {strides = array<i32>} : memref<2x64x128xf32, #tpu.memory_space<vmem>>, vector<16xf32>,
        %add3A_551 = arith.constant 32 : i32
        %add3A_552 = vector.broadcast %add3A_551 : i32 to vector<16xi32>
        %add3A_553 = arith.addi %mul3A_187, %add3A_552 : vector<16xi32>
        %add3A_554 = arith.constant 7 : i32
        %add3A_555 = vector.broadcast %add3A_554 : i32 to vector<16xi32>
        %add3A_556 = arith.addi %add3A_553, %add3A_555 : vector<16xi32>
        %gather3A_557 = tpu.vector_load_idx %arg6[%add3A_556] : memref<65000xf32, #tpu.memory_space<vmem>>[vector<16xi32>], vector<16xf32>,
        %swap3A_558 = arith.constant 1 : i32
        %swap3A_559 = arith.constant 23 : i32
        %swap3A_560 = arith.index_cast %swap3A_558 : i32 to index
        %swap3A_561 = arith.index_cast %swap3A_559 : i32 to index
        %swap3A_562 = arith.index_cast %mul3A_189 : i32 to index
        %swap3A_563 = tpu.vector_load %arg7[%swap3A_560, %swap3A_561, %swap3A_562] {strides = array<i32>} : memref<2x64x128xf32, #tpu.memory_space<vmem>>, vector<16xf32>,
        tpu.vector_store %arg7[%swap3A_560, %swap3A_561, %swap3A_562], %gather3A_349 {strides = array<i32>} : memref<2x64x128xf32, #tpu.memory_space<vmem>>, vector<16xf32>,
        %add3A_564 = arith.constant 32 : i32
        %add3A_565 = vector.broadcast %add3A_564 : i32 to vector<16xi32>
        %add3A_566 = arith.addi %mul3A_187, %add3A_565 : vector<16xi32>
        %add3A_567 = arith.constant 8 : i32
        %add3A_568 = vector.broadcast %add3A_567 : i32 to vector<16xi32>
        %add3A_569 = arith.addi %add3A_566, %add3A_568 : vector<16xi32>
        %gather3A_570 = tpu.vector_load_idx %arg6[%add3A_569] : memref<65000xf32, #tpu.memory_space<vmem>>[vector<16xi32>], vector<16xf32>,
        %swap3A_571 = arith.constant 1 : i32
        %swap3A_572 = arith.constant 24 : i32
        %swap3A_573 = arith.index_cast %swap3A_571 : i32 to index
        %swap3A_574 = arith.index_cast %swap3A_572 : i32 to index
        %swap3A_575 = arith.index_cast %mul3A_189 : i32 to index
        %swap3A_576 = tpu.vector_load %arg7[%swap3A_573, %swap3A_574, %swap3A_575] {strides = array<i32>} : memref<2x64x128xf32, #tpu.memory_space<vmem>>, vector<16xf32>,
        tpu.vector_store %arg7[%swap3A_573, %swap3A_574, %swap3A_575], %gather3A_362 {strides = array<i32>} : memref<2x64x128xf32, #tpu.memory_space<vmem>>, vector<16xf32>,
        %add3A_577 = arith.constant 32 : i32
        %add3A_578 = vector.broadcast %add3A_577 : i32 to vector<16xi32>
        %add3A_579 = arith.addi %mul3A_187, %add3A_578 : vector<16xi32>
        %add3A_580 = arith.constant 9 : i32
        %add3A_581 = vector.broadcast %add3A_580 : i32 to vector<16xi32>
        %add3A_582 = arith.addi %add3A_579, %add3A_581 : vector<16xi32>
        %gather3A_583 = tpu.vector_load_idx %arg6[%add3A_582] : memref<65000xf32, #tpu.memory_space<vmem>>[vector<16xi32>], vector<16xf32>,
        %swap3A_584 = arith.constant 1 : i32
        %swap3A_585 = arith.constant 25 : i32
        %swap3A_586 = arith.index_cast %swap3A_584 : i32 to index
        %swap3A_587 = arith.index_cast %swap3A_585 : i32 to index
        %swap3A_588 = arith.index_cast %mul3A_189 : i32 to index
        %swap3A_589 = tpu.vector_load %arg7[%swap3A_586, %swap3A_587, %swap3A_588] {strides = array<i32>} : memref<2x64x128xf32, #tpu.memory_space<vmem>>, vector<16xf32>,
        tpu.vector_store %arg7[%swap3A_586, %swap3A_587, %swap3A_588], %gather3A_375 {strides = array<i32>} : memref<2x64x128xf32, #tpu.memory_space<vmem>>, vector<16xf32>,
        %add3A_590 = arith.constant 32 : i32
        %add3A_591 = vector.broadcast %add3A_590 : i32 to vector<16xi32>
        %add3A_592 = arith.addi %mul3A_187, %add3A_591 : vector<16xi32>
        %add3A_593 = arith.constant 10 : i32
        %add3A_594 = vector.broadcast %add3A_593 : i32 to vector<16xi32>
        %add3A_595 = arith.addi %add3A_592, %add3A_594 : vector<16xi32>
        %gather3A_596 = tpu.vector_load_idx %arg6[%add3A_595] : memref<65000xf32, #tpu.memory_space<vmem>>[vector<16xi32>], vector<16xf32>,
        %swap3A_597 = arith.constant 1 : i32
        %swap3A_598 = arith.constant 26 : i32
        %swap3A_599 = arith.index_cast %swap3A_597 : i32 to index
        %swap3A_600 = arith.index_cast %swap3A_598 : i32 to index
        %swap3A_601 = arith.index_cast %mul3A_189 : i32 to index
        %swap3A_602 = tpu.vector_load %arg7[%swap3A_599, %swap3A_600, %swap3A_601] {strides = array<i32>} : memref<2x64x128xf32, #tpu.memory_space<vmem>>, vector<16xf32>,
        tpu.vector_store %arg7[%swap3A_599, %swap3A_600, %swap3A_601], %gather3A_388 {strides = array<i32>} : memref<2x64x128xf32, #tpu.memory_space<vmem>>, vector<16xf32>,
        %add3A_603 = arith.constant 32 : i32
        %add3A_604 = vector.broadcast %add3A_603 : i32 to vector<16xi32>
        %add3A_605 = arith.addi %mul3A_187, %add3A_604 : vector<16xi32>
        %add3A_606 = arith.constant 11 : i32
        %add3A_607 = vector.broadcast %add3A_606 : i32 to vector<16xi32>
        %add3A_608 = arith.addi %add3A_605, %add3A_607 : vector<16xi32>
        %gather3A_609 = tpu.vector_load_idx %arg6[%add3A_608] : memref<65000xf32, #tpu.memory_space<vmem>>[vector<16xi32>], vector<16xf32>,
        %swap3A_610 = arith.constant 1 : i32
        %swap3A_611 = arith.constant 27 : i32
        %swap3A_612 = arith.index_cast %swap3A_610 : i32 to index
        %swap3A_613 = arith.index_cast %swap3A_611 : i32 to index
        %swap3A_614 = arith.index_cast %mul3A_189 : i32 to index
        %swap3A_615 = tpu.vector_load %arg7[%swap3A_612, %swap3A_613, %swap3A_614] {strides = array<i32>} : memref<2x64x128xf32, #tpu.memory_space<vmem>>, vector<16xf32>,
        tpu.vector_store %arg7[%swap3A_612, %swap3A_613, %swap3A_614], %gather3A_401 {strides = array<i32>} : memref<2x64x128xf32, #tpu.memory_space<vmem>>, vector<16xf32>,
        %add3A_616 = arith.constant 32 : i32
        %add3A_617 = vector.broadcast %add3A_616 : i32 to vector<16xi32>
        %add3A_618 = arith.addi %mul3A_187, %add3A_617 : vector<16xi32>
        %add3A_619 = arith.constant 12 : i32
        %add3A_620 = vector.broadcast %add3A_619 : i32 to vector<16xi32>
        %add3A_621 = arith.addi %add3A_618, %add3A_620 : vector<16xi32>
        %gather3A_622 = tpu.vector_load_idx %arg6[%add3A_621] : memref<65000xf32, #tpu.memory_space<vmem>>[vector<16xi32>], vector<16xf32>,
        %swap3A_623 = arith.constant 1 : i32
        %swap3A_624 = arith.constant 28 : i32
        %swap3A_625 = arith.index_cast %swap3A_623 : i32 to index
        %swap3A_626 = arith.index_cast %swap3A_624 : i32 to index
        %swap3A_627 = arith.index_cast %mul3A_189 : i32 to index
        %swap3A_628 = tpu.vector_load %arg7[%swap3A_625, %swap3A_626, %swap3A_627] {strides = array<i32>} : memref<2x64x128xf32, #tpu.memory_space<vmem>>, vector<16xf32>,
        tpu.vector_store %arg7[%swap3A_625, %swap3A_626, %swap3A_627], %gather3A_414 {strides = array<i32>} : memref<2x64x128xf32, #tpu.memory_space<vmem>>, vector<16xf32>,
        %add3A_629 = arith.constant 32 : i32
        %add3A_630 = vector.broadcast %add3A_629 : i32 to vector<16xi32>
        %add3A_631 = arith.addi %mul3A_187, %add3A_630 : vector<16xi32>
        %add3A_632 = arith.constant 13 : i32
        %add3A_633 = vector.broadcast %add3A_632 : i32 to vector<16xi32>
        %add3A_634 = arith.addi %add3A_631, %add3A_633 : vector<16xi32>
        %gather3A_635 = tpu.vector_load_idx %arg6[%add3A_634] : memref<65000xf32, #tpu.memory_space<vmem>>[vector<16xi32>], vector<16xf32>,
        %swap3A_636 = arith.constant 1 : i32
        %swap3A_637 = arith.constant 29 : i32
        %swap3A_638 = arith.index_cast %swap3A_636 : i32 to index
        %swap3A_639 = arith.index_cast %swap3A_637 : i32 to index
        %swap3A_640 = arith.index_cast %mul3A_189 : i32 to index
        %swap3A_641 = tpu.vector_load %arg7[%swap3A_638, %swap3A_639, %swap3A_640] {strides = array<i32>} : memref<2x64x128xf32, #tpu.memory_space<vmem>>, vector<16xf32>,
        tpu.vector_store %arg7[%swap3A_638, %swap3A_639, %swap3A_640], %gather3A_427 {strides = array<i32>} : memref<2x64x128xf32, #tpu.memory_space<vmem>>, vector<16xf32>,
        %add3A_642 = arith.constant 32 : i32
        %add3A_643 = vector.broadcast %add3A_642 : i32 to vector<16xi32>
        %add3A_644 = arith.addi %mul3A_187, %add3A_643 : vector<16xi32>
        %add3A_645 = arith.constant 14 : i32
        %add3A_646 = vector.broadcast %add3A_645 : i32 to vector<16xi32>
        %add3A_647 = arith.addi %add3A_644, %add3A_646 : vector<16xi32>
        %gather3A_648 = tpu.vector_load_idx %arg6[%add3A_647] : memref<65000xf32, #tpu.memory_space<vmem>>[vector<16xi32>], vector<16xf32>,
        %swap3A_649 = arith.constant 1 : i32
        %swap3A_650 = arith.constant 30 : i32
        %swap3A_651 = arith.index_cast %swap3A_649 : i32 to index
        %swap3A_652 = arith.index_cast %swap3A_650 : i32 to index
        %swap3A_653 = arith.index_cast %mul3A_189 : i32 to index
        %swap3A_654 = tpu.vector_load %arg7[%swap3A_651, %swap3A_652, %swap3A_653] {strides = array<i32>} : memref<2x64x128xf32, #tpu.memory_space<vmem>>, vector<16xf32>,
        tpu.vector_store %arg7[%swap3A_651, %swap3A_652, %swap3A_653], %gather3A_440 {strides = array<i32>} : memref<2x64x128xf32, #tpu.memory_space<vmem>>, vector<16xf32>,
        %add3A_655 = arith.constant 32 : i32
        %add3A_656 = vector.broadcast %add3A_655 : i32 to vector<16xi32>
        %add3A_657 = arith.addi %mul3A_187, %add3A_656 : vector<16xi32>
        %add3A_658 = arith.constant 15 : i32
        %add3A_659 = vector.broadcast %add3A_658 : i32 to vector<16xi32>
        %add3A_660 = arith.addi %add3A_657, %add3A_659 : vector<16xi32>
        %gather3A_661 = tpu.vector_load_idx %arg6[%add3A_660] : memref<65000xf32, #tpu.memory_space<vmem>>[vector<16xi32>], vector<16xf32>,
        %swap3A_662 = arith.constant 1 : i32
        %swap3A_663 = arith.constant 31 : i32
        %swap3A_664 = arith.index_cast %swap3A_662 : i32 to index
        %swap3A_665 = arith.index_cast %swap3A_663 : i32 to index
        %swap3A_666 = arith.index_cast %mul3A_189 : i32 to index
        %swap3A_667 = tpu.vector_load %arg7[%swap3A_664, %swap3A_665, %swap3A_666] {strides = array<i32>} : memref<2x64x128xf32, #tpu.memory_space<vmem>>, vector<16xf32>,
        tpu.vector_store %arg7[%swap3A_664, %swap3A_665, %swap3A_666], %gather3A_453 {strides = array<i32>} : memref<2x64x128xf32, #tpu.memory_space<vmem>>, vector<16xf32>,
        %add3A_668 = arith.constant 48 : i32
        %add3A_669 = vector.broadcast %add3A_668 : i32 to vector<16xi32>
        %add3A_670 = arith.addi %mul3A_187, %add3A_669 : vector<16xi32>
        %add3A_671 = arith.constant 0 : i32
        %add3A_672 = vector.broadcast %add3A_671 : i32 to vector<16xi32>
        %add3A_673 = arith.addi %add3A_670, %add3A_672 : vector<16xi32>
        %gather3A_674 = tpu.vector_load_idx %arg6[%add3A_673] : memref<65000xf32, #tpu.memory_space<vmem>>[vector<16xi32>], vector<16xf32>,
        %swap3A_675 = arith.constant 1 : i32
        %swap3A_676 = arith.constant 32 : i32
        %swap3A_677 = arith.index_cast %swap3A_675 : i32 to index
        %swap3A_678 = arith.index_cast %swap3A_676 : i32 to index
        %swap3A_679 = arith.index_cast %mul3A_189 : i32 to index
        %swap3A_680 = tpu.vector_load %arg7[%swap3A_677, %swap3A_678, %swap3A_679] {strides = array<i32>} : memref<2x64x128xf32, #tpu.memory_space<vmem>>, vector<16xf32>,
        tpu.vector_store %arg7[%swap3A_677, %swap3A_678, %swap3A_679], %gather3A_466 {strides = array<i32>} : memref<2x64x128xf32, #tpu.memory_space<vmem>>, vector<16xf32>,
        %add3A_681 = arith.constant 48 : i32
        %add3A_682 = vector.broadcast %add3A_681 : i32 to vector<16xi32>
        %add3A_683 = arith.addi %mul3A_187, %add3A_682 : vector<16xi32>
        %add3A_684 = arith.constant 1 : i32
        %add3A_685 = vector.broadcast %add3A_684 : i32 to vector<16xi32>
        %add3A_686 = arith.addi %add3A_683, %add3A_685 : vector<16xi32>
        %gather3A_687 = tpu.vector_load_idx %arg6[%add3A_686] : memref<65000xf32, #tpu.memory_space<vmem>>[vector<16xi32>], vector<16xf32>,
        %swap3A_688 = arith.constant 1 : i32
        %swap3A_689 = arith.constant 33 : i32
        %swap3A_690 = arith.index_cast %swap3A_688 : i32 to index
        %swap3A_691 = arith.index_cast %swap3A_689 : i32 to index
        %swap3A_692 = arith.index_cast %mul3A_189 : i32 to index
        %swap3A_693 = tpu.vector_load %arg7[%swap3A_690, %swap3A_691, %swap3A_692] {strides = array<i32>} : memref<2x64x128xf32, #tpu.memory_space<vmem>>, vector<16xf32>,
        tpu.vector_store %arg7[%swap3A_690, %swap3A_691, %swap3A_692], %gather3A_479 {strides = array<i32>} : memref<2x64x128xf32, #tpu.memory_space<vmem>>, vector<16xf32>,
        %add3A_694 = arith.constant 48 : i32
        %add3A_695 = vector.broadcast %add3A_694 : i32 to vector<16xi32>
        %add3A_696 = arith.addi %mul3A_187, %add3A_695 : vector<16xi32>
        %add3A_697 = arith.constant 2 : i32
        %add3A_698 = vector.broadcast %add3A_697 : i32 to vector<16xi32>
        %add3A_699 = arith.addi %add3A_696, %add3A_698 : vector<16xi32>
        %gather3A_700 = tpu.vector_load_idx %arg6[%add3A_699] : memref<65000xf32, #tpu.memory_space<vmem>>[vector<16xi32>], vector<16xf32>,
        %swap3A_701 = arith.constant 1 : i32
        %swap3A_702 = arith.constant 34 : i32
        %swap3A_703 = arith.index_cast %swap3A_701 : i32 to index
        %swap3A_704 = arith.index_cast %swap3A_702 : i32 to index
        %swap3A_705 = arith.index_cast %mul3A_189 : i32 to index
        %swap3A_706 = tpu.vector_load %arg7[%swap3A_703, %swap3A_704, %swap3A_705] {strides = array<i32>} : memref<2x64x128xf32, #tpu.memory_space<vmem>>, vector<16xf32>,
        tpu.vector_store %arg7[%swap3A_703, %swap3A_704, %swap3A_705], %gather3A_492 {strides = array<i32>} : memref<2x64x128xf32, #tpu.memory_space<vmem>>, vector<16xf32>,
        %add3A_707 = arith.constant 48 : i32
        %add3A_708 = vector.broadcast %add3A_707 : i32 to vector<16xi32>
        %add3A_709 = arith.addi %mul3A_187, %add3A_708 : vector<16xi32>
        %add3A_710 = arith.constant 3 : i32
        %add3A_711 = vector.broadcast %add3A_710 : i32 to vector<16xi32>
        %add3A_712 = arith.addi %add3A_709, %add3A_711 : vector<16xi32>
        %gather3A_713 = tpu.vector_load_idx %arg6[%add3A_712] : memref<65000xf32, #tpu.memory_space<vmem>>[vector<16xi32>], vector<16xf32>,
        %swap3A_714 = arith.constant 1 : i32
        %swap3A_715 = arith.constant 35 : i32
        %swap3A_716 = arith.index_cast %swap3A_714 : i32 to index
        %swap3A_717 = arith.index_cast %swap3A_715 : i32 to index
        %swap3A_718 = arith.index_cast %mul3A_189 : i32 to index
        %swap3A_719 = tpu.vector_load %arg7[%swap3A_716, %swap3A_717, %swap3A_718] {strides = array<i32>} : memref<2x64x128xf32, #tpu.memory_space<vmem>>, vector<16xf32>,
        tpu.vector_store %arg7[%swap3A_716, %swap3A_717, %swap3A_718], %gather3A_505 {strides = array<i32>} : memref<2x64x128xf32, #tpu.memory_space<vmem>>, vector<16xf32>,
        %add3A_720 = arith.constant 48 : i32
        %add3A_721 = vector.broadcast %add3A_720 : i32 to vector<16xi32>
        %add3A_722 = arith.addi %mul3A_187, %add3A_721 : vector<16xi32>
        %add3A_723 = arith.constant 4 : i32
        %add3A_724 = vector.broadcast %add3A_723 : i32 to vector<16xi32>
        %add3A_725 = arith.addi %add3A_722, %add3A_724 : vector<16xi32>
        %gather3A_726 = tpu.vector_load_idx %arg6[%add3A_725] : memref<65000xf32, #tpu.memory_space<vmem>>[vector<16xi32>], vector<16xf32>,
        %swap3A_727 = arith.constant 1 : i32
        %swap3A_728 = arith.constant 36 : i32
        %swap3A_729 = arith.index_cast %swap3A_727 : i32 to index
        %swap3A_730 = arith.index_cast %swap3A_728 : i32 to index
        %swap3A_731 = arith.index_cast %mul3A_189 : i32 to index
        %swap3A_732 = tpu.vector_load %arg7[%swap3A_729, %swap3A_730, %swap3A_731] {strides = array<i32>} : memref<2x64x128xf32, #tpu.memory_space<vmem>>, vector<16xf32>,
        tpu.vector_store %arg7[%swap3A_729, %swap3A_730, %swap3A_731], %gather3A_518 {strides = array<i32>} : memref<2x64x128xf32, #tpu.memory_space<vmem>>, vector<16xf32>,
        %add3A_733 = arith.constant 48 : i32
        %add3A_734 = vector.broadcast %add3A_733 : i32 to vector<16xi32>
        %add3A_735 = arith.addi %mul3A_187, %add3A_734 : vector<16xi32>
        %add3A_736 = arith.constant 5 : i32
        %add3A_737 = vector.broadcast %add3A_736 : i32 to vector<16xi32>
        %add3A_738 = arith.addi %add3A_735, %add3A_737 : vector<16xi32>
        %gather3A_739 = tpu.vector_load_idx %arg6[%add3A_738] : memref<65000xf32, #tpu.memory_space<vmem>>[vector<16xi32>], vector<16xf32>,
        %swap3A_740 = arith.constant 1 : i32
        %swap3A_741 = arith.constant 37 : i32
        %swap3A_742 = arith.index_cast %swap3A_740 : i32 to index
        %swap3A_743 = arith.index_cast %swap3A_741 : i32 to index
        %swap3A_744 = arith.index_cast %mul3A_189 : i32 to index
        %swap3A_745 = tpu.vector_load %arg7[%swap3A_742, %swap3A_743, %swap3A_744] {strides = array<i32>} : memref<2x64x128xf32, #tpu.memory_space<vmem>>, vector<16xf32>,
        tpu.vector_store %arg7[%swap3A_742, %swap3A_743, %swap3A_744], %gather3A_531 {strides = array<i32>} : memref<2x64x128xf32, #tpu.memory_space<vmem>>, vector<16xf32>,
        %add3A_746 = arith.constant 48 : i32
        %add3A_747 = vector.broadcast %add3A_746 : i32 to vector<16xi32>
        %add3A_748 = arith.addi %mul3A_187, %add3A_747 : vector<16xi32>
        %add3A_749 = arith.constant 6 : i32
        %add3A_750 = vector.broadcast %add3A_749 : i32 to vector<16xi32>
        %add3A_751 = arith.addi %add3A_748, %add3A_750 : vector<16xi32>
        %gather3A_752 = tpu.vector_load_idx %arg6[%add3A_751] : memref<65000xf32, #tpu.memory_space<vmem>>[vector<16xi32>], vector<16xf32>,
        %swap3A_753 = arith.constant 1 : i32
        %swap3A_754 = arith.constant 38 : i32
        %swap3A_755 = arith.index_cast %swap3A_753 : i32 to index
        %swap3A_756 = arith.index_cast %swap3A_754 : i32 to index
        %swap3A_757 = arith.index_cast %mul3A_189 : i32 to index
        %swap3A_758 = tpu.vector_load %arg7[%swap3A_755, %swap3A_756, %swap3A_757] {strides = array<i32>} : memref<2x64x128xf32, #tpu.memory_space<vmem>>, vector<16xf32>,
        tpu.vector_store %arg7[%swap3A_755, %swap3A_756, %swap3A_757], %gather3A_544 {strides = array<i32>} : memref<2x64x128xf32, #tpu.memory_space<vmem>>, vector<16xf32>,
        %add3A_759 = arith.constant 48 : i32
        %add3A_760 = vector.broadcast %add3A_759 : i32 to vector<16xi32>
        %add3A_761 = arith.addi %mul3A_187, %add3A_760 : vector<16xi32>
        %add3A_762 = arith.constant 7 : i32
        %add3A_763 = vector.broadcast %add3A_762 : i32 to vector<16xi32>
        %add3A_764 = arith.addi %add3A_761, %add3A_763 : vector<16xi32>
        %gather3A_765 = tpu.vector_load_idx %arg6[%add3A_764] : memref<65000xf32, #tpu.memory_space<vmem>>[vector<16xi32>], vector<16xf32>,
        %swap3A_766 = arith.constant 1 : i32
        %swap3A_767 = arith.constant 39 : i32
        %swap3A_768 = arith.index_cast %swap3A_766 : i32 to index
        %swap3A_769 = arith.index_cast %swap3A_767 : i32 to index
        %swap3A_770 = arith.index_cast %mul3A_189 : i32 to index
        %swap3A_771 = tpu.vector_load %arg7[%swap3A_768, %swap3A_769, %swap3A_770] {strides = array<i32>} : memref<2x64x128xf32, #tpu.memory_space<vmem>>, vector<16xf32>,
        tpu.vector_store %arg7[%swap3A_768, %swap3A_769, %swap3A_770], %gather3A_557 {strides = array<i32>} : memref<2x64x128xf32, #tpu.memory_space<vmem>>, vector<16xf32>,
        %add3A_772 = arith.constant 48 : i32
        %add3A_773 = vector.broadcast %add3A_772 : i32 to vector<16xi32>
        %add3A_774 = arith.addi %mul3A_187, %add3A_773 : vector<16xi32>
        %add3A_775 = arith.constant 8 : i32
        %add3A_776 = vector.broadcast %add3A_775 : i32 to vector<16xi32>
        %add3A_777 = arith.addi %add3A_774, %add3A_776 : vector<16xi32>
        %gather3A_778 = tpu.vector_load_idx %arg6[%add3A_777] : memref<65000xf32, #tpu.memory_space<vmem>>[vector<16xi32>], vector<16xf32>,
        %swap3A_779 = arith.constant 1 : i32
        %swap3A_780 = arith.constant 40 : i32
        %swap3A_781 = arith.index_cast %swap3A_779 : i32 to index
        %swap3A_782 = arith.index_cast %swap3A_780 : i32 to index
        %swap3A_783 = arith.index_cast %mul3A_189 : i32 to index
        %swap3A_784 = tpu.vector_load %arg7[%swap3A_781, %swap3A_782, %swap3A_783] {strides = array<i32>} : memref<2x64x128xf32, #tpu.memory_space<vmem>>, vector<16xf32>,
        tpu.vector_store %arg7[%swap3A_781, %swap3A_782, %swap3A_783], %gather3A_570 {strides = array<i32>} : memref<2x64x128xf32, #tpu.memory_space<vmem>>, vector<16xf32>,
        %add3A_785 = arith.constant 48 : i32
        %add3A_786 = vector.broadcast %add3A_785 : i32 to vector<16xi32>
        %add3A_787 = arith.addi %mul3A_187, %add3A_786 : vector<16xi32>
        %add3A_788 = arith.constant 9 : i32
        %add3A_789 = vector.broadcast %add3A_788 : i32 to vector<16xi32>
        %add3A_790 = arith.addi %add3A_787, %add3A_789 : vector<16xi32>
        %gather3A_791 = tpu.vector_load_idx %arg6[%add3A_790] : memref<65000xf32, #tpu.memory_space<vmem>>[vector<16xi32>], vector<16xf32>,
        %swap3A_792 = arith.constant 1 : i32
        %swap3A_793 = arith.constant 41 : i32
        %swap3A_794 = arith.index_cast %swap3A_792 : i32 to index
        %swap3A_795 = arith.index_cast %swap3A_793 : i32 to index
        %swap3A_796 = arith.index_cast %mul3A_189 : i32 to index
        %swap3A_797 = tpu.vector_load %arg7[%swap3A_794, %swap3A_795, %swap3A_796] {strides = array<i32>} : memref<2x64x128xf32, #tpu.memory_space<vmem>>, vector<16xf32>,
        tpu.vector_store %arg7[%swap3A_794, %swap3A_795, %swap3A_796], %gather3A_583 {strides = array<i32>} : memref<2x64x128xf32, #tpu.memory_space<vmem>>, vector<16xf32>,
        %add3A_798 = arith.constant 48 : i32
        %add3A_799 = vector.broadcast %add3A_798 : i32 to vector<16xi32>
        %add3A_800 = arith.addi %mul3A_187, %add3A_799 : vector<16xi32>
        %add3A_801 = arith.constant 10 : i32
        %add3A_802 = vector.broadcast %add3A_801 : i32 to vector<16xi32>
        %add3A_803 = arith.addi %add3A_800, %add3A_802 : vector<16xi32>
        %gather3A_804 = tpu.vector_load_idx %arg6[%add3A_803] : memref<65000xf32, #tpu.memory_space<vmem>>[vector<16xi32>], vector<16xf32>,
        %swap3A_805 = arith.constant 1 : i32
        %swap3A_806 = arith.constant 42 : i32
        %swap3A_807 = arith.index_cast %swap3A_805 : i32 to index
        %swap3A_808 = arith.index_cast %swap3A_806 : i32 to index
        %swap3A_809 = arith.index_cast %mul3A_189 : i32 to index
        %swap3A_810 = tpu.vector_load %arg7[%swap3A_807, %swap3A_808, %swap3A_809] {strides = array<i32>} : memref<2x64x128xf32, #tpu.memory_space<vmem>>, vector<16xf32>,
        tpu.vector_store %arg7[%swap3A_807, %swap3A_808, %swap3A_809], %gather3A_596 {strides = array<i32>} : memref<2x64x128xf32, #tpu.memory_space<vmem>>, vector<16xf32>,
        %add3A_811 = arith.constant 48 : i32
        %add3A_812 = vector.broadcast %add3A_811 : i32 to vector<16xi32>
        %add3A_813 = arith.addi %mul3A_187, %add3A_812 : vector<16xi32>
        %add3A_814 = arith.constant 11 : i32
        %add3A_815 = vector.broadcast %add3A_814 : i32 to vector<16xi32>
        %add3A_816 = arith.addi %add3A_813, %add3A_815 : vector<16xi32>
        %gather3A_817 = tpu.vector_load_idx %arg6[%add3A_816] : memref<65000xf32, #tpu.memory_space<vmem>>[vector<16xi32>], vector<16xf32>,
        %swap3A_818 = arith.constant 1 : i32
        %swap3A_819 = arith.constant 43 : i32
        %swap3A_820 = arith.index_cast %swap3A_818 : i32 to index
        %swap3A_821 = arith.index_cast %swap3A_819 : i32 to index
        %swap3A_822 = arith.index_cast %mul3A_189 : i32 to index
        %swap3A_823 = tpu.vector_load %arg7[%swap3A_820, %swap3A_821, %swap3A_822] {strides = array<i32>} : memref<2x64x128xf32, #tpu.memory_space<vmem>>, vector<16xf32>,
        tpu.vector_store %arg7[%swap3A_820, %swap3A_821, %swap3A_822], %gather3A_609 {strides = array<i32>} : memref<2x64x128xf32, #tpu.memory_space<vmem>>, vector<16xf32>,
        %add3A_824 = arith.constant 48 : i32
        %add3A_825 = vector.broadcast %add3A_824 : i32 to vector<16xi32>
        %add3A_826 = arith.addi %mul3A_187, %add3A_825 : vector<16xi32>
        %add3A_827 = arith.constant 12 : i32
        %add3A_828 = vector.broadcast %add3A_827 : i32 to vector<16xi32>
        %add3A_829 = arith.addi %add3A_826, %add3A_828 : vector<16xi32>
        %gather3A_830 = tpu.vector_load_idx %arg6[%add3A_829] : memref<65000xf32, #tpu.memory_space<vmem>>[vector<16xi32>], vector<16xf32>,
        %swap3A_831 = arith.constant 1 : i32
        %swap3A_832 = arith.constant 44 : i32
        %swap3A_833 = arith.index_cast %swap3A_831 : i32 to index
        %swap3A_834 = arith.index_cast %swap3A_832 : i32 to index
        %swap3A_835 = arith.index_cast %mul3A_189 : i32 to index
        %swap3A_836 = tpu.vector_load %arg7[%swap3A_833, %swap3A_834, %swap3A_835] {strides = array<i32>} : memref<2x64x128xf32, #tpu.memory_space<vmem>>, vector<16xf32>,
        tpu.vector_store %arg7[%swap3A_833, %swap3A_834, %swap3A_835], %gather3A_622 {strides = array<i32>} : memref<2x64x128xf32, #tpu.memory_space<vmem>>, vector<16xf32>,
        %add3A_837 = arith.constant 48 : i32
        %add3A_838 = vector.broadcast %add3A_837 : i32 to vector<16xi32>
        %add3A_839 = arith.addi %mul3A_187, %add3A_838 : vector<16xi32>
        %add3A_840 = arith.constant 13 : i32
        %add3A_841 = vector.broadcast %add3A_840 : i32 to vector<16xi32>
        %add3A_842 = arith.addi %add3A_839, %add3A_841 : vector<16xi32>
        %gather3A_843 = tpu.vector_load_idx %arg6[%add3A_842] : memref<65000xf32, #tpu.memory_space<vmem>>[vector<16xi32>], vector<16xf32>,
        %swap3A_844 = arith.constant 1 : i32
        %swap3A_845 = arith.constant 45 : i32
        %swap3A_846 = arith.index_cast %swap3A_844 : i32 to index
        %swap3A_847 = arith.index_cast %swap3A_845 : i32 to index
        %swap3A_848 = arith.index_cast %mul3A_189 : i32 to index
        %swap3A_849 = tpu.vector_load %arg7[%swap3A_846, %swap3A_847, %swap3A_848] {strides = array<i32>} : memref<2x64x128xf32, #tpu.memory_space<vmem>>, vector<16xf32>,
        tpu.vector_store %arg7[%swap3A_846, %swap3A_847, %swap3A_848], %gather3A_635 {strides = array<i32>} : memref<2x64x128xf32, #tpu.memory_space<vmem>>, vector<16xf32>,
        %add3A_850 = arith.constant 48 : i32
        %add3A_851 = vector.broadcast %add3A_850 : i32 to vector<16xi32>
        %add3A_852 = arith.addi %mul3A_187, %add3A_851 : vector<16xi32>
        %add3A_853 = arith.constant 14 : i32
        %add3A_854 = vector.broadcast %add3A_853 : i32 to vector<16xi32>
        %add3A_855 = arith.addi %add3A_852, %add3A_854 : vector<16xi32>
        %gather3A_856 = tpu.vector_load_idx %arg6[%add3A_855] : memref<65000xf32, #tpu.memory_space<vmem>>[vector<16xi32>], vector<16xf32>,
        %swap3A_857 = arith.constant 1 : i32
        %swap3A_858 = arith.constant 46 : i32
        %swap3A_859 = arith.index_cast %swap3A_857 : i32 to index
        %swap3A_860 = arith.index_cast %swap3A_858 : i32 to index
        %swap3A_861 = arith.index_cast %mul3A_189 : i32 to index
        %swap3A_862 = tpu.vector_load %arg7[%swap3A_859, %swap3A_860, %swap3A_861] {strides = array<i32>} : memref<2x64x128xf32, #tpu.memory_space<vmem>>, vector<16xf32>,
        tpu.vector_store %arg7[%swap3A_859, %swap3A_860, %swap3A_861], %gather3A_648 {strides = array<i32>} : memref<2x64x128xf32, #tpu.memory_space<vmem>>, vector<16xf32>,
        %add3A_863 = arith.constant 48 : i32
        %add3A_864 = vector.broadcast %add3A_863 : i32 to vector<16xi32>
        %add3A_865 = arith.addi %mul3A_187, %add3A_864 : vector<16xi32>
        %add3A_866 = arith.constant 15 : i32
        %add3A_867 = vector.broadcast %add3A_866 : i32 to vector<16xi32>
        %add3A_868 = arith.addi %add3A_865, %add3A_867 : vector<16xi32>
        %gather3A_869 = tpu.vector_load_idx %arg6[%add3A_868] : memref<65000xf32, #tpu.memory_space<vmem>>[vector<16xi32>], vector<16xf32>,
        %swap3A_870 = arith.constant 1 : i32
        %swap3A_871 = arith.constant 47 : i32
        %swap3A_872 = arith.index_cast %swap3A_870 : i32 to index
        %swap3A_873 = arith.index_cast %swap3A_871 : i32 to index
        %swap3A_874 = arith.index_cast %mul3A_189 : i32 to index
        %swap3A_875 = tpu.vector_load %arg7[%swap3A_872, %swap3A_873, %swap3A_874] {strides = array<i32>} : memref<2x64x128xf32, #tpu.memory_space<vmem>>, vector<16xf32>,
        tpu.vector_store %arg7[%swap3A_872, %swap3A_873, %swap3A_874], %gather3A_661 {strides = array<i32>} : memref<2x64x128xf32, #tpu.memory_space<vmem>>, vector<16xf32>,
        %swap3A_876 = arith.constant 1 : i32
        %swap3A_877 = arith.constant 48 : i32
        %swap3A_878 = arith.index_cast %swap3A_876 : i32 to index
        %swap3A_879 = arith.index_cast %swap3A_877 : i32 to index
        %swap3A_880 = arith.index_cast %mul3A_189 : i32 to index
        %swap3A_881 = tpu.vector_load %arg7[%swap3A_878, %swap3A_879, %swap3A_880] {strides = array<i32>} : memref<2x64x128xf32, #tpu.memory_space<vmem>>, vector<16xf32>,
        tpu.vector_store %arg7[%swap3A_878, %swap3A_879, %swap3A_880], %gather3A_674 {strides = array<i32>} : memref<2x64x128xf32, #tpu.memory_space<vmem>>, vector<16xf32>,
        %swap3A_882 = arith.constant 1 : i32
        %swap3A_883 = arith.constant 49 : i32
        %swap3A_884 = arith.index_cast %swap3A_882 : i32 to index
        %swap3A_885 = arith.index_cast %swap3A_883 : i32 to index
        %swap3A_886 = arith.index_cast %mul3A_189 : i32 to index
        %swap3A_887 = tpu.vector_load %arg7[%swap3A_884, %swap3A_885, %swap3A_886] {strides = array<i32>} : memref<2x64x128xf32, #tpu.memory_space<vmem>>, vector<16xf32>,
        tpu.vector_store %arg7[%swap3A_884, %swap3A_885, %swap3A_886], %gather3A_687 {strides = array<i32>} : memref<2x64x128xf32, #tpu.memory_space<vmem>>, vector<16xf32>,
        %swap3A_888 = arith.constant 1 : i32
        %swap3A_889 = arith.constant 50 : i32
        %swap3A_890 = arith.index_cast %swap3A_888 : i32 to index
        %swap3A_891 = arith.index_cast %swap3A_889 : i32 to index
        %swap3A_892 = arith.index_cast %mul3A_189 : i32 to index
        %swap3A_893 = tpu.vector_load %arg7[%swap3A_890, %swap3A_891, %swap3A_892] {strides = array<i32>} : memref<2x64x128xf32, #tpu.memory_space<vmem>>, vector<16xf32>,
        tpu.vector_store %arg7[%swap3A_890, %swap3A_891, %swap3A_892], %gather3A_700 {strides = array<i32>} : memref<2x64x128xf32, #tpu.memory_space<vmem>>, vector<16xf32>,
        %swap3A_894 = arith.constant 1 : i32
        %swap3A_895 = arith.constant 51 : i32
        %swap3A_896 = arith.index_cast %swap3A_894 : i32 to index
        %swap3A_897 = arith.index_cast %swap3A_895 : i32 to index
        %swap3A_898 = arith.index_cast %mul3A_189 : i32 to index
        %swap3A_899 = tpu.vector_load %arg7[%swap3A_896, %swap3A_897, %swap3A_898] {strides = array<i32>} : memref<2x64x128xf32, #tpu.memory_space<vmem>>, vector<16xf32>,
        tpu.vector_store %arg7[%swap3A_896, %swap3A_897, %swap3A_898], %gather3A_713 {strides = array<i32>} : memref<2x64x128xf32, #tpu.memory_space<vmem>>, vector<16xf32>,
        %swap3A_900 = arith.constant 1 : i32
        %swap3A_901 = arith.constant 52 : i32
        %swap3A_902 = arith.index_cast %swap3A_900 : i32 to index
        %swap3A_903 = arith.index_cast %swap3A_901 : i32 to index
        %swap3A_904 = arith.index_cast %mul3A_189 : i32 to index
        %swap3A_905 = tpu.vector_load %arg7[%swap3A_902, %swap3A_903, %swap3A_904] {strides = array<i32>} : memref<2x64x128xf32, #tpu.memory_space<vmem>>, vector<16xf32>,
        tpu.vector_store %arg7[%swap3A_902, %swap3A_903, %swap3A_904], %gather3A_726 {strides = array<i32>} : memref<2x64x128xf32, #tpu.memory_space<vmem>>, vector<16xf32>,
        %swap3A_906 = arith.constant 1 : i32
        %swap3A_907 = arith.constant 53 : i32
        %swap3A_908 = arith.index_cast %swap3A_906 : i32 to index
        %swap3A_909 = arith.index_cast %swap3A_907 : i32 to index
        %swap3A_910 = arith.index_cast %mul3A_189 : i32 to index
        %swap3A_911 = tpu.vector_load %arg7[%swap3A_908, %swap3A_909, %swap3A_910] {strides = array<i32>} : memref<2x64x128xf32, #tpu.memory_space<vmem>>, vector<16xf32>,
        tpu.vector_store %arg7[%swap3A_908, %swap3A_909, %swap3A_910], %gather3A_739 {strides = array<i32>} : memref<2x64x128xf32, #tpu.memory_space<vmem>>, vector<16xf32>,
        %swap3A_912 = arith.constant 1 : i32
        %swap3A_913 = arith.constant 54 : i32
        %swap3A_914 = arith.index_cast %swap3A_912 : i32 to index
        %swap3A_915 = arith.index_cast %swap3A_913 : i32 to index
        %swap3A_916 = arith.index_cast %mul3A_189 : i32 to index
        %swap3A_917 = tpu.vector_load %arg7[%swap3A_914, %swap3A_915, %swap3A_916] {strides = array<i32>} : memref<2x64x128xf32, #tpu.memory_space<vmem>>, vector<16xf32>,
        tpu.vector_store %arg7[%swap3A_914, %swap3A_915, %swap3A_916], %gather3A_752 {strides = array<i32>} : memref<2x64x128xf32, #tpu.memory_space<vmem>>, vector<16xf32>,
        %swap3A_918 = arith.constant 1 : i32
        %swap3A_919 = arith.constant 55 : i32
        %swap3A_920 = arith.index_cast %swap3A_918 : i32 to index
        %swap3A_921 = arith.index_cast %swap3A_919 : i32 to index
        %swap3A_922 = arith.index_cast %mul3A_189 : i32 to index
        %swap3A_923 = tpu.vector_load %arg7[%swap3A_920, %swap3A_921, %swap3A_922] {strides = array<i32>} : memref<2x64x128xf32, #tpu.memory_space<vmem>>, vector<16xf32>,
        tpu.vector_store %arg7[%swap3A_920, %swap3A_921, %swap3A_922], %gather3A_765 {strides = array<i32>} : memref<2x64x128xf32, #tpu.memory_space<vmem>>, vector<16xf32>,
        %swap3A_924 = arith.constant 1 : i32
        %swap3A_925 = arith.constant 56 : i32
        %swap3A_926 = arith.index_cast %swap3A_924 : i32 to index
        %swap3A_927 = arith.index_cast %swap3A_925 : i32 to index
        %swap3A_928 = arith.index_cast %mul3A_189 : i32 to index
        %swap3A_929 = tpu.vector_load %arg7[%swap3A_926, %swap3A_927, %swap3A_928] {strides = array<i32>} : memref<2x64x128xf32, #tpu.memory_space<vmem>>, vector<16xf32>,
        tpu.vector_store %arg7[%swap3A_926, %swap3A_927, %swap3A_928], %gather3A_778 {strides = array<i32>} : memref<2x64x128xf32, #tpu.memory_space<vmem>>, vector<16xf32>,
        %swap3A_930 = arith.constant 1 : i32
        %swap3A_931 = arith.constant 57 : i32
        %swap3A_932 = arith.index_cast %swap3A_930 : i32 to index
        %swap3A_933 = arith.index_cast %swap3A_931 : i32 to index
        %swap3A_934 = arith.index_cast %mul3A_189 : i32 to index
        %swap3A_935 = tpu.vector_load %arg7[%swap3A_932, %swap3A_933, %swap3A_934] {strides = array<i32>} : memref<2x64x128xf32, #tpu.memory_space<vmem>>, vector<16xf32>,
        tpu.vector_store %arg7[%swap3A_932, %swap3A_933, %swap3A_934], %gather3A_791 {strides = array<i32>} : memref<2x64x128xf32, #tpu.memory_space<vmem>>, vector<16xf32>,
        %swap3A_936 = arith.constant 1 : i32
        %swap3A_937 = arith.constant 58 : i32
        %swap3A_938 = arith.index_cast %swap3A_936 : i32 to index
        %swap3A_939 = arith.index_cast %swap3A_937 : i32 to index
        %swap3A_940 = arith.index_cast %mul3A_189 : i32 to index
        %swap3A_941 = tpu.vector_load %arg7[%swap3A_938, %swap3A_939, %swap3A_940] {strides = array<i32>} : memref<2x64x128xf32, #tpu.memory_space<vmem>>, vector<16xf32>,
        tpu.vector_store %arg7[%swap3A_938, %swap3A_939, %swap3A_940], %gather3A_804 {strides = array<i32>} : memref<2x64x128xf32, #tpu.memory_space<vmem>>, vector<16xf32>,
        %swap3A_942 = arith.constant 1 : i32
        %swap3A_943 = arith.constant 59 : i32
        %swap3A_944 = arith.index_cast %swap3A_942 : i32 to index
        %swap3A_945 = arith.index_cast %swap3A_943 : i32 to index
        %swap3A_946 = arith.index_cast %mul3A_189 : i32 to index
        %swap3A_947 = tpu.vector_load %arg7[%swap3A_944, %swap3A_945, %swap3A_946] {strides = array<i32>} : memref<2x64x128xf32, #tpu.memory_space<vmem>>, vector<16xf32>,
        tpu.vector_store %arg7[%swap3A_944, %swap3A_945, %swap3A_946], %gather3A_817 {strides = array<i32>} : memref<2x64x128xf32, #tpu.memory_space<vmem>>, vector<16xf32>,
        %swap3A_948 = arith.constant 1 : i32
        %swap3A_949 = arith.constant 60 : i32
        %swap3A_950 = arith.index_cast %swap3A_948 : i32 to index
        %swap3A_951 = arith.index_cast %swap3A_949 : i32 to index
        %swap3A_952 = arith.index_cast %mul3A_189 : i32 to index
        %swap3A_953 = tpu.vector_load %arg7[%swap3A_950, %swap3A_951, %swap3A_952] {strides = array<i32>} : memref<2x64x128xf32, #tpu.memory_space<vmem>>, vector<16xf32>,
        tpu.vector_store %arg7[%swap3A_950, %swap3A_951, %swap3A_952], %gather3A_830 {strides = array<i32>} : memref<2x64x128xf32, #tpu.memory_space<vmem>>, vector<16xf32>,
        %swap3A_954 = arith.constant 1 : i32
        %swap3A_955 = arith.constant 61 : i32
        %swap3A_956 = arith.index_cast %swap3A_954 : i32 to index
        %swap3A_957 = arith.index_cast %swap3A_955 : i32 to index
        %swap3A_958 = arith.index_cast %mul3A_189 : i32 to index
        %swap3A_959 = tpu.vector_load %arg7[%swap3A_956, %swap3A_957, %swap3A_958] {strides = array<i32>} : memref<2x64x128xf32, #tpu.memory_space<vmem>>, vector<16xf32>,
        tpu.vector_store %arg7[%swap3A_956, %swap3A_957, %swap3A_958], %gather3A_843 {strides = array<i32>} : memref<2x64x128xf32, #tpu.memory_space<vmem>>, vector<16xf32>,
        %swap3A_960 = arith.constant 1 : i32
        %swap3A_961 = arith.constant 62 : i32
        %swap3A_962 = arith.index_cast %swap3A_960 : i32 to index
        %swap3A_963 = arith.index_cast %swap3A_961 : i32 to index
        %swap3A_964 = arith.index_cast %mul3A_189 : i32 to index
        %swap3A_965 = tpu.vector_load %arg7[%swap3A_962, %swap3A_963, %swap3A_964] {strides = array<i32>} : memref<2x64x128xf32, #tpu.memory_space<vmem>>, vector<16xf32>,
        tpu.vector_store %arg7[%swap3A_962, %swap3A_963, %swap3A_964], %gather3A_856 {strides = array<i32>} : memref<2x64x128xf32, #tpu.memory_space<vmem>>, vector<16xf32>,
        %swap3A_966 = arith.constant 1 : i32
        %swap3A_967 = arith.constant 63 : i32
        %swap3A_968 = arith.index_cast %swap3A_966 : i32 to index
        %swap3A_969 = arith.index_cast %swap3A_967 : i32 to index
        %swap3A_970 = arith.index_cast %mul3A_189 : i32 to index
        %swap3A_971 = tpu.vector_load %arg7[%swap3A_968, %swap3A_969, %swap3A_970] {strides = array<i32>} : memref<2x64x128xf32, #tpu.memory_space<vmem>>, vector<16xf32>,
        tpu.vector_store %arg7[%swap3A_968, %swap3A_969, %swap3A_970], %gather3A_869 {strides = array<i32>} : memref<2x64x128xf32, #tpu.memory_space<vmem>>, vector<16xf32>,
      }
      %scan3A_162 = arith.constant 8 : i32
      %add3A_163 = arith.constant 1 : i32
      %add3A_164 = arith.addi %mul3A_92, %add3A_163 : i32
      %dma_start3A_165 = arith.constant 1 : i32
      %dma_start3A_166 = arith.constant 0 : i32
      %dma_start3A_167 = arith.constant 0 : i32
      %dma_start3A_168 = tpu.memref_slice %arg7[%dma_start3A_165, %dma_start3A_166, %dma_start3A_167] : memref<2x64x128xf32, #tpu.memory_space<vmem>> -> memref<1x64x128xf32, #tpu.memory_space<vmem>>
      %dma_start3A_169 = tpu.memref_squeeze %dma_start3A_168 : memref<1x64x128xf32, #tpu.memory_space<vmem>> -> memref<64x128xf32, #tpu.memory_space<vmem>>
      %dma_start3A_170 = arith.constant 0 : i32
      %dma_start3A_171 = tpu.memref_slice %arg4[%add3A_164, %dma_start3A_170, %mul3A_2] : memref<50x64x4096xf32, #tpu.memory_space<hbm>> -> memref<1x64x128xf32, #tpu.memory_space<hbm>>
      %dma_start3A_172 = tpu.memref_squeeze %dma_start3A_171 : memref<1x64x128xf32, #tpu.memory_space<hbm>> -> memref<64x128xf32, #tpu.memory_space<hbm>>
      %dma_start3A_173 = arith.constant 0 : i32
      %dma_start3A_174 = tpu.memref_slice %arg4[%add3A_164, %dma_start3A_173, %mul3A_2] : memref<50x64x4096xf32, #tpu.memory_space<hbm>> -> memref<1x64x128xf32, #tpu.memory_space<hbm>>
      %dma_start3A_175 = tpu.memref_squeeze %dma_start3A_174 : memref<1x64x128xf32, #tpu.memory_space<hbm>> -> memref<64x128xf32, #tpu.memory_space<hbm>>
      %dma_start3A_176 = arith.constant 0 : i32
      %dma_start3A_177 = arith.constant 0 : i32
      %dma_start3A_178 = tpu.memref_slice %arg7[%dma_start3A_165, %dma_start3A_176, %dma_start3A_177] : memref<2x64x128xf32, #tpu.memory_space<vmem>> -> memref<1x64x128xf32, #tpu.memory_space<vmem>>
      %dma_start3A_179 = tpu.memref_squeeze %dma_start3A_178 : memref<1x64x128xf32, #tpu.memory_space<vmem>> -> memref<64x128xf32, #tpu.memory_space<vmem>>
      tpu.enqueue_dma source(%dma_start3A_179 : memref<64x128xf32, #tpu.memory_space<vmem>>) target(%dma_start3A_175 : memref<64x128xf32, #tpu.memory_space<hbm>>) target_semaphore(%arg9 : memref<!tpu.dma_semaphore, #tpu.memory_space<semaphore_mem>>)
    }
    %scan3A_57 = arith.constant 24 : i32
    %dma_wait3A_58 = arith.constant 0 : i32
    %dma_wait3A_59 = arith.constant 48 : i32
    %dma_wait3A_60 = arith.constant 0 : i32
    %dma_wait3A_61 = arith.constant 0 : i32
    %dma_wait3A_62 = tpu.memref_slice %arg7[%dma_wait3A_58, %dma_wait3A_60, %dma_wait3A_61] : memref<2x64x128xf32, #tpu.memory_space<vmem>> -> memref<1x64x128xf32, #tpu.memory_space<vmem>>
    %dma_wait3A_63 = tpu.memref_squeeze %dma_wait3A_62 : memref<1x64x128xf32, #tpu.memory_space<vmem>> -> memref<64x128xf32, #tpu.memory_space<vmem>>
    %dma_wait3A_64 = arith.constant 0 : i32
    %dma_wait3A_65 = tpu.memref_slice %arg4[%dma_wait3A_59, %dma_wait3A_64, %mul3A_2] : memref<50x64x4096xf32, #tpu.memory_space<hbm>> -> memref<1x64x128xf32, #tpu.memory_space<hbm>>
    %dma_wait3A_66 = tpu.memref_squeeze %dma_wait3A_65 : memref<1x64x128xf32, #tpu.memory_space<hbm>> -> memref<64x128xf32, #tpu.memory_space<hbm>>
    %dma_wait3A_67 = arith.constant 0 : i32
    %dma_wait3A_68 = tpu.memref_slice %arg4[%dma_wait3A_59, %dma_wait3A_67, %mul3A_2] : memref<50x64x4096xf32, #tpu.memory_space<hbm>> -> memref<1x64x128xf32, #tpu.memory_space<hbm>>
    %dma_wait3A_69 = tpu.memref_squeeze %dma_wait3A_68 : memref<1x64x128xf32, #tpu.memory_space<hbm>> -> memref<64x128xf32, #tpu.memory_space<hbm>>
    %dma_wait3A_70 = arith.constant 0 : i32
    %dma_wait3A_71 = arith.constant 0 : i32
    %dma_wait3A_72 = tpu.memref_slice %arg7[%dma_wait3A_58, %dma_wait3A_70, %dma_wait3A_71] : memref<2x64x128xf32, #tpu.memory_space<vmem>> -> memref<1x64x128xf32, #tpu.memory_space<vmem>>
    %dma_wait3A_73 = tpu.memref_squeeze %dma_wait3A_72 : memref<1x64x128xf32, #tpu.memory_space<vmem>> -> memref<64x128xf32, #tpu.memory_space<vmem>>
    tpu.wait_dma2 semaphore(%arg8 : memref<!tpu.dma_semaphore, #tpu.memory_space<semaphore_mem>>) src(%dma_wait3A_73 : memref<64x128xf32, #tpu.memory_space<vmem>>) dst(%dma_wait3A_69 : memref<64x128xf32, #tpu.memory_space<hbm>>)
    %dma_wait3A_74 = arith.constant 1 : i32
    %dma_wait3A_75 = arith.constant 49 : i32
    %dma_wait3A_76 = arith.constant 0 : i32
    %dma_wait3A_77 = arith.constant 0 : i32
    %dma_wait3A_78 = tpu.memref_slice %arg7[%dma_wait3A_74, %dma_wait3A_76, %dma_wait3A_77] : memref<2x64x128xf32, #tpu.memory_space<vmem>> -> memref<1x64x128xf32, #tpu.memory_space<vmem>>
    %dma_wait3A_79 = tpu.memref_squeeze %dma_wait3A_78 : memref<1x64x128xf32, #tpu.memory_space<vmem>> -> memref<64x128xf32, #tpu.memory_space<vmem>>
    %dma_wait3A_80 = arith.constant 0 : i32
    %dma_wait3A_81 = tpu.memref_slice %arg4[%dma_wait3A_75, %dma_wait3A_80, %mul3A_2] : memref<50x64x4096xf32, #tpu.memory_space<hbm>> -> memref<1x64x128xf32, #tpu.memory_space<hbm>>
    %dma_wait3A_82 = tpu.memref_squeeze %dma_wait3A_81 : memref<1x64x128xf32, #tpu.memory_space<hbm>> -> memref<64x128xf32, #tpu.memory_space<hbm>>
    %dma_wait3A_83 = arith.constant 0 : i32
    %dma_wait3A_84 = tpu.memref_slice %arg4[%dma_wait3A_75, %dma_wait3A_83, %mul3A_2] : memref<50x64x4096xf32, #tpu.memory_space<hbm>> -> memref<1x64x128xf32, #tpu.memory_space<hbm>>
    %dma_wait3A_85 = tpu.memref_squeeze %dma_wait3A_84 : memref<1x64x128xf32, #tpu.memory_space<hbm>> -> memref<64x128xf32, #tpu.memory_space<hbm>>
    %dma_wait3A_86 = arith.constant 0 : i32
    %dma_wait3A_87 = arith.constant 0 : i32
    %dma_wait3A_88 = tpu.memref_slice %arg7[%dma_wait3A_74, %dma_wait3A_86, %dma_wait3A_87] : memref<2x64x128xf32, #tpu.memory_space<vmem>> -> memref<1x64x128xf32, #tpu.memory_space<vmem>>
    %dma_wait3A_89 = tpu.memref_squeeze %dma_wait3A_88 : memref<1x64x128xf32, #tpu.memory_space<vmem>> -> memref<64x128xf32, #tpu.memory_space<vmem>>
    tpu.wait_dma2 semaphore(%arg9 : memref<!tpu.dma_semaphore, #tpu.memory_space<semaphore_mem>>) src(%dma_wait3A_89 : memref<64x128xf32, #tpu.memory_space<vmem>>) dst(%dma_wait3A_85 : memref<64x128xf32, #tpu.memory_space<hbm>>)
    return
  }
}

module attributes {stable_mosaic.version = 14 : i64} {
  func.func @_norm_body(%arg0: memref<1000x64xf32, #tpu.memory_space<vmem>>, %arg1: memref<1000x65xf32, #tpu.memory_space<vmem>>) attributes {dimension_semantics = [], scalar_prefetch = 0 : i64, scratch_operands = 0 : i64, tpu.core_type = #tpu.core_type<tc>} {
    %get3A = arith.constant 0 : index
    %get3A_0 = arith.constant 0 : index
    %get3A_1 = vector.load %arg0[%get3A, %get3A_0] : memref<1000x64xf32, #tpu.memory_space<vmem>>, vector<1000x64xf32>
    %reduce_sum3A = arith.constant dense<0.000000e+00> : vector<1000xf32>
    %reduce_sum3A_2 = vector.multi_reduction <add>, %get3A_1, %reduce_sum3A [1] : vector<1000x64xf32> to vector<1000xf32>
    %broadcast_in_dim3A = vector.shape_cast %reduce_sum3A_2 : vector<1000xf32> to vector<1000x1xf32>
    %max3A = arith.constant 1.000000e+00 : f32
    %max3A_3 = vector.broadcast %max3A : f32 to vector<1000x1xf32>
    %max3A_4 = arith.maximumf %broadcast_in_dim3A, %max3A_3 : vector<1000x1xf32>
    %div3A = vector.broadcast %max3A_4 : vector<1000x1xf32> to vector<1000x64xf32>
    %div3A_5 = arith.divf %get3A_1, %div3A : vector<1000x64xf32>
    %swap3A = arith.constant 0 : index
    %swap3A_6 = arith.constant 0 : index
    %swap3A_7 = vector.load %arg1[%swap3A, %swap3A_6] : memref<1000x65xf32, #tpu.memory_space<vmem>>, vector<1000x64xf32>
    tpu.vector_store %arg1[%swap3A, %swap3A_6], %div3A_5 {strides = array<i32>} : memref<1000x65xf32, #tpu.memory_space<vmem>>, vector<1000x64xf32>,
    return
  }
}

</mosaic_0001>

<sc_bundles>
// kernel: kernel.4.cloned.1.call-start
scs
__scs_entry_jumppad:
0x0: {  	(pc) =	sbr.rel $0x88, $3  }
0x1: {  	(tag) =	ssettag $0x0;
	lr =	simm.s32 $0x1  }
0x2: {  	[smem:$0x3F9F] =	sst lr;
	_ =	strace $0xD0000000  }
0x3: {  	_ = 	snop  }
0x4: {  	_ = 	snop  }
0x5: {  	_ = 	snop  }
0x6: {  	_ = 	snop  }
0x7: {  	_ = 	snop  }
__scs_overlays_trampoline_lowered:
0x8: {  	[smem:$0x3FAE] =	sst s0  }
0x9: {  	[smem:$0x3FAF] =	sst s1  }
0xa: {  	[smem:$0x3FB0] =	sst s2  }
0xb: {  	[smem:$0x3FB1] =	sst s3  }
0xc: {  	[smem:$0x3FB2] =	sst s4  }
0xd: {  	[smem:$0x3FB3] =	sst s5  }
0xe: {  	[smem:$0x3FB4] =	sst s6  }
0xf: {  	[smem:$0x3FB5] =	sst s7  }
0x10: {  	[smem:$0x3FB6] =	sst s8  }
0x11: {  	[smem:$0x3FB7] =	sst s9;
	s0 =	simm.s32 @!p0 $0x0  }
0x12: {  	s1 =	sld [smem:$0x3F9D];
	s0 =	simm.s32 @p0 $0x1  }
0x13: {  	[smem:$0x3FB8] =	sst s0;
	s0 =	simm.s32 @!p1 $0x0  }
0x14: {  	s2 =	sld [smem:$0x3F9C];
	s0 =	simm.s32 @p1 $0x1  }
0x15: {  	[smem:$0x3FB9] =	sst s0;
	s0 =	simm.s32 @!p2 $0x0  }
0x16: {  	s3 =	sld [smem:$0x3FDB];
	s0 =	simm.s32 @p2 $0x1  }
0x17: {  	s4 =	simm.s32 $0x1BF5;
	[smem:$0x3FBB] =	sst s0  }
0x18: {  	s0 =	sld [smem:$0x3F9E];
	_ =	swait.ge [sflag:s4], $0x0  }
0x19: {  	s7 =	sld [smem:$0x3F9F]  }
0x1a: {  	s8 =	sadd.s32 $0xFFFFE003, lr  }
0x1b: {  	s9 =	sadd.s32 $0xFFFFFEF7, lr;
	s5 =	simm.s32 $0xFFFFFFFF;
	p2 =	slt.u32 s8, $0xFFFFF086  }
0x1c: {  	p1 =	slt.u32 s9, $0xF7A;
	s5 =	simm.s32 @!p2 $0x0  }
0x1d: {  	s5 =	simm.s32 @p1 $0x1;
	p0 =	seq.s32 s7, s2  }
0x1e: {  	s7 =	smul.u32 @!p0 $0xF7A, s2;
	p2 =	seq.s32 @!p0 s5, $0x0  }
0x1f: {  	s9 =	smul.u32 $0xF7A, s1;
	s8 =	simm.s32 @!p0 $0x1BF5;
	p2 =	por !p2, p0  }
0x20: {  	[sflag:s8] =	ssyncset.s32 @!p0 $0xFFFFF086;
	s6 =	sadd.s32 @!p0 s3, s7;
	s7 =	simm.s32 @!p0 $0x108  }
0x21: {  	s3 =	sadd.s32 s3, s9;
	s6 =	sadd.s32 @!p0 $0x88, s6;
	s7 =	simm.s32 @p2 $0x1082  }
0x22: {  	[simem:s7], [sflag:s8] =	dma.local @!p0 [hbm:s6], $0xF7A  }
0x23: {  	s9 =	sor.u32 $0xD0000000, s2;
	s6 =	simm.s32 $0x108;
	_ =	swait.ge @!p0 [sflag:s8], $0x0  }
0x24: {  	s3 =	sadd.s32 $0x88, s3;
	s6 =	simm.s32 @!p1 $0x1082;
	[sflag:s4] =	ssyncset.s32 $0xFFFFF086  }
0x25: {  	[simem:s6], [sflag:s4] =	dma.local [hbm:s3], $0xF7A  }
0x26: {  	[smem:$0x3F9F] =	sst s1;
	(tag) =	ssettag s2;
	_ =	strace s9  }
0x27: {  	s1 =	sld [smem:$0x3FAF]  }
0x28: {  	s2 =	sld [smem:$0x3FB0]  }
0x29: {  	s4 =	sld [smem:$0x3FB2]  }
0x2a: {  	p0 =	seq.s32 s5, $0x0;
	s5 =	sld [smem:$0x3FB3]  }
0x2b: {  	s6 =	sld [smem:$0x3FB4]  }
0x2c: {  	s7 =	sld [smem:$0x3FB5]  }
0x2d: {  	s3 =	simm.s32 $0x108;
	s8 =	sld [smem:$0x3FB6]  }
0x2e: {  	s3 =	simm.s32 @!p0 $0x1082;
	s9 =	sld [smem:$0x3FB7]  }
0x2f: {  	lr =	sadd.s32 s0, s3;
	s0 =	sld [smem:$0x3FAE]  }
0x30: {  	s3 =	sld [smem:$0x3FB1]  }
0x31: {  	[smem:$0x3FBA] =	sst s10  }
0x32: {  	s10 =	sld [smem:$0x3FB8];
	_ =	sdelay $0x3  }
0x33: {  	p0 =	seq.s32 s10, $0x1;
	s10 =	sld [smem:$0x3FBA];
	_ =	sdelay $0x3  }
0x34: {  	[smem:$0x3FBA] =	sst s10  }
0x35: {  	s10 =	sld [smem:$0x3FB9];
	_ =	sdelay $0x3  }
0x36: {  	p1 =	seq.s32 s10, $0x1;
	s10 =	sld [smem:$0x3FBA];
	_ =	sdelay $0x3  }
0x37: {  	[smem:$0x3FBA] =	sst s10  }
0x38: {  	s10 =	sld [smem:$0x3FBB]  }
0x39: {  	_ = 	snop;
	(pc) =	sbr.ind lr, $3  }
0x3a: {  	_ = 	snop  }
0x3b: {  	_ = 	snop  }
0x3c: {  	p2 =	seq.s32 s10, $0x1;
	s10 =	sld [smem:$0x3FBA]  }
0x3d: {  	_ =	shalt  }
0x3e: {  	_ =	shalt  }
0x3f: {  	_ =	shalt  }
0x40: {  	_ =	shalt  }
0x41: {  	_ =	shalt  }
0x42: {  	_ =	shalt  }
0x43: {  	_ =	shalt  }
0x44: {  	_ =	shalt  }
0x45: {  	_ =	shalt  }
0x46: {  	_ =	shalt  }
0x47: {  	_ =	shalt  }
0x48: {  	_ =	shalt  }
0x49: {  	_ =	shalt  }
0x4a: {  	_ =	shalt  }
0x4b: {  	_ =	shalt  }
0x4c: {  	_ =	shalt  }
0x4d: {  	_ =	shalt  }
0x4e: {  	_ =	shalt  }
0x4f: {  	_ =	shalt  }
0x50: {  	_ =	shalt  }
0x51: {  	_ =	shalt  }
0x52: {  	_ =	shalt  }
0x53: {  	_ =	shalt  }
0x54: {  	_ =	shalt  }
0x55: {  	_ =	shalt  }
0x56: {  	_ =	shalt  }
0x57: {  	_ =	shalt  }
0x58: {  	_ =	shalt  }
0x59: {  	_ =	shalt  }
0x5a: {  	_ =	shalt  }
0x5b: {  	_ =	shalt  }
0x5c: {  	_ =	shalt  }
0x5d: {  	_ =	shalt  }
0x5e: {  	_ =	shalt  }
0x5f: {  	_ =	shalt  }
0x60: {  	_ =	shalt  }
0x61: {  	_ =	shalt  }
0x62: {  	_ =	shalt  }
0x63: {  	_ =	shalt  }
0x64: {  	_ =	shalt  }
0x65: {  	_ =	shalt  }
0x66: {  	_ =	shalt  }
0x67: {  	_ =	shalt  }
0x68: {  	_ =	shalt  }
0x69: {  	_ =	shalt  }
0x6a: {  	_ =	shalt  }
0x6b: {  	_ =	shalt  }
0x6c: {  	_ =	shalt  }
0x6d: {  	_ =	shalt  }
0x6e: {  	_ =	shalt  }
0x6f: {  	_ =	shalt  }
0x70: {  	_ =	shalt  }
0x71: {  	_ =	shalt  }
0x72: {  	_ =	shalt  }
0x73: {  	_ =	shalt  }
0x74: {  	_ =	shalt  }
0x75: {  	_ =	shalt  }
0x76: {  	_ =	shalt  }
0x77: {  	_ =	shalt  }
0x78: {  	_ =	shalt  }
0x79: {  	_ =	shalt  }
0x7a: {  	_ =	shalt  }
0x7b: {  	_ =	shalt  }
0x7c: {  	_ =	shalt  }
0x7d: {  	_ =	shalt  }
0x7e: {  	_ =	shalt  }
0x7f: {  	_ =	shalt  }
0x80: {  	_ =	shalt  }
0x81: {  	_ =	shalt  }
0x82: {  	_ =	shalt  }
0x83: {  	_ =	shalt  }
0x84: {  	_ =	shalt  }
0x85: {  	_ =	shalt  }
0x86: {  	_ =	shalt  }
0x87: {  	_ =	shalt  }
.Lfunc_end0:
.L_simem_size_0:
called_computation_lowered:
.L_overlay_start_0:
0x88: {  	s2 =	sld [smem:$0x3FD9]  }
0x89: {  	s3 =	sld [smem:$0x3FFE];
	_ =	sdelay $0x1  }
0x8a: {  	s1 =	srdreg.scid  }
0x8b: {  	s0 =	sand.u32 $0x1, s1  }
0x8c: {  	s17 =	sshll.u32 s0, $0xA;
	s2 =	sadd.s32 s3, s2  }
0x8d: {  	s2 =	sadd.s32 s2, s17  }
0x8e: {  	[smem:$0x3FC6] =	sst s2  }
0x8f: {  	_ = 	snop  }
0x90: {  	s2 =	sld [smem:$0x3FC9]  }
0x91: {  	s18 =	sld [smem:$0x3FD0];
	(tm) =	ssettm $0x1  }
0x92: {  	s4 =	sld [smem:$0x3FFB];
	_ =	sdelay $0x3  }
0x93: {  	_ =	strace s4  }
0x94: {  	s4 =	sld [smem:$0x3FFC];
	_ =	sdelay $0x3  }
0x95: {  	_ =	strace s4  }
0x96: {  	s4 =	sld [smem:$0x3FFD];
	_ =	sdelay $0x3  }
0x97: {  	_ =	strace s4  }
0x98: {  	_ =	strace $0x8FFFFFFF  }
0x99: {  	s19 =	sld [smem:$0x3FDB];
	_ =	sdelay $0x1  }
0x9a: {  	s5 =	simm.s32 $_scs_section_size  }
0x9b: {  	s6 =	simm.s32 $_size__tile_overlayer_lowered;
	s7 =	simm.s32 $_tile_overlayer_lowered  }
0x9c: {  	s22 =	simm.s32 $0x1BFF;
	s21 =	sshll.u32 s7, $0x1;
	s4 =	sadd.s32 s5, s19  }
0x9d: {  	s8 =	simm.s32 $0x0;
	s20 =	sshll.u32 s6, $0x1;
	s6 =	sadd.s32 s21, s4  }
0x9e: {  	[timem:s8], [sflag:s22] =	dma.local [hbm:s6], s20  }
0x9f: {  	_ =	swait.ge [sflag:s22], s20  }
0xa0: {  	s5 =	ssub.s32 $0x0, s20;
	[sflag:s22] =	ssyncset.done $0x0  }
0xa1: {  	[sflag:s22] =	ssyncadd.s32 s5;
	_ =	sdelay $0x1  }
0xa2: {  	s23 =	simm.s32 $0x1B8B  }
0xa3: {  	_ =	swait.ge [sflag:s23], $0x1  }
0xa4: {  	[sflag:s23] =	ssyncset.done $0x0  }
0xa5: {  	s25 =	simm.s32 $0x1B8E;
	s24 =	sld [smem:$0x3FFE];
	[sflag:s23] =	ssyncadd.s32 $0xFFFFFFFF  }
0xa6: {  	s26 =	simm.s32 $execute0_lowered;
	[smem:$0x3FD2] =	sst s25  }
0xa7: {  	s6 =	sshll.u32 s26, $0x1;
	_ =	strace $0x80000046;
	[dreg:$0x1] =	wrdreg $0xFFFFFFFF  }
0xa8: {  	s28 =	simm.s32 $_size_execute0_lowered;
	s4 =	sadd.s32 s4, s6;
	[dreg:$0x0] =	wrdreg $0x0  }
0xa9: {  	s6 =	sshll.u32 s28, $0x1;
	[dreg:$0x2] =	wrdreg s4  }
0xaa: {  	[dreg:$0x3] =	wrdreg s6  }
0xab: {  	[dreg:$0x4] =	wrdreg $0xC0  }
0xac: {  	_ =	task [dreg:s8], $0x5FFFF  }
0xad: {  	[dreg:$0x1] =	wrdreg $0xFFFFFFFF  }
0xae: {  	[dreg:$0x0] =	wrdreg $0x60  }
0xaf: {  	[dreg:$0x2] =	wrdreg s2  }
0xb0: {  	[dreg:$0x3] =	wrdreg s24  }
0xb1: {  	[dreg:$0x4] =	wrdreg s18  }
0xb2: {  	[dreg:$0x5] =	wrdreg $0x9  }
0xb3: {  	_ =	task.clear_ibuf [dreg:s8], $0x6FFFF;
	_ =	strace $0x90000046  }
0xb4: {  	s29 =	simm.s32 $0x9;
	_ =	strace $0x80000048  }
0xb5: {  	_ =	swait.ge [sflag:s29], $0x1  }
0xb6: {  	[sflag:s29] =	ssyncadd.s32 $0xFFFFFFFF  }
0xb7: {  	_ =	strace $0x90000048  }
0xb8: {  	_ =	sfence  }
0xb9: {  	s30 =	sld [smem:$0x0];
	_ =	sdelay $0x2  }
0xba: {  	s31 =	sshll.u32 s1, $0xD;
	s1 =	sshrl.u32 s1, $0x2  }
0xbb: {  	s3 =	sand.u32 $0x4000, s31;
	s1 =	sadd.s32 s1, s30  }
0xbc: {  	s0 =	sor.u32 s3, s0;
	s1 =	sshll.u32 s1, $0x11  }
0xbd: {  	s0 =	sor.u32 s1, s0  }
0xbe: {  	s0 =	sadd.s32 $0x8F2B, s0  }
0xbf: {  	[sflag:s0] =	ssyncadd.remote.s32 $0x1  }
0xc0: {  	_ =	sfence.sel $0xFFFF  }
0xc1: {  	[dreg:$0x0] =	wrdreg $0xFFFFFFFF;
	(pc) =	sbr.abs _section_cstart, $3  }
0xc2: {  	[dreg:$0x1] =	wrdreg $0xFFFFFFFF  }
0xc3: {  	_ =	task.clear_ibuf [dreg:s8], $0x2FFFF;
	_ =	strace $0x9FFFFFFF  }
0xc4: {  	(tm) =	ssettm $0x7FFFFFFF  }
0xc5: {  	_ =	shalt  }
tec
execute0_lowered:
.L_overlay_start_1:
0x0: {  	(tag) =	ssettag $0x1  }
0x1: {  	s6 =	rddreg [dreg:$0x0]  }
0x2: {  	s5 =	rddreg [dreg:$0x1]  }
0x3: {  	s2 =	rddreg [dreg:$0x2]  }
0x4: {  	s0 =	rddreg [dreg:$0x3];
	s4 =	srdreg.scid  }
0x5: {  	s3 =	simm.s32 $0x0;
	s1 =	stileid.u32;
	s11 =	simm.s32 $0x400  }
0x6: {  	s12 =	simm.s32 $0x8000;
	s13 =	simm.s32 $0x1800;
	s14 =	simm.s32 $0x1C00  }
0x7: {  	s15 =	simm.s32 $0x1;
	s16 =	simm.s32 $0x2;
	s17 =	simm.s32 $0x11A00  }
0x8: {  	s18 =	simm.s32 $0x13A00;
	s19 =	simm.s32 $0x0;
	s4 =	sand.u32 $0x1, s4  }
0x9: {  	[smem:$0x7FF] =	sst s3;
	s7 =	sshll.u32 s1, $0xB;
	s8 =	sshll.u32 s4, $0xA  }
0xa: {  	s5 =	sadd.s32 $0x400, s5;
	s9 =	ssub.s32 $0x2, s4;
	s4 =	sor.u32 s8, s7  }
0xb: {  	_ =	strace $0x80000047;
	s31 =	sshrl.u32 s9, $0x1;
	s8 =	sshrl.u32 s4, $0x3  }
0xc: {  	s10 =	ssub.s32 s9, s31;
	s6 =	sadd.s32 s6, s8;
	s7 =	sadd.s32 s2, s8  }
0xd: {  	s10 =	smax.u32 s10, $0x1;
	s8 =	sadd.s32 $0x6000, s6;
	s9 =	sadd.s32 $0x8000, s7  }
.LBB2_1:
0xe: {  	[tilespmem:s3], [sflag:$0x1] =	stream.strided.gather [hbm4b:s6+s11], $0x1800, s12, s11, $0x38;
	[tilespmem:$0x15A00] =	vst v63  }
0xf: {  	_ = 	snop  }
0x10: {  	[tilespmem:s13], [sflag:$0x1] =	stream.linear.gather [hbm4b:s8+s3], $0x100, $0x38;
	[tilespmem:$0x15A00] =	vst v63  }
0x11: {  	_ = 	snop  }
0x12: {  	[tilespmem:s14], [sflag:$0x2] =	stream.linear.gather [hbm4b:s5+s3], $0xFE00, $0x38;
	[tilespmem:$0x15A00] =	vst v63  }
0x13: {  	_ =	swait.ge [sflag:s15], $0x1900  }
0x14: {  	[sflag:s15] =	ssyncset.done $0x0  }
0x15: {  	[sflag:s15] =	ssyncadd.s32 $0xFFFFE700  }
0x16: {  	_ =	swait.ge [sflag:s16], $0xFE00  }
0x17: {  	[sflag:s16] =	ssyncset.done $0x0  }
0x18: {  	s20 =	simm.s32 $0x0;
	[sflag:s16] =	ssyncadd.s32 $0xFFFF0200  }
0x19: {  	v0 =	vld [tilespmem:s20+$0x0];
	_ =	sdelay $0x4  }
0x1a: {  	v0 =	vmul.u32 $0x41, v0;
	_ =	sdelay $0x1  }
0x1b: {  	v1 =	vadd.s32 $0xF, v0  }
0x1c: {  	v2 =	vadd.s32 $0xE, v0  }
0x1d: {  	v3 =	vadd.s32 $0xD, v0  }
0x1e: {  	v4 =	vadd.s32 $0xC, v0  }
0x1f: {  	v5 =	vadd.s32 $0xB, v0;
	v17 =	vld.idx.msk [tilespmem:v0+s14+$0x0], $0xffff  }
0x20: {  	v6 =	vadd.s32 $0xA, v0;
	v1 =	vld.idx.msk [tilespmem:v1+s14+$0x0], $0xffff  }
0x21: {  	v7 =	vadd.s32 $0x9, v0;
	v2 =	vld.idx.msk [tilespmem:v2+s14+$0x0], $0xffff  }
0x22: {  	v8 =	vadd.s32 $0x8, v0;
	v3 =	vld.idx.msk [tilespmem:v3+s14+$0x0], $0xffff  }
0x23: {  	v9 =	vadd.s32 $0x7, v0;
	v4 =	vld.idx.msk [tilespmem:v4+s14+$0x0], $0xffff  }
0x24: {  	v10 =	vadd.s32 $0x6, v0;
	v5 =	vld.idx.msk [tilespmem:v5+s14+$0x0], $0xffff  }
0x25: {  	v11 =	vadd.s32 $0x5, v0;
	v6 =	vld.idx.msk [tilespmem:v6+s14+$0x0], $0xffff  }
0x26: {  	v14 =	vadd.s32 $0x1, v0;
	v7 =	vld.idx.msk [tilespmem:v7+s14+$0x0], $0xffff  }
0x27: {  	v15 =	vadd.s32 $0x2, v0;
	v8 =	vld.idx.msk [tilespmem:v8+s14+$0x0], $0xffff  }
0x28: {  	v13 =	vadd.s32 $0x3, v0;
	v9 =	vld.idx.msk [tilespmem:v9+s14+$0x0], $0xffff  }
0x29: {  	v12 =	vadd.s32 $0x4, v0;
	v10 =	vld.idx.msk [tilespmem:v10+s14+$0x0], $0xffff  }
0x2a: {  	v16 =	vadd.s32 $0x10, v0;
	v11 =	vld.idx.msk [tilespmem:v11+s14+$0x0], $0xffff  }
0x2b: {  	v18 =	vadd.s32 $0x11, v0;
	v14 =	vld.idx.msk [tilespmem:v14+s14+$0x0], $0xffff  }
0x2c: {  	v19 =	vadd.s32 $0x12, v0;
	v15 =	vld.idx.msk [tilespmem:v15+s14+$0x0], $0xffff  }
0x2d: {  	v20 =	vadd.s32 $0x13, v0;
	v13 =	vld.idx.msk [tilespmem:v13+s14+$0x0], $0xffff  }
0x2e: {  	v34 =	vadd.s32 $0x14, v0;
	v12 =	vld.idx.msk [tilespmem:v12+s14+$0x0], $0xffff  }
0x2f: {  	v35 =	vadd.s32 $0x15, v0;
	v16 =	vld.idx.msk [tilespmem:v16+s14+$0x0], $0xffff;
	[tilespmem:s20+$0x11A00] =	vst v17  }
0x30: {  	v36 =	vadd.s32 $0x16, v0;
	v17 =	vld.idx.msk [tilespmem:v18+s14+$0x0], $0xffff;
	[tilespmem:s20+$0x11A80] =	vst v14  }
0x31: {  	v37 =	vadd.s32 $0x17, v0;
	v14 =	vld.idx.msk [tilespmem:v19+s14+$0x0], $0xffff;
	[tilespmem:s20+$0x11B00] =	vst v15  }
0x32: {  	v38 =	vadd.s32 $0x18, v0;
	v15 =	vld.idx.msk [tilespmem:v20+s14+$0x0], $0xffff;
	[tilespmem:s20+$0x11B80] =	vst v13  }
0x33: {  	v39 =	vadd.s32 $0x19, v0;
	v13 =	vld.idx.msk [tilespmem:v34+s14+$0x0], $0xffff;
	[tilespmem:s20+$0x11C00] =	vst v12  }
0x34: {  	v40 =	vadd.s32 $0x1A, v0;
	v12 =	vld.idx.msk [tilespmem:v35+s14+$0x0], $0xffff;
	[tilespmem:s20+$0x11C80] =	vst v11  }
0x35: {  	v41 =	vadd.s32 $0x1B, v0;
	v11 =	vld.idx.msk [tilespmem:v36+s14+$0x0], $0xffff;
	[tilespmem:s20+$0x11D00] =	vst v10  }
0x36: {  	v42 =	vadd.s32 $0x1C, v0;
	v10 =	vld.idx.msk [tilespmem:v37+s14+$0x0], $0xffff;
	[tilespmem:s20+$0x11D80] =	vst v9  }
0x37: {  	v43 =	vadd.s32 $0x1D, v0;
	v9 =	vld.idx.msk [tilespmem:v38+s14+$0x0], $0xffff;
	[tilespmem:s20+$0x11E00] =	vst v8  }
0x38: {  	v44 =	vadd.s32 $0x1E, v0;
	v8 =	vld.idx.msk [tilespmem:v39+s14+$0x0], $0xffff;
	[tilespmem:s20+$0x11E80] =	vst v7  }
0x39: {  	v45 =	vadd.s32 $0x1F, v0;
	v7 =	vld.idx.msk [tilespmem:v40+s14+$0x0], $0xffff;
	[tilespmem:s20+$0x11F00] =	vst v6  }
0x3a: {  	v46 =	vadd.s32 $0x20, v0;
	v6 =	vld.idx.msk [tilespmem:v41+s14+$0x0], $0xffff;
	[tilespmem:s20+$0x11F80] =	vst v5  }
0x3b: {  	v47 =	vadd.s32 $0x21, v0;
	v5 =	vld.idx.msk [tilespmem:v42+s14+$0x0], $0xffff;
	[tilespmem:s20+$0x12000] =	vst v4  }
0x3c: {  	v48 =	vadd.s32 $0x22, v0;
	v4 =	vld.idx.msk [tilespmem:v43+s14+$0x0], $0xffff;
	[tilespmem:s20+$0x12080] =	vst v3  }
0x3d: {  	v49 =	vadd.s32 $0x23, v0;
	v3 =	vld.idx.msk [tilespmem:v44+s14+$0x0], $0xffff;
	[tilespmem:s20+$0x12100] =	vst v2  }
0x3e: {  	v50 =	vadd.s32 $0x24, v0;
	v2 =	vld.idx.msk [tilespmem:v45+s14+$0x0], $0xffff;
	[tilespmem:s20+$0x12180] =	vst v1  }
0x3f: {  	v51 =	vadd.s32 $0x25, v0;
	v1 =	vld.idx.msk [tilespmem:v46+s14+$0x0], $0xffff;
	[tilespmem:s20+$0x12200] =	vst v16  }
0x40: {  	v52 =	vadd.s32 $0x26, v0;
	v16 =	vld.idx.msk [tilespmem:v47+s14+$0x0], $0xffff;
	[tilespmem:s20+$0x12280] =	vst v17  }
0x41: {  	v53 =	vadd.s32 $0x27, v0;
	v17 =	vld.idx.msk [tilespmem:v48+s14+$0x0], $0xffff;
	[tilespmem:s20+$0x12300] =	vst v14  }
0x42: {  	v54 =	vadd.s32 $0x28, v0;
	v14 =	vld.idx.msk [tilespmem:v49+s14+$0x0], $0xffff;
	[tilespmem:s20+$0x12380] =	vst v15  }
0x43: {  	v55 =	vadd.s32 $0x29, v0;
	v15 =	vld.idx.msk [tilespmem:v50+s14+$0x0], $0xffff;
	[tilespmem:s20+$0x12400] =	vst v13  }
0x44: {  	v56 =	vadd.s32 $0x2A, v0;
	v13 =	vld.idx.msk [tilespmem:v51+s14+$0x0], $0xffff;
	[tilespmem:s20+$0x12480] =	vst v12  }
0x45: {  	v57 =	vadd.s32 $0x2B, v0;
	v12 =	vld.idx.msk [tilespmem:v52+s14+$0x0], $0xffff;
	[tilespmem:s20+$0x12500] =	vst v11  }
0x46: {  	v58 =	vadd.s32 $0x2C, v0;
	v11 =	vld.idx.msk [tilespmem:v53+s14+$0x0], $0xffff;
	[tilespmem:s20+$0x12580] =	vst v10  }
0x47: {  	v59 =	vadd.s32 $0x2D, v0;
	v10 =	vld.idx.msk [tilespmem:v54+s14+$0x0], $0xffff;
	[tilespmem:s20+$0x12600] =	vst v9  }
0x48: {  	v60 =	vadd.s32 $0x2E, v0;
	v9 =	vld.idx.msk [tilespmem:v55+s14+$0x0], $0xffff;
	[tilespmem:s20+$0x12680] =	vst v8  }
0x49: {  	v8 =	vld.idx.msk [tilespmem:v56+s14+$0x0], $0xffff;
	[tilespmem:s20+$0x12700] =	vst v7  }
0x4a: {  	v61 =	vadd.s32 $0x2F, v0;
	v7 =	vld.idx.msk [tilespmem:v57+s14+$0x0], $0xffff;
	[tilespmem:s20+$0x12780] =	vst v6  }
0x4b: {  	v62 =	vadd.s32 $0x30, v0;
	v6 =	vld.idx.msk [tilespmem:v58+s14+$0x0], $0xffff;
	[tilespmem:s20+$0x12800] =	vst v5  }
0x4c: {  	v63 =	vadd.s32 $0x31, v0;
	v5 =	vld.idx.msk [tilespmem:v59+s14+$0x0], $0xffff;
	[tilespmem:s20+$0x12880] =	vst v4  }
0x4d: {  	v4 =	vld.idx.msk [tilespmem:v60+s14+$0x0], $0xffff;
	[tilespmem:s20+$0x12900] =	vst v3;
	v3 =	vadd.s32 $0x32, v0;
	_ =	sdelay $0x1  }
0x4e: {  	v18 =	vld.idx.msk [tilespmem:v61+s14+$0x0], $0xffff;
	[tilespmem:s20+$0x12980] =	vst v2  }
0x4f: {  	v2 =	vadd.s32 $0x33, v0;
	v19 =	vld.idx.msk [tilespmem:v62+s14+$0x0], $0xffff;
	[tilespmem:s20+$0x12A00] =	vst v1  }
0x50: {  	v1 =	vadd.s32 $0x34, v0;
	v20 =	vld.idx.msk [tilespmem:v63+s14+$0x0], $0xffff;
	[tilespmem:s20+$0x12A80] =	vst v16  }
0x51: {  	v16 =	vld.idx.msk [tilespmem:v3+s14+$0x0], $0xffff;
	v3 =	vadd.s32 $0x35, v0;
	_ =	sdelay $0x1  }
0x52: {  	[tilespmem:s20+$0x12B00] =	vst v17  }
0x53: {  	v17 =	vld.idx.msk [tilespmem:v2+s14+$0x0], $0xffff;
	v2 =	vadd.s32 $0x36, v0;
	[tilespmem:s20+$0x12B80] =	vst v14  }
0x54: {  	v14 =	vld.idx.msk [tilespmem:v1+s14+$0x0], $0xffff;
	v1 =	vadd.s32 $0x37, v0;
	[tilespmem:s20+$0x12C00] =	vst v15  }
0x55: {  	v15 =	vld.idx.msk [tilespmem:v3+s14+$0x0], $0xffff;
	v3 =	vadd.s32 $0x38, v0;
	_ =	sdelay $0x1  }
0x56: {  	[tilespmem:s20+$0x12C80] =	vst v13  }
0x57: {  	v13 =	vld.idx.msk [tilespmem:v2+s14+$0x0], $0xffff;
	v2 =	vadd.s32 $0x39, v0;
	[tilespmem:s20+$0x12D00] =	vst v12  }
0x58: {  	v12 =	vld.idx.msk [tilespmem:v1+s14+$0x0], $0xffff;
	v1 =	vadd.s32 $0x3A, v0;
	[tilespmem:s20+$0x12D80] =	vst v11  }
0x59: {  	v11 =	vld.idx.msk [tilespmem:v3+s14+$0x0], $0xffff;
	v3 =	vadd.s32 $0x3B, v0;
	_ =	sdelay $0x1  }
0x5a: {  	[tilespmem:s20+$0x12E00] =	vst v10  }
0x5b: {  	v10 =	vld.idx.msk [tilespmem:v2+s14+$0x0], $0xffff;
	v2 =	vadd.s32 $0x3C, v0;
	[tilespmem:s20+$0x12E80] =	vst v9  }
0x5c: {  	v9 =	vld.idx.msk [tilespmem:v1+s14+$0x0], $0xffff;
	v1 =	vadd.s32 $0x3D, v0;
	[tilespmem:s20+$0x12F00] =	vst v8  }
0x5d: {  	v8 =	vld.idx.msk [tilespmem:v3+s14+$0x0], $0xffff;
	v3 =	vadd.s32 $0x3E, v0  }
0x5e: {  	v0 =	vadd.s32 $0x3F, v0  }
0x5f: {  	[tilespmem:s20+$0x12F80] =	vst v7  }
0x60: {  	v7 =	vld.idx.msk [tilespmem:v2+s14+$0x0], $0xffff;
	[tilespmem:s20+$0x13000] =	vst v6  }
0x61: {  	v1 =	vld.idx.msk [tilespmem:v1+s14+$0x0], $0xffff;
	[tilespmem:s20+$0x13080] =	vst v5  }
0x62: {  	v2 =	vld.idx.msk [tilespmem:v3+s14+$0x0], $0xffff;
	[tilespmem:s20+$0x13100] =	vst v4  }
0x63: {  	v3 =	vld.idx.msk [tilespmem:v0+s14+$0x0], $0xffff;
	[tilespmem:s20+$0x13180] =	vst v18  }
0x64: {  	[tilespmem:s20+$0x13200] =	vst v19  }
0x65: {  	[tilespmem:s20+$0x13280] =	vst v20  }
0x66: {  	[tilespmem:s20+$0x13300] =	vst v16  }
0x67: {  	s22 =	simm.s32 $0x10;
	[tilespmem:s20+$0x13380] =	vst v17  }
0x68: {  	v0 =	vld [tilespmem:s22+$0x0];
	[tilespmem:s20+$0x13400] =	vst v14  }
0x69: {  	[tilespmem:s20+$0x13480] =	vst v15  }
0x6a: {  	[tilespmem:s20+$0x13500] =	vst v13  }
0x6b: {  	[tilespmem:s20+$0x13580] =	vst v12  }
0x6c: {  	[tilespmem:s20+$0x13600] =	vst v11  }
0x6d: {  	[tilespmem:s20+$0x13680] =	vst v10;
	v0 =	vmul.u32 $0x41, v0  }
0x6e: {  	[tilespmem:s20+$0x13700] =	vst v9  }
0x6f: {  	[tilespmem:s20+$0x13780] =	vst v8;
	v5 =	vadd.s32 $0xF, v0  }
0x70: {  	s21 =	simm.s32 $0x80;
	[tilespmem:s20+$0x13800] =	vst v7;
	v4 =	vadd.s32 $0xE, v0  }
.LBB2_2:
0x71: {  	p0 =	sne.s32 s21, $0x1C0;
	v6 =	vadd.s32 $0xD, v0;
	[tilespmem:s20+$0x13880] =	vst v1  }
0x72: {  	v1 =	vadd.s32 $0xC, v0;
	[tilespmem:s20+$0x13900] =	vst v2  }
0x73: {  	v2 =	vadd.s32 $0xB, v0;
	[tilespmem:s20+$0x13980] =	vst v3;
	s20 =	smov.u32 s22  }
0x74: {  	v3 =	vadd.s32 $0xA, v0;
	v5 =	vld.idx.msk [tilespmem:v5+s14+$0x0], $0xffff  }
0x75: {  	v7 =	vadd.s32 $0x9, v0;
	v4 =	vld.idx.msk [tilespmem:v4+s14+$0x0], $0xffff  }
0x76: {  	v8 =	vadd.s32 $0x8, v0;
	v6 =	vld.idx.msk [tilespmem:v6+s14+$0x0], $0xffff  }
0x77: {  	v9 =	vadd.s32 $0x7, v0;
	v1 =	vld.idx.msk [tilespmem:v1+s14+$0x0], $0xffff  }
0x78: {  	v10 =	vadd.s32 $0x6, v0;
	v2 =	vld.idx.msk [tilespmem:v2+s14+$0x0], $0xffff  }
0x79: {  	v11 =	vadd.s32 $0x5, v0;
	v3 =	vld.idx.msk [tilespmem:v3+s14+$0x0], $0xffff  }
0x7a: {  	v12 =	vadd.s32 $0x4, v0;
	v7 =	vld.idx.msk [tilespmem:v7+s14+$0x0], $0xffff  }
0x7b: {  	v13 =	vadd.s32 $0x3, v0;
	v8 =	vld.idx.msk [tilespmem:v8+s14+$0x0], $0xffff  }
0x7c: {  	v14 =	vadd.s32 $0x2, v0;
	v9 =	vld.idx.msk [tilespmem:v9+s14+$0x0], $0xffff  }
0x7d: {  	v10 =	vld.idx.msk [tilespmem:v10+s14+$0x0], $0xffff  }
0x7e: {  	v15 =	vadd.s32 $0x1, v0;
	v11 =	vld.idx.msk [tilespmem:v11+s14+$0x0], $0xffff  }
0x7f: {  	v12 =	vld.idx.msk [tilespmem:v12+s14+$0x0], $0xffff  }
0x80: {  	v13 =	vld.idx.msk [tilespmem:v13+s14+$0x0], $0xffff  }
0x81: {  	v14 =	vld.idx.msk [tilespmem:v14+s14+$0x0], $0xffff  }
0x82: {  	v16 =	vld.idx.msk [tilespmem:v0+s14+$0x0], $0xffff  }
0x83: {  	v17 =	vadd.s32 $0x10, v0;
	v15 =	vld.idx.msk [tilespmem:v15+s14+$0x0], $0xffff  }
0x84: {  	v18 =	vadd.s32 $0x11, v0  }
0x85: {  	v19 =	vadd.s32 $0x12, v0  }
0x86: {  	v20 =	vadd.s32 $0x13, v0  }
0x87: {  	v21 =	vadd.s32 $0x14, v0  }
0x88: {  	v17 =	vld.idx.msk [tilespmem:v17+s14+$0x0], $0xffff;
	[tilespmem:s20+$0x11A00] =	vst v16;
	v16 =	vadd.s32 $0x15, v0  }
0x89: {  	v18 =	vld.idx.msk [tilespmem:v18+s14+$0x0], $0xffff;
	[tilespmem:s20+$0x11A80] =	vst v15;
	v15 =	vadd.s32 $0x16, v0  }
0x8a: {  	v19 =	vld.idx.msk [tilespmem:v19+s14+$0x0], $0xffff;
	[tilespmem:s20+$0x11B00] =	vst v14;
	v14 =	vadd.s32 $0x17, v0  }
0x8b: {  	v20 =	vld.idx.msk [tilespmem:v20+s14+$0x0], $0xffff;
	[tilespmem:s20+$0x11B80] =	vst v13;
	v13 =	vadd.s32 $0x18, v0  }
0x8c: {  	v21 =	vld.idx.msk [tilespmem:v21+s14+$0x0], $0xffff;
	[tilespmem:s20+$0x11C00] =	vst v12;
	v12 =	vadd.s32 $0x19, v0  }
0x8d: {  	v16 =	vld.idx.msk [tilespmem:v16+s14+$0x0], $0xffff;
	[tilespmem:s20+$0x11C80] =	vst v11;
	v11 =	vadd.s32 $0x1A, v0  }
0x8e: {  	v15 =	vld.idx.msk [tilespmem:v15+s14+$0x0], $0xffff;
	[tilespmem:s20+$0x11D00] =	vst v10;
	v10 =	vadd.s32 $0x1B, v0  }
0x8f: {  	v14 =	vld.idx.msk [tilespmem:v14+s14+$0x0], $0xffff;
	[tilespmem:s20+$0x11D80] =	vst v9;
	v9 =	vadd.s32 $0x1C, v0  }
0x90: {  	v13 =	vld.idx.msk [tilespmem:v13+s14+$0x0], $0xffff;
	[tilespmem:s20+$0x11E00] =	vst v8;
	v8 =	vadd.s32 $0x1D, v0  }
0x91: {  	v12 =	vld.idx.msk [tilespmem:v12+s14+$0x0], $0xffff;
	[tilespmem:s20+$0x11E80] =	vst v7;
	v7 =	vadd.s32 $0x1E, v0  }
0x92: {  	v11 =	vld.idx.msk [tilespmem:v11+s14+$0x0], $0xffff;
	[tilespmem:s20+$0x11F00] =	vst v3;
	v3 =	vadd.s32 $0x1F, v0  }
0x93: {  	v10 =	vld.idx.msk [tilespmem:v10+s14+$0x0], $0xffff;
	[tilespmem:s20+$0x11F80] =	vst v2;
	v2 =	vadd.s32 $0x20, v0  }
0x94: {  	v9 =	vld.idx.msk [tilespmem:v9+s14+$0x0], $0xffff;
	[tilespmem:s20+$0x12000] =	vst v1;
	v1 =	vadd.s32 $0x21, v0  }
0x95: {  	v8 =	vld.idx.msk [tilespmem:v8+s14+$0x0], $0xffff;
	[tilespmem:s20+$0x12080] =	vst v6;
	v6 =	vadd.s32 $0x22, v0  }
0x96: {  	v7 =	vld.idx.msk [tilespmem:v7+s14+$0x0], $0xffff;
	[tilespmem:s20+$0x12100] =	vst v4;
	v4 =	vadd.s32 $0x23, v0  }
0x97: {  	v3 =	vld.idx.msk [tilespmem:v3+s14+$0x0], $0xffff;
	[tilespmem:s20+$0x12180] =	vst v5;
	v5 =	vadd.s32 $0x24, v0  }
0x98: {  	v2 =	vld.idx.msk [tilespmem:v2+s14+$0x0], $0xffff;
	[tilespmem:s20+$0x12200] =	vst v17;
	v17 =	vadd.s32 $0x25, v0  }
0x99: {  	v1 =	vld.idx.msk [tilespmem:v1+s14+$0x0], $0xffff;
	[tilespmem:s20+$0x12280] =	vst v18;
	v18 =	vadd.s32 $0x26, v0  }
0x9a: {  	v6 =	vld.idx.msk [tilespmem:v6+s14+$0x0], $0xffff;
	[tilespmem:s20+$0x12300] =	vst v19;
	v19 =	vadd.s32 $0x27, v0  }
0x9b: {  	v4 =	vld.idx.msk [tilespmem:v4+s14+$0x0], $0xffff;
	[tilespmem:s20+$0x12380] =	vst v20;
	v20 =	vadd.s32 $0x28, v0  }
0x9c: {  	v5 =	vld.idx.msk [tilespmem:v5+s14+$0x0], $0xffff;
	[tilespmem:s20+$0x12400] =	vst v21;
	v21 =	vadd.s32 $0x29, v0  }
0x9d: {  	v17 =	vld.idx.msk [tilespmem:v17+s14+$0x0], $0xffff;
	[tilespmem:s20+$0x12480] =	vst v16;
	v16 =	vadd.s32 $0x2A, v0  }
0x9e: {  	v18 =	vld.idx.msk [tilespmem:v18+s14+$0x0], $0xffff;
	[tilespmem:s20+$0x12500] =	vst v15;
	v15 =	vadd.s32 $0x2B, v0  }
0x9f: {  	v19 =	vld.idx.msk [tilespmem:v19+s14+$0x0], $0xffff;
	[tilespmem:s20+$0x12580] =	vst v14;
	v14 =	vadd.s32 $0x2C, v0  }
0xa0: {  	v20 =	vld.idx.msk [tilespmem:v20+s14+$0x0], $0xffff;
	[tilespmem:s20+$0x12600] =	vst v13;
	v13 =	vadd.s32 $0x2D, v0  }
0xa1: {  	v21 =	vld.idx.msk [tilespmem:v21+s14+$0x0], $0xffff;
	[tilespmem:s20+$0x12680] =	vst v12;
	v12 =	vadd.s32 $0x2E, v0  }
0xa2: {  	v16 =	vld.idx.msk [tilespmem:v16+s14+$0x0], $0xffff;
	[tilespmem:s20+$0x12700] =	vst v11;
	v11 =	vadd.s32 $0x2F, v0  }
0xa3: {  	v15 =	vld.idx.msk [tilespmem:v15+s14+$0x0], $0xffff;
	[tilespmem:s20+$0x12780] =	vst v10;
	v10 =	vadd.s32 $0x30, v0  }
0xa4: {  	v14 =	vld.idx.msk [tilespmem:v14+s14+$0x0], $0xffff;
	[tilespmem:s20+$0x12800] =	vst v9;
	v9 =	vadd.s32 $0x31, v0  }
0xa5: {  	v13 =	vld.idx.msk [tilespmem:v13+s14+$0x0], $0xffff;
	[tilespmem:s20+$0x12880] =	vst v8;
	v8 =	vadd.s32 $0x32, v0  }
0xa6: {  	v12 =	vld.idx.msk [tilespmem:v12+s14+$0x0], $0xffff;
	[tilespmem:s20+$0x12900] =	vst v7;
	v7 =	vadd.s32 $0x33, v0  }
0xa7: {  	v11 =	vld.idx.msk [tilespmem:v11+s14+$0x0], $0xffff;
	[tilespmem:s20+$0x12980] =	vst v3;
	v3 =	vadd.s32 $0x34, v0  }
0xa8: {  	v10 =	vld.idx.msk [tilespmem:v10+s14+$0x0], $0xffff;
	[tilespmem:s20+$0x12A00] =	vst v2;
	v2 =	vadd.s32 $0x35, v0  }
0xa9: {  	v9 =	vld.idx.msk [tilespmem:v9+s14+$0x0], $0xffff;
	[tilespmem:s20+$0x12A80] =	vst v1;
	v1 =	vadd.s32 $0x36, v0  }
0xaa: {  	v8 =	vld.idx.msk [tilespmem:v8+s14+$0x0], $0xffff;
	[tilespmem:s20+$0x12B00] =	vst v6;
	v6 =	vadd.s32 $0x37, v0  }
0xab: {  	v7 =	vld.idx.msk [tilespmem:v7+s14+$0x0], $0xffff;
	[tilespmem:s20+$0x12B80] =	vst v4;
	v4 =	vadd.s32 $0x38, v0  }
0xac: {  	v22 =	vld.idx.msk [tilespmem:v3+s14+$0x0], $0xffff;
	[tilespmem:s20+$0x12C00] =	vst v5;
	v3 =	vadd.s32 $0x39, v0  }
0xad: {  	v5 =	vld.idx.msk [tilespmem:v2+s14+$0x0], $0xffff;
	[tilespmem:s20+$0x12C80] =	vst v17;
	v2 =	vadd.s32 $0x3A, v0  }
0xae: {  	v17 =	vld.idx.msk [tilespmem:v1+s14+$0x0], $0xffff;
	[tilespmem:s20+$0x12D00] =	vst v18;
	v1 =	vadd.s32 $0x3B, v0  }
0xaf: {  	v18 =	vadd.s32 $0x3C, v0;
	v6 =	vld.idx.msk [tilespmem:v6+s14+$0x0], $0xffff;
	[tilespmem:s20+$0x12D80] =	vst v19  }
0xb0: {  	v19 =	vadd.s32 $0x3D, v0;
	v4 =	vld.idx.msk [tilespmem:v4+s14+$0x0], $0xffff;
	[tilespmem:s20+$0x12E00] =	vst v20  }
0xb1: {  	v20 =	vld.idx.msk [tilespmem:v3+s14+$0x0], $0xffff;
	[tilespmem:s20+$0x12E80] =	vst v21;
	v3 =	vadd.s32 $0x3E, v0  }
0xb2: {  	v0 =	vadd.s32 $0x3F, v0;
	v21 =	vld.idx.msk [tilespmem:v2+s14+$0x0], $0xffff;
	[tilespmem:s20+$0x12F00] =	vst v16  }
0xb3: {  	v16 =	vld.idx.msk [tilespmem:v1+s14+$0x0], $0xffff;
	[tilespmem:s20+$0x12F80] =	vst v15  }
0xb4: {  	v15 =	vld.idx.msk [tilespmem:v18+s14+$0x0], $0xffff;
	[tilespmem:s20+$0x13000] =	vst v14  }
0xb5: {  	v1 =	vld.idx.msk [tilespmem:v19+s14+$0x0], $0xffff;
	[tilespmem:s20+$0x13080] =	vst v13  }
0xb6: {  	v2 =	vld.idx.msk [tilespmem:v3+s14+$0x0], $0xffff;
	[tilespmem:s20+$0x13100] =	vst v12  }
0xb7: {  	v3 =	vld.idx.msk [tilespmem:v0+s14+$0x0], $0xffff;
	[tilespmem:s20+$0x13180] =	vst v11  }
0xb8: {  	[tilespmem:s20+$0x13200] =	vst v10  }
0xb9: {  	[tilespmem:s20+$0x13280] =	vst v9  }
0xba: {  	[tilespmem:s20+$0x13300] =	vst v8  }
0xbb: {  	s22 =	sshra.s32 s21, $0x2;
	[tilespmem:s20+$0x13380] =	vst v7  }
0xbc: {  	v0 =	vld [tilespmem:s22+$0x0];
	[tilespmem:s20+$0x13400] =	vst v22  }
0xbd: {  	[tilespmem:s20+$0x13480] =	vst v5  }
0xbe: {  	[tilespmem:s20+$0x13500] =	vst v17  }
0xbf: {  	[tilespmem:s20+$0x13580] =	vst v6  }
.Ltmp0:
0xc0: {  	[tilespmem:s20+$0x13600] =	vst v4;
	(pc) =	sbr.rel @p0 .LBB2_2-.Ltmp0, $4  }
0xc1: {  	v0 =	vmul.u32 $0x41, v0;
	[tilespmem:s20+$0x13680] =	vst v20  }
0xc2: {  	[tilespmem:s20+$0x13700] =	vst v21  }
0xc3: {  	v5 =	vadd.s32 $0xF, v0;
	[tilespmem:s20+$0x13780] =	vst v16  }
0xc4: {  	s21 =	sadd.s32 $0x40, s21;
	v4 =	vadd.s32 $0xE, v0;
	[tilespmem:s20+$0x13800] =	vst v15  }
0xc5: {  	_ = 	snop  }
0xc6: {  	[tilespmem:s20+$0x13880] =	vst v1  }
0xc7: {  	v6 =	vadd.s32 $0xD, v0;
	[tilespmem:s20+$0x13900] =	vst v2  }
0xc8: {  	v1 =	vadd.s32 $0xC, v0;
	[tilespmem:s20+$0x13980] =	vst v3  }
0xc9: {  	v2 =	vadd.s32 $0xB, v0;
	v5 =	vld.idx.msk [tilespmem:v5+s14+$0x0], $0xffff  }
0xca: {  	v3 =	vadd.s32 $0xA, v0;
	v4 =	vld.idx.msk [tilespmem:v4+s14+$0x0], $0xffff  }
0xcb: {  	v7 =	vadd.s32 $0x9, v0;
	v17 =	vld.idx.msk [tilespmem:v0+s14+$0x0], $0xffff  }
0xcc: {  	v8 =	vadd.s32 $0x8, v0;
	v6 =	vld.idx.msk [tilespmem:v6+s14+$0x0], $0xffff  }
0xcd: {  	v9 =	vadd.s32 $0x7, v0;
	v1 =	vld.idx.msk [tilespmem:v1+s14+$0x0], $0xffff  }
0xce: {  	v10 =	vadd.s32 $0x6, v0;
	v2 =	vld.idx.msk [tilespmem:v2+s14+$0x0], $0xffff  }
0xcf: {  	v11 =	vadd.s32 $0x5, v0;
	v3 =	vld.idx.msk [tilespmem:v3+s14+$0x0], $0xffff  }
0xd0: {  	v14 =	vadd.s32 $0x1, v0;
	v7 =	vld.idx.msk [tilespmem:v7+s14+$0x0], $0xffff  }
0xd1: {  	v15 =	vadd.s32 $0x2, v0;
	v8 =	vld.idx.msk [tilespmem:v8+s14+$0x0], $0xffff  }
0xd2: {  	v13 =	vadd.s32 $0x3, v0;
	v9 =	vld.idx.msk [tilespmem:v9+s14+$0x0], $0xffff  }
0xd3: {  	v12 =	vadd.s32 $0x4, v0;
	v10 =	vld.idx.msk [tilespmem:v10+s14+$0x0], $0xffff  }
0xd4: {  	v16 =	vadd.s32 $0x10, v0;
	v11 =	vld.idx.msk [tilespmem:v11+s14+$0x0], $0xffff  }
0xd5: {  	v18 =	vadd.s32 $0x11, v0;
	v14 =	vld.idx.msk [tilespmem:v14+s14+$0x0], $0xffff  }
0xd6: {  	v19 =	vadd.s32 $0x12, v0;
	v15 =	vld.idx.msk [tilespmem:v15+s14+$0x0], $0xffff  }
0xd7: {  	v20 =	vadd.s32 $0x13, v0;
	v13 =	vld.idx.msk [tilespmem:v13+s14+$0x0], $0xffff  }
0xd8: {  	v62 =	vadd.s32 $0x14, v0;
	v12 =	vld.idx.msk [tilespmem:v12+s14+$0x0], $0xffff  }
0xd9: {  	v63 =	vadd.s32 $0x15, v0;
	v16 =	vld.idx.msk [tilespmem:v16+s14+$0x0], $0xffff;
	[tilespmem:s22+$0x11A00] =	vst v17  }
0xda: {  	v24 =	vadd.s32 $0x16, v0;
	v17 =	vld.idx.msk [tilespmem:v18+s14+$0x0], $0xffff;
	[tilespmem:s22+$0x11A80] =	vst v14  }
0xdb: {  	v25 =	vadd.s32 $0x17, v0;
	v14 =	vld.idx.msk [tilespmem:v19+s14+$0x0], $0xffff;
	[tilespmem:s22+$0x11B00] =	vst v15  }
0xdc: {  	v26 =	vadd.s32 $0x18, v0;
	v15 =	vld.idx.msk [tilespmem:v20+s14+$0x0], $0xffff;
	[tilespmem:s22+$0x11B80] =	vst v13  }
0xdd: {  	v27 =	vadd.s32 $0x19, v0;
	v13 =	vld.idx.msk [tilespmem:v62+s14+$0x0], $0xffff;
	[tilespmem:s22+$0x11C00] =	vst v12  }
0xde: {  	v28 =	vadd.s32 $0x1A, v0;
	v12 =	vld.idx.msk [tilespmem:v63+s14+$0x0], $0xffff;
	[tilespmem:s22+$0x11C80] =	vst v11  }
0xdf: {  	v29 =	vadd.s32 $0x1B, v0;
	v11 =	vld.idx.msk [tilespmem:v24+s14+$0x0], $0xffff;
	[tilespmem:s22+$0x11D00] =	vst v10  }
0xe0: {  	v30 =	vadd.s32 $0x1C, v0;
	v10 =	vld.idx.msk [tilespmem:v25+s14+$0x0], $0xffff;
	[tilespmem:s22+$0x11D80] =	vst v9  }
0xe1: {  	v31 =	vadd.s32 $0x1D, v0;
	v9 =	vld.idx.msk [tilespmem:v26+s14+$0x0], $0xffff;
	[tilespmem:s22+$0x11E00] =	vst v8  }
0xe2: {  	v32 =	vadd.s32 $0x1E, v0;
	v8 =	vld.idx.msk [tilespmem:v27+s14+$0x0], $0xffff;
	[tilespmem:s22+$0x11E80] =	vst v7  }
0xe3: {  	v33 =	vadd.s32 $0x1F, v0;
	v7 =	vld.idx.msk [tilespmem:v28+s14+$0x0], $0xffff;
	[tilespmem:s22+$0x11F00] =	vst v3  }
0xe4: {  	v34 =	vadd.s32 $0x20, v0;
	v3 =	vld.idx.msk [tilespmem:v29+s14+$0x0], $0xffff;
	[tilespmem:s22+$0x11F80] =	vst v2  }
0xe5: {  	v35 =	vadd.s32 $0x21, v0;
	v2 =	vld.idx.msk [tilespmem:v30+s14+$0x0], $0xffff;
	[tilespmem:s22+$0x12000] =	vst v1  }
0xe6: {  	v36 =	vadd.s32 $0x22, v0;
	v1 =	vld.idx.msk [tilespmem:v31+s14+$0x0], $0xffff;
	[tilespmem:s22+$0x12080] =	vst v6  }
0xe7: {  	v37 =	vadd.s32 $0x23, v0;
	v6 =	vld.idx.msk [tilespmem:v32+s14+$0x0], $0xffff;
	[tilespmem:s22+$0x12100] =	vst v4  }
0xe8: {  	v38 =	vadd.s32 $0x24, v0;
	v4 =	vld.idx.msk [tilespmem:v33+s14+$0x0], $0xffff;
	[tilespmem:s22+$0x12180] =	vst v5  }
0xe9: {  	v39 =	vadd.s32 $0x25, v0;
	v5 =	vld.idx.msk [tilespmem:v34+s14+$0x0], $0xffff;
	[tilespmem:s22+$0x12200] =	vst v16  }
0xea: {  	v40 =	vadd.s32 $0x26, v0;
	v16 =	vld.idx.msk [tilespmem:v35+s14+$0x0], $0xffff;
	[tilespmem:s22+$0x12280] =	vst v17  }
0xeb: {  	v41 =	vadd.s32 $0x27, v0;
	v17 =	vld.idx.msk [tilespmem:v36+s14+$0x0], $0xffff;
	[tilespmem:s22+$0x12300] =	vst v14  }
0xec: {  	v42 =	vadd.s32 $0x28, v0;
	v14 =	vld.idx.msk [tilespmem:v37+s14+$0x0], $0xffff;
	[tilespmem:s22+$0x12380] =	vst v15  }
0xed: {  	v43 =	vadd.s32 $0x29, v0;
	v15 =	vld.idx.msk [tilespmem:v38+s14+$0x0], $0xffff;
	[tilespmem:s22+$0x12400] =	vst v13  }
0xee: {  	v44 =	vadd.s32 $0x2A, v0;
	v13 =	vld.idx.msk [tilespmem:v39+s14+$0x0], $0xffff;
	[tilespmem:s22+$0x12480] =	vst v12  }
0xef: {  	v45 =	vadd.s32 $0x2B, v0;
	v12 =	vld.idx.msk [tilespmem:v40+s14+$0x0], $0xffff;
	[tilespmem:s22+$0x12500] =	vst v11  }
0xf0: {  	v46 =	vadd.s32 $0x2C, v0;
	v11 =	vld.idx.msk [tilespmem:v41+s14+$0x0], $0xffff;
	[tilespmem:s22+$0x12580] =	vst v10  }
0xf1: {  	v47 =	vadd.s32 $0x2D, v0;
	v10 =	vld.idx.msk [tilespmem:v42+s14+$0x0], $0xffff;
	[tilespmem:s22+$0x12600] =	vst v9  }
0xf2: {  	v48 =	vadd.s32 $0x2E, v0;
	v9 =	vld.idx.msk [tilespmem:v43+s14+$0x0], $0xffff;
	[tilespmem:s22+$0x12680] =	vst v8  }
0xf3: {  	v49 =	vadd.s32 $0x2F, v0;
	v8 =	vld.idx.msk [tilespmem:v44+s14+$0x0], $0xffff;
	[tilespmem:s22+$0x12700] =	vst v7  }
0xf4: {  	v50 =	vadd.s32 $0x30, v0;
	v7 =	vld.idx.msk [tilespmem:v45+s14+$0x0], $0xffff;
	[tilespmem:s22+$0x12780] =	vst v3  }
0xf5: {  	v51 =	vadd.s32 $0x31, v0;
	v3 =	vld.idx.msk [tilespmem:v46+s14+$0x0], $0xffff;
	[tilespmem:s22+$0x12800] =	vst v2  }
0xf6: {  	v52 =	vadd.s32 $0x32, v0;
	v2 =	vld.idx.msk [tilespmem:v47+s14+$0x0], $0xffff;
	[tilespmem:s22+$0x12880] =	vst v1  }
0xf7: {  	v53 =	vadd.s32 $0x33, v0;
	v1 =	vld.idx.msk [tilespmem:v48+s14+$0x0], $0xffff;
	[tilespmem:s22+$0x12900] =	vst v6  }
0xf8: {  	v54 =	vadd.s32 $0x34, v0;
	v6 =	vld.idx.msk [tilespmem:v49+s14+$0x0], $0xffff;
	[tilespmem:s22+$0x12980] =	vst v4  }
0xf9: {  	v55 =	vadd.s32 $0x35, v0;
	v4 =	vld.idx.msk [tilespmem:v50+s14+$0x0], $0xffff;
	[tilespmem:s22+$0x12A00] =	vst v5  }
0xfa: {  	v56 =	vadd.s32 $0x36, v0;
	v5 =	vld.idx.msk [tilespmem:v51+s14+$0x0], $0xffff;
	[tilespmem:s22+$0x12A80] =	vst v16  }
0xfb: {  	v57 =	vadd.s32 $0x37, v0;
	v16 =	vld.idx.msk [tilespmem:v52+s14+$0x0], $0xffff;
	[tilespmem:s22+$0x12B00] =	vst v17  }
0xfc: {  	v58 =	vadd.s32 $0x38, v0;
	v17 =	vld.idx.msk [tilespmem:v53+s14+$0x0], $0xffff;
	[tilespmem:s22+$0x12B80] =	vst v14  }
0xfd: {  	v59 =	vadd.s32 $0x39, v0;
	v14 =	vld.idx.msk [tilespmem:v54+s14+$0x0], $0xffff;
	[tilespmem:s22+$0x12C00] =	vst v15  }
0xfe: {  	v60 =	vadd.s32 $0x3A, v0;
	v15 =	vld.idx.msk [tilespmem:v55+s14+$0x0], $0xffff;
	[tilespmem:s22+$0x12C80] =	vst v13  }
0xff: {  	v61 =	vadd.s32 $0x3B, v0;
	v13 =	vld.idx.msk [tilespmem:v56+s14+$0x0], $0xffff;
	[tilespmem:s22+$0x12D00] =	vst v12  }
0x100: {  	v62 =	vadd.s32 $0x3C, v0;
	v12 =	vld.idx.msk [tilespmem:v57+s14+$0x0], $0xffff;
	[tilespmem:s22+$0x12D80] =	vst v11  }
0x101: {  	v63 =	vadd.s32 $0x3D, v0;
	v11 =	vld.idx.msk [tilespmem:v58+s14+$0x0], $0xffff;
	[tilespmem:s22+$0x12E00] =	vst v10  }
0x102: {  	v21 =	vadd.s32 $0x3E, v0;
	v10 =	vld.idx.msk [tilespmem:v59+s14+$0x0], $0xffff;
	[tilespmem:s22+$0x12E80] =	vst v9  }
0x103: {  	v0 =	vadd.s32 $0x3F, v0;
	v9 =	vld.idx.msk [tilespmem:v60+s14+$0x0], $0xffff;
	[tilespmem:s22+$0x12F00] =	vst v8  }
0x104: {  	v8 =	vld.idx.msk [tilespmem:v61+s14+$0x0], $0xffff;
	[tilespmem:s22+$0x12F80] =	vst v7  }
0x105: {  	v7 =	vld.idx.msk [tilespmem:v62+s14+$0x0], $0xffff;
	[tilespmem:s22+$0x13000] =	vst v3  }
0x106: {  	v3 =	vld.idx.msk [tilespmem:v63+s14+$0x0], $0xffff;
	[tilespmem:s22+$0x13080] =	vst v2  }
0x107: {  	v2 =	vld.idx.msk [tilespmem:v21+s14+$0x0], $0xffff;
	[tilespmem:s22+$0x13100] =	vst v1  }
0x108: {  	v0 =	vld.idx.msk [tilespmem:v0+s14+$0x0], $0xffff;
	[tilespmem:s22+$0x13180] =	vst v6  }
0x109: {  	[tilespmem:s22+$0x13200] =	vst v4  }
0x10a: {  	[tilespmem:s22+$0x13280] =	vst v5  }
0x10b: {  	[tilespmem:s22+$0x13300] =	vst v16  }
0x10c: {  	[tilespmem:s22+$0x13380] =	vst v17  }
0x10d: {  	[tilespmem:s22+$0x13400] =	vst v14  }
0x10e: {  	[tilespmem:s22+$0x13480] =	vst v15  }
0x10f: {  	[tilespmem:s22+$0x13500] =	vst v13  }
0x110: {  	[tilespmem:s22+$0x13580] =	vst v12  }
0x111: {  	[tilespmem:s22+$0x13600] =	vst v11  }
0x112: {  	[tilespmem:s22+$0x13680] =	vst v10  }
0x113: {  	[tilespmem:s22+$0x13700] =	vst v9  }
0x114: {  	[tilespmem:s22+$0x13780] =	vst v8  }
0x115: {  	[tilespmem:s22+$0x13800] =	vst v7  }
0x116: {  	[tilespmem:s22+$0x13880] =	vst v3  }
0x117: {  	[tilespmem:s22+$0x13900] =	vst v2  }
0x118: {  	s20 =	simm.s32 $0x0;
	[tilespmem:s22+$0x13980] =	vst v0  }
0x119: {  	[hbm4b:s7+s11] =	stream.strided.scatter [tilespmem:s17], [sflag:$0x1], $0x2000, s12, s11, $0x38;
	[tilespmem:$0x15A00] =	vst v63  }
0x11a: {  	v0 =	vld [tilespmem:s20+$0x80];
	_ =	sdelay $0x4  }
0x11b: {  	v0 =	vmul.u32 $0x41, v0;
	_ =	sdelay $0x1  }
0x11c: {  	v1 =	vadd.s32 $0xF, v0  }
0x11d: {  	v2 =	vadd.s32 $0xE, v0  }
0x11e: {  	v3 =	vadd.s32 $0xD, v0  }
0x11f: {  	v4 =	vadd.s32 $0xC, v0  }
0x120: {  	v5 =	vadd.s32 $0xB, v0;
	v17 =	vld.idx.msk [tilespmem:v0+s14+$0x0], $0xffff  }
0x121: {  	v6 =	vadd.s32 $0xA, v0;
	v1 =	vld.idx.msk [tilespmem:v1+s14+$0x0], $0xffff  }
0x122: {  	v7 =	vadd.s32 $0x9, v0;
	v2 =	vld.idx.msk [tilespmem:v2+s14+$0x0], $0xffff  }
0x123: {  	v22 =	vadd.s32 $0x8, v0;
	v3 =	vld.idx.msk [tilespmem:v3+s14+$0x0], $0xffff  }
0x124: {  	v23 =	vadd.s32 $0x7, v0;
	v4 =	vld.idx.msk [tilespmem:v4+s14+$0x0], $0xffff  }
0x125: {  	v24 =	vadd.s32 $0x6, v0;
	v5 =	vld.idx.msk [tilespmem:v5+s14+$0x0], $0xffff  }
0x126: {  	v25 =	vadd.s32 $0x5, v0;
	v6 =	vld.idx.msk [tilespmem:v6+s14+$0x0], $0xffff  }
0x127: {  	v28 =	vadd.s32 $0x1, v0;
	v7 =	vld.idx.msk [tilespmem:v7+s14+$0x0], $0xffff  }
0x128: {  	v29 =	vadd.s32 $0x2, v0;
	v8 =	vld.idx.msk [tilespmem:v22+s14+$0x0], $0xffff  }
0x129: {  	v27 =	vadd.s32 $0x3, v0;
	v9 =	vld.idx.msk [tilespmem:v23+s14+$0x0], $0xffff  }
0x12a: {  	v26 =	vadd.s32 $0x4, v0;
	v10 =	vld.idx.msk [tilespmem:v24+s14+$0x0], $0xffff  }
0x12b: {  	v30 =	vadd.s32 $0x10, v0;
	v11 =	vld.idx.msk [tilespmem:v25+s14+$0x0], $0xffff  }
0x12c: {  	v31 =	vadd.s32 $0x11, v0;
	v14 =	vld.idx.msk [tilespmem:v28+s14+$0x0], $0xffff  }
0x12d: {  	v32 =	vadd.s32 $0x12, v0;
	v15 =	vld.idx.msk [tilespmem:v29+s14+$0x0], $0xffff  }
0x12e: {  	v33 =	vadd.s32 $0x13, v0;
	v13 =	vld.idx.msk [tilespmem:v27+s14+$0x0], $0xffff  }
0x12f: {  	v34 =	vadd.s32 $0x14, v0;
	v12 =	vld.idx.msk [tilespmem:v26+s14+$0x0], $0xffff  }
0x130: {  	v35 =	vadd.s32 $0x15, v0;
	v16 =	vld.idx.msk [tilespmem:v30+s14+$0x0], $0xffff;
	[tilespmem:s20+$0x13A00] =	vst v17  }
0x131: {  	v36 =	vadd.s32 $0x16, v0;
	v17 =	vld.idx.msk [tilespmem:v31+s14+$0x0], $0xffff;
	[tilespmem:s20+$0x13A80] =	vst v14  }
0x132: {  	v37 =	vadd.s32 $0x17, v0;
	v14 =	vld.idx.msk [tilespmem:v32+s14+$0x0], $0xffff;
	[tilespmem:s20+$0x13B00] =	vst v15  }
0x133: {  	v38 =	vadd.s32 $0x18, v0;
	v15 =	vld.idx.msk [tilespmem:v33+s14+$0x0], $0xffff;
	[tilespmem:s20+$0x13B80] =	vst v13  }
0x134: {  	v39 =	vadd.s32 $0x19, v0;
	v13 =	vld.idx.msk [tilespmem:v34+s14+$0x0], $0xffff;
	[tilespmem:s20+$0x13C00] =	vst v12  }
0x135: {  	v40 =	vadd.s32 $0x1A, v0;
	v12 =	vld.idx.msk [tilespmem:v35+s14+$0x0], $0xffff;
	[tilespmem:s20+$0x13C80] =	vst v11  }
0x136: {  	v41 =	vadd.s32 $0x1B, v0;
	v11 =	vld.idx.msk [tilespmem:v36+s14+$0x0], $0xffff;
	[tilespmem:s20+$0x13D00] =	vst v10  }
0x137: {  	v42 =	vadd.s32 $0x1C, v0;
	v10 =	vld.idx.msk [tilespmem:v37+s14+$0x0], $0xffff;
	[tilespmem:s20+$0x13D80] =	vst v9  }
0x138: {  	v43 =	vadd.s32 $0x1D, v0;
	v9 =	vld.idx.msk [tilespmem:v38+s14+$0x0], $0xffff;
	[tilespmem:s20+$0x13E00] =	vst v8  }
0x139: {  	v44 =	vadd.s32 $0x1E, v0;
	v8 =	vld.idx.msk [tilespmem:v39+s14+$0x0], $0xffff;
	[tilespmem:s20+$0x13E80] =	vst v7  }
0x13a: {  	v45 =	vadd.s32 $0x1F, v0;
	v7 =	vld.idx.msk [tilespmem:v40+s14+$0x0], $0xffff;
	[tilespmem:s20+$0x13F00] =	vst v6  }
0x13b: {  	v46 =	vadd.s32 $0x20, v0;
	v6 =	vld.idx.msk [tilespmem:v41+s14+$0x0], $0xffff;
	[tilespmem:s20+$0x13F80] =	vst v5  }
0x13c: {  	v47 =	vadd.s32 $0x21, v0;
	v5 =	vld.idx.msk [tilespmem:v42+s14+$0x0], $0xffff;
	[tilespmem:s20+$0x14000] =	vst v4  }
0x13d: {  	v48 =	vadd.s32 $0x22, v0;
	v4 =	vld.idx.msk [tilespmem:v43+s14+$0x0], $0xffff;
	[tilespmem:s20+$0x14080] =	vst v3  }
0x13e: {  	v49 =	vadd.s32 $0x23, v0;
	v3 =	vld.idx.msk [tilespmem:v44+s14+$0x0], $0xffff;
	[tilespmem:s20+$0x14100] =	vst v2  }
0x13f: {  	v50 =	vadd.s32 $0x24, v0;
	v2 =	vld.idx.msk [tilespmem:v45+s14+$0x0], $0xffff;
	[tilespmem:s20+$0x14180] =	vst v1  }
0x140: {  	v51 =	vadd.s32 $0x25, v0;
	v1 =	vld.idx.msk [tilespmem:v46+s14+$0x0], $0xffff;
	[tilespmem:s20+$0x14200] =	vst v16  }
0x141: {  	v52 =	vadd.s32 $0x26, v0;
	v16 =	vld.idx.msk [tilespmem:v47+s14+$0x0], $0xffff;
	[tilespmem:s20+$0x14280] =	vst v17  }
0x142: {  	v53 =	vadd.s32 $0x27, v0;
	v17 =	vld.idx.msk [tilespmem:v48+s14+$0x0], $0xffff;
	[tilespmem:s20+$0x14300] =	vst v14  }
0x143: {  	v54 =	vadd.s32 $0x28, v0;
	v14 =	vld.idx.msk [tilespmem:v49+s14+$0x0], $0xffff;
	[tilespmem:s20+$0x14380] =	vst v15  }
0x144: {  	v55 =	vadd.s32 $0x29, v0;
	v15 =	vld.idx.msk [tilespmem:v50+s14+$0x0], $0xffff;
	[tilespmem:s20+$0x14400] =	vst v13  }
0x145: {  	v56 =	vadd.s32 $0x2A, v0;
	v13 =	vld.idx.msk [tilespmem:v51+s14+$0x0], $0xffff;
	[tilespmem:s20+$0x14480] =	vst v12  }
0x146: {  	v57 =	vadd.s32 $0x2B, v0;
	v12 =	vld.idx.msk [tilespmem:v52+s14+$0x0], $0xffff;
	[tilespmem:s20+$0x14500] =	vst v11  }
0x147: {  	v58 =	vadd.s32 $0x2C, v0;
	v11 =	vld.idx.msk [tilespmem:v53+s14+$0x0], $0xffff;
	[tilespmem:s20+$0x14580] =	vst v10  }
0x148: {  	v59 =	vadd.s32 $0x2D, v0;
	v10 =	vld.idx.msk [tilespmem:v54+s14+$0x0], $0xffff;
	[tilespmem:s20+$0x14600] =	vst v9  }
0x149: {  	v60 =	vadd.s32 $0x2E, v0;
	v9 =	vld.idx.msk [tilespmem:v55+s14+$0x0], $0xffff;
	[tilespmem:s20+$0x14680] =	vst v8  }
0x14a: {  	v8 =	vld.idx.msk [tilespmem:v56+s14+$0x0], $0xffff;
	[tilespmem:s20+$0x14700] =	vst v7  }
0x14b: {  	v61 =	vadd.s32 $0x2F, v0;
	v7 =	vld.idx.msk [tilespmem:v57+s14+$0x0], $0xffff;
	[tilespmem:s20+$0x14780] =	vst v6  }
0x14c: {  	v62 =	vadd.s32 $0x30, v0;
	v6 =	vld.idx.msk [tilespmem:v58+s14+$0x0], $0xffff;
	[tilespmem:s20+$0x14800] =	vst v5  }
0x14d: {  	v63 =	vadd.s32 $0x31, v0;
	v5 =	vld.idx.msk [tilespmem:v59+s14+$0x0], $0xffff;
	[tilespmem:s20+$0x14880] =	vst v4  }
0x14e: {  	v4 =	vld.idx.msk [tilespmem:v60+s14+$0x0], $0xffff;
	[tilespmem:s20+$0x14900] =	vst v3;
	v3 =	vadd.s32 $0x32, v0;
	_ =	sdelay $0x1  }
0x14f: {  	v18 =	vld.idx.msk [tilespmem:v61+s14+$0x0], $0xffff;
	[tilespmem:s20+$0x14980] =	vst v2  }
0x150: {  	v2 =	vadd.s32 $0x33, v0;
	v19 =	vld.idx.msk [tilespmem:v62+s14+$0x0], $0xffff;
	[tilespmem:s20+$0x14A00] =	vst v1  }
0x151: {  	v1 =	vadd.s32 $0x34, v0;
	v20 =	vld.idx.msk [tilespmem:v63+s14+$0x0], $0xffff;
	[tilespmem:s20+$0x14A80] =	vst v16  }
0x152: {  	v16 =	vld.idx.msk [tilespmem:v3+s14+$0x0], $0xffff;
	v3 =	vadd.s32 $0x35, v0;
	_ =	sdelay $0x1  }
0x153: {  	[tilespmem:s20+$0x14B00] =	vst v17  }
0x154: {  	v17 =	vld.idx.msk [tilespmem:v2+s14+$0x0], $0xffff;
	v2 =	vadd.s32 $0x36, v0;
	[tilespmem:s20+$0x14B80] =	vst v14  }
0x155: {  	v14 =	vld.idx.msk [tilespmem:v1+s14+$0x0], $0xffff;
	v1 =	vadd.s32 $0x37, v0;
	[tilespmem:s20+$0x14C00] =	vst v15  }
0x156: {  	v15 =	vld.idx.msk [tilespmem:v3+s14+$0x0], $0xffff;
	v3 =	vadd.s32 $0x38, v0;
	_ =	sdelay $0x1  }
0x157: {  	[tilespmem:s20+$0x14C80] =	vst v13  }
0x158: {  	v13 =	vld.idx.msk [tilespmem:v2+s14+$0x0], $0xffff;
	v2 =	vadd.s32 $0x39, v0;
	[tilespmem:s20+$0x14D00] =	vst v12  }
0x159: {  	v12 =	vld.idx.msk [tilespmem:v1+s14+$0x0], $0xffff;
	v1 =	vadd.s32 $0x3A, v0;
	[tilespmem:s20+$0x14D80] =	vst v11  }
0x15a: {  	v11 =	vld.idx.msk [tilespmem:v3+s14+$0x0], $0xffff;
	v3 =	vadd.s32 $0x3B, v0;
	_ =	sdelay $0x1  }
0x15b: {  	[tilespmem:s20+$0x14E00] =	vst v10  }
0x15c: {  	v10 =	vld.idx.msk [tilespmem:v2+s14+$0x0], $0xffff;
	v2 =	vadd.s32 $0x3C, v0;
	[tilespmem:s20+$0x14E80] =	vst v9  }
0x15d: {  	v9 =	vld.idx.msk [tilespmem:v1+s14+$0x0], $0xffff;
	v1 =	vadd.s32 $0x3D, v0;
	[tilespmem:s20+$0x14F00] =	vst v8  }
0x15e: {  	v8 =	vld.idx.msk [tilespmem:v3+s14+$0x0], $0xffff;
	v3 =	vadd.s32 $0x3E, v0  }
0x15f: {  	v0 =	vadd.s32 $0x3F, v0  }
0x160: {  	[tilespmem:s20+$0x14F80] =	vst v7  }
0x161: {  	v7 =	vld.idx.msk [tilespmem:v2+s14+$0x0], $0xffff;
	[tilespmem:s20+$0x15000] =	vst v6  }
0x162: {  	v1 =	vld.idx.msk [tilespmem:v1+s14+$0x0], $0xffff;
	[tilespmem:s20+$0x15080] =	vst v5  }
0x163: {  	v2 =	vld.idx.msk [tilespmem:v3+s14+$0x0], $0xffff;
	[tilespmem:s20+$0x15100] =	vst v4  }
0x164: {  	v3 =	vld.idx.msk [tilespmem:v0+s14+$0x0], $0xffff;
	[tilespmem:s20+$0x15180] =	vst v18  }
0x165: {  	[tilespmem:s20+$0x15200] =	vst v19  }
0x166: {  	[tilespmem:s20+$0x15280] =	vst v20  }
0x167: {  	[tilespmem:s20+$0x15300] =	vst v16  }
0x168: {  	s22 =	simm.s32 $0x10;
	[tilespmem:s20+$0x15380] =	vst v17  }
0x169: {  	v0 =	vld [tilespmem:s22+$0x80];
	[tilespmem:s20+$0x15400] =	vst v14  }
0x16a: {  	[tilespmem:s20+$0x15480] =	vst v15  }
0x16b: {  	[tilespmem:s20+$0x15500] =	vst v13  }
0x16c: {  	[tilespmem:s20+$0x15580] =	vst v12  }
0x16d: {  	[tilespmem:s20+$0x15600] =	vst v11  }
0x16e: {  	[tilespmem:s20+$0x15680] =	vst v10;
	v0 =	vmul.u32 $0x41, v0  }
0x16f: {  	[tilespmem:s20+$0x15700] =	vst v9  }
0x170: {  	[tilespmem:s20+$0x15780] =	vst v8;
	v5 =	vadd.s32 $0xF, v0  }
0x171: {  	s21 =	simm.s32 $0x80;
	[tilespmem:s20+$0x15800] =	vst v7;
	v4 =	vadd.s32 $0xE, v0  }
.LBB2_4:
0x172: {  	p0 =	sne.s32 s21, $0x1C0;
	v6 =	vadd.s32 $0xD, v0;
	[tilespmem:s20+$0x15880] =	vst v1  }
0x173: {  	v1 =	vadd.s32 $0xC, v0;
	[tilespmem:s20+$0x15900] =	vst v2  }
0x174: {  	v2 =	vadd.s32 $0xB, v0;
	[tilespmem:s20+$0x15980] =	vst v3;
	s20 =	smov.u32 s22  }
0x175: {  	v3 =	vadd.s32 $0xA, v0;
	v5 =	vld.idx.msk [tilespmem:v5+s14+$0x0], $0xffff  }
0x176: {  	v7 =	vadd.s32 $0x9, v0;
	v4 =	vld.idx.msk [tilespmem:v4+s14+$0x0], $0xffff  }
0x177: {  	v8 =	vadd.s32 $0x8, v0;
	v6 =	vld.idx.msk [tilespmem:v6+s14+$0x0], $0xffff  }
0x178: {  	v9 =	vadd.s32 $0x7, v0;
	v1 =	vld.idx.msk [tilespmem:v1+s14+$0x0], $0xffff  }
0x179: {  	v10 =	vadd.s32 $0x6, v0;
	v2 =	vld.idx.msk [tilespmem:v2+s14+$0x0], $0xffff  }
0x17a: {  	v11 =	vadd.s32 $0x5, v0;
	v3 =	vld.idx.msk [tilespmem:v3+s14+$0x0], $0xffff  }
0x17b: {  	v12 =	vadd.s32 $0x4, v0;
	v7 =	vld.idx.msk [tilespmem:v7+s14+$0x0], $0xffff  }
0x17c: {  	v13 =	vadd.s32 $0x3, v0;
	v8 =	vld.idx.msk [tilespmem:v8+s14+$0x0], $0xffff  }
0x17d: {  	v14 =	vadd.s32 $0x2, v0;
	v9 =	vld.idx.msk [tilespmem:v9+s14+$0x0], $0xffff  }
0x17e: {  	v10 =	vld.idx.msk [tilespmem:v10+s14+$0x0], $0xffff  }
0x17f: {  	v15 =	vadd.s32 $0x1, v0;
	v11 =	vld.idx.msk [tilespmem:v11+s14+$0x0], $0xffff  }
0x180: {  	v12 =	vld.idx.msk [tilespmem:v12+s14+$0x0], $0xffff  }
0x181: {  	v13 =	vld.idx.msk [tilespmem:v13+s14+$0x0], $0xffff  }
0x182: {  	v14 =	vld.idx.msk [tilespmem:v14+s14+$0x0], $0xffff  }
0x183: {  	v16 =	vld.idx.msk [tilespmem:v0+s14+$0x0], $0xffff  }
0x184: {  	v17 =	vadd.s32 $0x10, v0;
	v15 =	vld.idx.msk [tilespmem:v15+s14+$0x0], $0xffff  }
0x185: {  	v18 =	vadd.s32 $0x11, v0  }
0x186: {  	v19 =	vadd.s32 $0x12, v0  }
0x187: {  	v20 =	vadd.s32 $0x13, v0  }
0x188: {  	v21 =	vadd.s32 $0x14, v0  }
0x189: {  	v17 =	vld.idx.msk [tilespmem:v17+s14+$0x0], $0xffff;
	[tilespmem:s20+$0x13A00] =	vst v16;
	v16 =	vadd.s32 $0x15, v0  }
0x18a: {  	v18 =	vld.idx.msk [tilespmem:v18+s14+$0x0], $0xffff;
	[tilespmem:s20+$0x13A80] =	vst v15;
	v15 =	vadd.s32 $0x16, v0  }
0x18b: {  	v19 =	vld.idx.msk [tilespmem:v19+s14+$0x0], $0xffff;
	[tilespmem:s20+$0x13B00] =	vst v14;
	v14 =	vadd.s32 $0x17, v0  }
0x18c: {  	v20 =	vld.idx.msk [tilespmem:v20+s14+$0x0], $0xffff;
	[tilespmem:s20+$0x13B80] =	vst v13;
	v13 =	vadd.s32 $0x18, v0  }
0x18d: {  	v21 =	vld.idx.msk [tilespmem:v21+s14+$0x0], $0xffff;
	[tilespmem:s20+$0x13C00] =	vst v12;
	v12 =	vadd.s32 $0x19, v0  }
0x18e: {  	v16 =	vld.idx.msk [tilespmem:v16+s14+$0x0], $0xffff;
	[tilespmem:s20+$0x13C80] =	vst v11;
	v11 =	vadd.s32 $0x1A, v0  }
0x18f: {  	v15 =	vld.idx.msk [tilespmem:v15+s14+$0x0], $0xffff;
	[tilespmem:s20+$0x13D00] =	vst v10;
	v10 =	vadd.s32 $0x1B, v0  }
0x190: {  	v14 =	vld.idx.msk [tilespmem:v14+s14+$0x0], $0xffff;
	[tilespmem:s20+$0x13D80] =	vst v9;
	v9 =	vadd.s32 $0x1C, v0  }
0x191: {  	v13 =	vld.idx.msk [tilespmem:v13+s14+$0x0], $0xffff;
	[tilespmem:s20+$0x13E00] =	vst v8;
	v8 =	vadd.s32 $0x1D, v0  }
0x192: {  	v12 =	vld.idx.msk [tilespmem:v12+s14+$0x0], $0xffff;
	[tilespmem:s20+$0x13E80] =	vst v7;
	v7 =	vadd.s32 $0x1E, v0  }
0x193: {  	v11 =	vld.idx.msk [tilespmem:v11+s14+$0x0], $0xffff;
	[tilespmem:s20+$0x13F00] =	vst v3;
	v3 =	vadd.s32 $0x1F, v0  }
0x194: {  	v10 =	vld.idx.msk [tilespmem:v10+s14+$0x0], $0xffff;
	[tilespmem:s20+$0x13F80] =	vst v2;
	v2 =	vadd.s32 $0x20, v0  }
0x195: {  	v9 =	vld.idx.msk [tilespmem:v9+s14+$0x0], $0xffff;
	[tilespmem:s20+$0x14000] =	vst v1;
	v1 =	vadd.s32 $0x21, v0  }
0x196: {  	v8 =	vld.idx.msk [tilespmem:v8+s14+$0x0], $0xffff;
	[tilespmem:s20+$0x14080] =	vst v6;
	v6 =	vadd.s32 $0x22, v0  }
0x197: {  	v7 =	vld.idx.msk [tilespmem:v7+s14+$0x0], $0xffff;
	[tilespmem:s20+$0x14100] =	vst v4;
	v4 =	vadd.s32 $0x23, v0  }
0x198: {  	v3 =	vld.idx.msk [tilespmem:v3+s14+$0x0], $0xffff;
	[tilespmem:s20+$0x14180] =	vst v5;
	v5 =	vadd.s32 $0x24, v0  }
0x199: {  	v2 =	vld.idx.msk [tilespmem:v2+s14+$0x0], $0xffff;
	[tilespmem:s20+$0x14200] =	vst v17;
	v17 =	vadd.s32 $0x25, v0  }
0x19a: {  	v1 =	vld.idx.msk [tilespmem:v1+s14+$0x0], $0xffff;
	[tilespmem:s20+$0x14280] =	vst v18;
	v18 =	vadd.s32 $0x26, v0  }
0x19b: {  	v6 =	vld.idx.msk [tilespmem:v6+s14+$0x0], $0xffff;
	[tilespmem:s20+$0x14300] =	vst v19;
	v19 =	vadd.s32 $0x27, v0  }
0x19c: {  	v4 =	vld.idx.msk [tilespmem:v4+s14+$0x0], $0xffff;
	[tilespmem:s20+$0x14380] =	vst v20;
	v20 =	vadd.s32 $0x28, v0  }
0x19d: {  	v5 =	vld.idx.msk [tilespmem:v5+s14+$0x0], $0xffff;
	[tilespmem:s20+$0x14400] =	vst v21;
	v21 =	vadd.s32 $0x29, v0  }
0x19e: {  	v17 =	vld.idx.msk [tilespmem:v17+s14+$0x0], $0xffff;
	[tilespmem:s20+$0x14480] =	vst v16;
	v16 =	vadd.s32 $0x2A, v0  }
0x19f: {  	v18 =	vld.idx.msk [tilespmem:v18+s14+$0x0], $0xffff;
	[tilespmem:s20+$0x14500] =	vst v15;
	v15 =	vadd.s32 $0x2B, v0  }
0x1a0: {  	v19 =	vld.idx.msk [tilespmem:v19+s14+$0x0], $0xffff;
	[tilespmem:s20+$0x14580] =	vst v14;
	v14 =	vadd.s32 $0x2C, v0  }
0x1a1: {  	v20 =	vld.idx.msk [tilespmem:v20+s14+$0x0], $0xffff;
	[tilespmem:s20+$0x14600] =	vst v13;
	v13 =	vadd.s32 $0x2D, v0  }
0x1a2: {  	v21 =	vld.idx.msk [tilespmem:v21+s14+$0x0], $0xffff;
	[tilespmem:s20+$0x14680] =	vst v12;
	v12 =	vadd.s32 $0x2E, v0  }
0x1a3: {  	v16 =	vld.idx.msk [tilespmem:v16+s14+$0x0], $0xffff;
	[tilespmem:s20+$0x14700] =	vst v11;
	v11 =	vadd.s32 $0x2F, v0  }
0x1a4: {  	v15 =	vld.idx.msk [tilespmem:v15+s14+$0x0], $0xffff;
	[tilespmem:s20+$0x14780] =	vst v10;
	v10 =	vadd.s32 $0x30, v0  }
0x1a5: {  	v14 =	vld.idx.msk [tilespmem:v14+s14+$0x0], $0xffff;
	[tilespmem:s20+$0x14800] =	vst v9;
	v9 =	vadd.s32 $0x31, v0  }
0x1a6: {  	v13 =	vld.idx.msk [tilespmem:v13+s14+$0x0], $0xffff;
	[tilespmem:s20+$0x14880] =	vst v8;
	v8 =	vadd.s32 $0x32, v0  }
0x1a7: {  	v12 =	vld.idx.msk [tilespmem:v12+s14+$0x0], $0xffff;
	[tilespmem:s20+$0x14900] =	vst v7;
	v7 =	vadd.s32 $0x33, v0  }
0x1a8: {  	v11 =	vld.idx.msk [tilespmem:v11+s14+$0x0], $0xffff;
	[tilespmem:s20+$0x14980] =	vst v3;
	v3 =	vadd.s32 $0x34, v0  }
0x1a9: {  	v10 =	vld.idx.msk [tilespmem:v10+s14+$0x0], $0xffff;
	[tilespmem:s20+$0x14A00] =	vst v2;
	v2 =	vadd.s32 $0x35, v0  }
0x1aa: {  	v9 =	vld.idx.msk [tilespmem:v9+s14+$0x0], $0xffff;
	[tilespmem:s20+$0x14A80] =	vst v1;
	v1 =	vadd.s32 $0x36, v0  }
0x1ab: {  	v8 =	vld.idx.msk [tilespmem:v8+s14+$0x0], $0xffff;
	[tilespmem:s20+$0x14B00] =	vst v6;
	v6 =	vadd.s32 $0x37, v0  }
0x1ac: {  	v7 =	vld.idx.msk [tilespmem:v7+s14+$0x0], $0xffff;
	[tilespmem:s20+$0x14B80] =	vst v4;
	v4 =	vadd.s32 $0x38, v0  }
0x1ad: {  	v22 =	vld.idx.msk [tilespmem:v3+s14+$0x0], $0xffff;
	[tilespmem:s20+$0x14C00] =	vst v5;
	v3 =	vadd.s32 $0x39, v0  }
0x1ae: {  	v5 =	vld.idx.msk [tilespmem:v2+s14+$0x0], $0xffff;
	[tilespmem:s20+$0x14C80] =	vst v17;
	v2 =	vadd.s32 $0x3A, v0  }
0x1af: {  	v17 =	vld.idx.msk [tilespmem:v1+s14+$0x0], $0xffff;
	[tilespmem:s20+$0x14D00] =	vst v18;
	v1 =	vadd.s32 $0x3B, v0  }
0x1b0: {  	v18 =	vadd.s32 $0x3C, v0;
	v6 =	vld.idx.msk [tilespmem:v6+s14+$0x0], $0xffff;
	[tilespmem:s20+$0x14D80] =	vst v19  }
0x1b1: {  	v19 =	vadd.s32 $0x3D, v0;
	v4 =	vld.idx.msk [tilespmem:v4+s14+$0x0], $0xffff;
	[tilespmem:s20+$0x14E00] =	vst v20  }
0x1b2: {  	v20 =	vld.idx.msk [tilespmem:v3+s14+$0x0], $0xffff;
	[tilespmem:s20+$0x14E80] =	vst v21;
	v3 =	vadd.s32 $0x3E, v0  }
0x1b3: {  	v0 =	vadd.s32 $0x3F, v0;
	v21 =	vld.idx.msk [tilespmem:v2+s14+$0x0], $0xffff;
	[tilespmem:s20+$0x14F00] =	vst v16  }
0x1b4: {  	v16 =	vld.idx.msk [tilespmem:v1+s14+$0x0], $0xffff;
	[tilespmem:s20+$0x14F80] =	vst v15  }
0x1b5: {  	v15 =	vld.idx.msk [tilespmem:v18+s14+$0x0], $0xffff;
	[tilespmem:s20+$0x15000] =	vst v14  }
0x1b6: {  	v1 =	vld.idx.msk [tilespmem:v19+s14+$0x0], $0xffff;
	[tilespmem:s20+$0x15080] =	vst v13  }
0x1b7: {  	v2 =	vld.idx.msk [tilespmem:v3+s14+$0x0], $0xffff;
	[tilespmem:s20+$0x15100] =	vst v12  }
0x1b8: {  	v3 =	vld.idx.msk [tilespmem:v0+s14+$0x0], $0xffff;
	[tilespmem:s20+$0x15180] =	vst v11  }
0x1b9: {  	[tilespmem:s20+$0x15200] =	vst v10  }
0x1ba: {  	[tilespmem:s20+$0x15280] =	vst v9  }
0x1bb: {  	[tilespmem:s20+$0x15300] =	vst v8  }
0x1bc: {  	s22 =	sshra.s32 s21, $0x2;
	[tilespmem:s20+$0x15380] =	vst v7  }
0x1bd: {  	v0 =	vld [tilespmem:s22+$0x80];
	[tilespmem:s20+$0x15400] =	vst v22  }
0x1be: {  	[tilespmem:s20+$0x15480] =	vst v5  }
0x1bf: {  	[tilespmem:s20+$0x15500] =	vst v17  }
0x1c0: {  	[tilespmem:s20+$0x15580] =	vst v6  }
.Ltmp1:
0x1c1: {  	[tilespmem:s20+$0x15600] =	vst v4;
	(pc) =	sbr.rel @p0 .LBB2_4-.Ltmp1, $4  }
0x1c2: {  	v0 =	vmul.u32 $0x41, v0;
	[tilespmem:s20+$0x15680] =	vst v20  }
0x1c3: {  	[tilespmem:s20+$0x15700] =	vst v21  }
0x1c4: {  	v5 =	vadd.s32 $0xF, v0;
	[tilespmem:s20+$0x15780] =	vst v16  }
0x1c5: {  	s21 =	sadd.s32 $0x40, s21;
	v4 =	vadd.s32 $0xE, v0;
	[tilespmem:s20+$0x15800] =	vst v15  }
0x1c6: {  	_ = 	snop  }
0x1c7: {  	[tilespmem:s20+$0x15880] =	vst v1  }
0x1c8: {  	v6 =	vadd.s32 $0xD, v0;
	[tilespmem:s20+$0x15900] =	vst v2  }
0x1c9: {  	v57 =	vadd.s32 $0xC, v0;
	[tilespmem:s20+$0x15980] =	vst v3  }
0x1ca: {  	v58 =	vadd.s32 $0xB, v0;
	v5 =	vld.idx.msk [tilespmem:v5+s14+$0x0], $0xffff  }
0x1cb: {  	v59 =	vadd.s32 $0xA, v0;
	v4 =	vld.idx.msk [tilespmem:v4+s14+$0x0], $0xffff  }
0x1cc: {  	v7 =	vadd.s32 $0x9, v0;
	v17 =	vld.idx.msk [tilespmem:v0+s14+$0x0], $0xffff  }
0x1cd: {  	v8 =	vadd.s32 $0x8, v0;
	v6 =	vld.idx.msk [tilespmem:v6+s14+$0x0], $0xffff  }
0x1ce: {  	v9 =	vadd.s32 $0x7, v0;
	v1 =	vld.idx.msk [tilespmem:v57+s14+$0x0], $0xffff  }
0x1cf: {  	v10 =	vadd.s32 $0x6, v0;
	v2 =	vld.idx.msk [tilespmem:v58+s14+$0x0], $0xffff  }
0x1d0: {  	v11 =	vadd.s32 $0x5, v0;
	v3 =	vld.idx.msk [tilespmem:v59+s14+$0x0], $0xffff  }
0x1d1: {  	v14 =	vadd.s32 $0x1, v0;
	v7 =	vld.idx.msk [tilespmem:v7+s14+$0x0], $0xffff  }
0x1d2: {  	v15 =	vadd.s32 $0x2, v0;
	v8 =	vld.idx.msk [tilespmem:v8+s14+$0x0], $0xffff  }
0x1d3: {  	v13 =	vadd.s32 $0x3, v0;
	v9 =	vld.idx.msk [tilespmem:v9+s14+$0x0], $0xffff  }
0x1d4: {  	v12 =	vadd.s32 $0x4, v0;
	v10 =	vld.idx.msk [tilespmem:v10+s14+$0x0], $0xffff  }
0x1d5: {  	v16 =	vadd.s32 $0x10, v0;
	v11 =	vld.idx.msk [tilespmem:v11+s14+$0x0], $0xffff  }
0x1d6: {  	v18 =	vadd.s32 $0x11, v0;
	v14 =	vld.idx.msk [tilespmem:v14+s14+$0x0], $0xffff  }
0x1d7: {  	v19 =	vadd.s32 $0x12, v0;
	v15 =	vld.idx.msk [tilespmem:v15+s14+$0x0], $0xffff  }
0x1d8: {  	v20 =	vadd.s32 $0x13, v0;
	v13 =	vld.idx.msk [tilespmem:v13+s14+$0x0], $0xffff  }
0x1d9: {  	v60 =	vadd.s32 $0x14, v0;
	v12 =	vld.idx.msk [tilespmem:v12+s14+$0x0], $0xffff  }
0x1da: {  	v61 =	vadd.s32 $0x15, v0;
	v16 =	vld.idx.msk [tilespmem:v16+s14+$0x0], $0xffff;
	[tilespmem:s22+$0x13A00] =	vst v17  }
0x1db: {  	v62 =	vadd.s32 $0x16, v0;
	v17 =	vld.idx.msk [tilespmem:v18+s14+$0x0], $0xffff;
	[tilespmem:s22+$0x13A80] =	vst v14  }
0x1dc: {  	v63 =	vadd.s32 $0x17, v0;
	v14 =	vld.idx.msk [tilespmem:v19+s14+$0x0], $0xffff;
	[tilespmem:s22+$0x13B00] =	vst v15  }
0x1dd: {  	v24 =	vadd.s32 $0x18, v0;
	v15 =	vld.idx.msk [tilespmem:v20+s14+$0x0], $0xffff;
	[tilespmem:s22+$0x13B80] =	vst v13  }
0x1de: {  	v25 =	vadd.s32 $0x19, v0;
	v13 =	vld.idx.msk [tilespmem:v60+s14+$0x0], $0xffff;
	[tilespmem:s22+$0x13C00] =	vst v12  }
0x1df: {  	v26 =	vadd.s32 $0x1A, v0;
	v12 =	vld.idx.msk [tilespmem:v61+s14+$0x0], $0xffff;
	[tilespmem:s22+$0x13C80] =	vst v11  }
0x1e0: {  	v27 =	vadd.s32 $0x1B, v0;
	v11 =	vld.idx.msk [tilespmem:v62+s14+$0x0], $0xffff;
	[tilespmem:s22+$0x13D00] =	vst v10  }
0x1e1: {  	v28 =	vadd.s32 $0x1C, v0;
	v10 =	vld.idx.msk [tilespmem:v63+s14+$0x0], $0xffff;
	[tilespmem:s22+$0x13D80] =	vst v9  }
0x1e2: {  	v29 =	vadd.s32 $0x1D, v0;
	v9 =	vld.idx.msk [tilespmem:v24+s14+$0x0], $0xffff;
	[tilespmem:s22+$0x13E00] =	vst v8  }
0x1e3: {  	v30 =	vadd.s32 $0x1E, v0;
	v8 =	vld.idx.msk [tilespmem:v25+s14+$0x0], $0xffff;
	[tilespmem:s22+$0x13E80] =	vst v7  }
0x1e4: {  	v31 =	vadd.s32 $0x1F, v0;
	v7 =	vld.idx.msk [tilespmem:v26+s14+$0x0], $0xffff;
	[tilespmem:s22+$0x13F00] =	vst v3  }
0x1e5: {  	v32 =	vadd.s32 $0x20, v0;
	v3 =	vld.idx.msk [tilespmem:v27+s14+$0x0], $0xffff;
	[tilespmem:s22+$0x13F80] =	vst v2  }
0x1e6: {  	v33 =	vadd.s32 $0x21, v0;
	v2 =	vld.idx.msk [tilespmem:v28+s14+$0x0], $0xffff;
	[tilespmem:s22+$0x14000] =	vst v1  }
0x1e7: {  	v34 =	vadd.s32 $0x22, v0;
	v1 =	vld.idx.msk [tilespmem:v29+s14+$0x0], $0xffff;
	[tilespmem:s22+$0x14080] =	vst v6  }
0x1e8: {  	v35 =	vadd.s32 $0x23, v0;
	v6 =	vld.idx.msk [tilespmem:v30+s14+$0x0], $0xffff;
	[tilespmem:s22+$0x14100] =	vst v4  }
0x1e9: {  	v36 =	vadd.s32 $0x24, v0;
	v4 =	vld.idx.msk [tilespmem:v31+s14+$0x0], $0xffff;
	[tilespmem:s22+$0x14180] =	vst v5  }
0x1ea: {  	v37 =	vadd.s32 $0x25, v0;
	v5 =	vld.idx.msk [tilespmem:v32+s14+$0x0], $0xffff;
	[tilespmem:s22+$0x14200] =	vst v16  }
0x1eb: {  	v38 =	vadd.s32 $0x26, v0;
	v16 =	vld.idx.msk [tilespmem:v33+s14+$0x0], $0xffff;
	[tilespmem:s22+$0x14280] =	vst v17  }
0x1ec: {  	v39 =	vadd.s32 $0x27, v0;
	v17 =	vld.idx.msk [tilespmem:v34+s14+$0x0], $0xffff;
	[tilespmem:s22+$0x14300] =	vst v14  }
0x1ed: {  	v40 =	vadd.s32 $0x28, v0;
	v14 =	vld.idx.msk [tilespmem:v35+s14+$0x0], $0xffff;
	[tilespmem:s22+$0x14380] =	vst v15  }
0x1ee: {  	v41 =	vadd.s32 $0x29, v0;
	v15 =	vld.idx.msk [tilespmem:v36+s14+$0x0], $0xffff;
	[tilespmem:s22+$0x14400] =	vst v13  }
0x1ef: {  	v42 =	vadd.s32 $0x2A, v0;
	v13 =	vld.idx.msk [tilespmem:v37+s14+$0x0], $0xffff;
	[tilespmem:s22+$0x14480] =	vst v12  }
0x1f0: {  	v43 =	vadd.s32 $0x2B, v0;
	v12 =	vld.idx.msk [tilespmem:v38+s14+$0x0], $0xffff;
	[tilespmem:s22+$0x14500] =	vst v11  }
0x1f1: {  	v44 =	vadd.s32 $0x2C, v0;
	v11 =	vld.idx.msk [tilespmem:v39+s14+$0x0], $0xffff;
	[tilespmem:s22+$0x14580] =	vst v10  }
0x1f2: {  	v45 =	vadd.s32 $0x2D, v0;
	v10 =	vld.idx.msk [tilespmem:v40+s14+$0x0], $0xffff;
	[tilespmem:s22+$0x14600] =	vst v9  }
0x1f3: {  	v46 =	vadd.s32 $0x2E, v0;
	v9 =	vld.idx.msk [tilespmem:v41+s14+$0x0], $0xffff;
	[tilespmem:s22+$0x14680] =	vst v8  }
0x1f4: {  	v47 =	vadd.s32 $0x2F, v0;
	v8 =	vld.idx.msk [tilespmem:v42+s14+$0x0], $0xffff;
	[tilespmem:s22+$0x14700] =	vst v7  }
0x1f5: {  	v48 =	vadd.s32 $0x30, v0;
	v7 =	vld.idx.msk [tilespmem:v43+s14+$0x0], $0xffff;
	[tilespmem:s22+$0x14780] =	vst v3  }
0x1f6: {  	v49 =	vadd.s32 $0x31, v0;
	v3 =	vld.idx.msk [tilespmem:v44+s14+$0x0], $0xffff;
	[tilespmem:s22+$0x14800] =	vst v2  }
0x1f7: {  	v50 =	vadd.s32 $0x32, v0;
	v2 =	vld.idx.msk [tilespmem:v45+s14+$0x0], $0xffff;
	[tilespmem:s22+$0x14880] =	vst v1  }
0x1f8: {  	v51 =	vadd.s32 $0x33, v0;
	v1 =	vld.idx.msk [tilespmem:v46+s14+$0x0], $0xffff;
	[tilespmem:s22+$0x14900] =	vst v6  }
0x1f9: {  	v52 =	vadd.s32 $0x34, v0;
	v6 =	vld.idx.msk [tilespmem:v47+s14+$0x0], $0xffff;
	[tilespmem:s22+$0x14980] =	vst v4  }
0x1fa: {  	v53 =	vadd.s32 $0x35, v0;
	v4 =	vld.idx.msk [tilespmem:v48+s14+$0x0], $0xffff;
	[tilespmem:s22+$0x14A00] =	vst v5  }
0x1fb: {  	v54 =	vadd.s32 $0x36, v0;
	v5 =	vld.idx.msk [tilespmem:v49+s14+$0x0], $0xffff;
	[tilespmem:s22+$0x14A80] =	vst v16  }
0x1fc: {  	v55 =	vadd.s32 $0x37, v0;
	v16 =	vld.idx.msk [tilespmem:v50+s14+$0x0], $0xffff;
	[tilespmem:s22+$0x14B00] =	vst v17  }
0x1fd: {  	v56 =	vadd.s32 $0x38, v0;
	v17 =	vld.idx.msk [tilespmem:v51+s14+$0x0], $0xffff;
	[tilespmem:s22+$0x14B80] =	vst v14  }
0x1fe: {  	v57 =	vadd.s32 $0x39, v0;
	v14 =	vld.idx.msk [tilespmem:v52+s14+$0x0], $0xffff;
	[tilespmem:s22+$0x14C00] =	vst v15  }
0x1ff: {  	v58 =	vadd.s32 $0x3A, v0;
	v15 =	vld.idx.msk [tilespmem:v53+s14+$0x0], $0xffff;
	[tilespmem:s22+$0x14C80] =	vst v13  }
0x200: {  	v59 =	vadd.s32 $0x3B, v0;
	v13 =	vld.idx.msk [tilespmem:v54+s14+$0x0], $0xffff;
	[tilespmem:s22+$0x14D00] =	vst v12  }
0x201: {  	v60 =	vadd.s32 $0x3C, v0;
	v12 =	vld.idx.msk [tilespmem:v55+s14+$0x0], $0xffff;
	[tilespmem:s22+$0x14D80] =	vst v11  }
0x202: {  	v61 =	vadd.s32 $0x3D, v0;
	v11 =	vld.idx.msk [tilespmem:v56+s14+$0x0], $0xffff;
	[tilespmem:s22+$0x14E00] =	vst v10  }
0x203: {  	v62 =	vadd.s32 $0x3E, v0;
	v10 =	vld.idx.msk [tilespmem:v57+s14+$0x0], $0xffff;
	[tilespmem:s22+$0x14E80] =	vst v9  }
0x204: {  	v63 =	vadd.s32 $0x3F, v0;
	v9 =	vld.idx.msk [tilespmem:v58+s14+$0x0], $0xffff;
	[tilespmem:s22+$0x14F00] =	vst v8  }
0x205: {  	v8 =	vld.idx.msk [tilespmem:v59+s14+$0x0], $0xffff;
	[tilespmem:s22+$0x14F80] =	vst v7  }
0x206: {  	v7 =	vld.idx.msk [tilespmem:v60+s14+$0x0], $0xffff;
	[tilespmem:s22+$0x15000] =	vst v3  }
0x207: {  	v3 =	vld.idx.msk [tilespmem:v61+s14+$0x0], $0xffff;
	[tilespmem:s22+$0x15080] =	vst v2  }
0x208: {  	v2 =	vld.idx.msk [tilespmem:v62+s14+$0x0], $0xffff;
	[tilespmem:s22+$0x15100] =	vst v1  }
0x209: {  	v0 =	vld.idx.msk [tilespmem:v63+s14+$0x0], $0xffff;
	[tilespmem:s22+$0x15180] =	vst v6  }
0x20a: {  	[tilespmem:s22+$0x15200] =	vst v4  }
0x20b: {  	[tilespmem:s22+$0x15280] =	vst v5  }
0x20c: {  	[tilespmem:s22+$0x15300] =	vst v16  }
0x20d: {  	[tilespmem:s22+$0x15380] =	vst v17  }
0x20e: {  	[tilespmem:s22+$0x15400] =	vst v14  }
0x20f: {  	[tilespmem:s22+$0x15480] =	vst v15  }
0x210: {  	[tilespmem:s22+$0x15500] =	vst v13  }
0x211: {  	[tilespmem:s22+$0x15580] =	vst v12  }
0x212: {  	[tilespmem:s22+$0x15600] =	vst v11  }
0x213: {  	[tilespmem:s22+$0x15680] =	vst v10  }
0x214: {  	[tilespmem:s22+$0x15700] =	vst v9  }
0x215: {  	[tilespmem:s22+$0x15780] =	vst v8  }
0x216: {  	[tilespmem:s22+$0x15800] =	vst v7  }
0x217: {  	[tilespmem:s22+$0x15880] =	vst v3  }
0x218: {  	[tilespmem:s22+$0x15900] =	vst v2  }
0x219: {  	s20 =	simm.s32 $0x1;
	s21 =	simm.s32 $0x100;
	[tilespmem:s22+$0x15980] =	vst v0;
	s22 =	simm.s32 $0x180  }
0x21a: {  	[hbm4b:s9+s11] =	stream.strided.scatter [tilespmem:s18], [sflag:$0x2], $0x2000, s12, s11, $0x38;
	[tilespmem:$0x15A00] =	vst v63  }
.LBB2_6:
0x21b: {  	v0 =	vmov s21  }
0x21c: {  	_ =	swait.ge [sflag:s15], $0x2000  }
0x21d: {  	[sflag:s15] =	ssyncset.done $0x0  }
0x21e: {  	s23 =	simm.s32 $0x0;
	[sflag:s15] =	ssyncadd.s32 $0xFFFFE000  }
.LBB2_7:
0x21f: {  	s24 =	sshra.s32 s23, $0x2  }
0x220: {  	v1 =	vld.idx.msk [tilespmem:v0+s24+$0x0 ss:$0x1], $0xffff;
	_ =	sdelay $0x4  }
0x221: {  	v1 =	vmul.u32 $0x41, v1;
	_ =	sdelay $0x1  }
0x222: {  	v2 =	vadd.s32 $0x1, v1  }
0x223: {  	v3 =	vadd.s32 $0x2, v1  }
0x224: {  	v4 =	vadd.s32 $0x3, v1  }
0x225: {  	v5 =	vadd.s32 $0x4, v1  }
0x226: {  	v7 =	vadd.s32 $0x5, v1;
	v6 =	vld.idx.msk [tilespmem:v1+s14+$0x0], $0xffff  }
0x227: {  	v8 =	vadd.s32 $0x6, v1;
	v2 =	vld.idx.msk [tilespmem:v2+s14+$0x0], $0xffff  }
0x228: {  	v9 =	vadd.s32 $0x7, v1;
	v3 =	vld.idx.msk [tilespmem:v3+s14+$0x0], $0xffff  }
0x229: {  	v10 =	vadd.s32 $0x8, v1;
	v4 =	vld.idx.msk [tilespmem:v4+s14+$0x0], $0xffff  }
0x22a: {  	v11 =	vadd.s32 $0x9, v1;
	v5 =	vld.idx.msk [tilespmem:v5+s14+$0x0], $0xffff  }
0x22b: {  	v12 =	vadd.s32 $0xA, v1;
	v7 =	vld.idx.msk [tilespmem:v7+s14+$0x0], $0xffff  }
0x22c: {  	v13 =	vadd.s32 $0xB, v1;
	v8 =	vld.idx.msk [tilespmem:v8+s14+$0x0], $0xffff  }
0x22d: {  	v14 =	vadd.s32 $0xC, v1;
	v9 =	vld.idx.msk [tilespmem:v9+s14+$0x0], $0xffff  }
0x22e: {  	v15 =	vadd.s32 $0xD, v1;
	v10 =	vld.idx.msk [tilespmem:v10+s14+$0x0], $0xffff  }
0x22f: {  	v16 =	vadd.s32 $0xE, v1;
	v11 =	vld.idx.msk [tilespmem:v11+s14+$0x0], $0xffff  }
0x230: {  	v17 =	vadd.s32 $0xF, v1;
	v12 =	vld.idx.msk [tilespmem:v12+s14+$0x0], $0xffff  }
0x231: {  	v18 =	vadd.s32 $0x10, v1;
	v13 =	vld.idx.msk [tilespmem:v13+s14+$0x0], $0xffff  }
0x232: {  	v19 =	vadd.s32 $0x11, v1;
	v14 =	vld.idx.msk [tilespmem:v14+s14+$0x0], $0xffff  }
0x233: {  	v20 =	vadd.s32 $0x12, v1;
	v15 =	vld.idx.msk [tilespmem:v15+s14+$0x0], $0xffff  }
0x234: {  	v16 =	vld.idx.msk [tilespmem:v16+s14+$0x0], $0xffff  }
0x235: {  	v17 =	vld.idx.msk [tilespmem:v17+s14+$0x0], $0xffff  }
0x236: {  	v26 =	vadd.s32 $0x13, v1;
	v18 =	vld.idx.msk [tilespmem:v18+s14+$0x0], $0xffff;
	[tilespmem:s24+$0x11A00] =	vst v6  }
0x237: {  	v19 =	vld.idx.msk [tilespmem:v19+s14+$0x0], $0xffff;
	[tilespmem:s24+$0x11A80] =	vst v2;
	v2 =	vadd.s32 $0x14, v1  }
0x238: {  	v20 =	vld.idx.msk [tilespmem:v20+s14+$0x0], $0xffff;
	[tilespmem:s24+$0x11B00] =	vst v3;
	v3 =	vadd.s32 $0x15, v1  }
0x239: {  	v27 =	vadd.s32 $0x16, v1  }
0x23a: {  	v28 =	vadd.s32 $0x17, v1  }
0x23b: {  	v29 =	vadd.s32 $0x18, v1;
	v6 =	vld.idx.msk [tilespmem:v26+s14+$0x0], $0xffff;
	[tilespmem:s24+$0x11B80] =	vst v4  }
0x23c: {  	v30 =	vadd.s32 $0x19, v1;
	v2 =	vld.idx.msk [tilespmem:v2+s14+$0x0], $0xffff;
	[tilespmem:s24+$0x11C00] =	vst v5  }
0x23d: {  	v31 =	vadd.s32 $0x1A, v1;
	v3 =	vld.idx.msk [tilespmem:v3+s14+$0x0], $0xffff;
	[tilespmem:s24+$0x11C80] =	vst v7  }
0x23e: {  	v32 =	vadd.s32 $0x1B, v1;
	v4 =	vld.idx.msk [tilespmem:v27+s14+$0x0], $0xffff;
	[tilespmem:s24+$0x11D00] =	vst v8  }
0x23f: {  	v33 =	vadd.s32 $0x1C, v1;
	v5 =	vld.idx.msk [tilespmem:v28+s14+$0x0], $0xffff;
	[tilespmem:s24+$0x11D80] =	vst v9  }
0x240: {  	v34 =	vadd.s32 $0x1D, v1;
	v7 =	vld.idx.msk [tilespmem:v29+s14+$0x0], $0xffff;
	[tilespmem:s24+$0x11E00] =	vst v10  }
0x241: {  	v35 =	vadd.s32 $0x1E, v1;
	v8 =	vld.idx.msk [tilespmem:v30+s14+$0x0], $0xffff;
	[tilespmem:s24+$0x11E80] =	vst v11  }
0x242: {  	v36 =	vadd.s32 $0x1F, v1;
	v9 =	vld.idx.msk [tilespmem:v31+s14+$0x0], $0xffff;
	[tilespmem:s24+$0x11F00] =	vst v12  }
0x243: {  	v37 =	vadd.s32 $0x20, v1;
	v10 =	vld.idx.msk [tilespmem:v32+s14+$0x0], $0xffff;
	[tilespmem:s24+$0x11F80] =	vst v13  }
0x244: {  	v38 =	vadd.s32 $0x21, v1;
	v11 =	vld.idx.msk [tilespmem:v33+s14+$0x0], $0xffff;
	[tilespmem:s24+$0x12000] =	vst v14  }
0x245: {  	v39 =	vadd.s32 $0x22, v1;
	v12 =	vld.idx.msk [tilespmem:v34+s14+$0x0], $0xffff;
	[tilespmem:s24+$0x12080] =	vst v15  }
0x246: {  	v40 =	vadd.s32 $0x23, v1;
	v13 =	vld.idx.msk [tilespmem:v35+s14+$0x0], $0xffff;
	[tilespmem:s24+$0x12100] =	vst v16  }
0x247: {  	v41 =	vadd.s32 $0x24, v1;
	v14 =	vld.idx.msk [tilespmem:v36+s14+$0x0], $0xffff;
	[tilespmem:s24+$0x12180] =	vst v17  }
0x248: {  	v42 =	vadd.s32 $0x25, v1;
	v15 =	vld.idx.msk [tilespmem:v37+s14+$0x0], $0xffff;
	[tilespmem:s24+$0x12200] =	vst v18  }
0x249: {  	v16 =	vld.idx.msk [tilespmem:v38+s14+$0x0], $0xffff;
	[tilespmem:s24+$0x12280] =	vst v19  }
0x24a: {  	v17 =	vld.idx.msk [tilespmem:v39+s14+$0x0], $0xffff;
	[tilespmem:s24+$0x12300] =	vst v20  }
0x24b: {  	v43 =	vadd.s32 $0x26, v1;
	v18 =	vld.idx.msk [tilespmem:v40+s14+$0x0], $0xffff;
	[tilespmem:s24+$0x12380] =	vst v6  }
0x24c: {  	v19 =	vld.idx.msk [tilespmem:v41+s14+$0x0], $0xffff;
	[tilespmem:s24+$0x12400] =	vst v2;
	v2 =	vadd.s32 $0x27, v1  }
0x24d: {  	v20 =	vld.idx.msk [tilespmem:v42+s14+$0x0], $0xffff;
	[tilespmem:s24+$0x12480] =	vst v3;
	v3 =	vadd.s32 $0x28, v1  }
0x24e: {  	v44 =	vadd.s32 $0x29, v1  }
0x24f: {  	v45 =	vadd.s32 $0x2A, v1  }
0x250: {  	v46 =	vadd.s32 $0x2B, v1;
	v6 =	vld.idx.msk [tilespmem:v43+s14+$0x0], $0xffff;
	[tilespmem:s24+$0x12500] =	vst v4  }
0x251: {  	v47 =	vadd.s32 $0x2C, v1;
	v2 =	vld.idx.msk [tilespmem:v2+s14+$0x0], $0xffff;
	[tilespmem:s24+$0x12580] =	vst v5  }
0x252: {  	v48 =	vadd.s32 $0x2D, v1;
	v3 =	vld.idx.msk [tilespmem:v3+s14+$0x0], $0xffff;
	[tilespmem:s24+$0x12600] =	vst v7  }
0x253: {  	v49 =	vadd.s32 $0x2E, v1;
	v4 =	vld.idx.msk [tilespmem:v44+s14+$0x0], $0xffff;
	[tilespmem:s24+$0x12680] =	vst v8  }
0x254: {  	v50 =	vadd.s32 $0x2F, v1;
	v5 =	vld.idx.msk [tilespmem:v45+s14+$0x0], $0xffff;
	[tilespmem:s24+$0x12700] =	vst v9  }
0x255: {  	v51 =	vadd.s32 $0x30, v1;
	v7 =	vld.idx.msk [tilespmem:v46+s14+$0x0], $0xffff;
	[tilespmem:s24+$0x12780] =	vst v10  }
0x256: {  	v52 =	vadd.s32 $0x31, v1;
	v8 =	vld.idx.msk [tilespmem:v47+s14+$0x0], $0xffff;
	[tilespmem:s24+$0x12800] =	vst v11  }
0x257: {  	v53 =	vadd.s32 $0x32, v1;
	v9 =	vld.idx.msk [tilespmem:v48+s14+$0x0], $0xffff;
	[tilespmem:s24+$0x12880] =	vst v12  }
0x258: {  	v54 =	vadd.s32 $0x33, v1;
	v10 =	vld.idx.msk [tilespmem:v49+s14+$0x0], $0xffff;
	[tilespmem:s24+$0x12900] =	vst v13  }
0x259: {  	v55 =	vadd.s32 $0x34, v1;
	v11 =	vld.idx.msk [tilespmem:v50+s14+$0x0], $0xffff;
	[tilespmem:s24+$0x12980] =	vst v14  }
0x25a: {  	v56 =	vadd.s32 $0x35, v1;
	v12 =	vld.idx.msk [tilespmem:v51+s14+$0x0], $0xffff;
	[tilespmem:s24+$0x12A00] =	vst v15  }
0x25b: {  	v57 =	vadd.s32 $0x36, v1;
	v13 =	vld.idx.msk [tilespmem:v52+s14+$0x0], $0xffff;
	[tilespmem:s24+$0x12A80] =	vst v16  }
0x25c: {  	v58 =	vadd.s32 $0x37, v1;
	v14 =	vld.idx.msk [tilespmem:v53+s14+$0x0], $0xffff;
	[tilespmem:s24+$0x12B00] =	vst v17  }
0x25d: {  	v59 =	vadd.s32 $0x38, v1;
	v15 =	vld.idx.msk [tilespmem:v54+s14+$0x0], $0xffff;
	[tilespmem:s24+$0x12B80] =	vst v18  }
0x25e: {  	v16 =	vld.idx.msk [tilespmem:v55+s14+$0x0], $0xffff;
	[tilespmem:s24+$0x12C00] =	vst v19  }
0x25f: {  	v17 =	vld.idx.msk [tilespmem:v56+s14+$0x0], $0xffff;
	[tilespmem:s24+$0x12C80] =	vst v20  }
0x260: {  	v60 =	vadd.s32 $0x39, v1;
	v18 =	vld.idx.msk [tilespmem:v57+s14+$0x0], $0xffff;
	[tilespmem:s24+$0x12D00] =	vst v6  }
0x261: {  	v19 =	vld.idx.msk [tilespmem:v58+s14+$0x0], $0xffff;
	[tilespmem:s24+$0x12D80] =	vst v2;
	v2 =	vadd.s32 $0x3A, v1  }
0x262: {  	v20 =	vld.idx.msk [tilespmem:v59+s14+$0x0], $0xffff;
	[tilespmem:s24+$0x12E00] =	vst v3;
	v3 =	vadd.s32 $0x3B, v1  }
0x263: {  	v61 =	vadd.s32 $0x3C, v1  }
0x264: {  	v62 =	vadd.s32 $0x3D, v1  }
0x265: {  	v63 =	vadd.s32 $0x3E, v1;
	v6 =	vld.idx.msk [tilespmem:v60+s14+$0x0], $0xffff;
	[tilespmem:s24+$0x12E80] =	vst v4  }
0x266: {  	v1 =	vadd.s32 $0x3F, v1;
	v2 =	vld.idx.msk [tilespmem:v2+s14+$0x0], $0xffff;
	[tilespmem:s24+$0x12F00] =	vst v5  }
0x267: {  	v3 =	vld.idx.msk [tilespmem:v3+s14+$0x0], $0xffff;
	[tilespmem:s24+$0x12F80] =	vst v7  }
0x268: {  	v4 =	vld.idx.msk [tilespmem:v61+s14+$0x0], $0xffff;
	[tilespmem:s24+$0x13000] =	vst v8  }
0x269: {  	v5 =	vld.idx.msk [tilespmem:v62+s14+$0x0], $0xffff;
	[tilespmem:s24+$0x13080] =	vst v9  }
0x26a: {  	v7 =	vld.idx.msk [tilespmem:v63+s14+$0x0], $0xffff;
	[tilespmem:s24+$0x13100] =	vst v10  }
0x26b: {  	v1 =	vld.idx.msk [tilespmem:v1+s14+$0x0], $0xffff;
	[tilespmem:s24+$0x13180] =	vst v11  }
0x26c: {  	[tilespmem:s24+$0x13200] =	vst v12  }
0x26d: {  	[tilespmem:s24+$0x13280] =	vst v13  }
0x26e: {  	[tilespmem:s24+$0x13300] =	vst v14  }
0x26f: {  	[tilespmem:s24+$0x13380] =	vst v15  }
0x270: {  	[tilespmem:s24+$0x13400] =	vst v16  }
0x271: {  	[tilespmem:s24+$0x13480] =	vst v17  }
0x272: {  	[tilespmem:s24+$0x13500] =	vst v18  }
0x273: {  	[tilespmem:s24+$0x13580] =	vst v19  }
0x274: {  	[tilespmem:s24+$0x13600] =	vst v20  }
0x275: {  	[tilespmem:s24+$0x13680] =	vst v6  }
0x276: {  	p0 =	sne.s32 s23, $0x1C0;
	[tilespmem:s24+$0x13700] =	vst v2  }
.Ltmp2:
0x277: {  	[tilespmem:s24+$0x13780] =	vst v3;
	(pc) =	sbr.rel @p0 .LBB2_7-.Ltmp2, $4  }
0x278: {  	[tilespmem:s24+$0x13800] =	vst v4  }
0x279: {  	[tilespmem:s24+$0x13880] =	vst v5  }
0x27a: {  	[tilespmem:s24+$0x13900] =	vst v7  }
0x27b: {  	s23 =	sadd.s32 $0x40, s23;
	[tilespmem:s24+$0x13980] =	vst v1  }
0x27c: {  	s23 =	sshll.u32 s20, $0x13  }
0x27d: {  	s23 =	sor.u32 s4, s23  }
0x27e: {  	s23 =	sshrl.u32 s23, $0x3  }
0x27f: {  	s23 =	sadd.s32 s2, s23  }
0x280: {  	v0 =	vmov s22;
	[hbm4b:s23+s11] =	stream.strided.scatter [tilespmem:s17], [sflag:$0x1], $0x2000, s12, s11, $0x38;
	[tilespmem:$0x15A00] =	vst v63  }
0x281: {  	_ =	swait.ge [sflag:s16], $0x2000  }
0x282: {  	[sflag:s16] =	ssyncset.done $0x0  }
0x283: {  	s24 =	simm.s32 $0x0;
	s23 =	sshllo.u32 s20, $0x1;
	[sflag:s16] =	ssyncadd.s32 $0xFFFFE000  }
.LBB2_9:
0x284: {  	s25 =	sshra.s32 s24, $0x2  }
0x285: {  	v1 =	vld.idx.msk [tilespmem:v0+s25+$0x0 ss:$0x1], $0xffff;
	_ =	sdelay $0x4  }
0x286: {  	v1 =	vmul.u32 $0x41, v1;
	_ =	sdelay $0x1  }
0x287: {  	v2 =	vadd.s32 $0x1, v1  }
0x288: {  	v3 =	vadd.s32 $0x2, v1  }
0x289: {  	v4 =	vadd.s32 $0x3, v1  }
0x28a: {  	v5 =	vadd.s32 $0x4, v1  }
0x28b: {  	v7 =	vadd.s32 $0x5, v1;
	v6 =	vld.idx.msk [tilespmem:v1+s14+$0x0], $0xffff  }
0x28c: {  	v8 =	vadd.s32 $0x6, v1;
	v2 =	vld.idx.msk [tilespmem:v2+s14+$0x0], $0xffff  }
0x28d: {  	v9 =	vadd.s32 $0x7, v1;
	v3 =	vld.idx.msk [tilespmem:v3+s14+$0x0], $0xffff  }
0x28e: {  	v10 =	vadd.s32 $0x8, v1;
	v4 =	vld.idx.msk [tilespmem:v4+s14+$0x0], $0xffff  }
0x28f: {  	v11 =	vadd.s32 $0x9, v1;
	v5 =	vld.idx.msk [tilespmem:v5+s14+$0x0], $0xffff  }
0x290: {  	v12 =	vadd.s32 $0xA, v1;
	v7 =	vld.idx.msk [tilespmem:v7+s14+$0x0], $0xffff  }
0x291: {  	v13 =	vadd.s32 $0xB, v1;
	v8 =	vld.idx.msk [tilespmem:v8+s14+$0x0], $0xffff  }
0x292: {  	v14 =	vadd.s32 $0xC, v1;
	v9 =	vld.idx.msk [tilespmem:v9+s14+$0x0], $0xffff  }
0x293: {  	v15 =	vadd.s32 $0xD, v1;
	v10 =	vld.idx.msk [tilespmem:v10+s14+$0x0], $0xffff  }
0x294: {  	v16 =	vadd.s32 $0xE, v1;
	v11 =	vld.idx.msk [tilespmem:v11+s14+$0x0], $0xffff  }
0x295: {  	v17 =	vadd.s32 $0xF, v1;
	v12 =	vld.idx.msk [tilespmem:v12+s14+$0x0], $0xffff  }
0x296: {  	v18 =	vadd.s32 $0x10, v1;
	v13 =	vld.idx.msk [tilespmem:v13+s14+$0x0], $0xffff  }
0x297: {  	v19 =	vadd.s32 $0x11, v1;
	v14 =	vld.idx.msk [tilespmem:v14+s14+$0x0], $0xffff  }
0x298: {  	v20 =	vadd.s32 $0x12, v1;
	v15 =	vld.idx.msk [tilespmem:v15+s14+$0x0], $0xffff  }
0x299: {  	v16 =	vld.idx.msk [tilespmem:v16+s14+$0x0], $0xffff  }
0x29a: {  	v17 =	vld.idx.msk [tilespmem:v17+s14+$0x0], $0xffff  }
0x29b: {  	v26 =	vadd.s32 $0x13, v1;
	v18 =	vld.idx.msk [tilespmem:v18+s14+$0x0], $0xffff;
	[tilespmem:s25+$0x13A00] =	vst v6  }
0x29c: {  	v19 =	vld.idx.msk [tilespmem:v19+s14+$0x0], $0xffff;
	[tilespmem:s25+$0x13A80] =	vst v2;
	v2 =	vadd.s32 $0x14, v1  }
0x29d: {  	v20 =	vld.idx.msk [tilespmem:v20+s14+$0x0], $0xffff;
	[tilespmem:s25+$0x13B00] =	vst v3;
	v3 =	vadd.s32 $0x15, v1  }
0x29e: {  	v27 =	vadd.s32 $0x16, v1  }
0x29f: {  	v28 =	vadd.s32 $0x17, v1  }
0x2a0: {  	v29 =	vadd.s32 $0x18, v1;
	v6 =	vld.idx.msk [tilespmem:v26+s14+$0x0], $0xffff;
	[tilespmem:s25+$0x13B80] =	vst v4  }
0x2a1: {  	v30 =	vadd.s32 $0x19, v1;
	v2 =	vld.idx.msk [tilespmem:v2+s14+$0x0], $0xffff;
	[tilespmem:s25+$0x13C00] =	vst v5  }
0x2a2: {  	v31 =	vadd.s32 $0x1A, v1;
	v3 =	vld.idx.msk [tilespmem:v3+s14+$0x0], $0xffff;
	[tilespmem:s25+$0x13C80] =	vst v7  }
0x2a3: {  	v32 =	vadd.s32 $0x1B, v1;
	v4 =	vld.idx.msk [tilespmem:v27+s14+$0x0], $0xffff;
	[tilespmem:s25+$0x13D00] =	vst v8  }
0x2a4: {  	v33 =	vadd.s32 $0x1C, v1;
	v5 =	vld.idx.msk [tilespmem:v28+s14+$0x0], $0xffff;
	[tilespmem:s25+$0x13D80] =	vst v9  }
0x2a5: {  	v34 =	vadd.s32 $0x1D, v1;
	v7 =	vld.idx.msk [tilespmem:v29+s14+$0x0], $0xffff;
	[tilespmem:s25+$0x13E00] =	vst v10  }
0x2a6: {  	v35 =	vadd.s32 $0x1E, v1;
	v8 =	vld.idx.msk [tilespmem:v30+s14+$0x0], $0xffff;
	[tilespmem:s25+$0x13E80] =	vst v11  }
0x2a7: {  	v36 =	vadd.s32 $0x1F, v1;
	v9 =	vld.idx.msk [tilespmem:v31+s14+$0x0], $0xffff;
	[tilespmem:s25+$0x13F00] =	vst v12  }
0x2a8: {  	v37 =	vadd.s32 $0x20, v1;
	v10 =	vld.idx.msk [tilespmem:v32+s14+$0x0], $0xffff;
	[tilespmem:s25+$0x13F80] =	vst v13  }
0x2a9: {  	v38 =	vadd.s32 $0x21, v1;
	v11 =	vld.idx.msk [tilespmem:v33+s14+$0x0], $0xffff;
	[tilespmem:s25+$0x14000] =	vst v14  }
0x2aa: {  	v39 =	vadd.s32 $0x22, v1;
	v12 =	vld.idx.msk [tilespmem:v34+s14+$0x0], $0xffff;
	[tilespmem:s25+$0x14080] =	vst v15  }
0x2ab: {  	v40 =	vadd.s32 $0x23, v1;
	v13 =	vld.idx.msk [tilespmem:v35+s14+$0x0], $0xffff;
	[tilespmem:s25+$0x14100] =	vst v16  }
0x2ac: {  	v41 =	vadd.s32 $0x24, v1;
	v14 =	vld.idx.msk [tilespmem:v36+s14+$0x0], $0xffff;
	[tilespmem:s25+$0x14180] =	vst v17  }
0x2ad: {  	v42 =	vadd.s32 $0x25, v1;
	v15 =	vld.idx.msk [tilespmem:v37+s14+$0x0], $0xffff;
	[tilespmem:s25+$0x14200] =	vst v18  }
0x2ae: {  	v16 =	vld.idx.msk [tilespmem:v38+s14+$0x0], $0xffff;
	[tilespmem:s25+$0x14280] =	vst v19  }
0x2af: {  	v17 =	vld.idx.msk [tilespmem:v39+s14+$0x0], $0xffff;
	[tilespmem:s25+$0x14300] =	vst v20  }
0x2b0: {  	v43 =	vadd.s32 $0x26, v1;
	v18 =	vld.idx.msk [tilespmem:v40+s14+$0x0], $0xffff;
	[tilespmem:s25+$0x14380] =	vst v6  }
0x2b1: {  	v19 =	vld.idx.msk [tilespmem:v41+s14+$0x0], $0xffff;
	[tilespmem:s25+$0x14400] =	vst v2;
	v2 =	vadd.s32 $0x27, v1  }
0x2b2: {  	v20 =	vld.idx.msk [tilespmem:v42+s14+$0x0], $0xffff;
	[tilespmem:s25+$0x14480] =	vst v3;
	v3 =	vadd.s32 $0x28, v1  }
0x2b3: {  	v44 =	vadd.s32 $0x29, v1  }
0x2b4: {  	v45 =	vadd.s32 $0x2A, v1  }
0x2b5: {  	v46 =	vadd.s32 $0x2B, v1;
	v6 =	vld.idx.msk [tilespmem:v43+s14+$0x0], $0xffff;
	[tilespmem:s25+$0x14500] =	vst v4  }
0x2b6: {  	v47 =	vadd.s32 $0x2C, v1;
	v2 =	vld.idx.msk [tilespmem:v2+s14+$0x0], $0xffff;
	[tilespmem:s25+$0x14580] =	vst v5  }
0x2b7: {  	v48 =	vadd.s32 $0x2D, v1;
	v3 =	vld.idx.msk [tilespmem:v3+s14+$0x0], $0xffff;
	[tilespmem:s25+$0x14600] =	vst v7  }
0x2b8: {  	v49 =	vadd.s32 $0x2E, v1;
	v4 =	vld.idx.msk [tilespmem:v44+s14+$0x0], $0xffff;
	[tilespmem:s25+$0x14680] =	vst v8  }
0x2b9: {  	v50 =	vadd.s32 $0x2F, v1;
	v5 =	vld.idx.msk [tilespmem:v45+s14+$0x0], $0xffff;
	[tilespmem:s25+$0x14700] =	vst v9  }
0x2ba: {  	v51 =	vadd.s32 $0x30, v1;
	v7 =	vld.idx.msk [tilespmem:v46+s14+$0x0], $0xffff;
	[tilespmem:s25+$0x14780] =	vst v10  }
0x2bb: {  	v52 =	vadd.s32 $0x31, v1;
	v8 =	vld.idx.msk [tilespmem:v47+s14+$0x0], $0xffff;
	[tilespmem:s25+$0x14800] =	vst v11  }
0x2bc: {  	v53 =	vadd.s32 $0x32, v1;
	v9 =	vld.idx.msk [tilespmem:v48+s14+$0x0], $0xffff;
	[tilespmem:s25+$0x14880] =	vst v12  }
0x2bd: {  	v54 =	vadd.s32 $0x33, v1;
	v10 =	vld.idx.msk [tilespmem:v49+s14+$0x0], $0xffff;
	[tilespmem:s25+$0x14900] =	vst v13  }
0x2be: {  	v55 =	vadd.s32 $0x34, v1;
	v11 =	vld.idx.msk [tilespmem:v50+s14+$0x0], $0xffff;
	[tilespmem:s25+$0x14980] =	vst v14  }
0x2bf: {  	v56 =	vadd.s32 $0x35, v1;
	v12 =	vld.idx.msk [tilespmem:v51+s14+$0x0], $0xffff;
	[tilespmem:s25+$0x14A00] =	vst v15  }
0x2c0: {  	v57 =	vadd.s32 $0x36, v1;
	v13 =	vld.idx.msk [tilespmem:v52+s14+$0x0], $0xffff;
	[tilespmem:s25+$0x14A80] =	vst v16  }
0x2c1: {  	v58 =	vadd.s32 $0x37, v1;
	v14 =	vld.idx.msk [tilespmem:v53+s14+$0x0], $0xffff;
	[tilespmem:s25+$0x14B00] =	vst v17  }
0x2c2: {  	v59 =	vadd.s32 $0x38, v1;
	v15 =	vld.idx.msk [tilespmem:v54+s14+$0x0], $0xffff;
	[tilespmem:s25+$0x14B80] =	vst v18  }
0x2c3: {  	v16 =	vld.idx.msk [tilespmem:v55+s14+$0x0], $0xffff;
	[tilespmem:s25+$0x14C00] =	vst v19  }
0x2c4: {  	v17 =	vld.idx.msk [tilespmem:v56+s14+$0x0], $0xffff;
	[tilespmem:s25+$0x14C80] =	vst v20  }
0x2c5: {  	v60 =	vadd.s32 $0x39, v1;
	v18 =	vld.idx.msk [tilespmem:v57+s14+$0x0], $0xffff;
	[tilespmem:s25+$0x14D00] =	vst v6  }
0x2c6: {  	v19 =	vld.idx.msk [tilespmem:v58+s14+$0x0], $0xffff;
	[tilespmem:s25+$0x14D80] =	vst v2;
	v2 =	vadd.s32 $0x3A, v1  }
0x2c7: {  	v20 =	vld.idx.msk [tilespmem:v59+s14+$0x0], $0xffff;
	[tilespmem:s25+$0x14E00] =	vst v3;
	v3 =	vadd.s32 $0x3B, v1  }
0x2c8: {  	v61 =	vadd.s32 $0x3C, v1  }
0x2c9: {  	v62 =	vadd.s32 $0x3D, v1  }
0x2ca: {  	v63 =	vadd.s32 $0x3E, v1;
	v6 =	vld.idx.msk [tilespmem:v60+s14+$0x0], $0xffff;
	[tilespmem:s25+$0x14E80] =	vst v4  }
0x2cb: {  	v1 =	vadd.s32 $0x3F, v1;
	v2 =	vld.idx.msk [tilespmem:v2+s14+$0x0], $0xffff;
	[tilespmem:s25+$0x14F00] =	vst v5  }
0x2cc: {  	v3 =	vld.idx.msk [tilespmem:v3+s14+$0x0], $0xffff;
	[tilespmem:s25+$0x14F80] =	vst v7  }
0x2cd: {  	v4 =	vld.idx.msk [tilespmem:v61+s14+$0x0], $0xffff;
	[tilespmem:s25+$0x15000] =	vst v8  }
0x2ce: {  	v5 =	vld.idx.msk [tilespmem:v62+s14+$0x0], $0xffff;
	[tilespmem:s25+$0x15080] =	vst v9  }
0x2cf: {  	v7 =	vld.idx.msk [tilespmem:v63+s14+$0x0], $0xffff;
	[tilespmem:s25+$0x15100] =	vst v10  }
0x2d0: {  	v1 =	vld.idx.msk [tilespmem:v1+s14+$0x0], $0xffff;
	[tilespmem:s25+$0x15180] =	vst v11  }
0x2d1: {  	[tilespmem:s25+$0x15200] =	vst v12  }
0x2d2: {  	[tilespmem:s25+$0x15280] =	vst v13  }
0x2d3: {  	[tilespmem:s25+$0x15300] =	vst v14  }
0x2d4: {  	[tilespmem:s25+$0x15380] =	vst v15  }
0x2d5: {  	[tilespmem:s25+$0x15400] =	vst v16  }
0x2d6: {  	[tilespmem:s25+$0x15480] =	vst v17  }
0x2d7: {  	[tilespmem:s25+$0x15500] =	vst v18  }
0x2d8: {  	[tilespmem:s25+$0x15580] =	vst v19  }
0x2d9: {  	[tilespmem:s25+$0x15600] =	vst v20  }
0x2da: {  	[tilespmem:s25+$0x15680] =	vst v6  }
0x2db: {  	p0 =	sne.s32 s24, $0x1C0;
	[tilespmem:s25+$0x15700] =	vst v2  }
.Ltmp3:
0x2dc: {  	[tilespmem:s25+$0x15780] =	vst v3;
	(pc) =	sbr.rel @p0 .LBB2_9-.Ltmp3, $4  }
0x2dd: {  	[tilespmem:s25+$0x15800] =	vst v4  }
0x2de: {  	[tilespmem:s25+$0x15880] =	vst v5  }
0x2df: {  	[tilespmem:s25+$0x15900] =	vst v7  }
0x2e0: {  	s24 =	sadd.s32 $0x40, s24;
	[tilespmem:s25+$0x15980] =	vst v1  }
0x2e1: {  	s20 =	sadd.s32 $0x1, s20  }
0x2e2: {  	p0 =	sne.s32 s20, $0x19  }
.Ltmp4:
0x2e3: {  	s23 =	sshll.u32 s23, $0x12;
	(pc) =	sbr.rel @p0 .LBB2_6-.Ltmp4, $4  }
0x2e4: {  	s23 =	sor.u32 s4, s23  }
0x2e5: {  	s23 =	sshrl.u32 s23, $0x3  }
0x2e6: {  	s21 =	sadd.s32 $0x100, s21;
	s22 =	sadd.s32 $0x100, s22;
	s23 =	sadd.s32 s2, s23  }
0x2e7: {  	[hbm4b:s23+s11] =	stream.strided.scatter [tilespmem:s18], [sflag:$0x2], $0x2000, s12, s11, $0x38;
	[tilespmem:$0x15A00] =	vst v63  }
0x2e8: {  	s19 =	sadd.s32 $0x1, s19  }
0x2e9: {  	_ =	swait.ge [sflag:s15], $0x2000;
	p0 =	sne.s32 s19, s10  }
.Ltmp5:
0x2ea: {  	[sflag:s15] =	ssyncset.done $0x0;
	(pc) =	sbr.rel @p0 .LBB2_1-.Ltmp5, $4  }
0x2eb: {  	[sflag:s15] =	ssyncadd.s32 $0xFFFFE000  }
0x2ec: {  	_ =	swait.ge [sflag:s16], $0x2000  }
0x2ed: {  	[sflag:s16] =	ssyncset.done $0x0  }
0x2ee: {  	[sflag:s16] =	ssyncadd.s32 $0xFFFFE000  }
0x2ef: {  	_ =	sfence.sel $0x180000  }
0x2f0: {  	[bflag:$0x0] =	sbarrier.arrive $0xFFFF  }
0x2f1: {  	p0 =	sne.s32 s1, $0x0;
	_ =	strace $0x90000047  }
0x2f2: {  	s0 =	sadd.s32 @!p0 $0x100000, s0;
	[bflag:$0x2] =	sbarrier.arrive $0xFFFF  }
0x2f3: {  	[sflag:s0] =	ssyncadd.tile.s32 @!p0 $0x1;
	_ =	shalt  }
.Lfunc_end2:
_tile_overlayer_lowered:
.L_overlay_start_2:
0x2f4: {  	(tag) =	ssettag $0x2  }
0x2f5: {  	s0 =	rddreg [dreg:$0x0];
	s2 =	stileid.u32  }
0x2f6: {  	s1 =	rddreg [dreg:$0x1];
	p0 =	sne.s32 s2, $0x0  }
0x2f7: {  	s3 =	rddreg [dreg:$0x2];
	[bflag:$0x3] =	sbarrier.arrive $0xFFFF;
	s2 =	simm.s32 @!p0 $0x1C03  }
0x2f8: {  	[timem:s3], [sflag:s2] =	dma.local @!p0 [hbm:s0], s1  }
0x2f9: {  	s0 =	simm.s32 @!p0 $0x3  }
0x2fa: {  	_ =	swait.ge @!p0 [sflag:s0], s1  }
0x2fb: {  	s1 =	ssub.s32 @!p0 $0x0, s1;
	[sflag:s0] =	ssyncset.done @!p0 $0x0  }
0x2fc: {  	[sflag:s0] =	ssyncadd.s32 @!p0 s1  }
0x2fd: {  	[bflag:$0x3] =	sbarrier.arrive $0xFFFF  }
0x2fe: {  	_ =	shalt  }

</sc_bundles>
